<compile_context>
chip_gen: v7x
topology: tpu7x:2x2x1
jax: 0.10.2.dev20260603
libtpu: 0.0.44.dev20260713+nightly
codegen_flags: <defaults>
</compile_context>

<pallas_src>
import jax
import jax.numpy as jnp
from jax import lax
from jax.experimental import pallas as pl
from jax.experimental.pallas import tpu as pltpu
from jax.experimental.pallas import tpu_sc as plsc

N = 10000
NPAD = 10240
E = 320000
D_IN = 128
D_H = 64
D_OUT = 64
NC = 2
NS = 16
NT = NC * NS
CB = 80
NCH = 125
EPT = CB * NCH
E_PAD = NT * EPT
DW = 16
RPT = NPAD // NS
NBUF = 6
BM = 2000

_mesh = plsc.VectorSubcoreMesh(core_axis_name="c", subcore_axis_name="s",
                               num_cores=NC, num_subcores=NS)
_sc_params = pltpu.CompilerParams(use_tc_tiling_on_sc=False)



def _deg_body(edge_hbm, ones_hbm, zeros_hbm, out_hbm, idx_v, ones_v, acc_sh, sem):
    c = lax.axis_index("c")
    s = lax.axis_index("s")
    wid = s * NC + c
    pltpu.sync_copy(zeros_hbm.at[pl.ds(s * RPT, RPT)], acc_sh.at[pl.ds(s * RPT, RPT)])
    pltpu.sync_copy(edge_hbm.at[1, wid], idx_v)
    pltpu.sync_copy(ones_hbm, ones_v)
    plsc.subcore_barrier()

    @pl.loop(0, NCH)
    def _(j):
        pltpu.sync_copy(ones_v, acc_sh.at[idx_v.at[j]], add=True)

    plsc.subcore_barrier()
    pltpu.sync_copy(acc_sh.at[pl.ds(s * RPT, RPT)],
                    out_hbm.at[c, pl.ds(s * RPT, RPT)])


def _sc_degree(edge4, ones, zeros16):
    f = pl.kernel(
        _deg_body,
        out_type=jax.ShapeDtypeStruct((NC, NPAD, DW), jnp.float32),
        mesh=_mesh,
        scratch_types=[
            pltpu.VMEM((NCH, CB), jnp.int32),
            pltpu.VMEM((CB, DW), jnp.float32),
            pltpu.VMEM_SHARED((NPAD, DW), jnp.float32),
            pltpu.SemaphoreType.DMA,
        ],
        compiler_params=_sc_params,
    )
    return f(edge4, ones, zeros16)


def _scat_body(edge_hbm, g_hbm, zeros_hbm, out_hbm,
               si_v, di_v, bufs, acc_sh, gsems):
    c = lax.axis_index("c")
    s = lax.axis_index("s")
    wid = s * NC + c
    pltpu.sync_copy(zeros_hbm.at[pl.ds(s * RPT, RPT)], acc_sh.at[pl.ds(s * RPT, RPT)])
    pltpu.sync_copy(edge_hbm.at[0, wid], si_v)
    pltpu.sync_copy(edge_hbm.at[1, wid], di_v)
    plsc.subcore_barrier()

    def fire_gather(j, r):
        pltpu.async_copy(g_hbm.at[si_v.at[j]], bufs[r], gsems[r])

    def wait_gather(r):
        pltpu.make_async_copy(g_hbm.at[si_v.at[0]], bufs[r], gsems[r]).wait()

    for k in range(NBUF):
        fire_gather(k, k)

    steady = NCH - NBUF
    @pl.loop(0, steady // NBUF)
    def _(i):
        for k in range(NBUF):
            t = i * NBUF + k
            wait_gather(k)
            pltpu.sync_copy(bufs[k], acc_sh.at[di_v.at[t]], add=True)
            fire_gather(t + NBUF, k)

    for t in range(NBUF * (steady // NBUF), NCH):
        k = t % NBUF
        wait_gather(k)
        pltpu.sync_copy(bufs[k], acc_sh.at[di_v.at[t]], add=True)
        if t + NBUF < NCH:
            fire_gather(t + NBUF, k)

    plsc.subcore_barrier()
    pltpu.sync_copy(acc_sh.at[pl.ds(s * RPT, RPT)],
                    out_hbm.at[c, pl.ds(s * RPT, RPT)])


def _sc_aggregate(edge4, g, zeros64):
    f = pl.kernel(
        _scat_body,
        out_type=jax.ShapeDtypeStruct((NC, NPAD, D_H), jnp.float32),
        mesh=_mesh,
        scratch_types=[
            pltpu.VMEM((NCH, CB), jnp.int32),
            pltpu.VMEM((NCH, CB), jnp.int32),
            [pltpu.VMEM((CB, D_H), jnp.float32) for _ in range(NBUF)],
            pltpu.VMEM_SHARED((NPAD, D_H), jnp.float32),
            [pltpu.SemaphoreType.DMA for _ in range(NBUF)],
        ],
        compiler_params=_sc_params,
    )
    return f(edge4, g, zeros64)



def _dis_block(dga_ref, dgb_ref):
    deg = jnp.sum(dga_ref[0] + dgb_ref[0], axis=1, keepdims=True) * (1.0 / DW) + 1.0
    return 1.0 / jnp.sqrt(deg)


def _pre_body(x_ref, w_ref, dga_ref, dgb_ref, g_ref):
    dis = _dis_block(dga_ref, dgb_ref)
    h = jnp.dot(x_ref[...], w_ref[...], preferred_element_type=jnp.float32)
    g_ref[...] = h * dis


def _mid_body(aa_ref, ab_ref, g_ref, w_ref, b_ref, dga_ref, dgb_ref, o_ref):
    dis = _dis_block(dga_ref, dgb_ref)
    act = dis * (aa_ref[0] + ab_ref[0] + g_ref[...]) + b_ref[...]
    act = jnp.maximum(act, 0.0)
    h = jnp.dot(act, w_ref[...], preferred_element_type=jnp.float32)
    o_ref[...] = h * dis


def _fin_body(aa_ref, ab_ref, g_ref, b_ref, dga_ref, dgb_ref, o_ref):
    dis = _dis_block(dga_ref, dgb_ref)
    o_ref[...] = dis * (aa_ref[0] + ab_ref[0] + g_ref[...]) + b_ref[...]


def _row_spec(w):
    return pl.BlockSpec((BM, w), lambda i: (i, 0))


def _core_spec(w, core):
    return pl.BlockSpec((1, BM, w), lambda i, _c=core: (_c, i, 0))


def _full_spec(h, w):
    return pl.BlockSpec((h, w), lambda i: (0, 0))


def _tc_pre(x, w0, degp):
    return pl.pallas_call(
        _pre_body,
        grid=(N // BM,),
        in_specs=[_row_spec(D_IN), _full_spec(D_IN, D_H),
                  _core_spec(DW, 0), _core_spec(DW, 1)],
        out_specs=_row_spec(D_H),
        out_shape=jax.ShapeDtypeStruct((N, D_H), jnp.float32),
    )(x, w0, degp, degp)


def _tc_mid(a, g, w, b, degp):
    return pl.pallas_call(
        _mid_body,
        grid=(N // BM,),
        in_specs=[_core_spec(D_H, 0), _core_spec(D_H, 1), _row_spec(D_H),
                  _full_spec(D_H, D_H), _full_spec(1, D_H),
                  _core_spec(DW, 0), _core_spec(DW, 1)],
        out_specs=_row_spec(D_H),
        out_shape=jax.ShapeDtypeStruct((N, D_H), jnp.float32),
    )(a, a, g, w, b, degp, degp)


def _tc_fin(a, g, b, degp):
    return pl.pallas_call(
        _fin_body,
        grid=(N // BM,),
        in_specs=[_core_spec(D_H, 0), _core_spec(D_H, 1), _row_spec(D_H),
                  _full_spec(1, D_OUT), _core_spec(DW, 0), _core_spec(DW, 1)],
        out_specs=_row_spec(D_OUT),
        out_shape=jax.ShapeDtypeStruct((N, D_OUT), jnp.float32),
    )(a, a, g, b, degp, degp)



def kernel(x, edge_index, W0, b0, W1, b1, W2, b2):
    edge4 = edge_index.astype(jnp.int32).reshape(2, NT, NCH, CB)
    ones = jnp.ones((CB, DW), jnp.float32)
    zeros16 = jnp.zeros((NPAD, DW), jnp.float32)
    zeros64 = jnp.zeros((NPAD, D_H), jnp.float32)

    degp = _sc_degree(edge4, ones, zeros16)

    g0 = _tc_pre(x, W0, degp)
    a0 = _sc_aggregate(edge4, g0, zeros64)
    g1 = _tc_mid(a0, g0, W1, b0.reshape(1, D_H), degp)
    a1 = _sc_aggregate(edge4, g1, zeros64)
    g2 = _tc_mid(a1, g1, W2, b1.reshape(1, D_H), degp)
    a2 = _sc_aggregate(edge4, g2, zeros64)
    out = _tc_fin(a2, g2, b2.reshape(1, D_OUT), degp)
    return out

# --- scband reference (transcript-rebuilt; emitter-appended) ---
"""Pipeline reference for scband-gcn-66640712565428 (READ-ONLY COPY).

The authoritative reference and input builder live on the scoring server;
editing this copy changes nothing except your own understanding.
"""

import jax, jax.numpy as jnp
import numpy as np

N = 10000
E = 320000
D_IN = 128
D_H = 64
D_OUT = 64


def _glorot(key, fan_in, fan_out):
    s = float(np.sqrt(6.0 / (fan_in + fan_out)))
    return jax.random.uniform(key, (fan_in, fan_out), minval=-s, maxval=s, dtype=jnp.float32)


def setup_inputs(seed: int = 0) -> dict:
    key = jax.random.key(seed)
    ks = jax.random.split(key, 6)
    x = jax.random.normal(ks[0], (N, D_IN), dtype=jnp.float32)
    edge_index = jax.random.randint(ks[1], (2, E), 0, N)
    W0 = _glorot(ks[2], D_IN, D_H)
    b0 = jnp.zeros((D_H,), dtype=jnp.float32)
    W1 = _glorot(ks[3], D_H, D_H)
    b1 = jnp.zeros((D_H,), dtype=jnp.float32)
    W2 = _glorot(ks[4], D_H, D_OUT)
    b2 = jnp.zeros((D_OUT,), dtype=jnp.float32)
    return {"x": x, "edge_index": edge_index, "W0": W0, "b0": b0, "W1": W1, "b1": b1, "W2": W2, "b2": b2}


def _gcn_conv(x, W, b, src2, dst2, norm):
    # GCNConv: h = D^{-1/2} (A + I) D^{-1/2} X W + b
    h = x @ W
    msg = h[src2] * norm[:, None]
    out = jnp.zeros_like(h).at[dst2].add(msg)
    return out + b


def reference(x, edge_index, W0, b0, W1, b1, W2, b2):
    n = x.shape[0]
    src, dst = edge_index[0], edge_index[1]
    loop = jnp.arange(n, dtype=src.dtype)
    src2 = jnp.concatenate([src, loop])
    dst2 = jnp.concatenate([dst, loop])
    deg = jnp.zeros((n,), dtype=jnp.float32).at[dst2].add(1.0)
    dis = jnp.where(deg > 0, 1.0 / jnp.sqrt(deg), 0.0)
    norm = dis[src2] * dis[dst2]
    h = jax.nn.relu(_gcn_conv(x, W0, b0, src2, dst2, norm))
    h = jax.nn.relu(_gcn_conv(h, W1, b1, src2, dst2, norm))
    out = _gcn_conv(h, W2, b2, src2, dst2, norm)
    return out

if __name__ == "__main__":
    import jax
    _d = setup_inputs()
    print(jax.jit(kernel)(*tuple(_d.values())))

</pallas_src>

<mosaic_0001>
#map = affine_map<(d0, d1) -> (0, 0, 0, 0)>
#map1 = affine_map<(d0, d1) -> (0, 0)>
#map2 = affine_map<(d0, d1) -> (0, 0, 0)>
module attributes {stable_mosaic.version = 14 : i64} {
  func.func @_scat_body(%arg0: i32, %arg1: i32, %arg2: memref<2x32x125x80xi32, #tpu.memory_space<hbm>>, %arg3: memref<10000x64xf32, #tpu.memory_space<hbm>>, %arg4: memref<10240x64xf32, #tpu.memory_space<hbm>>, %arg5: memref<2x10240x64xf32, #tpu.memory_space<hbm>>, %arg6: memref<125x80xi32, #tpu.memory_space<vmem>>, %arg7: memref<125x80xi32, #tpu.memory_space<vmem>>, %arg8: memref<80x64xf32, #tpu.memory_space<vmem>>, %arg9: memref<80x64xf32, #tpu.memory_space<vmem>>, %arg10: memref<80x64xf32, #tpu.memory_space<vmem>>, %arg11: memref<80x64xf32, #tpu.memory_space<vmem>>, %arg12: memref<80x64xf32, #tpu.memory_space<vmem>>, %arg13: memref<80x64xf32, #tpu.memory_space<vmem>>, %arg14: memref<10240x64xf32, #tpu.memory_space<vmem_shared>>, %arg15: memref<!tpu.dma_semaphore, #tpu.memory_space<semaphore_mem>>, %arg16: memref<!tpu.dma_semaphore, #tpu.memory_space<semaphore_mem>>, %arg17: memref<!tpu.dma_semaphore, #tpu.memory_space<semaphore_mem>>, %arg18: memref<!tpu.dma_semaphore, #tpu.memory_space<semaphore_mem>>, %arg19: memref<!tpu.dma_semaphore, #tpu.memory_space<semaphore_mem>>, %arg20: memref<!tpu.dma_semaphore, #tpu.memory_space<semaphore_mem>>) attributes {dimension_semantics = [#tpu.dimension_semantics<core_parallel>, #tpu.dimension_semantics<subcore_parallel>], iteration_bounds = array<i64: 2, 16>, scalar_prefetch = 0 : i64, scratch_operands = 15 : i64, tpu.core_type = #tpu.core_type<sc_vector_subcore>, window_params = [{transform_indices = #map}, {transform_indices = #map1}, {transform_indices = #map1}, {transform_indices = #map2}]} {
    %mul3A = arith.constant 2 : i32
    %mul3A_0 = arith.muli %arg1, %mul3A : i32
    %add3A = arith.addi %mul3A_0, %arg0 : i32
    %mul3A_1 = arith.constant 640 : i32
    %mul3A_2 = arith.muli %arg1, %mul3A_1 : i32
    %mul3A_3 = arith.constant 640 : i32
    %mul3A_4 = arith.muli %arg1, %mul3A_3 : i32
    "tpu.region"() ({
      %run_scoped3A_178 = tpu.sem_alloc : memref<!tpu.dma_semaphore, #tpu.memory_space<semaphore_mem>>
      %dma_start3A_179 = arith.constant 0 : i32
      %dma_start3A_180 = tpu.memref_slice %arg14[%mul3A_4, %dma_start3A_179] : memref<10240x64xf32, #tpu.memory_space<vmem_shared>> -> memref<640x64xf32, #tpu.memory_space<vmem_shared>>
      %dma_start3A_181 = arith.constant 0 : i32
      %dma_start3A_182 = tpu.memref_slice %arg4[%mul3A_2, %dma_start3A_181] : memref<10240x64xf32, #tpu.memory_space<hbm>> -> memref<640x64xf32, #tpu.memory_space<hbm>>
      tpu.enqueue_dma source(%dma_start3A_182 : memref<640x64xf32, #tpu.memory_space<hbm>>) target(%dma_start3A_180 : memref<640x64xf32, #tpu.memory_space<vmem_shared>>) target_semaphore(%run_scoped3A_178 : memref<!tpu.dma_semaphore, #tpu.memory_space<semaphore_mem>>)
      %dma_wait3A_183 = arith.constant 0 : i32
      %dma_wait3A_184 = tpu.memref_slice %arg14[%mul3A_4, %dma_wait3A_183] : memref<10240x64xf32, #tpu.memory_space<vmem_shared>> -> memref<640x64xf32, #tpu.memory_space<vmem_shared>>
      %dma_wait3A_185 = arith.constant 0 : i32
      %dma_wait3A_186 = tpu.memref_slice %arg4[%mul3A_2, %dma_wait3A_185] : memref<10240x64xf32, #tpu.memory_space<hbm>> -> memref<640x64xf32, #tpu.memory_space<hbm>>
      tpu.wait_dma2 semaphore(%run_scoped3A_178 : memref<!tpu.dma_semaphore, #tpu.memory_space<semaphore_mem>>) src(%dma_wait3A_186 : memref<640x64xf32, #tpu.memory_space<hbm>>) dst(%dma_wait3A_184 : memref<640x64xf32, #tpu.memory_space<vmem_shared>>)
      tpu.yield
    }) : () -> ()
    %run_scoped3A = arith.constant 0 : i32
    "tpu.region"() ({
      %run_scoped3A_178 = tpu.sem_alloc : memref<!tpu.dma_semaphore, #tpu.memory_space<semaphore_mem>>
      %dma_start3A_179 = arith.constant 0 : i32
      %dma_start3A_180 = arith.constant 0 : i32
      %dma_start3A_181 = tpu.memref_slice %arg2[%run_scoped3A, %add3A, %dma_start3A_179, %dma_start3A_180] : memref<2x32x125x80xi32, #tpu.memory_space<hbm>> -> memref<1x1x125x80xi32, #tpu.memory_space<hbm>>
      %dma_start3A_182 = tpu.memref_squeeze %dma_start3A_181 : memref<1x1x125x80xi32, #tpu.memory_space<hbm>> -> memref<125x80xi32, #tpu.memory_space<hbm>>
      %dma_start3A_183 = arith.constant 0 : i32
      %dma_start3A_184 = arith.constant 0 : i32
      %dma_start3A_185 = tpu.memref_slice %arg2[%run_scoped3A, %add3A, %dma_start3A_183, %dma_start3A_184] : memref<2x32x125x80xi32, #tpu.memory_space<hbm>> -> memref<1x1x125x80xi32, #tpu.memory_space<hbm>>
      %dma_start3A_186 = tpu.memref_squeeze %dma_start3A_185 : memref<1x1x125x80xi32, #tpu.memory_space<hbm>> -> memref<125x80xi32, #tpu.memory_space<hbm>>
      tpu.enqueue_dma source(%dma_start3A_186 : memref<125x80xi32, #tpu.memory_space<hbm>>) target(%arg6 : memref<125x80xi32, #tpu.memory_space<vmem>>) target_semaphore(%run_scoped3A_178 : memref<!tpu.dma_semaphore, #tpu.memory_space<semaphore_mem>>)
      %dma_wait3A_187 = arith.constant 0 : i32
      %dma_wait3A_188 = arith.constant 0 : i32
      %dma_wait3A_189 = tpu.memref_slice %arg2[%run_scoped3A, %add3A, %dma_wait3A_187, %dma_wait3A_188] : memref<2x32x125x80xi32, #tpu.memory_space<hbm>> -> memref<1x1x125x80xi32, #tpu.memory_space<hbm>>
      %dma_wait3A_190 = tpu.memref_squeeze %dma_wait3A_189 : memref<1x1x125x80xi32, #tpu.memory_space<hbm>> -> memref<125x80xi32, #tpu.memory_space<hbm>>
      %dma_wait3A_191 = arith.constant 0 : i32
      %dma_wait3A_192 = arith.constant 0 : i32
      %dma_wait3A_193 = tpu.memref_slice %arg2[%run_scoped3A, %add3A, %dma_wait3A_191, %dma_wait3A_192] : memref<2x32x125x80xi32, #tpu.memory_space<hbm>> -> memref<1x1x125x80xi32, #tpu.memory_space<hbm>>
      %dma_wait3A_194 = tpu.memref_squeeze %dma_wait3A_193 : memref<1x1x125x80xi32, #tpu.memory_space<hbm>> -> memref<125x80xi32, #tpu.memory_space<hbm>>
      tpu.wait_dma2 semaphore(%run_scoped3A_178 : memref<!tpu.dma_semaphore, #tpu.memory_space<semaphore_mem>>) src(%dma_wait3A_194 : memref<125x80xi32, #tpu.memory_space<hbm>>) dst(%arg6 : memref<125x80xi32, #tpu.memory_space<vmem>>)
      tpu.yield
    }) : () -> ()
    %run_scoped3A_5 = arith.constant 1 : i32
    "tpu.region"() ({
      %run_scoped3A_178 = tpu.sem_alloc : memref<!tpu.dma_semaphore, #tpu.memory_space<semaphore_mem>>
      %dma_start3A_179 = arith.constant 0 : i32
      %dma_start3A_180 = arith.constant 0 : i32
      %dma_start3A_181 = tpu.memref_slice %arg2[%run_scoped3A_5, %add3A, %dma_start3A_179, %dma_start3A_180] : memref<2x32x125x80xi32, #tpu.memory_space<hbm>> -> memref<1x1x125x80xi32, #tpu.memory_space<hbm>>
      %dma_start3A_182 = tpu.memref_squeeze %dma_start3A_181 : memref<1x1x125x80xi32, #tpu.memory_space<hbm>> -> memref<125x80xi32, #tpu.memory_space<hbm>>
      %dma_start3A_183 = arith.constant 0 : i32
      %dma_start3A_184 = arith.constant 0 : i32
      %dma_start3A_185 = tpu.memref_slice %arg2[%run_scoped3A_5, %add3A, %dma_start3A_183, %dma_start3A_184] : memref<2x32x125x80xi32, #tpu.memory_space<hbm>> -> memref<1x1x125x80xi32, #tpu.memory_space<hbm>>
      %dma_start3A_186 = tpu.memref_squeeze %dma_start3A_185 : memref<1x1x125x80xi32, #tpu.memory_space<hbm>> -> memref<125x80xi32, #tpu.memory_space<hbm>>
      tpu.enqueue_dma source(%dma_start3A_186 : memref<125x80xi32, #tpu.memory_space<hbm>>) target(%arg7 : memref<125x80xi32, #tpu.memory_space<vmem>>) target_semaphore(%run_scoped3A_178 : memref<!tpu.dma_semaphore, #tpu.memory_space<semaphore_mem>>)
      %dma_wait3A_187 = arith.constant 0 : i32
      %dma_wait3A_188 = arith.constant 0 : i32
      %dma_wait3A_189 = tpu.memref_slice %arg2[%run_scoped3A_5, %add3A, %dma_wait3A_187, %dma_wait3A_188] : memref<2x32x125x80xi32, #tpu.memory_space<hbm>> -> memref<1x1x125x80xi32, #tpu.memory_space<hbm>>
      %dma_wait3A_190 = tpu.memref_squeeze %dma_wait3A_189 : memref<1x1x125x80xi32, #tpu.memory_space<hbm>> -> memref<125x80xi32, #tpu.memory_space<hbm>>
      %dma_wait3A_191 = arith.constant 0 : i32
      %dma_wait3A_192 = arith.constant 0 : i32
      %dma_wait3A_193 = tpu.memref_slice %arg2[%run_scoped3A_5, %add3A, %dma_wait3A_191, %dma_wait3A_192] : memref<2x32x125x80xi32, #tpu.memory_space<hbm>> -> memref<1x1x125x80xi32, #tpu.memory_space<hbm>>
      %dma_wait3A_194 = tpu.memref_squeeze %dma_wait3A_193 : memref<1x1x125x80xi32, #tpu.memory_space<hbm>> -> memref<125x80xi32, #tpu.memory_space<hbm>>
      tpu.wait_dma2 semaphore(%run_scoped3A_178 : memref<!tpu.dma_semaphore, #tpu.memory_space<semaphore_mem>>) src(%dma_wait3A_194 : memref<125x80xi32, #tpu.memory_space<hbm>>) dst(%arg7 : memref<125x80xi32, #tpu.memory_space<vmem>>)
      tpu.yield
    }) : () -> ()
    %barrier3A = arith.constant 0 : index
    tpu.barrier barrier_id(%barrier3A)
    %dma_start3A = arith.constant 0 : i32
    %dma_start3A_6 = arith.constant 0 : i32
    %dma_start3A_7 = tpu.memref_slice %arg6[%dma_start3A, %dma_start3A_6] : memref<125x80xi32, #tpu.memory_space<vmem>> -> memref<1x80xi32, #tpu.memory_space<vmem>>
    %dma_start3A_8 = tpu.memref_squeeze %dma_start3A_7 : memref<1x80xi32, #tpu.memory_space<vmem>> -> memref<80xi32, #tpu.memory_space<vmem>>
    %dma_start3A_9 = arith.constant 0 : i32
    %dma_start3A_10 = arith.constant 0 : i32
    %dma_start3A_11 = tpu.memref_slice %arg3[%dma_start3A_9, %dma_start3A_10] : memref<10000x64xf32, #tpu.memory_space<hbm>> -> memref<10000x64xf32, #tpu.memory_space<hbm>>
    tpu.enqueue_indirect_dma source(%dma_start3A_11 : memref<10000x64xf32, #tpu.memory_space<hbm>>) target(%arg8 : memref<80x64xf32, #tpu.memory_space<vmem>>) offsets(%dma_start3A_8 : memref<80xi32, #tpu.memory_space<vmem>>) semaphore(%arg15 : memref<!tpu.dma_semaphore, #tpu.memory_space<semaphore_mem>>)
    %dma_start3A_12 = arith.constant 1 : i32
    %dma_start3A_13 = arith.constant 0 : i32
    %dma_start3A_14 = tpu.memref_slice %arg6[%dma_start3A_12, %dma_start3A_13] : memref<125x80xi32, #tpu.memory_space<vmem>> -> memref<1x80xi32, #tpu.memory_space<vmem>>
    %dma_start3A_15 = tpu.memref_squeeze %dma_start3A_14 : memref<1x80xi32, #tpu.memory_space<vmem>> -> memref<80xi32, #tpu.memory_space<vmem>>
    %dma_start3A_16 = arith.constant 0 : i32
    %dma_start3A_17 = arith.constant 0 : i32
    %dma_start3A_18 = tpu.memref_slice %arg3[%dma_start3A_16, %dma_start3A_17] : memref<10000x64xf32, #tpu.memory_space<hbm>> -> memref<10000x64xf32, #tpu.memory_space<hbm>>
    tpu.enqueue_indirect_dma source(%dma_start3A_18 : memref<10000x64xf32, #tpu.memory_space<hbm>>) target(%arg9 : memref<80x64xf32, #tpu.memory_space<vmem>>) offsets(%dma_start3A_15 : memref<80xi32, #tpu.memory_space<vmem>>) semaphore(%arg16 : memref<!tpu.dma_semaphore, #tpu.memory_space<semaphore_mem>>)
    %dma_start3A_19 = arith.constant 2 : i32
    %dma_start3A_20 = arith.constant 0 : i32
    %dma_start3A_21 = tpu.memref_slice %arg6[%dma_start3A_19, %dma_start3A_20] : memref<125x80xi32, #tpu.memory_space<vmem>> -> memref<1x80xi32, #tpu.memory_space<vmem>>
    %dma_start3A_22 = tpu.memref_squeeze %dma_start3A_21 : memref<1x80xi32, #tpu.memory_space<vmem>> -> memref<80xi32, #tpu.memory_space<vmem>>
    %dma_start3A_23 = arith.constant 0 : i32
    %dma_start3A_24 = arith.constant 0 : i32
    %dma_start3A_25 = tpu.memref_slice %arg3[%dma_start3A_23, %dma_start3A_24] : memref<10000x64xf32, #tpu.memory_space<hbm>> -> memref<10000x64xf32, #tpu.memory_space<hbm>>
    tpu.enqueue_indirect_dma source(%dma_start3A_25 : memref<10000x64xf32, #tpu.memory_space<hbm>>) target(%arg10 : memref<80x64xf32, #tpu.memory_space<vmem>>) offsets(%dma_start3A_22 : memref<80xi32, #tpu.memory_space<vmem>>) semaphore(%arg17 : memref<!tpu.dma_semaphore, #tpu.memory_space<semaphore_mem>>)
    %dma_start3A_26 = arith.constant 3 : i32
    %dma_start3A_27 = arith.constant 0 : i32
    %dma_start3A_28 = tpu.memref_slice %arg6[%dma_start3A_26, %dma_start3A_27] : memref<125x80xi32, #tpu.memory_space<vmem>> -> memref<1x80xi32, #tpu.memory_space<vmem>>
    %dma_start3A_29 = tpu.memref_squeeze %dma_start3A_28 : memref<1x80xi32, #tpu.memory_space<vmem>> -> memref<80xi32, #tpu.memory_space<vmem>>
    %dma_start3A_30 = arith.constant 0 : i32
    %dma_start3A_31 = arith.constant 0 : i32
    %dma_start3A_32 = tpu.memref_slice %arg3[%dma_start3A_30, %dma_start3A_31] : memref<10000x64xf32, #tpu.memory_space<hbm>> -> memref<10000x64xf32, #tpu.memory_space<hbm>>
    tpu.enqueue_indirect_dma source(%dma_start3A_32 : memref<10000x64xf32, #tpu.memory_space<hbm>>) target(%arg11 : memref<80x64xf32, #tpu.memory_space<vmem>>) offsets(%dma_start3A_29 : memref<80xi32, #tpu.memory_space<vmem>>) semaphore(%arg18 : memref<!tpu.dma_semaphore, #tpu.memory_space<semaphore_mem>>)
    %dma_start3A_33 = arith.constant 4 : i32
    %dma_start3A_34 = arith.constant 0 : i32
    %dma_start3A_35 = tpu.memref_slice %arg6[%dma_start3A_33, %dma_start3A_34] : memref<125x80xi32, #tpu.memory_space<vmem>> -> memref<1x80xi32, #tpu.memory_space<vmem>>
    %dma_start3A_36 = tpu.memref_squeeze %dma_start3A_35 : memref<1x80xi32, #tpu.memory_space<vmem>> -> memref<80xi32, #tpu.memory_space<vmem>>
    %dma_start3A_37 = arith.constant 0 : i32
    %dma_start3A_38 = arith.constant 0 : i32
    %dma_start3A_39 = tpu.memref_slice %arg3[%dma_start3A_37, %dma_start3A_38] : memref<10000x64xf32, #tpu.memory_space<hbm>> -> memref<10000x64xf32, #tpu.memory_space<hbm>>
    tpu.enqueue_indirect_dma source(%dma_start3A_39 : memref<10000x64xf32, #tpu.memory_space<hbm>>) target(%arg12 : memref<80x64xf32, #tpu.memory_space<vmem>>) offsets(%dma_start3A_36 : memref<80xi32, #tpu.memory_space<vmem>>) semaphore(%arg19 : memref<!tpu.dma_semaphore, #tpu.memory_space<semaphore_mem>>)
    %dma_start3A_40 = arith.constant 5 : i32
    %dma_start3A_41 = arith.constant 0 : i32
    %dma_start3A_42 = tpu.memref_slice %arg6[%dma_start3A_40, %dma_start3A_41] : memref<125x80xi32, #tpu.memory_space<vmem>> -> memref<1x80xi32, #tpu.memory_space<vmem>>
    %dma_start3A_43 = tpu.memref_squeeze %dma_start3A_42 : memref<1x80xi32, #tpu.memory_space<vmem>> -> memref<80xi32, #tpu.memory_space<vmem>>
    %dma_start3A_44 = arith.constant 0 : i32
    %dma_start3A_45 = arith.constant 0 : i32
    %dma_start3A_46 = tpu.memref_slice %arg3[%dma_start3A_44, %dma_start3A_45] : memref<10000x64xf32, #tpu.memory_space<hbm>> -> memref<10000x64xf32, #tpu.memory_space<hbm>>
    tpu.enqueue_indirect_dma source(%dma_start3A_46 : memref<10000x64xf32, #tpu.memory_space<hbm>>) target(%arg13 : memref<80x64xf32, #tpu.memory_space<vmem>>) offsets(%dma_start3A_43 : memref<80xi32, #tpu.memory_space<vmem>>) semaphore(%arg20 : memref<!tpu.dma_semaphore, #tpu.memory_space<semaphore_mem>>)
    %scan3A = arith.constant 0 : i32
    %scan3A_47 = arith.constant 19 : i32
    %scan3A_48 = arith.addi %scan3A, %scan3A_47 : i32
    %scan3A_49 = arith.constant 1 : i32
    scf.for %scan3A_178 = %scan3A to %scan3A_48 step %scan3A_49  : i32 {
      %mul3A_179 = arith.constant 1 : i32
      %mul3A_180 = arith.muli %scan3A_178, %mul3A_179 : i32
      %add3A_181 = arith.constant 0 : i32
      %add3A_182 = arith.addi %add3A_181, %mul3A_180 : i32
      %mul3A_183 = arith.constant 6 : i32
      %mul3A_184 = arith.muli %add3A_182, %mul3A_183 : i32
      %add3A_185 = arith.constant 0 : i32
      %add3A_186 = arith.addi %mul3A_184, %add3A_185 : i32
      %dma_wait3A_187 = arith.constant 0 : i32
      %dma_wait3A_188 = arith.constant 0 : i32
      %dma_wait3A_189 = tpu.memref_slice %arg6[%dma_wait3A_187, %dma_wait3A_188] : memref<125x80xi32, #tpu.memory_space<vmem>> -> memref<1x80xi32, #tpu.memory_space<vmem>>
      %dma_wait3A_190 = tpu.memref_squeeze %dma_wait3A_189 : memref<1x80xi32, #tpu.memory_space<vmem>> -> memref<80xi32, #tpu.memory_space<vmem>>
      %dma_wait3A_191 = arith.constant 0 : i32
      %dma_wait3A_192 = arith.constant 0 : i32
      %dma_wait3A_193 = tpu.memref_slice %arg3[%dma_wait3A_191, %dma_wait3A_192] : memref<10000x64xf32, #tpu.memory_space<hbm>> -> memref<10000x64xf32, #tpu.memory_space<hbm>>
      tpu.wait_indirect_dma semaphore(%arg15 : memref<!tpu.dma_semaphore, #tpu.memory_space<semaphore_mem>>) src(%dma_wait3A_193 : memref<10000x64xf32, #tpu.memory_space<hbm>>) dst(%arg8 : memref<80x64xf32, #tpu.memory_space<vmem>>)
      "tpu.region"() ({
        %run_scoped3A_297 = tpu.sem_alloc : memref<!tpu.dma_semaphore, #tpu.memory_space<semaphore_mem>>
        %dma_start3A_298 = arith.constant 0 : i32
        %dma_start3A_299 = tpu.memref_slice %arg7[%add3A_186, %dma_start3A_298] : memref<125x80xi32, #tpu.memory_space<vmem>> -> memref<1x80xi32, #tpu.memory_space<vmem>>
        %dma_start3A_300 = tpu.memref_squeeze %dma_start3A_299 : memref<1x80xi32, #tpu.memory_space<vmem>> -> memref<80xi32, #tpu.memory_space<vmem>>
        %dma_start3A_301 = arith.constant 0 : i32
        %dma_start3A_302 = arith.constant 0 : i32
        %dma_start3A_303 = tpu.memref_slice %arg14[%dma_start3A_301, %dma_start3A_302] : memref<10240x64xf32, #tpu.memory_space<vmem_shared>> -> memref<10240x64xf32, #tpu.memory_space<vmem_shared>>
        tpu.enqueue_indirect_dma source(%arg8 : memref<80x64xf32, #tpu.memory_space<vmem>>) target(%dma_start3A_303 : memref<10240x64xf32, #tpu.memory_space<vmem_shared>>) offsets(%dma_start3A_300 : memref<80xi32, #tpu.memory_space<vmem>>) semaphore(%run_scoped3A_297 : memref<!tpu.dma_semaphore, #tpu.memory_space<semaphore_mem>>) {add = true}
        %dma_wait3A_304 = arith.constant 0 : i32
        %dma_wait3A_305 = tpu.memref_slice %arg7[%add3A_186, %dma_wait3A_304] : memref<125x80xi32, #tpu.memory_space<vmem>> -> memref<1x80xi32, #tpu.memory_space<vmem>>
        %dma_wait3A_306 = tpu.memref_squeeze %dma_wait3A_305 : memref<1x80xi32, #tpu.memory_space<vmem>> -> memref<80xi32, #tpu.memory_space<vmem>>
        %dma_wait3A_307 = arith.constant 0 : i32
        %dma_wait3A_308 = arith.constant 0 : i32
        %dma_wait3A_309 = tpu.memref_slice %arg14[%dma_wait3A_307, %dma_wait3A_308] : memref<10240x64xf32, #tpu.memory_space<vmem_shared>> -> memref<10240x64xf32, #tpu.memory_space<vmem_shared>>
        tpu.wait_indirect_dma semaphore(%run_scoped3A_297 : memref<!tpu.dma_semaphore, #tpu.memory_space<semaphore_mem>>) src(%arg8 : memref<80x64xf32, #tpu.memory_space<vmem>>) dst(%dma_wait3A_309 : memref<10240x64xf32, #tpu.memory_space<vmem_shared>>)
        tpu.yield
      }) : () -> ()
      %add3A_194 = arith.constant 6 : i32
      %add3A_195 = arith.addi %add3A_186, %add3A_194 : i32
      %dma_start3A_196 = arith.constant 0 : i32
      %dma_start3A_197 = tpu.memref_slice %arg6[%add3A_195, %dma_start3A_196] : memref<125x80xi32, #tpu.memory_space<vmem>> -> memref<1x80xi32, #tpu.memory_space<vmem>>
      %dma_start3A_198 = tpu.memref_squeeze %dma_start3A_197 : memref<1x80xi32, #tpu.memory_space<vmem>> -> memref<80xi32, #tpu.memory_space<vmem>>
      %dma_start3A_199 = arith.constant 0 : i32
      %dma_start3A_200 = arith.constant 0 : i32
      %dma_start3A_201 = tpu.memref_slice %arg3[%dma_start3A_199, %dma_start3A_200] : memref<10000x64xf32, #tpu.memory_space<hbm>> -> memref<10000x64xf32, #tpu.memory_space<hbm>>
      tpu.enqueue_indirect_dma source(%dma_start3A_201 : memref<10000x64xf32, #tpu.memory_space<hbm>>) target(%arg8 : memref<80x64xf32, #tpu.memory_space<vmem>>) offsets(%dma_start3A_198 : memref<80xi32, #tpu.memory_space<vmem>>) semaphore(%arg15 : memref<!tpu.dma_semaphore, #tpu.memory_space<semaphore_mem>>)
      %mul3A_202 = arith.constant 6 : i32
      %mul3A_203 = arith.muli %add3A_182, %mul3A_202 : i32
      %add3A_204 = arith.constant 1 : i32
      %add3A_205 = arith.addi %mul3A_203, %add3A_204 : i32
      %dma_wait3A_206 = arith.constant 0 : i32
      %dma_wait3A_207 = arith.constant 0 : i32
      %dma_wait3A_208 = tpu.memref_slice %arg6[%dma_wait3A_206, %dma_wait3A_207] : memref<125x80xi32, #tpu.memory_space<vmem>> -> memref<1x80xi32, #tpu.memory_space<vmem>>
      %dma_wait3A_209 = tpu.memref_squeeze %dma_wait3A_208 : memref<1x80xi32, #tpu.memory_space<vmem>> -> memref<80xi32, #tpu.memory_space<vmem>>
      %dma_wait3A_210 = arith.constant 0 : i32
      %dma_wait3A_211 = arith.constant 0 : i32
      %dma_wait3A_212 = tpu.memref_slice %arg3[%dma_wait3A_210, %dma_wait3A_211] : memref<10000x64xf32, #tpu.memory_space<hbm>> -> memref<10000x64xf32, #tpu.memory_space<hbm>>
      tpu.wait_indirect_dma semaphore(%arg16 : memref<!tpu.dma_semaphore, #tpu.memory_space<semaphore_mem>>) src(%dma_wait3A_212 : memref<10000x64xf32, #tpu.memory_space<hbm>>) dst(%arg9 : memref<80x64xf32, #tpu.memory_space<vmem>>)
      "tpu.region"() ({
        %run_scoped3A_297 = tpu.sem_alloc : memref<!tpu.dma_semaphore, #tpu.memory_space<semaphore_mem>>
        %dma_start3A_298 = arith.constant 0 : i32
        %dma_start3A_299 = tpu.memref_slice %arg7[%add3A_205, %dma_start3A_298] : memref<125x80xi32, #tpu.memory_space<vmem>> -> memref<1x80xi32, #tpu.memory_space<vmem>>
        %dma_start3A_300 = tpu.memref_squeeze %dma_start3A_299 : memref<1x80xi32, #tpu.memory_space<vmem>> -> memref<80xi32, #tpu.memory_space<vmem>>
        %dma_start3A_301 = arith.constant 0 : i32
        %dma_start3A_302 = arith.constant 0 : i32
        %dma_start3A_303 = tpu.memref_slice %arg14[%dma_start3A_301, %dma_start3A_302] : memref<10240x64xf32, #tpu.memory_space<vmem_shared>> -> memref<10240x64xf32, #tpu.memory_space<vmem_shared>>
        tpu.enqueue_indirect_dma source(%arg9 : memref<80x64xf32, #tpu.memory_space<vmem>>) target(%dma_start3A_303 : memref<10240x64xf32, #tpu.memory_space<vmem_shared>>) offsets(%dma_start3A_300 : memref<80xi32, #tpu.memory_space<vmem>>) semaphore(%run_scoped3A_297 : memref<!tpu.dma_semaphore, #tpu.memory_space<semaphore_mem>>) {add = true}
        %dma_wait3A_304 = arith.constant 0 : i32
        %dma_wait3A_305 = tpu.memref_slice %arg7[%add3A_205, %dma_wait3A_304] : memref<125x80xi32, #tpu.memory_space<vmem>> -> memref<1x80xi32, #tpu.memory_space<vmem>>
        %dma_wait3A_306 = tpu.memref_squeeze %dma_wait3A_305 : memref<1x80xi32, #tpu.memory_space<vmem>> -> memref<80xi32, #tpu.memory_space<vmem>>
        %dma_wait3A_307 = arith.constant 0 : i32
        %dma_wait3A_308 = arith.constant 0 : i32
        %dma_wait3A_309 = tpu.memref_slice %arg14[%dma_wait3A_307, %dma_wait3A_308] : memref<10240x64xf32, #tpu.memory_space<vmem_shared>> -> memref<10240x64xf32, #tpu.memory_space<vmem_shared>>
        tpu.wait_indirect_dma semaphore(%run_scoped3A_297 : memref<!tpu.dma_semaphore, #tpu.memory_space<semaphore_mem>>) src(%arg9 : memref<80x64xf32, #tpu.memory_space<vmem>>) dst(%dma_wait3A_309 : memref<10240x64xf32, #tpu.memory_space<vmem_shared>>)
        tpu.yield
      }) : () -> ()
      %add3A_213 = arith.constant 6 : i32
      %add3A_214 = arith.addi %add3A_205, %add3A_213 : i32
      %dma_start3A_215 = arith.constant 0 : i32
      %dma_start3A_216 = tpu.memref_slice %arg6[%add3A_214, %dma_start3A_215] : memref<125x80xi32, #tpu.memory_space<vmem>> -> memref<1x80xi32, #tpu.memory_space<vmem>>
      %dma_start3A_217 = tpu.memref_squeeze %dma_start3A_216 : memref<1x80xi32, #tpu.memory_space<vmem>> -> memref<80xi32, #tpu.memory_space<vmem>>
      %dma_start3A_218 = arith.constant 0 : i32
      %dma_start3A_219 = arith.constant 0 : i32
      %dma_start3A_220 = tpu.memref_slice %arg3[%dma_start3A_218, %dma_start3A_219] : memref<10000x64xf32, #tpu.memory_space<hbm>> -> memref<10000x64xf32, #tpu.memory_space<hbm>>
      tpu.enqueue_indirect_dma source(%dma_start3A_220 : memref<10000x64xf32, #tpu.memory_space<hbm>>) target(%arg9 : memref<80x64xf32, #tpu.memory_space<vmem>>) offsets(%dma_start3A_217 : memref<80xi32, #tpu.memory_space<vmem>>) semaphore(%arg16 : memref<!tpu.dma_semaphore, #tpu.memory_space<semaphore_mem>>)
      %mul3A_221 = arith.constant 6 : i32
      %mul3A_222 = arith.muli %add3A_182, %mul3A_221 : i32
      %add3A_223 = arith.constant 2 : i32
      %add3A_224 = arith.addi %mul3A_222, %add3A_223 : i32
      %dma_wait3A_225 = arith.constant 0 : i32
      %dma_wait3A_226 = arith.constant 0 : i32
      %dma_wait3A_227 = tpu.memref_slice %arg6[%dma_wait3A_225, %dma_wait3A_226] : memref<125x80xi32, #tpu.memory_space<vmem>> -> memref<1x80xi32, #tpu.memory_space<vmem>>
      %dma_wait3A_228 = tpu.memref_squeeze %dma_wait3A_227 : memref<1x80xi32, #tpu.memory_space<vmem>> -> memref<80xi32, #tpu.memory_space<vmem>>
      %dma_wait3A_229 = arith.constant 0 : i32
      %dma_wait3A_230 = arith.constant 0 : i32
      %dma_wait3A_231 = tpu.memref_slice %arg3[%dma_wait3A_229, %dma_wait3A_230] : memref<10000x64xf32, #tpu.memory_space<hbm>> -> memref<10000x64xf32, #tpu.memory_space<hbm>>
      tpu.wait_indirect_dma semaphore(%arg17 : memref<!tpu.dma_semaphore, #tpu.memory_space<semaphore_mem>>) src(%dma_wait3A_231 : memref<10000x64xf32, #tpu.memory_space<hbm>>) dst(%arg10 : memref<80x64xf32, #tpu.memory_space<vmem>>)
      "tpu.region"() ({
        %run_scoped3A_297 = tpu.sem_alloc : memref<!tpu.dma_semaphore, #tpu.memory_space<semaphore_mem>>
        %dma_start3A_298 = arith.constant 0 : i32
        %dma_start3A_299 = tpu.memref_slice %arg7[%add3A_224, %dma_start3A_298] : memref<125x80xi32, #tpu.memory_space<vmem>> -> memref<1x80xi32, #tpu.memory_space<vmem>>
        %dma_start3A_300 = tpu.memref_squeeze %dma_start3A_299 : memref<1x80xi32, #tpu.memory_space<vmem>> -> memref<80xi32, #tpu.memory_space<vmem>>
        %dma_start3A_301 = arith.constant 0 : i32
        %dma_start3A_302 = arith.constant 0 : i32
        %dma_start3A_303 = tpu.memref_slice %arg14[%dma_start3A_301, %dma_start3A_302] : memref<10240x64xf32, #tpu.memory_space<vmem_shared>> -> memref<10240x64xf32, #tpu.memory_space<vmem_shared>>
        tpu.enqueue_indirect_dma source(%arg10 : memref<80x64xf32, #tpu.memory_space<vmem>>) target(%dma_start3A_303 : memref<10240x64xf32, #tpu.memory_space<vmem_shared>>) offsets(%dma_start3A_300 : memref<80xi32, #tpu.memory_space<vmem>>) semaphore(%run_scoped3A_297 : memref<!tpu.dma_semaphore, #tpu.memory_space<semaphore_mem>>) {add = true}
        %dma_wait3A_304 = arith.constant 0 : i32
        %dma_wait3A_305 = tpu.memref_slice %arg7[%add3A_224, %dma_wait3A_304] : memref<125x80xi32, #tpu.memory_space<vmem>> -> memref<1x80xi32, #tpu.memory_space<vmem>>
        %dma_wait3A_306 = tpu.memref_squeeze %dma_wait3A_305 : memref<1x80xi32, #tpu.memory_space<vmem>> -> memref<80xi32, #tpu.memory_space<vmem>>
        %dma_wait3A_307 = arith.constant 0 : i32
        %dma_wait3A_308 = arith.constant 0 : i32
        %dma_wait3A_309 = tpu.memref_slice %arg14[%dma_wait3A_307, %dma_wait3A_308] : memref<10240x64xf32, #tpu.memory_space<vmem_shared>> -> memref<10240x64xf32, #tpu.memory_space<vmem_shared>>
        tpu.wait_indirect_dma semaphore(%run_scoped3A_297 : memref<!tpu.dma_semaphore, #tpu.memory_space<semaphore_mem>>) src(%arg10 : memref<80x64xf32, #tpu.memory_space<vmem>>) dst(%dma_wait3A_309 : memref<10240x64xf32, #tpu.memory_space<vmem_shared>>)
        tpu.yield
      }) : () -> ()
      %add3A_232 = arith.constant 6 : i32
      %add3A_233 = arith.addi %add3A_224, %add3A_232 : i32
      %dma_start3A_234 = arith.constant 0 : i32
      %dma_start3A_235 = tpu.memref_slice %arg6[%add3A_233, %dma_start3A_234] : memref<125x80xi32, #tpu.memory_space<vmem>> -> memref<1x80xi32, #tpu.memory_space<vmem>>
      %dma_start3A_236 = tpu.memref_squeeze %dma_start3A_235 : memref<1x80xi32, #tpu.memory_space<vmem>> -> memref<80xi32, #tpu.memory_space<vmem>>
      %dma_start3A_237 = arith.constant 0 : i32
      %dma_start3A_238 = arith.constant 0 : i32
      %dma_start3A_239 = tpu.memref_slice %arg3[%dma_start3A_237, %dma_start3A_238] : memref<10000x64xf32, #tpu.memory_space<hbm>> -> memref<10000x64xf32, #tpu.memory_space<hbm>>
      tpu.enqueue_indirect_dma source(%dma_start3A_239 : memref<10000x64xf32, #tpu.memory_space<hbm>>) target(%arg10 : memref<80x64xf32, #tpu.memory_space<vmem>>) offsets(%dma_start3A_236 : memref<80xi32, #tpu.memory_space<vmem>>) semaphore(%arg17 : memref<!tpu.dma_semaphore, #tpu.memory_space<semaphore_mem>>)
      %mul3A_240 = arith.constant 6 : i32
      %mul3A_241 = arith.muli %add3A_182, %mul3A_240 : i32
      %add3A_242 = arith.constant 3 : i32
      %add3A_243 = arith.addi %mul3A_241, %add3A_242 : i32
      %dma_wait3A_244 = arith.constant 0 : i32
      %dma_wait3A_245 = arith.constant 0 : i32
      %dma_wait3A_246 = tpu.memref_slice %arg6[%dma_wait3A_244, %dma_wait3A_245] : memref<125x80xi32, #tpu.memory_space<vmem>> -> memref<1x80xi32, #tpu.memory_space<vmem>>
      %dma_wait3A_247 = tpu.memref_squeeze %dma_wait3A_246 : memref<1x80xi32, #tpu.memory_space<vmem>> -> memref<80xi32, #tpu.memory_space<vmem>>
      %dma_wait3A_248 = arith.constant 0 : i32
      %dma_wait3A_249 = arith.constant 0 : i32
      %dma_wait3A_250 = tpu.memref_slice %arg3[%dma_wait3A_248, %dma_wait3A_249] : memref<10000x64xf32, #tpu.memory_space<hbm>> -> memref<10000x64xf32, #tpu.memory_space<hbm>>
      tpu.wait_indirect_dma semaphore(%arg18 : memref<!tpu.dma_semaphore, #tpu.memory_space<semaphore_mem>>) src(%dma_wait3A_250 : memref<10000x64xf32, #tpu.memory_space<hbm>>) dst(%arg11 : memref<80x64xf32, #tpu.memory_space<vmem>>)
      "tpu.region"() ({
        %run_scoped3A_297 = tpu.sem_alloc : memref<!tpu.dma_semaphore, #tpu.memory_space<semaphore_mem>>
        %dma_start3A_298 = arith.constant 0 : i32
        %dma_start3A_299 = tpu.memref_slice %arg7[%add3A_243, %dma_start3A_298] : memref<125x80xi32, #tpu.memory_space<vmem>> -> memref<1x80xi32, #tpu.memory_space<vmem>>
        %dma_start3A_300 = tpu.memref_squeeze %dma_start3A_299 : memref<1x80xi32, #tpu.memory_space<vmem>> -> memref<80xi32, #tpu.memory_space<vmem>>
        %dma_start3A_301 = arith.constant 0 : i32
        %dma_start3A_302 = arith.constant 0 : i32
        %dma_start3A_303 = tpu.memref_slice %arg14[%dma_start3A_301, %dma_start3A_302] : memref<10240x64xf32, #tpu.memory_space<vmem_shared>> -> memref<10240x64xf32, #tpu.memory_space<vmem_shared>>
        tpu.enqueue_indirect_dma source(%arg11 : memref<80x64xf32, #tpu.memory_space<vmem>>) target(%dma_start3A_303 : memref<10240x64xf32, #tpu.memory_space<vmem_shared>>) offsets(%dma_start3A_300 : memref<80xi32, #tpu.memory_space<vmem>>) semaphore(%run_scoped3A_297 : memref<!tpu.dma_semaphore, #tpu.memory_space<semaphore_mem>>) {add = true}
        %dma_wait3A_304 = arith.constant 0 : i32
        %dma_wait3A_305 = tpu.memref_slice %arg7[%add3A_243, %dma_wait3A_304] : memref<125x80xi32, #tpu.memory_space<vmem>> -> memref<1x80xi32, #tpu.memory_space<vmem>>
        %dma_wait3A_306 = tpu.memref_squeeze %dma_wait3A_305 : memref<1x80xi32, #tpu.memory_space<vmem>> -> memref<80xi32, #tpu.memory_space<vmem>>
        %dma_wait3A_307 = arith.constant 0 : i32
        %dma_wait3A_308 = arith.constant 0 : i32
        %dma_wait3A_309 = tpu.memref_slice %arg14[%dma_wait3A_307, %dma_wait3A_308] : memref<10240x64xf32, #tpu.memory_space<vmem_shared>> -> memref<10240x64xf32, #tpu.memory_space<vmem_shared>>
        tpu.wait_indirect_dma semaphore(%run_scoped3A_297 : memref<!tpu.dma_semaphore, #tpu.memory_space<semaphore_mem>>) src(%arg11 : memref<80x64xf32, #tpu.memory_space<vmem>>) dst(%dma_wait3A_309 : memref<10240x64xf32, #tpu.memory_space<vmem_shared>>)
        tpu.yield
      }) : () -> ()
      %add3A_251 = arith.constant 6 : i32
      %add3A_252 = arith.addi %add3A_243, %add3A_251 : i32
      %dma_start3A_253 = arith.constant 0 : i32
      %dma_start3A_254 = tpu.memref_slice %arg6[%add3A_252, %dma_start3A_253] : memref<125x80xi32, #tpu.memory_space<vmem>> -> memref<1x80xi32, #tpu.memory_space<vmem>>
      %dma_start3A_255 = tpu.memref_squeeze %dma_start3A_254 : memref<1x80xi32, #tpu.memory_space<vmem>> -> memref<80xi32, #tpu.memory_space<vmem>>
      %dma_start3A_256 = arith.constant 0 : i32
      %dma_start3A_257 = arith.constant 0 : i32
      %dma_start3A_258 = tpu.memref_slice %arg3[%dma_start3A_256, %dma_start3A_257] : memref<10000x64xf32, #tpu.memory_space<hbm>> -> memref<10000x64xf32, #tpu.memory_space<hbm>>
      tpu.enqueue_indirect_dma source(%dma_start3A_258 : memref<10000x64xf32, #tpu.memory_space<hbm>>) target(%arg11 : memref<80x64xf32, #tpu.memory_space<vmem>>) offsets(%dma_start3A_255 : memref<80xi32, #tpu.memory_space<vmem>>) semaphore(%arg18 : memref<!tpu.dma_semaphore, #tpu.memory_space<semaphore_mem>>)
      %mul3A_259 = arith.constant 6 : i32
      %mul3A_260 = arith.muli %add3A_182, %mul3A_259 : i32
      %add3A_261 = arith.constant 4 : i32
      %add3A_262 = arith.addi %mul3A_260, %add3A_261 : i32
      %dma_wait3A_263 = arith.constant 0 : i32
      %dma_wait3A_264 = arith.constant 0 : i32
      %dma_wait3A_265 = tpu.memref_slice %arg6[%dma_wait3A_263, %dma_wait3A_264] : memref<125x80xi32, #tpu.memory_space<vmem>> -> memref<1x80xi32, #tpu.memory_space<vmem>>
      %dma_wait3A_266 = tpu.memref_squeeze %dma_wait3A_265 : memref<1x80xi32, #tpu.memory_space<vmem>> -> memref<80xi32, #tpu.memory_space<vmem>>
      %dma_wait3A_267 = arith.constant 0 : i32
      %dma_wait3A_268 = arith.constant 0 : i32
      %dma_wait3A_269 = tpu.memref_slice %arg3[%dma_wait3A_267, %dma_wait3A_268] : memref<10000x64xf32, #tpu.memory_space<hbm>> -> memref<10000x64xf32, #tpu.memory_space<hbm>>
      tpu.wait_indirect_dma semaphore(%arg19 : memref<!tpu.dma_semaphore, #tpu.memory_space<semaphore_mem>>) src(%dma_wait3A_269 : memref<10000x64xf32, #tpu.memory_space<hbm>>) dst(%arg12 : memref<80x64xf32, #tpu.memory_space<vmem>>)
      "tpu.region"() ({
        %run_scoped3A_297 = tpu.sem_alloc : memref<!tpu.dma_semaphore, #tpu.memory_space<semaphore_mem>>
        %dma_start3A_298 = arith.constant 0 : i32
        %dma_start3A_299 = tpu.memref_slice %arg7[%add3A_262, %dma_start3A_298] : memref<125x80xi32, #tpu.memory_space<vmem>> -> memref<1x80xi32, #tpu.memory_space<vmem>>
        %dma_start3A_300 = tpu.memref_squeeze %dma_start3A_299 : memref<1x80xi32, #tpu.memory_space<vmem>> -> memref<80xi32, #tpu.memory_space<vmem>>
        %dma_start3A_301 = arith.constant 0 : i32
        %dma_start3A_302 = arith.constant 0 : i32
        %dma_start3A_303 = tpu.memref_slice %arg14[%dma_start3A_301, %dma_start3A_302] : memref<10240x64xf32, #tpu.memory_space<vmem_shared>> -> memref<10240x64xf32, #tpu.memory_space<vmem_shared>>
        tpu.enqueue_indirect_dma source(%arg12 : memref<80x64xf32, #tpu.memory_space<vmem>>) target(%dma_start3A_303 : memref<10240x64xf32, #tpu.memory_space<vmem_shared>>) offsets(%dma_start3A_300 : memref<80xi32, #tpu.memory_space<vmem>>) semaphore(%run_scoped3A_297 : memref<!tpu.dma_semaphore, #tpu.memory_space<semaphore_mem>>) {add = true}
        %dma_wait3A_304 = arith.constant 0 : i32
        %dma_wait3A_305 = tpu.memref_slice %arg7[%add3A_262, %dma_wait3A_304] : memref<125x80xi32, #tpu.memory_space<vmem>> -> memref<1x80xi32, #tpu.memory_space<vmem>>
        %dma_wait3A_306 = tpu.memref_squeeze %dma_wait3A_305 : memref<1x80xi32, #tpu.memory_space<vmem>> -> memref<80xi32, #tpu.memory_space<vmem>>
        %dma_wait3A_307 = arith.constant 0 : i32
        %dma_wait3A_308 = arith.constant 0 : i32
        %dma_wait3A_309 = tpu.memref_slice %arg14[%dma_wait3A_307, %dma_wait3A_308] : memref<10240x64xf32, #tpu.memory_space<vmem_shared>> -> memref<10240x64xf32, #tpu.memory_space<vmem_shared>>
        tpu.wait_indirect_dma semaphore(%run_scoped3A_297 : memref<!tpu.dma_semaphore, #tpu.memory_space<semaphore_mem>>) src(%arg12 : memref<80x64xf32, #tpu.memory_space<vmem>>) dst(%dma_wait3A_309 : memref<10240x64xf32, #tpu.memory_space<vmem_shared>>)
        tpu.yield
      }) : () -> ()
      %add3A_270 = arith.constant 6 : i32
      %add3A_271 = arith.addi %add3A_262, %add3A_270 : i32
      %dma_start3A_272 = arith.constant 0 : i32
      %dma_start3A_273 = tpu.memref_slice %arg6[%add3A_271, %dma_start3A_272] : memref<125x80xi32, #tpu.memory_space<vmem>> -> memref<1x80xi32, #tpu.memory_space<vmem>>
      %dma_start3A_274 = tpu.memref_squeeze %dma_start3A_273 : memref<1x80xi32, #tpu.memory_space<vmem>> -> memref<80xi32, #tpu.memory_space<vmem>>
      %dma_start3A_275 = arith.constant 0 : i32
      %dma_start3A_276 = arith.constant 0 : i32
      %dma_start3A_277 = tpu.memref_slice %arg3[%dma_start3A_275, %dma_start3A_276] : memref<10000x64xf32, #tpu.memory_space<hbm>> -> memref<10000x64xf32, #tpu.memory_space<hbm>>
      tpu.enqueue_indirect_dma source(%dma_start3A_277 : memref<10000x64xf32, #tpu.memory_space<hbm>>) target(%arg12 : memref<80x64xf32, #tpu.memory_space<vmem>>) offsets(%dma_start3A_274 : memref<80xi32, #tpu.memory_space<vmem>>) semaphore(%arg19 : memref<!tpu.dma_semaphore, #tpu.memory_space<semaphore_mem>>)
      %mul3A_278 = arith.constant 6 : i32
      %mul3A_279 = arith.muli %add3A_182, %mul3A_278 : i32
      %add3A_280 = arith.constant 5 : i32
      %add3A_281 = arith.addi %mul3A_279, %add3A_280 : i32
      %dma_wait3A_282 = arith.constant 0 : i32
      %dma_wait3A_283 = arith.constant 0 : i32
      %dma_wait3A_284 = tpu.memref_slice %arg6[%dma_wait3A_282, %dma_wait3A_283] : memref<125x80xi32, #tpu.memory_space<vmem>> -> memref<1x80xi32, #tpu.memory_space<vmem>>
      %dma_wait3A_285 = tpu.memref_squeeze %dma_wait3A_284 : memref<1x80xi32, #tpu.memory_space<vmem>> -> memref<80xi32, #tpu.memory_space<vmem>>
      %dma_wait3A_286 = arith.constant 0 : i32
      %dma_wait3A_287 = arith.constant 0 : i32
      %dma_wait3A_288 = tpu.memref_slice %arg3[%dma_wait3A_286, %dma_wait3A_287] : memref<10000x64xf32, #tpu.memory_space<hbm>> -> memref<10000x64xf32, #tpu.memory_space<hbm>>
      tpu.wait_indirect_dma semaphore(%arg20 : memref<!tpu.dma_semaphore, #tpu.memory_space<semaphore_mem>>) src(%dma_wait3A_288 : memref<10000x64xf32, #tpu.memory_space<hbm>>) dst(%arg13 : memref<80x64xf32, #tpu.memory_space<vmem>>)
      "tpu.region"() ({
        %run_scoped3A_297 = tpu.sem_alloc : memref<!tpu.dma_semaphore, #tpu.memory_space<semaphore_mem>>
        %dma_start3A_298 = arith.constant 0 : i32
        %dma_start3A_299 = tpu.memref_slice %arg7[%add3A_281, %dma_start3A_298] : memref<125x80xi32, #tpu.memory_space<vmem>> -> memref<1x80xi32, #tpu.memory_space<vmem>>
        %dma_start3A_300 = tpu.memref_squeeze %dma_start3A_299 : memref<1x80xi32, #tpu.memory_space<vmem>> -> memref<80xi32, #tpu.memory_space<vmem>>
        %dma_start3A_301 = arith.constant 0 : i32
        %dma_start3A_302 = arith.constant 0 : i32
        %dma_start3A_303 = tpu.memref_slice %arg14[%dma_start3A_301, %dma_start3A_302] : memref<10240x64xf32, #tpu.memory_space<vmem_shared>> -> memref<10240x64xf32, #tpu.memory_space<vmem_shared>>
        tpu.enqueue_indirect_dma source(%arg13 : memref<80x64xf32, #tpu.memory_space<vmem>>) target(%dma_start3A_303 : memref<10240x64xf32, #tpu.memory_space<vmem_shared>>) offsets(%dma_start3A_300 : memref<80xi32, #tpu.memory_space<vmem>>) semaphore(%run_scoped3A_297 : memref<!tpu.dma_semaphore, #tpu.memory_space<semaphore_mem>>) {add = true}
        %dma_wait3A_304 = arith.constant 0 : i32
        %dma_wait3A_305 = tpu.memref_slice %arg7[%add3A_281, %dma_wait3A_304] : memref<125x80xi32, #tpu.memory_space<vmem>> -> memref<1x80xi32, #tpu.memory_space<vmem>>
        %dma_wait3A_306 = tpu.memref_squeeze %dma_wait3A_305 : memref<1x80xi32, #tpu.memory_space<vmem>> -> memref<80xi32, #tpu.memory_space<vmem>>
        %dma_wait3A_307 = arith.constant 0 : i32
        %dma_wait3A_308 = arith.constant 0 : i32
        %dma_wait3A_309 = tpu.memref_slice %arg14[%dma_wait3A_307, %dma_wait3A_308] : memref<10240x64xf32, #tpu.memory_space<vmem_shared>> -> memref<10240x64xf32, #tpu.memory_space<vmem_shared>>
        tpu.wait_indirect_dma semaphore(%run_scoped3A_297 : memref<!tpu.dma_semaphore, #tpu.memory_space<semaphore_mem>>) src(%arg13 : memref<80x64xf32, #tpu.memory_space<vmem>>) dst(%dma_wait3A_309 : memref<10240x64xf32, #tpu.memory_space<vmem_shared>>)
        tpu.yield
      }) : () -> ()
      %add3A_289 = arith.constant 6 : i32
      %add3A_290 = arith.addi %add3A_281, %add3A_289 : i32
      %dma_start3A_291 = arith.constant 0 : i32
      %dma_start3A_292 = tpu.memref_slice %arg6[%add3A_290, %dma_start3A_291] : memref<125x80xi32, #tpu.memory_space<vmem>> -> memref<1x80xi32, #tpu.memory_space<vmem>>
      %dma_start3A_293 = tpu.memref_squeeze %dma_start3A_292 : memref<1x80xi32, #tpu.memory_space<vmem>> -> memref<80xi32, #tpu.memory_space<vmem>>
      %dma_start3A_294 = arith.constant 0 : i32
      %dma_start3A_295 = arith.constant 0 : i32
      %dma_start3A_296 = tpu.memref_slice %arg3[%dma_start3A_294, %dma_start3A_295] : memref<10000x64xf32, #tpu.memory_space<hbm>> -> memref<10000x64xf32, #tpu.memory_space<hbm>>
      tpu.enqueue_indirect_dma source(%dma_start3A_296 : memref<10000x64xf32, #tpu.memory_space<hbm>>) target(%arg13 : memref<80x64xf32, #tpu.memory_space<vmem>>) offsets(%dma_start3A_293 : memref<80xi32, #tpu.memory_space<vmem>>) semaphore(%arg20 : memref<!tpu.dma_semaphore, #tpu.memory_space<semaphore_mem>>)
    }
    %scan3A_50 = arith.constant 19 : i32
    %dma_wait3A = arith.constant 0 : i32
    %dma_wait3A_51 = arith.constant 0 : i32
    %dma_wait3A_52 = tpu.memref_slice %arg6[%dma_wait3A, %dma_wait3A_51] : memref<125x80xi32, #tpu.memory_space<vmem>> -> memref<1x80xi32, #tpu.memory_space<vmem>>
    %dma_wait3A_53 = tpu.memref_squeeze %dma_wait3A_52 : memref<1x80xi32, #tpu.memory_space<vmem>> -> memref<80xi32, #tpu.memory_space<vmem>>
    %dma_wait3A_54 = arith.constant 0 : i32
    %dma_wait3A_55 = arith.constant 0 : i32
    %dma_wait3A_56 = tpu.memref_slice %arg3[%dma_wait3A_54, %dma_wait3A_55] : memref<10000x64xf32, #tpu.memory_space<hbm>> -> memref<10000x64xf32, #tpu.memory_space<hbm>>
    tpu.wait_indirect_dma semaphore(%arg15 : memref<!tpu.dma_semaphore, #tpu.memory_space<semaphore_mem>>) src(%dma_wait3A_56 : memref<10000x64xf32, #tpu.memory_space<hbm>>) dst(%arg8 : memref<80x64xf32, #tpu.memory_space<vmem>>)
    %run_scoped3A_57 = arith.constant 114 : i32
    "tpu.region"() ({
      %run_scoped3A_178 = tpu.sem_alloc : memref<!tpu.dma_semaphore, #tpu.memory_space<semaphore_mem>>
      %dma_start3A_179 = arith.constant 0 : i32
      %dma_start3A_180 = tpu.memref_slice %arg7[%run_scoped3A_57, %dma_start3A_179] : memref<125x80xi32, #tpu.memory_space<vmem>> -> memref<1x80xi32, #tpu.memory_space<vmem>>
      %dma_start3A_181 = tpu.memref_squeeze %dma_start3A_180 : memref<1x80xi32, #tpu.memory_space<vmem>> -> memref<80xi32, #tpu.memory_space<vmem>>
      %dma_start3A_182 = arith.constant 0 : i32
      %dma_start3A_183 = arith.constant 0 : i32
      %dma_start3A_184 = tpu.memref_slice %arg14[%dma_start3A_182, %dma_start3A_183] : memref<10240x64xf32, #tpu.memory_space<vmem_shared>> -> memref<10240x64xf32, #tpu.memory_space<vmem_shared>>
      tpu.enqueue_indirect_dma source(%arg8 : memref<80x64xf32, #tpu.memory_space<vmem>>) target(%dma_start3A_184 : memref<10240x64xf32, #tpu.memory_space<vmem_shared>>) offsets(%dma_start3A_181 : memref<80xi32, #tpu.memory_space<vmem>>) semaphore(%run_scoped3A_178 : memref<!tpu.dma_semaphore, #tpu.memory_space<semaphore_mem>>) {add = true}
      %dma_wait3A_185 = arith.constant 0 : i32
      %dma_wait3A_186 = tpu.memref_slice %arg7[%run_scoped3A_57, %dma_wait3A_185] : memref<125x80xi32, #tpu.memory_space<vmem>> -> memref<1x80xi32, #tpu.memory_space<vmem>>
      %dma_wait3A_187 = tpu.memref_squeeze %dma_wait3A_186 : memref<1x80xi32, #tpu.memory_space<vmem>> -> memref<80xi32, #tpu.memory_space<vmem>>
      %dma_wait3A_188 = arith.constant 0 : i32
      %dma_wait3A_189 = arith.constant 0 : i32
      %dma_wait3A_190 = tpu.memref_slice %arg14[%dma_wait3A_188, %dma_wait3A_189] : memref<10240x64xf32, #tpu.memory_space<vmem_shared>> -> memref<10240x64xf32, #tpu.memory_space<vmem_shared>>
      tpu.wait_indirect_dma semaphore(%run_scoped3A_178 : memref<!tpu.dma_semaphore, #tpu.memory_space<semaphore_mem>>) src(%arg8 : memref<80x64xf32, #tpu.memory_space<vmem>>) dst(%dma_wait3A_190 : memref<10240x64xf32, #tpu.memory_space<vmem_shared>>)
      tpu.yield
    }) : () -> ()
    %dma_start3A_58 = arith.constant 120 : i32
    %dma_start3A_59 = arith.constant 0 : i32
    %dma_start3A_60 = tpu.memref_slice %arg6[%dma_start3A_58, %dma_start3A_59] : memref<125x80xi32, #tpu.memory_space<vmem>> -> memref<1x80xi32, #tpu.memory_space<vmem>>
    %dma_start3A_61 = tpu.memref_squeeze %dma_start3A_60 : memref<1x80xi32, #tpu.memory_space<vmem>> -> memref<80xi32, #tpu.memory_space<vmem>>
    %dma_start3A_62 = arith.constant 0 : i32
    %dma_start3A_63 = arith.constant 0 : i32
    %dma_start3A_64 = tpu.memref_slice %arg3[%dma_start3A_62, %dma_start3A_63] : memref<10000x64xf32, #tpu.memory_space<hbm>> -> memref<10000x64xf32, #tpu.memory_space<hbm>>
    tpu.enqueue_indirect_dma source(%dma_start3A_64 : memref<10000x64xf32, #tpu.memory_space<hbm>>) target(%arg8 : memref<80x64xf32, #tpu.memory_space<vmem>>) offsets(%dma_start3A_61 : memref<80xi32, #tpu.memory_space<vmem>>) semaphore(%arg15 : memref<!tpu.dma_semaphore, #tpu.memory_space<semaphore_mem>>)
    %dma_wait3A_65 = arith.constant 0 : i32
    %dma_wait3A_66 = arith.constant 0 : i32
    %dma_wait3A_67 = tpu.memref_slice %arg6[%dma_wait3A_65, %dma_wait3A_66] : memref<125x80xi32, #tpu.memory_space<vmem>> -> memref<1x80xi32, #tpu.memory_space<vmem>>
    %dma_wait3A_68 = tpu.memref_squeeze %dma_wait3A_67 : memref<1x80xi32, #tpu.memory_space<vmem>> -> memref<80xi32, #tpu.memory_space<vmem>>
    %dma_wait3A_69 = arith.constant 0 : i32
    %dma_wait3A_70 = arith.constant 0 : i32
    %dma_wait3A_71 = tpu.memref_slice %arg3[%dma_wait3A_69, %dma_wait3A_70] : memref<10000x64xf32, #tpu.memory_space<hbm>> -> memref<10000x64xf32, #tpu.memory_space<hbm>>
    tpu.wait_indirect_dma semaphore(%arg16 : memref<!tpu.dma_semaphore, #tpu.memory_space<semaphore_mem>>) src(%dma_wait3A_71 : memref<10000x64xf32, #tpu.memory_space<hbm>>) dst(%arg9 : memref<80x64xf32, #tpu.memory_space<vmem>>)
    %run_scoped3A_72 = arith.constant 115 : i32
    "tpu.region"() ({
      %run_scoped3A_178 = tpu.sem_alloc : memref<!tpu.dma_semaphore, #tpu.memory_space<semaphore_mem>>
      %dma_start3A_179 = arith.constant 0 : i32
      %dma_start3A_180 = tpu.memref_slice %arg7[%run_scoped3A_72, %dma_start3A_179] : memref<125x80xi32, #tpu.memory_space<vmem>> -> memref<1x80xi32, #tpu.memory_space<vmem>>
      %dma_start3A_181 = tpu.memref_squeeze %dma_start3A_180 : memref<1x80xi32, #tpu.memory_space<vmem>> -> memref<80xi32, #tpu.memory_space<vmem>>
      %dma_start3A_182 = arith.constant 0 : i32
      %dma_start3A_183 = arith.constant 0 : i32
      %dma_start3A_184 = tpu.memref_slice %arg14[%dma_start3A_182, %dma_start3A_183] : memref<10240x64xf32, #tpu.memory_space<vmem_shared>> -> memref<10240x64xf32, #tpu.memory_space<vmem_shared>>
      tpu.enqueue_indirect_dma source(%arg9 : memref<80x64xf32, #tpu.memory_space<vmem>>) target(%dma_start3A_184 : memref<10240x64xf32, #tpu.memory_space<vmem_shared>>) offsets(%dma_start3A_181 : memref<80xi32, #tpu.memory_space<vmem>>) semaphore(%run_scoped3A_178 : memref<!tpu.dma_semaphore, #tpu.memory_space<semaphore_mem>>) {add = true}
      %dma_wait3A_185 = arith.constant 0 : i32
      %dma_wait3A_186 = tpu.memref_slice %arg7[%run_scoped3A_72, %dma_wait3A_185] : memref<125x80xi32, #tpu.memory_space<vmem>> -> memref<1x80xi32, #tpu.memory_space<vmem>>
      %dma_wait3A_187 = tpu.memref_squeeze %dma_wait3A_186 : memref<1x80xi32, #tpu.memory_space<vmem>> -> memref<80xi32, #tpu.memory_space<vmem>>
      %dma_wait3A_188 = arith.constant 0 : i32
      %dma_wait3A_189 = arith.constant 0 : i32
      %dma_wait3A_190 = tpu.memref_slice %arg14[%dma_wait3A_188, %dma_wait3A_189] : memref<10240x64xf32, #tpu.memory_space<vmem_shared>> -> memref<10240x64xf32, #tpu.memory_space<vmem_shared>>
      tpu.wait_indirect_dma semaphore(%run_scoped3A_178 : memref<!tpu.dma_semaphore, #tpu.memory_space<semaphore_mem>>) src(%arg9 : memref<80x64xf32, #tpu.memory_space<vmem>>) dst(%dma_wait3A_190 : memref<10240x64xf32, #tpu.memory_space<vmem_shared>>)
      tpu.yield
    }) : () -> ()
    %dma_start3A_73 = arith.constant 121 : i32
    %dma_start3A_74 = arith.constant 0 : i32
    %dma_start3A_75 = tpu.memref_slice %arg6[%dma_start3A_73, %dma_start3A_74] : memref<125x80xi32, #tpu.memory_space<vmem>> -> memref<1x80xi32, #tpu.memory_space<vmem>>
    %dma_start3A_76 = tpu.memref_squeeze %dma_start3A_75 : memref<1x80xi32, #tpu.memory_space<vmem>> -> memref<80xi32, #tpu.memory_space<vmem>>
    %dma_start3A_77 = arith.constant 0 : i32
    %dma_start3A_78 = arith.constant 0 : i32
    %dma_start3A_79 = tpu.memref_slice %arg3[%dma_start3A_77, %dma_start3A_78] : memref<10000x64xf32, #tpu.memory_space<hbm>> -> memref<10000x64xf32, #tpu.memory_space<hbm>>
    tpu.enqueue_indirect_dma source(%dma_start3A_79 : memref<10000x64xf32, #tpu.memory_space<hbm>>) target(%arg9 : memref<80x64xf32, #tpu.memory_space<vmem>>) offsets(%dma_start3A_76 : memref<80xi32, #tpu.memory_space<vmem>>) semaphore(%arg16 : memref<!tpu.dma_semaphore, #tpu.memory_space<semaphore_mem>>)
    %dma_wait3A_80 = arith.constant 0 : i32
    %dma_wait3A_81 = arith.constant 0 : i32
    %dma_wait3A_82 = tpu.memref_slice %arg6[%dma_wait3A_80, %dma_wait3A_81] : memref<125x80xi32, #tpu.memory_space<vmem>> -> memref<1x80xi32, #tpu.memory_space<vmem>>
    %dma_wait3A_83 = tpu.memref_squeeze %dma_wait3A_82 : memref<1x80xi32, #tpu.memory_space<vmem>> -> memref<80xi32, #tpu.memory_space<vmem>>
    %dma_wait3A_84 = arith.constant 0 : i32
    %dma_wait3A_85 = arith.constant 0 : i32
    %dma_wait3A_86 = tpu.memref_slice %arg3[%dma_wait3A_84, %dma_wait3A_85] : memref<10000x64xf32, #tpu.memory_space<hbm>> -> memref<10000x64xf32, #tpu.memory_space<hbm>>
    tpu.wait_indirect_dma semaphore(%arg17 : memref<!tpu.dma_semaphore, #tpu.memory_space<semaphore_mem>>) src(%dma_wait3A_86 : memref<10000x64xf32, #tpu.memory_space<hbm>>) dst(%arg10 : memref<80x64xf32, #tpu.memory_space<vmem>>)
    %run_scoped3A_87 = arith.constant 116 : i32
    "tpu.region"() ({
      %run_scoped3A_178 = tpu.sem_alloc : memref<!tpu.dma_semaphore, #tpu.memory_space<semaphore_mem>>
      %dma_start3A_179 = arith.constant 0 : i32
      %dma_start3A_180 = tpu.memref_slice %arg7[%run_scoped3A_87, %dma_start3A_179] : memref<125x80xi32, #tpu.memory_space<vmem>> -> memref<1x80xi32, #tpu.memory_space<vmem>>
      %dma_start3A_181 = tpu.memref_squeeze %dma_start3A_180 : memref<1x80xi32, #tpu.memory_space<vmem>> -> memref<80xi32, #tpu.memory_space<vmem>>
      %dma_start3A_182 = arith.constant 0 : i32
      %dma_start3A_183 = arith.constant 0 : i32
      %dma_start3A_184 = tpu.memref_slice %arg14[%dma_start3A_182, %dma_start3A_183] : memref<10240x64xf32, #tpu.memory_space<vmem_shared>> -> memref<10240x64xf32, #tpu.memory_space<vmem_shared>>
      tpu.enqueue_indirect_dma source(%arg10 : memref<80x64xf32, #tpu.memory_space<vmem>>) target(%dma_start3A_184 : memref<10240x64xf32, #tpu.memory_space<vmem_shared>>) offsets(%dma_start3A_181 : memref<80xi32, #tpu.memory_space<vmem>>) semaphore(%run_scoped3A_178 : memref<!tpu.dma_semaphore, #tpu.memory_space<semaphore_mem>>) {add = true}
      %dma_wait3A_185 = arith.constant 0 : i32
      %dma_wait3A_186 = tpu.memref_slice %arg7[%run_scoped3A_87, %dma_wait3A_185] : memref<125x80xi32, #tpu.memory_space<vmem>> -> memref<1x80xi32, #tpu.memory_space<vmem>>
      %dma_wait3A_187 = tpu.memref_squeeze %dma_wait3A_186 : memref<1x80xi32, #tpu.memory_space<vmem>> -> memref<80xi32, #tpu.memory_space<vmem>>
      %dma_wait3A_188 = arith.constant 0 : i32
      %dma_wait3A_189 = arith.constant 0 : i32
      %dma_wait3A_190 = tpu.memref_slice %arg14[%dma_wait3A_188, %dma_wait3A_189] : memref<10240x64xf32, #tpu.memory_space<vmem_shared>> -> memref<10240x64xf32, #tpu.memory_space<vmem_shared>>
      tpu.wait_indirect_dma semaphore(%run_scoped3A_178 : memref<!tpu.dma_semaphore, #tpu.memory_space<semaphore_mem>>) src(%arg10 : memref<80x64xf32, #tpu.memory_space<vmem>>) dst(%dma_wait3A_190 : memref<10240x64xf32, #tpu.memory_space<vmem_shared>>)
      tpu.yield
    }) : () -> ()
    %dma_start3A_88 = arith.constant 122 : i32
    %dma_start3A_89 = arith.constant 0 : i32
    %dma_start3A_90 = tpu.memref_slice %arg6[%dma_start3A_88, %dma_start3A_89] : memref<125x80xi32, #tpu.memory_space<vmem>> -> memref<1x80xi32, #tpu.memory_space<vmem>>
    %dma_start3A_91 = tpu.memref_squeeze %dma_start3A_90 : memref<1x80xi32, #tpu.memory_space<vmem>> -> memref<80xi32, #tpu.memory_space<vmem>>
    %dma_start3A_92 = arith.constant 0 : i32
    %dma_start3A_93 = arith.constant 0 : i32
    %dma_start3A_94 = tpu.memref_slice %arg3[%dma_start3A_92, %dma_start3A_93] : memref<10000x64xf32, #tpu.memory_space<hbm>> -> memref<10000x64xf32, #tpu.memory_space<hbm>>
    tpu.enqueue_indirect_dma source(%dma_start3A_94 : memref<10000x64xf32, #tpu.memory_space<hbm>>) target(%arg10 : memref<80x64xf32, #tpu.memory_space<vmem>>) offsets(%dma_start3A_91 : memref<80xi32, #tpu.memory_space<vmem>>) semaphore(%arg17 : memref<!tpu.dma_semaphore, #tpu.memory_space<semaphore_mem>>)
    %dma_wait3A_95 = arith.constant 0 : i32
    %dma_wait3A_96 = arith.constant 0 : i32
    %dma_wait3A_97 = tpu.memref_slice %arg6[%dma_wait3A_95, %dma_wait3A_96] : memref<125x80xi32, #tpu.memory_space<vmem>> -> memref<1x80xi32, #tpu.memory_space<vmem>>
    %dma_wait3A_98 = tpu.memref_squeeze %dma_wait3A_97 : memref<1x80xi32, #tpu.memory_space<vmem>> -> memref<80xi32, #tpu.memory_space<vmem>>
    %dma_wait3A_99 = arith.constant 0 : i32
    %dma_wait3A_100 = arith.constant 0 : i32
    %dma_wait3A_101 = tpu.memref_slice %arg3[%dma_wait3A_99, %dma_wait3A_100] : memref<10000x64xf32, #tpu.memory_space<hbm>> -> memref<10000x64xf32, #tpu.memory_space<hbm>>
    tpu.wait_indirect_dma semaphore(%arg18 : memref<!tpu.dma_semaphore, #tpu.memory_space<semaphore_mem>>) src(%dma_wait3A_101 : memref<10000x64xf32, #tpu.memory_space<hbm>>) dst(%arg11 : memref<80x64xf32, #tpu.memory_space<vmem>>)
    %run_scoped3A_102 = arith.constant 117 : i32
    "tpu.region"() ({
      %run_scoped3A_178 = tpu.sem_alloc : memref<!tpu.dma_semaphore, #tpu.memory_space<semaphore_mem>>
      %dma_start3A_179 = arith.constant 0 : i32
      %dma_start3A_180 = tpu.memref_slice %arg7[%run_scoped3A_102, %dma_start3A_179] : memref<125x80xi32, #tpu.memory_space<vmem>> -> memref<1x80xi32, #tpu.memory_space<vmem>>
      %dma_start3A_181 = tpu.memref_squeeze %dma_start3A_180 : memref<1x80xi32, #tpu.memory_space<vmem>> -> memref<80xi32, #tpu.memory_space<vmem>>
      %dma_start3A_182 = arith.constant 0 : i32
      %dma_start3A_183 = arith.constant 0 : i32
      %dma_start3A_184 = tpu.memref_slice %arg14[%dma_start3A_182, %dma_start3A_183] : memref<10240x64xf32, #tpu.memory_space<vmem_shared>> -> memref<10240x64xf32, #tpu.memory_space<vmem_shared>>
      tpu.enqueue_indirect_dma source(%arg11 : memref<80x64xf32, #tpu.memory_space<vmem>>) target(%dma_start3A_184 : memref<10240x64xf32, #tpu.memory_space<vmem_shared>>) offsets(%dma_start3A_181 : memref<80xi32, #tpu.memory_space<vmem>>) semaphore(%run_scoped3A_178 : memref<!tpu.dma_semaphore, #tpu.memory_space<semaphore_mem>>) {add = true}
      %dma_wait3A_185 = arith.constant 0 : i32
      %dma_wait3A_186 = tpu.memref_slice %arg7[%run_scoped3A_102, %dma_wait3A_185] : memref<125x80xi32, #tpu.memory_space<vmem>> -> memref<1x80xi32, #tpu.memory_space<vmem>>
      %dma_wait3A_187 = tpu.memref_squeeze %dma_wait3A_186 : memref<1x80xi32, #tpu.memory_space<vmem>> -> memref<80xi32, #tpu.memory_space<vmem>>
      %dma_wait3A_188 = arith.constant 0 : i32
      %dma_wait3A_189 = arith.constant 0 : i32
      %dma_wait3A_190 = tpu.memref_slice %arg14[%dma_wait3A_188, %dma_wait3A_189] : memref<10240x64xf32, #tpu.memory_space<vmem_shared>> -> memref<10240x64xf32, #tpu.memory_space<vmem_shared>>
      tpu.wait_indirect_dma semaphore(%run_scoped3A_178 : memref<!tpu.dma_semaphore, #tpu.memory_space<semaphore_mem>>) src(%arg11 : memref<80x64xf32, #tpu.memory_space<vmem>>) dst(%dma_wait3A_190 : memref<10240x64xf32, #tpu.memory_space<vmem_shared>>)
      tpu.yield
    }) : () -> ()
    %dma_start3A_103 = arith.constant 123 : i32
    %dma_start3A_104 = arith.constant 0 : i32
    %dma_start3A_105 = tpu.memref_slice %arg6[%dma_start3A_103, %dma_start3A_104] : memref<125x80xi32, #tpu.memory_space<vmem>> -> memref<1x80xi32, #tpu.memory_space<vmem>>
    %dma_start3A_106 = tpu.memref_squeeze %dma_start3A_105 : memref<1x80xi32, #tpu.memory_space<vmem>> -> memref<80xi32, #tpu.memory_space<vmem>>
    %dma_start3A_107 = arith.constant 0 : i32
    %dma_start3A_108 = arith.constant 0 : i32
    %dma_start3A_109 = tpu.memref_slice %arg3[%dma_start3A_107, %dma_start3A_108] : memref<10000x64xf32, #tpu.memory_space<hbm>> -> memref<10000x64xf32, #tpu.memory_space<hbm>>
    tpu.enqueue_indirect_dma source(%dma_start3A_109 : memref<10000x64xf32, #tpu.memory_space<hbm>>) target(%arg11 : memref<80x64xf32, #tpu.memory_space<vmem>>) offsets(%dma_start3A_106 : memref<80xi32, #tpu.memory_space<vmem>>) semaphore(%arg18 : memref<!tpu.dma_semaphore, #tpu.memory_space<semaphore_mem>>)
    %dma_wait3A_110 = arith.constant 0 : i32
    %dma_wait3A_111 = arith.constant 0 : i32
    %dma_wait3A_112 = tpu.memref_slice %arg6[%dma_wait3A_110, %dma_wait3A_111] : memref<125x80xi32, #tpu.memory_space<vmem>> -> memref<1x80xi32, #tpu.memory_space<vmem>>
    %dma_wait3A_113 = tpu.memref_squeeze %dma_wait3A_112 : memref<1x80xi32, #tpu.memory_space<vmem>> -> memref<80xi32, #tpu.memory_space<vmem>>
    %dma_wait3A_114 = arith.constant 0 : i32
    %dma_wait3A_115 = arith.constant 0 : i32
    %dma_wait3A_116 = tpu.memref_slice %arg3[%dma_wait3A_114, %dma_wait3A_115] : memref<10000x64xf32, #tpu.memory_space<hbm>> -> memref<10000x64xf32, #tpu.memory_space<hbm>>
    tpu.wait_indirect_dma semaphore(%arg19 : memref<!tpu.dma_semaphore, #tpu.memory_space<semaphore_mem>>) src(%dma_wait3A_116 : memref<10000x64xf32, #tpu.memory_space<hbm>>) dst(%arg12 : memref<80x64xf32, #tpu.memory_space<vmem>>)
    %run_scoped3A_117 = arith.constant 118 : i32
    "tpu.region"() ({
      %run_scoped3A_178 = tpu.sem_alloc : memref<!tpu.dma_semaphore, #tpu.memory_space<semaphore_mem>>
      %dma_start3A_179 = arith.constant 0 : i32
      %dma_start3A_180 = tpu.memref_slice %arg7[%run_scoped3A_117, %dma_start3A_179] : memref<125x80xi32, #tpu.memory_space<vmem>> -> memref<1x80xi32, #tpu.memory_space<vmem>>
      %dma_start3A_181 = tpu.memref_squeeze %dma_start3A_180 : memref<1x80xi32, #tpu.memory_space<vmem>> -> memref<80xi32, #tpu.memory_space<vmem>>
      %dma_start3A_182 = arith.constant 0 : i32
      %dma_start3A_183 = arith.constant 0 : i32
      %dma_start3A_184 = tpu.memref_slice %arg14[%dma_start3A_182, %dma_start3A_183] : memref<10240x64xf32, #tpu.memory_space<vmem_shared>> -> memref<10240x64xf32, #tpu.memory_space<vmem_shared>>
      tpu.enqueue_indirect_dma source(%arg12 : memref<80x64xf32, #tpu.memory_space<vmem>>) target(%dma_start3A_184 : memref<10240x64xf32, #tpu.memory_space<vmem_shared>>) offsets(%dma_start3A_181 : memref<80xi32, #tpu.memory_space<vmem>>) semaphore(%run_scoped3A_178 : memref<!tpu.dma_semaphore, #tpu.memory_space<semaphore_mem>>) {add = true}
      %dma_wait3A_185 = arith.constant 0 : i32
      %dma_wait3A_186 = tpu.memref_slice %arg7[%run_scoped3A_117, %dma_wait3A_185] : memref<125x80xi32, #tpu.memory_space<vmem>> -> memref<1x80xi32, #tpu.memory_space<vmem>>
      %dma_wait3A_187 = tpu.memref_squeeze %dma_wait3A_186 : memref<1x80xi32, #tpu.memory_space<vmem>> -> memref<80xi32, #tpu.memory_space<vmem>>
      %dma_wait3A_188 = arith.constant 0 : i32
      %dma_wait3A_189 = arith.constant 0 : i32
      %dma_wait3A_190 = tpu.memref_slice %arg14[%dma_wait3A_188, %dma_wait3A_189] : memref<10240x64xf32, #tpu.memory_space<vmem_shared>> -> memref<10240x64xf32, #tpu.memory_space<vmem_shared>>
      tpu.wait_indirect_dma semaphore(%run_scoped3A_178 : memref<!tpu.dma_semaphore, #tpu.memory_space<semaphore_mem>>) src(%arg12 : memref<80x64xf32, #tpu.memory_space<vmem>>) dst(%dma_wait3A_190 : memref<10240x64xf32, #tpu.memory_space<vmem_shared>>)
      tpu.yield
    }) : () -> ()
    %dma_start3A_118 = arith.constant 124 : i32
    %dma_start3A_119 = arith.constant 0 : i32
    %dma_start3A_120 = tpu.memref_slice %arg6[%dma_start3A_118, %dma_start3A_119] : memref<125x80xi32, #tpu.memory_space<vmem>> -> memref<1x80xi32, #tpu.memory_space<vmem>>
    %dma_start3A_121 = tpu.memref_squeeze %dma_start3A_120 : memref<1x80xi32, #tpu.memory_space<vmem>> -> memref<80xi32, #tpu.memory_space<vmem>>
    %dma_start3A_122 = arith.constant 0 : i32
    %dma_start3A_123 = arith.constant 0 : i32
    %dma_start3A_124 = tpu.memref_slice %arg3[%dma_start3A_122, %dma_start3A_123] : memref<10000x64xf32, #tpu.memory_space<hbm>> -> memref<10000x64xf32, #tpu.memory_space<hbm>>
    tpu.enqueue_indirect_dma source(%dma_start3A_124 : memref<10000x64xf32, #tpu.memory_space<hbm>>) target(%arg12 : memref<80x64xf32, #tpu.memory_space<vmem>>) offsets(%dma_start3A_121 : memref<80xi32, #tpu.memory_space<vmem>>) semaphore(%arg19 : memref<!tpu.dma_semaphore, #tpu.memory_space<semaphore_mem>>)
    %dma_wait3A_125 = arith.constant 0 : i32
    %dma_wait3A_126 = arith.constant 0 : i32
    %dma_wait3A_127 = tpu.memref_slice %arg6[%dma_wait3A_125, %dma_wait3A_126] : memref<125x80xi32, #tpu.memory_space<vmem>> -> memref<1x80xi32, #tpu.memory_space<vmem>>
    %dma_wait3A_128 = tpu.memref_squeeze %dma_wait3A_127 : memref<1x80xi32, #tpu.memory_space<vmem>> -> memref<80xi32, #tpu.memory_space<vmem>>
    %dma_wait3A_129 = arith.constant 0 : i32
    %dma_wait3A_130 = arith.constant 0 : i32
    %dma_wait3A_131 = tpu.memref_slice %arg3[%dma_wait3A_129, %dma_wait3A_130] : memref<10000x64xf32, #tpu.memory_space<hbm>> -> memref<10000x64xf32, #tpu.memory_space<hbm>>
    tpu.wait_indirect_dma semaphore(%arg20 : memref<!tpu.dma_semaphore, #tpu.memory_space<semaphore_mem>>) src(%dma_wait3A_131 : memref<10000x64xf32, #tpu.memory_space<hbm>>) dst(%arg13 : memref<80x64xf32, #tpu.memory_space<vmem>>)
    %run_scoped3A_132 = arith.constant 119 : i32
    "tpu.region"() ({
      %run_scoped3A_178 = tpu.sem_alloc : memref<!tpu.dma_semaphore, #tpu.memory_space<semaphore_mem>>
      %dma_start3A_179 = arith.constant 0 : i32
      %dma_start3A_180 = tpu.memref_slice %arg7[%run_scoped3A_132, %dma_start3A_179] : memref<125x80xi32, #tpu.memory_space<vmem>> -> memref<1x80xi32, #tpu.memory_space<vmem>>
      %dma_start3A_181 = tpu.memref_squeeze %dma_start3A_180 : memref<1x80xi32, #tpu.memory_space<vmem>> -> memref<80xi32, #tpu.memory_space<vmem>>
      %dma_start3A_182 = arith.constant 0 : i32
      %dma_start3A_183 = arith.constant 0 : i32
      %dma_start3A_184 = tpu.memref_slice %arg14[%dma_start3A_182, %dma_start3A_183] : memref<10240x64xf32, #tpu.memory_space<vmem_shared>> -> memref<10240x64xf32, #tpu.memory_space<vmem_shared>>
      tpu.enqueue_indirect_dma source(%arg13 : memref<80x64xf32, #tpu.memory_space<vmem>>) target(%dma_start3A_184 : memref<10240x64xf32, #tpu.memory_space<vmem_shared>>) offsets(%dma_start3A_181 : memref<80xi32, #tpu.memory_space<vmem>>) semaphore(%run_scoped3A_178 : memref<!tpu.dma_semaphore, #tpu.memory_space<semaphore_mem>>) {add = true}
      %dma_wait3A_185 = arith.constant 0 : i32
      %dma_wait3A_186 = tpu.memref_slice %arg7[%run_scoped3A_132, %dma_wait3A_185] : memref<125x80xi32, #tpu.memory_space<vmem>> -> memref<1x80xi32, #tpu.memory_space<vmem>>
      %dma_wait3A_187 = tpu.memref_squeeze %dma_wait3A_186 : memref<1x80xi32, #tpu.memory_space<vmem>> -> memref<80xi32, #tpu.memory_space<vmem>>
      %dma_wait3A_188 = arith.constant 0 : i32
      %dma_wait3A_189 = arith.constant 0 : i32
      %dma_wait3A_190 = tpu.memref_slice %arg14[%dma_wait3A_188, %dma_wait3A_189] : memref<10240x64xf32, #tpu.memory_space<vmem_shared>> -> memref<10240x64xf32, #tpu.memory_space<vmem_shared>>
      tpu.wait_indirect_dma semaphore(%run_scoped3A_178 : memref<!tpu.dma_semaphore, #tpu.memory_space<semaphore_mem>>) src(%arg13 : memref<80x64xf32, #tpu.memory_space<vmem>>) dst(%dma_wait3A_190 : memref<10240x64xf32, #tpu.memory_space<vmem_shared>>)
      tpu.yield
    }) : () -> ()
    %dma_wait3A_133 = arith.constant 0 : i32
    %dma_wait3A_134 = arith.constant 0 : i32
    %dma_wait3A_135 = tpu.memref_slice %arg6[%dma_wait3A_133, %dma_wait3A_134] : memref<125x80xi32, #tpu.memory_space<vmem>> -> memref<1x80xi32, #tpu.memory_space<vmem>>
    %dma_wait3A_136 = tpu.memref_squeeze %dma_wait3A_135 : memref<1x80xi32, #tpu.memory_space<vmem>> -> memref<80xi32, #tpu.memory_space<vmem>>
    %dma_wait3A_137 = arith.constant 0 : i32
    %dma_wait3A_138 = arith.constant 0 : i32
    %dma_wait3A_139 = tpu.memref_slice %arg3[%dma_wait3A_137, %dma_wait3A_138] : memref<10000x64xf32, #tpu.memory_space<hbm>> -> memref<10000x64xf32, #tpu.memory_space<hbm>>
    tpu.wait_indirect_dma semaphore(%arg15 : memref<!tpu.dma_semaphore, #tpu.memory_space<semaphore_mem>>) src(%dma_wait3A_139 : memref<10000x64xf32, #tpu.memory_space<hbm>>) dst(%arg8 : memref<80x64xf32, #tpu.memory_space<vmem>>)
    %run_scoped3A_140 = arith.constant 120 : i32
    "tpu.region"() ({
      %run_scoped3A_178 = tpu.sem_alloc : memref<!tpu.dma_semaphore, #tpu.memory_space<semaphore_mem>>
      %dma_start3A_179 = arith.constant 0 : i32
      %dma_start3A_180 = tpu.memref_slice %arg7[%run_scoped3A_140, %dma_start3A_179] : memref<125x80xi32, #tpu.memory_space<vmem>> -> memref<1x80xi32, #tpu.memory_space<vmem>>
      %dma_start3A_181 = tpu.memref_squeeze %dma_start3A_180 : memref<1x80xi32, #tpu.memory_space<vmem>> -> memref<80xi32, #tpu.memory_space<vmem>>
      %dma_start3A_182 = arith.constant 0 : i32
      %dma_start3A_183 = arith.constant 0 : i32
      %dma_start3A_184 = tpu.memref_slice %arg14[%dma_start3A_182, %dma_start3A_183] : memref<10240x64xf32, #tpu.memory_space<vmem_shared>> -> memref<10240x64xf32, #tpu.memory_space<vmem_shared>>
      tpu.enqueue_indirect_dma source(%arg8 : memref<80x64xf32, #tpu.memory_space<vmem>>) target(%dma_start3A_184 : memref<10240x64xf32, #tpu.memory_space<vmem_shared>>) offsets(%dma_start3A_181 : memref<80xi32, #tpu.memory_space<vmem>>) semaphore(%run_scoped3A_178 : memref<!tpu.dma_semaphore, #tpu.memory_space<semaphore_mem>>) {add = true}
      %dma_wait3A_185 = arith.constant 0 : i32
      %dma_wait3A_186 = tpu.memref_slice %arg7[%run_scoped3A_140, %dma_wait3A_185] : memref<125x80xi32, #tpu.memory_space<vmem>> -> memref<1x80xi32, #tpu.memory_space<vmem>>
      %dma_wait3A_187 = tpu.memref_squeeze %dma_wait3A_186 : memref<1x80xi32, #tpu.memory_space<vmem>> -> memref<80xi32, #tpu.memory_space<vmem>>
      %dma_wait3A_188 = arith.constant 0 : i32
      %dma_wait3A_189 = arith.constant 0 : i32
      %dma_wait3A_190 = tpu.memref_slice %arg14[%dma_wait3A_188, %dma_wait3A_189] : memref<10240x64xf32, #tpu.memory_space<vmem_shared>> -> memref<10240x64xf32, #tpu.memory_space<vmem_shared>>
      tpu.wait_indirect_dma semaphore(%run_scoped3A_178 : memref<!tpu.dma_semaphore, #tpu.memory_space<semaphore_mem>>) src(%arg8 : memref<80x64xf32, #tpu.memory_space<vmem>>) dst(%dma_wait3A_190 : memref<10240x64xf32, #tpu.memory_space<vmem_shared>>)
      tpu.yield
    }) : () -> ()
    %dma_wait3A_141 = arith.constant 0 : i32
    %dma_wait3A_142 = arith.constant 0 : i32
    %dma_wait3A_143 = tpu.memref_slice %arg6[%dma_wait3A_141, %dma_wait3A_142] : memref<125x80xi32, #tpu.memory_space<vmem>> -> memref<1x80xi32, #tpu.memory_space<vmem>>
    %dma_wait3A_144 = tpu.memref_squeeze %dma_wait3A_143 : memref<1x80xi32, #tpu.memory_space<vmem>> -> memref<80xi32, #tpu.memory_space<vmem>>
    %dma_wait3A_145 = arith.constant 0 : i32
    %dma_wait3A_146 = arith.constant 0 : i32
    %dma_wait3A_147 = tpu.memref_slice %arg3[%dma_wait3A_145, %dma_wait3A_146] : memref<10000x64xf32, #tpu.memory_space<hbm>> -> memref<10000x64xf32, #tpu.memory_space<hbm>>
    tpu.wait_indirect_dma semaphore(%arg16 : memref<!tpu.dma_semaphore, #tpu.memory_space<semaphore_mem>>) src(%dma_wait3A_147 : memref<10000x64xf32, #tpu.memory_space<hbm>>) dst(%arg9 : memref<80x64xf32, #tpu.memory_space<vmem>>)
    %run_scoped3A_148 = arith.constant 121 : i32
    "tpu.region"() ({
      %run_scoped3A_178 = tpu.sem_alloc : memref<!tpu.dma_semaphore, #tpu.memory_space<semaphore_mem>>
      %dma_start3A_179 = arith.constant 0 : i32
      %dma_start3A_180 = tpu.memref_slice %arg7[%run_scoped3A_148, %dma_start3A_179] : memref<125x80xi32, #tpu.memory_space<vmem>> -> memref<1x80xi32, #tpu.memory_space<vmem>>
      %dma_start3A_181 = tpu.memref_squeeze %dma_start3A_180 : memref<1x80xi32, #tpu.memory_space<vmem>> -> memref<80xi32, #tpu.memory_space<vmem>>
      %dma_start3A_182 = arith.constant 0 : i32
      %dma_start3A_183 = arith.constant 0 : i32
      %dma_start3A_184 = tpu.memref_slice %arg14[%dma_start3A_182, %dma_start3A_183] : memref<10240x64xf32, #tpu.memory_space<vmem_shared>> -> memref<10240x64xf32, #tpu.memory_space<vmem_shared>>
      tpu.enqueue_indirect_dma source(%arg9 : memref<80x64xf32, #tpu.memory_space<vmem>>) target(%dma_start3A_184 : memref<10240x64xf32, #tpu.memory_space<vmem_shared>>) offsets(%dma_start3A_181 : memref<80xi32, #tpu.memory_space<vmem>>) semaphore(%run_scoped3A_178 : memref<!tpu.dma_semaphore, #tpu.memory_space<semaphore_mem>>) {add = true}
      %dma_wait3A_185 = arith.constant 0 : i32
      %dma_wait3A_186 = tpu.memref_slice %arg7[%run_scoped3A_148, %dma_wait3A_185] : memref<125x80xi32, #tpu.memory_space<vmem>> -> memref<1x80xi32, #tpu.memory_space<vmem>>
      %dma_wait3A_187 = tpu.memref_squeeze %dma_wait3A_186 : memref<1x80xi32, #tpu.memory_space<vmem>> -> memref<80xi32, #tpu.memory_space<vmem>>
      %dma_wait3A_188 = arith.constant 0 : i32
      %dma_wait3A_189 = arith.constant 0 : i32
      %dma_wait3A_190 = tpu.memref_slice %arg14[%dma_wait3A_188, %dma_wait3A_189] : memref<10240x64xf32, #tpu.memory_space<vmem_shared>> -> memref<10240x64xf32, #tpu.memory_space<vmem_shared>>
      tpu.wait_indirect_dma semaphore(%run_scoped3A_178 : memref<!tpu.dma_semaphore, #tpu.memory_space<semaphore_mem>>) src(%arg9 : memref<80x64xf32, #tpu.memory_space<vmem>>) dst(%dma_wait3A_190 : memref<10240x64xf32, #tpu.memory_space<vmem_shared>>)
      tpu.yield
    }) : () -> ()
    %dma_wait3A_149 = arith.constant 0 : i32
    %dma_wait3A_150 = arith.constant 0 : i32
    %dma_wait3A_151 = tpu.memref_slice %arg6[%dma_wait3A_149, %dma_wait3A_150] : memref<125x80xi32, #tpu.memory_space<vmem>> -> memref<1x80xi32, #tpu.memory_space<vmem>>
    %dma_wait3A_152 = tpu.memref_squeeze %dma_wait3A_151 : memref<1x80xi32, #tpu.memory_space<vmem>> -> memref<80xi32, #tpu.memory_space<vmem>>
    %dma_wait3A_153 = arith.constant 0 : i32
    %dma_wait3A_154 = arith.constant 0 : i32
    %dma_wait3A_155 = tpu.memref_slice %arg3[%dma_wait3A_153, %dma_wait3A_154] : memref<10000x64xf32, #tpu.memory_space<hbm>> -> memref<10000x64xf32, #tpu.memory_space<hbm>>
    tpu.wait_indirect_dma semaphore(%arg17 : memref<!tpu.dma_semaphore, #tpu.memory_space<semaphore_mem>>) src(%dma_wait3A_155 : memref<10000x64xf32, #tpu.memory_space<hbm>>) dst(%arg10 : memref<80x64xf32, #tpu.memory_space<vmem>>)
    %run_scoped3A_156 = arith.constant 122 : i32
    "tpu.region"() ({
      %run_scoped3A_178 = tpu.sem_alloc : memref<!tpu.dma_semaphore, #tpu.memory_space<semaphore_mem>>
      %dma_start3A_179 = arith.constant 0 : i32
      %dma_start3A_180 = tpu.memref_slice %arg7[%run_scoped3A_156, %dma_start3A_179] : memref<125x80xi32, #tpu.memory_space<vmem>> -> memref<1x80xi32, #tpu.memory_space<vmem>>
      %dma_start3A_181 = tpu.memref_squeeze %dma_start3A_180 : memref<1x80xi32, #tpu.memory_space<vmem>> -> memref<80xi32, #tpu.memory_space<vmem>>
      %dma_start3A_182 = arith.constant 0 : i32
      %dma_start3A_183 = arith.constant 0 : i32
      %dma_start3A_184 = tpu.memref_slice %arg14[%dma_start3A_182, %dma_start3A_183] : memref<10240x64xf32, #tpu.memory_space<vmem_shared>> -> memref<10240x64xf32, #tpu.memory_space<vmem_shared>>
      tpu.enqueue_indirect_dma source(%arg10 : memref<80x64xf32, #tpu.memory_space<vmem>>) target(%dma_start3A_184 : memref<10240x64xf32, #tpu.memory_space<vmem_shared>>) offsets(%dma_start3A_181 : memref<80xi32, #tpu.memory_space<vmem>>) semaphore(%run_scoped3A_178 : memref<!tpu.dma_semaphore, #tpu.memory_space<semaphore_mem>>) {add = true}
      %dma_wait3A_185 = arith.constant 0 : i32
      %dma_wait3A_186 = tpu.memref_slice %arg7[%run_scoped3A_156, %dma_wait3A_185] : memref<125x80xi32, #tpu.memory_space<vmem>> -> memref<1x80xi32, #tpu.memory_space<vmem>>
      %dma_wait3A_187 = tpu.memref_squeeze %dma_wait3A_186 : memref<1x80xi32, #tpu.memory_space<vmem>> -> memref<80xi32, #tpu.memory_space<vmem>>
      %dma_wait3A_188 = arith.constant 0 : i32
      %dma_wait3A_189 = arith.constant 0 : i32
      %dma_wait3A_190 = tpu.memref_slice %arg14[%dma_wait3A_188, %dma_wait3A_189] : memref<10240x64xf32, #tpu.memory_space<vmem_shared>> -> memref<10240x64xf32, #tpu.memory_space<vmem_shared>>
      tpu.wait_indirect_dma semaphore(%run_scoped3A_178 : memref<!tpu.dma_semaphore, #tpu.memory_space<semaphore_mem>>) src(%arg10 : memref<80x64xf32, #tpu.memory_space<vmem>>) dst(%dma_wait3A_190 : memref<10240x64xf32, #tpu.memory_space<vmem_shared>>)
      tpu.yield
    }) : () -> ()
    %dma_wait3A_157 = arith.constant 0 : i32
    %dma_wait3A_158 = arith.constant 0 : i32
    %dma_wait3A_159 = tpu.memref_slice %arg6[%dma_wait3A_157, %dma_wait3A_158] : memref<125x80xi32, #tpu.memory_space<vmem>> -> memref<1x80xi32, #tpu.memory_space<vmem>>
    %dma_wait3A_160 = tpu.memref_squeeze %dma_wait3A_159 : memref<1x80xi32, #tpu.memory_space<vmem>> -> memref<80xi32, #tpu.memory_space<vmem>>
    %dma_wait3A_161 = arith.constant 0 : i32
    %dma_wait3A_162 = arith.constant 0 : i32
    %dma_wait3A_163 = tpu.memref_slice %arg3[%dma_wait3A_161, %dma_wait3A_162] : memref<10000x64xf32, #tpu.memory_space<hbm>> -> memref<10000x64xf32, #tpu.memory_space<hbm>>
    tpu.wait_indirect_dma semaphore(%arg18 : memref<!tpu.dma_semaphore, #tpu.memory_space<semaphore_mem>>) src(%dma_wait3A_163 : memref<10000x64xf32, #tpu.memory_space<hbm>>) dst(%arg11 : memref<80x64xf32, #tpu.memory_space<vmem>>)
    %run_scoped3A_164 = arith.constant 123 : i32
    "tpu.region"() ({
      %run_scoped3A_178 = tpu.sem_alloc : memref<!tpu.dma_semaphore, #tpu.memory_space<semaphore_mem>>
      %dma_start3A_179 = arith.constant 0 : i32
      %dma_start3A_180 = tpu.memref_slice %arg7[%run_scoped3A_164, %dma_start3A_179] : memref<125x80xi32, #tpu.memory_space<vmem>> -> memref<1x80xi32, #tpu.memory_space<vmem>>
      %dma_start3A_181 = tpu.memref_squeeze %dma_start3A_180 : memref<1x80xi32, #tpu.memory_space<vmem>> -> memref<80xi32, #tpu.memory_space<vmem>>
      %dma_start3A_182 = arith.constant 0 : i32
      %dma_start3A_183 = arith.constant 0 : i32
      %dma_start3A_184 = tpu.memref_slice %arg14[%dma_start3A_182, %dma_start3A_183] : memref<10240x64xf32, #tpu.memory_space<vmem_shared>> -> memref<10240x64xf32, #tpu.memory_space<vmem_shared>>
      tpu.enqueue_indirect_dma source(%arg11 : memref<80x64xf32, #tpu.memory_space<vmem>>) target(%dma_start3A_184 : memref<10240x64xf32, #tpu.memory_space<vmem_shared>>) offsets(%dma_start3A_181 : memref<80xi32, #tpu.memory_space<vmem>>) semaphore(%run_scoped3A_178 : memref<!tpu.dma_semaphore, #tpu.memory_space<semaphore_mem>>) {add = true}
      %dma_wait3A_185 = arith.constant 0 : i32
      %dma_wait3A_186 = tpu.memref_slice %arg7[%run_scoped3A_164, %dma_wait3A_185] : memref<125x80xi32, #tpu.memory_space<vmem>> -> memref<1x80xi32, #tpu.memory_space<vmem>>
      %dma_wait3A_187 = tpu.memref_squeeze %dma_wait3A_186 : memref<1x80xi32, #tpu.memory_space<vmem>> -> memref<80xi32, #tpu.memory_space<vmem>>
      %dma_wait3A_188 = arith.constant 0 : i32
      %dma_wait3A_189 = arith.constant 0 : i32
      %dma_wait3A_190 = tpu.memref_slice %arg14[%dma_wait3A_188, %dma_wait3A_189] : memref<10240x64xf32, #tpu.memory_space<vmem_shared>> -> memref<10240x64xf32, #tpu.memory_space<vmem_shared>>
      tpu.wait_indirect_dma semaphore(%run_scoped3A_178 : memref<!tpu.dma_semaphore, #tpu.memory_space<semaphore_mem>>) src(%arg11 : memref<80x64xf32, #tpu.memory_space<vmem>>) dst(%dma_wait3A_190 : memref<10240x64xf32, #tpu.memory_space<vmem_shared>>)
      tpu.yield
    }) : () -> ()
    %dma_wait3A_165 = arith.constant 0 : i32
    %dma_wait3A_166 = arith.constant 0 : i32
    %dma_wait3A_167 = tpu.memref_slice %arg6[%dma_wait3A_165, %dma_wait3A_166] : memref<125x80xi32, #tpu.memory_space<vmem>> -> memref<1x80xi32, #tpu.memory_space<vmem>>
    %dma_wait3A_168 = tpu.memref_squeeze %dma_wait3A_167 : memref<1x80xi32, #tpu.memory_space<vmem>> -> memref<80xi32, #tpu.memory_space<vmem>>
    %dma_wait3A_169 = arith.constant 0 : i32
    %dma_wait3A_170 = arith.constant 0 : i32
    %dma_wait3A_171 = tpu.memref_slice %arg3[%dma_wait3A_169, %dma_wait3A_170] : memref<10000x64xf32, #tpu.memory_space<hbm>> -> memref<10000x64xf32, #tpu.memory_space<hbm>>
    tpu.wait_indirect_dma semaphore(%arg19 : memref<!tpu.dma_semaphore, #tpu.memory_space<semaphore_mem>>) src(%dma_wait3A_171 : memref<10000x64xf32, #tpu.memory_space<hbm>>) dst(%arg12 : memref<80x64xf32, #tpu.memory_space<vmem>>)
    %run_scoped3A_172 = arith.constant 124 : i32
    "tpu.region"() ({
      %run_scoped3A_178 = tpu.sem_alloc : memref<!tpu.dma_semaphore, #tpu.memory_space<semaphore_mem>>
      %dma_start3A_179 = arith.constant 0 : i32
      %dma_start3A_180 = tpu.memref_slice %arg7[%run_scoped3A_172, %dma_start3A_179] : memref<125x80xi32, #tpu.memory_space<vmem>> -> memref<1x80xi32, #tpu.memory_space<vmem>>
      %dma_start3A_181 = tpu.memref_squeeze %dma_start3A_180 : memref<1x80xi32, #tpu.memory_space<vmem>> -> memref<80xi32, #tpu.memory_space<vmem>>
      %dma_start3A_182 = arith.constant 0 : i32
      %dma_start3A_183 = arith.constant 0 : i32
      %dma_start3A_184 = tpu.memref_slice %arg14[%dma_start3A_182, %dma_start3A_183] : memref<10240x64xf32, #tpu.memory_space<vmem_shared>> -> memref<10240x64xf32, #tpu.memory_space<vmem_shared>>
      tpu.enqueue_indirect_dma source(%arg12 : memref<80x64xf32, #tpu.memory_space<vmem>>) target(%dma_start3A_184 : memref<10240x64xf32, #tpu.memory_space<vmem_shared>>) offsets(%dma_start3A_181 : memref<80xi32, #tpu.memory_space<vmem>>) semaphore(%run_scoped3A_178 : memref<!tpu.dma_semaphore, #tpu.memory_space<semaphore_mem>>) {add = true}
      %dma_wait3A_185 = arith.constant 0 : i32
      %dma_wait3A_186 = tpu.memref_slice %arg7[%run_scoped3A_172, %dma_wait3A_185] : memref<125x80xi32, #tpu.memory_space<vmem>> -> memref<1x80xi32, #tpu.memory_space<vmem>>
      %dma_wait3A_187 = tpu.memref_squeeze %dma_wait3A_186 : memref<1x80xi32, #tpu.memory_space<vmem>> -> memref<80xi32, #tpu.memory_space<vmem>>
      %dma_wait3A_188 = arith.constant 0 : i32
      %dma_wait3A_189 = arith.constant 0 : i32
      %dma_wait3A_190 = tpu.memref_slice %arg14[%dma_wait3A_188, %dma_wait3A_189] : memref<10240x64xf32, #tpu.memory_space<vmem_shared>> -> memref<10240x64xf32, #tpu.memory_space<vmem_shared>>
      tpu.wait_indirect_dma semaphore(%run_scoped3A_178 : memref<!tpu.dma_semaphore, #tpu.memory_space<semaphore_mem>>) src(%arg12 : memref<80x64xf32, #tpu.memory_space<vmem>>) dst(%dma_wait3A_190 : memref<10240x64xf32, #tpu.memory_space<vmem_shared>>)
      tpu.yield
    }) : () -> ()
    %barrier3A_173 = arith.constant 0 : index
    tpu.barrier barrier_id(%barrier3A_173)
    %mul3A_174 = arith.constant 640 : i32
    %mul3A_175 = arith.muli %arg1, %mul3A_174 : i32
    %mul3A_176 = arith.constant 640 : i32
    %mul3A_177 = arith.muli %arg1, %mul3A_176 : i32
    "tpu.region"() ({
      %run_scoped3A_178 = tpu.sem_alloc : memref<!tpu.dma_semaphore, #tpu.memory_space<semaphore_mem>>
      %dma_start3A_179 = arith.constant 0 : i32
      %dma_start3A_180 = tpu.memref_slice %arg5[%arg0, %mul3A_177, %dma_start3A_179] : memref<2x10240x64xf32, #tpu.memory_space<hbm>> -> memref<1x640x64xf32, #tpu.memory_space<hbm>>
      %dma_start3A_181 = tpu.memref_squeeze %dma_start3A_180 : memref<1x640x64xf32, #tpu.memory_space<hbm>> -> memref<640x64xf32, #tpu.memory_space<hbm>>
      %dma_start3A_182 = arith.constant 0 : i32
      %dma_start3A_183 = tpu.memref_slice %arg14[%mul3A_175, %dma_start3A_182] : memref<10240x64xf32, #tpu.memory_space<vmem_shared>> -> memref<640x64xf32, #tpu.memory_space<vmem_shared>>
      tpu.enqueue_dma source(%dma_start3A_183 : memref<640x64xf32, #tpu.memory_space<vmem_shared>>) target(%dma_start3A_181 : memref<640x64xf32, #tpu.memory_space<hbm>>) target_semaphore(%run_scoped3A_178 : memref<!tpu.dma_semaphore, #tpu.memory_space<semaphore_mem>>)
      %dma_wait3A_184 = arith.constant 0 : i32
      %dma_wait3A_185 = tpu.memref_slice %arg5[%arg0, %mul3A_177, %dma_wait3A_184] : memref<2x10240x64xf32, #tpu.memory_space<hbm>> -> memref<1x640x64xf32, #tpu.memory_space<hbm>>
      %dma_wait3A_186 = tpu.memref_squeeze %dma_wait3A_185 : memref<1x640x64xf32, #tpu.memory_space<hbm>> -> memref<640x64xf32, #tpu.memory_space<hbm>>
      %dma_wait3A_187 = arith.constant 0 : i32
      %dma_wait3A_188 = tpu.memref_slice %arg14[%mul3A_175, %dma_wait3A_187] : memref<10240x64xf32, #tpu.memory_space<vmem_shared>> -> memref<640x64xf32, #tpu.memory_space<vmem_shared>>
      tpu.wait_dma2 semaphore(%run_scoped3A_178 : memref<!tpu.dma_semaphore, #tpu.memory_space<semaphore_mem>>) src(%dma_wait3A_188 : memref<640x64xf32, #tpu.memory_space<vmem_shared>>) dst(%dma_wait3A_186 : memref<640x64xf32, #tpu.memory_space<hbm>>)
      tpu.yield
    }) : () -> ()
    return
  }
}

#map = affine_map<(d0, d1) -> (0, 0, 0, 0)>
#map1 = affine_map<(d0, d1) -> (0, 0)>
#map2 = affine_map<(d0, d1) -> (0, 0, 0)>
module attributes {stable_mosaic.version = 14 : i64} {
  func.func @_scat_body(%arg0: i32, %arg1: i32, %arg2: memref<2x32x125x80xi32, #tpu.memory_space<hbm>>, %arg3: memref<10000x64xf32, #tpu.memory_space<hbm>>, %arg4: memref<10240x64xf32, #tpu.memory_space<hbm>>, %arg5: memref<2x10240x64xf32, #tpu.memory_space<hbm>>, %arg6: memref<125x80xi32, #tpu.memory_space<vmem>>, %arg7: memref<125x80xi32, #tpu.memory_space<vmem>>, %arg8: memref<80x64xf32, #tpu.memory_space<vmem>>, %arg9: memref<80x64xf32, #tpu.memory_space<vmem>>, %arg10: memref<80x64xf32, #tpu.memory_space<vmem>>, %arg11: memref<80x64xf32, #tpu.memory_space<vmem>>, %arg12: memref<80x64xf32, #tpu.memory_space<vmem>>, %arg13: memref<80x64xf32, #tpu.memory_space<vmem>>, %arg14: memref<10240x64xf32, #tpu.memory_space<vmem_shared>>, %arg15: memref<!tpu.dma_semaphore, #tpu.memory_space<semaphore_mem>>, %arg16: memref<!tpu.dma_semaphore, #tpu.memory_space<semaphore_mem>>, %arg17: memref<!tpu.dma_semaphore, #tpu.memory_space<semaphore_mem>>, %arg18: memref<!tpu.dma_semaphore, #tpu.memory_space<semaphore_mem>>, %arg19: memref<!tpu.dma_semaphore, #tpu.memory_space<semaphore_mem>>, %arg20: memref<!tpu.dma_semaphore, #tpu.memory_space<semaphore_mem>>) attributes {dimension_semantics = [#tpu.dimension_semantics<core_parallel>, #tpu.dimension_semantics<subcore_parallel>], iteration_bounds = array<i64: 2, 16>, scalar_prefetch = 0 : i64, scratch_operands = 15 : i64, tpu.core_type = #tpu.core_type<sc_vector_subcore>, window_params = [{transform_indices = #map}, {transform_indices = #map1}, {transform_indices = #map1}, {transform_indices = #map2}]} {
    %mul3A = arith.constant 2 : i32
    %mul3A_0 = arith.muli %arg1, %mul3A : i32
    %add3A = arith.addi %mul3A_0, %arg0 : i32
    %mul3A_1 = arith.constant 640 : i32
    %mul3A_2 = arith.muli %arg1, %mul3A_1 : i32
    %mul3A_3 = arith.constant 640 : i32
    %mul3A_4 = arith.muli %arg1, %mul3A_3 : i32
    "tpu.region"() ({
      %run_scoped3A_178 = tpu.sem_alloc : memref<!tpu.dma_semaphore, #tpu.memory_space<semaphore_mem>>
      %dma_start3A_179 = arith.constant 0 : i32
      %dma_start3A_180 = tpu.memref_slice %arg14[%mul3A_4, %dma_start3A_179] : memref<10240x64xf32, #tpu.memory_space<vmem_shared>> -> memref<640x64xf32, #tpu.memory_space<vmem_shared>>
      %dma_start3A_181 = arith.constant 0 : i32
      %dma_start3A_182 = tpu.memref_slice %arg4[%mul3A_2, %dma_start3A_181] : memref<10240x64xf32, #tpu.memory_space<hbm>> -> memref<640x64xf32, #tpu.memory_space<hbm>>
      tpu.enqueue_dma source(%dma_start3A_182 : memref<640x64xf32, #tpu.memory_space<hbm>>) target(%dma_start3A_180 : memref<640x64xf32, #tpu.memory_space<vmem_shared>>) target_semaphore(%run_scoped3A_178 : memref<!tpu.dma_semaphore, #tpu.memory_space<semaphore_mem>>)
      %dma_wait3A_183 = arith.constant 0 : i32
      %dma_wait3A_184 = tpu.memref_slice %arg14[%mul3A_4, %dma_wait3A_183] : memref<10240x64xf32, #tpu.memory_space<vmem_shared>> -> memref<640x64xf32, #tpu.memory_space<vmem_shared>>
      %dma_wait3A_185 = arith.constant 0 : i32
      %dma_wait3A_186 = tpu.memref_slice %arg4[%mul3A_2, %dma_wait3A_185] : memref<10240x64xf32, #tpu.memory_space<hbm>> -> memref<640x64xf32, #tpu.memory_space<hbm>>
      tpu.wait_dma2 semaphore(%run_scoped3A_178 : memref<!tpu.dma_semaphore, #tpu.memory_space<semaphore_mem>>) src(%dma_wait3A_186 : memref<640x64xf32, #tpu.memory_space<hbm>>) dst(%dma_wait3A_184 : memref<640x64xf32, #tpu.memory_space<vmem_shared>>)
      tpu.yield
    }) : () -> ()
    %run_scoped3A = arith.constant 0 : i32
    "tpu.region"() ({
      %run_scoped3A_178 = tpu.sem_alloc : memref<!tpu.dma_semaphore, #tpu.memory_space<semaphore_mem>>
      %dma_start3A_179 = arith.constant 0 : i32
      %dma_start3A_180 = arith.constant 0 : i32
      %dma_start3A_181 = tpu.memref_slice %arg2[%run_scoped3A, %add3A, %dma_start3A_179, %dma_start3A_180] : memref<2x32x125x80xi32, #tpu.memory_space<hbm>> -> memref<1x1x125x80xi32, #tpu.memory_space<hbm>>
      %dma_start3A_182 = tpu.memref_squeeze %dma_start3A_181 : memref<1x1x125x80xi32, #tpu.memory_space<hbm>> -> memref<125x80xi32, #tpu.memory_space<hbm>>
      %dma_start3A_183 = arith.constant 0 : i32
      %dma_start3A_184 = arith.constant 0 : i32
      %dma_start3A_185 = tpu.memref_slice %arg2[%run_scoped3A, %add3A, %dma_start3A_183, %dma_start3A_184] : memref<2x32x125x80xi32, #tpu.memory_space<hbm>> -> memref<1x1x125x80xi32, #tpu.memory_space<hbm>>
      %dma_start3A_186 = tpu.memref_squeeze %dma_start3A_185 : memref<1x1x125x80xi32, #tpu.memory_space<hbm>> -> memref<125x80xi32, #tpu.memory_space<hbm>>
      tpu.enqueue_dma source(%dma_start3A_186 : memref<125x80xi32, #tpu.memory_space<hbm>>) target(%arg6 : memref<125x80xi32, #tpu.memory_space<vmem>>) target_semaphore(%run_scoped3A_178 : memref<!tpu.dma_semaphore, #tpu.memory_space<semaphore_mem>>)
      %dma_wait3A_187 = arith.constant 0 : i32
      %dma_wait3A_188 = arith.constant 0 : i32
      %dma_wait3A_189 = tpu.memref_slice %arg2[%run_scoped3A, %add3A, %dma_wait3A_187, %dma_wait3A_188] : memref<2x32x125x80xi32, #tpu.memory_space<hbm>> -> memref<1x1x125x80xi32, #tpu.memory_space<hbm>>
      %dma_wait3A_190 = tpu.memref_squeeze %dma_wait3A_189 : memref<1x1x125x80xi32, #tpu.memory_space<hbm>> -> memref<125x80xi32, #tpu.memory_space<hbm>>
      %dma_wait3A_191 = arith.constant 0 : i32
      %dma_wait3A_192 = arith.constant 0 : i32
      %dma_wait3A_193 = tpu.memref_slice %arg2[%run_scoped3A, %add3A, %dma_wait3A_191, %dma_wait3A_192] : memref<2x32x125x80xi32, #tpu.memory_space<hbm>> -> memref<1x1x125x80xi32, #tpu.memory_space<hbm>>
      %dma_wait3A_194 = tpu.memref_squeeze %dma_wait3A_193 : memref<1x1x125x80xi32, #tpu.memory_space<hbm>> -> memref<125x80xi32, #tpu.memory_space<hbm>>
      tpu.wait_dma2 semaphore(%run_scoped3A_178 : memref<!tpu.dma_semaphore, #tpu.memory_space<semaphore_mem>>) src(%dma_wait3A_194 : memref<125x80xi32, #tpu.memory_space<hbm>>) dst(%arg6 : memref<125x80xi32, #tpu.memory_space<vmem>>)
      tpu.yield
    }) : () -> ()
    %run_scoped3A_5 = arith.constant 1 : i32
    "tpu.region"() ({
      %run_scoped3A_178 = tpu.sem_alloc : memref<!tpu.dma_semaphore, #tpu.memory_space<semaphore_mem>>
      %dma_start3A_179 = arith.constant 0 : i32
      %dma_start3A_180 = arith.constant 0 : i32
      %dma_start3A_181 = tpu.memref_slice %arg2[%run_scoped3A_5, %add3A, %dma_start3A_179, %dma_start3A_180] : memref<2x32x125x80xi32, #tpu.memory_space<hbm>> -> memref<1x1x125x80xi32, #tpu.memory_space<hbm>>
      %dma_start3A_182 = tpu.memref_squeeze %dma_start3A_181 : memref<1x1x125x80xi32, #tpu.memory_space<hbm>> -> memref<125x80xi32, #tpu.memory_space<hbm>>
      %dma_start3A_183 = arith.constant 0 : i32
      %dma_start3A_184 = arith.constant 0 : i32
      %dma_start3A_185 = tpu.memref_slice %arg2[%run_scoped3A_5, %add3A, %dma_start3A_183, %dma_start3A_184] : memref<2x32x125x80xi32, #tpu.memory_space<hbm>> -> memref<1x1x125x80xi32, #tpu.memory_space<hbm>>
      %dma_start3A_186 = tpu.memref_squeeze %dma_start3A_185 : memref<1x1x125x80xi32, #tpu.memory_space<hbm>> -> memref<125x80xi32, #tpu.memory_space<hbm>>
      tpu.enqueue_dma source(%dma_start3A_186 : memref<125x80xi32, #tpu.memory_space<hbm>>) target(%arg7 : memref<125x80xi32, #tpu.memory_space<vmem>>) target_semaphore(%run_scoped3A_178 : memref<!tpu.dma_semaphore, #tpu.memory_space<semaphore_mem>>)
      %dma_wait3A_187 = arith.constant 0 : i32
      %dma_wait3A_188 = arith.constant 0 : i32
      %dma_wait3A_189 = tpu.memref_slice %arg2[%run_scoped3A_5, %add3A, %dma_wait3A_187, %dma_wait3A_188] : memref<2x32x125x80xi32, #tpu.memory_space<hbm>> -> memref<1x1x125x80xi32, #tpu.memory_space<hbm>>
      %dma_wait3A_190 = tpu.memref_squeeze %dma_wait3A_189 : memref<1x1x125x80xi32, #tpu.memory_space<hbm>> -> memref<125x80xi32, #tpu.memory_space<hbm>>
      %dma_wait3A_191 = arith.constant 0 : i32
      %dma_wait3A_192 = arith.constant 0 : i32
      %dma_wait3A_193 = tpu.memref_slice %arg2[%run_scoped3A_5, %add3A, %dma_wait3A_191, %dma_wait3A_192] : memref<2x32x125x80xi32, #tpu.memory_space<hbm>> -> memref<1x1x125x80xi32, #tpu.memory_space<hbm>>
      %dma_wait3A_194 = tpu.memref_squeeze %dma_wait3A_193 : memref<1x1x125x80xi32, #tpu.memory_space<hbm>> -> memref<125x80xi32, #tpu.memory_space<hbm>>
      tpu.wait_dma2 semaphore(%run_scoped3A_178 : memref<!tpu.dma_semaphore, #tpu.memory_space<semaphore_mem>>) src(%dma_wait3A_194 : memref<125x80xi32, #tpu.memory_space<hbm>>) dst(%arg7 : memref<125x80xi32, #tpu.memory_space<vmem>>)
      tpu.yield
    }) : () -> ()
    %barrier3A = arith.constant 0 : index
    tpu.barrier barrier_id(%barrier3A)
    %dma_start3A = arith.constant 0 : i32
    %dma_start3A_6 = arith.constant 0 : i32
    %dma_start3A_7 = tpu.memref_slice %arg6[%dma_start3A, %dma_start3A_6] : memref<125x80xi32, #tpu.memory_space<vmem>> -> memref<1x80xi32, #tpu.memory_space<vmem>>
    %dma_start3A_8 = tpu.memref_squeeze %dma_start3A_7 : memref<1x80xi32, #tpu.memory_space<vmem>> -> memref<80xi32, #tpu.memory_space<vmem>>
    %dma_start3A_9 = arith.constant 0 : i32
    %dma_start3A_10 = arith.constant 0 : i32
    %dma_start3A_11 = tpu.memref_slice %arg3[%dma_start3A_9, %dma_start3A_10] : memref<10000x64xf32, #tpu.memory_space<hbm>> -> memref<10000x64xf32, #tpu.memory_space<hbm>>
    tpu.enqueue_indirect_dma source(%dma_start3A_11 : memref<10000x64xf32, #tpu.memory_space<hbm>>) target(%arg8 : memref<80x64xf32, #tpu.memory_space<vmem>>) offsets(%dma_start3A_8 : memref<80xi32, #tpu.memory_space<vmem>>) semaphore(%arg15 : memref<!tpu.dma_semaphore, #tpu.memory_space<semaphore_mem>>)
    %dma_start3A_12 = arith.constant 1 : i32
    %dma_start3A_13 = arith.constant 0 : i32
    %dma_start3A_14 = tpu.memref_slice %arg6[%dma_start3A_12, %dma_start3A_13] : memref<125x80xi32, #tpu.memory_space<vmem>> -> memref<1x80xi32, #tpu.memory_space<vmem>>
    %dma_start3A_15 = tpu.memref_squeeze %dma_start3A_14 : memref<1x80xi32, #tpu.memory_space<vmem>> -> memref<80xi32, #tpu.memory_space<vmem>>
    %dma_start3A_16 = arith.constant 0 : i32
    %dma_start3A_17 = arith.constant 0 : i32
    %dma_start3A_18 = tpu.memref_slice %arg3[%dma_start3A_16, %dma_start3A_17] : memref<10000x64xf32, #tpu.memory_space<hbm>> -> memref<10000x64xf32, #tpu.memory_space<hbm>>
    tpu.enqueue_indirect_dma source(%dma_start3A_18 : memref<10000x64xf32, #tpu.memory_space<hbm>>) target(%arg9 : memref<80x64xf32, #tpu.memory_space<vmem>>) offsets(%dma_start3A_15 : memref<80xi32, #tpu.memory_space<vmem>>) semaphore(%arg16 : memref<!tpu.dma_semaphore, #tpu.memory_space<semaphore_mem>>)
    %dma_start3A_19 = arith.constant 2 : i32
    %dma_start3A_20 = arith.constant 0 : i32
    %dma_start3A_21 = tpu.memref_slice %arg6[%dma_start3A_19, %dma_start3A_20] : memref<125x80xi32, #tpu.memory_space<vmem>> -> memref<1x80xi32, #tpu.memory_space<vmem>>
    %dma_start3A_22 = tpu.memref_squeeze %dma_start3A_21 : memref<1x80xi32, #tpu.memory_space<vmem>> -> memref<80xi32, #tpu.memory_space<vmem>>
    %dma_start3A_23 = arith.constant 0 : i32
    %dma_start3A_24 = arith.constant 0 : i32
    %dma_start3A_25 = tpu.memref_slice %arg3[%dma_start3A_23, %dma_start3A_24] : memref<10000x64xf32, #tpu.memory_space<hbm>> -> memref<10000x64xf32, #tpu.memory_space<hbm>>
    tpu.enqueue_indirect_dma source(%dma_start3A_25 : memref<10000x64xf32, #tpu.memory_space<hbm>>) target(%arg10 : memref<80x64xf32, #tpu.memory_space<vmem>>) offsets(%dma_start3A_22 : memref<80xi32, #tpu.memory_space<vmem>>) semaphore(%arg17 : memref<!tpu.dma_semaphore, #tpu.memory_space<semaphore_mem>>)
    %dma_start3A_26 = arith.constant 3 : i32
    %dma_start3A_27 = arith.constant 0 : i32
    %dma_start3A_28 = tpu.memref_slice %arg6[%dma_start3A_26, %dma_start3A_27] : memref<125x80xi32, #tpu.memory_space<vmem>> -> memref<1x80xi32, #tpu.memory_space<vmem>>
    %dma_start3A_29 = tpu.memref_squeeze %dma_start3A_28 : memref<1x80xi32, #tpu.memory_space<vmem>> -> memref<80xi32, #tpu.memory_space<vmem>>
    %dma_start3A_30 = arith.constant 0 : i32
    %dma_start3A_31 = arith.constant 0 : i32
    %dma_start3A_32 = tpu.memref_slice %arg3[%dma_start3A_30, %dma_start3A_31] : memref<10000x64xf32, #tpu.memory_space<hbm>> -> memref<10000x64xf32, #tpu.memory_space<hbm>>
    tpu.enqueue_indirect_dma source(%dma_start3A_32 : memref<10000x64xf32, #tpu.memory_space<hbm>>) target(%arg11 : memref<80x64xf32, #tpu.memory_space<vmem>>) offsets(%dma_start3A_29 : memref<80xi32, #tpu.memory_space<vmem>>) semaphore(%arg18 : memref<!tpu.dma_semaphore, #tpu.memory_space<semaphore_mem>>)
    %dma_start3A_33 = arith.constant 4 : i32
    %dma_start3A_34 = arith.constant 0 : i32
    %dma_start3A_35 = tpu.memref_slice %arg6[%dma_start3A_33, %dma_start3A_34] : memref<125x80xi32, #tpu.memory_space<vmem>> -> memref<1x80xi32, #tpu.memory_space<vmem>>
    %dma_start3A_36 = tpu.memref_squeeze %dma_start3A_35 : memref<1x80xi32, #tpu.memory_space<vmem>> -> memref<80xi32, #tpu.memory_space<vmem>>
    %dma_start3A_37 = arith.constant 0 : i32
    %dma_start3A_38 = arith.constant 0 : i32
    %dma_start3A_39 = tpu.memref_slice %arg3[%dma_start3A_37, %dma_start3A_38] : memref<10000x64xf32, #tpu.memory_space<hbm>> -> memref<10000x64xf32, #tpu.memory_space<hbm>>
    tpu.enqueue_indirect_dma source(%dma_start3A_39 : memref<10000x64xf32, #tpu.memory_space<hbm>>) target(%arg12 : memref<80x64xf32, #tpu.memory_space<vmem>>) offsets(%dma_start3A_36 : memref<80xi32, #tpu.memory_space<vmem>>) semaphore(%arg19 : memref<!tpu.dma_semaphore, #tpu.memory_space<semaphore_mem>>)
    %dma_start3A_40 = arith.constant 5 : i32
    %dma_start3A_41 = arith.constant 0 : i32
    %dma_start3A_42 = tpu.memref_slice %arg6[%dma_start3A_40, %dma_start3A_41] : memref<125x80xi32, #tpu.memory_space<vmem>> -> memref<1x80xi32, #tpu.memory_space<vmem>>
    %dma_start3A_43 = tpu.memref_squeeze %dma_start3A_42 : memref<1x80xi32, #tpu.memory_space<vmem>> -> memref<80xi32, #tpu.memory_space<vmem>>
    %dma_start3A_44 = arith.constant 0 : i32
    %dma_start3A_45 = arith.constant 0 : i32
    %dma_start3A_46 = tpu.memref_slice %arg3[%dma_start3A_44, %dma_start3A_45] : memref<10000x64xf32, #tpu.memory_space<hbm>> -> memref<10000x64xf32, #tpu.memory_space<hbm>>
    tpu.enqueue_indirect_dma source(%dma_start3A_46 : memref<10000x64xf32, #tpu.memory_space<hbm>>) target(%arg13 : memref<80x64xf32, #tpu.memory_space<vmem>>) offsets(%dma_start3A_43 : memref<80xi32, #tpu.memory_space<vmem>>) semaphore(%arg20 : memref<!tpu.dma_semaphore, #tpu.memory_space<semaphore_mem>>)
    %scan3A = arith.constant 0 : i32
    %scan3A_47 = arith.constant 19 : i32
    %scan3A_48 = arith.addi %scan3A, %scan3A_47 : i32
    %scan3A_49 = arith.constant 1 : i32
    scf.for %scan3A_178 = %scan3A to %scan3A_48 step %scan3A_49  : i32 {
      %mul3A_179 = arith.constant 1 : i32
      %mul3A_180 = arith.muli %scan3A_178, %mul3A_179 : i32
      %add3A_181 = arith.constant 0 : i32
      %add3A_182 = arith.addi %add3A_181, %mul3A_180 : i32
      %mul3A_183 = arith.constant 6 : i32
      %mul3A_184 = arith.muli %add3A_182, %mul3A_183 : i32
      %add3A_185 = arith.constant 0 : i32
      %add3A_186 = arith.addi %mul3A_184, %add3A_185 : i32
      %dma_wait3A_187 = arith.constant 0 : i32
      %dma_wait3A_188 = arith.constant 0 : i32
      %dma_wait3A_189 = tpu.memref_slice %arg6[%dma_wait3A_187, %dma_wait3A_188] : memref<125x80xi32, #tpu.memory_space<vmem>> -> memref<1x80xi32, #tpu.memory_space<vmem>>
      %dma_wait3A_190 = tpu.memref_squeeze %dma_wait3A_189 : memref<1x80xi32, #tpu.memory_space<vmem>> -> memref<80xi32, #tpu.memory_space<vmem>>
      %dma_wait3A_191 = arith.constant 0 : i32
      %dma_wait3A_192 = arith.constant 0 : i32
      %dma_wait3A_193 = tpu.memref_slice %arg3[%dma_wait3A_191, %dma_wait3A_192] : memref<10000x64xf32, #tpu.memory_space<hbm>> -> memref<10000x64xf32, #tpu.memory_space<hbm>>
      tpu.wait_indirect_dma semaphore(%arg15 : memref<!tpu.dma_semaphore, #tpu.memory_space<semaphore_mem>>) src(%dma_wait3A_193 : memref<10000x64xf32, #tpu.memory_space<hbm>>) dst(%arg8 : memref<80x64xf32, #tpu.memory_space<vmem>>)
      "tpu.region"() ({
        %run_scoped3A_297 = tpu.sem_alloc : memref<!tpu.dma_semaphore, #tpu.memory_space<semaphore_mem>>
        %dma_start3A_298 = arith.constant 0 : i32
        %dma_start3A_299 = tpu.memref_slice %arg7[%add3A_186, %dma_start3A_298] : memref<125x80xi32, #tpu.memory_space<vmem>> -> memref<1x80xi32, #tpu.memory_space<vmem>>
        %dma_start3A_300 = tpu.memref_squeeze %dma_start3A_299 : memref<1x80xi32, #tpu.memory_space<vmem>> -> memref<80xi32, #tpu.memory_space<vmem>>
        %dma_start3A_301 = arith.constant 0 : i32
        %dma_start3A_302 = arith.constant 0 : i32
        %dma_start3A_303 = tpu.memref_slice %arg14[%dma_start3A_301, %dma_start3A_302] : memref<10240x64xf32, #tpu.memory_space<vmem_shared>> -> memref<10240x64xf32, #tpu.memory_space<vmem_shared>>
        tpu.enqueue_indirect_dma source(%arg8 : memref<80x64xf32, #tpu.memory_space<vmem>>) target(%dma_start3A_303 : memref<10240x64xf32, #tpu.memory_space<vmem_shared>>) offsets(%dma_start3A_300 : memref<80xi32, #tpu.memory_space<vmem>>) semaphore(%run_scoped3A_297 : memref<!tpu.dma_semaphore, #tpu.memory_space<semaphore_mem>>) {add = true}
        %dma_wait3A_304 = arith.constant 0 : i32
        %dma_wait3A_305 = tpu.memref_slice %arg7[%add3A_186, %dma_wait3A_304] : memref<125x80xi32, #tpu.memory_space<vmem>> -> memref<1x80xi32, #tpu.memory_space<vmem>>
        %dma_wait3A_306 = tpu.memref_squeeze %dma_wait3A_305 : memref<1x80xi32, #tpu.memory_space<vmem>> -> memref<80xi32, #tpu.memory_space<vmem>>
        %dma_wait3A_307 = arith.constant 0 : i32
        %dma_wait3A_308 = arith.constant 0 : i32
        %dma_wait3A_309 = tpu.memref_slice %arg14[%dma_wait3A_307, %dma_wait3A_308] : memref<10240x64xf32, #tpu.memory_space<vmem_shared>> -> memref<10240x64xf32, #tpu.memory_space<vmem_shared>>
        tpu.wait_indirect_dma semaphore(%run_scoped3A_297 : memref<!tpu.dma_semaphore, #tpu.memory_space<semaphore_mem>>) src(%arg8 : memref<80x64xf32, #tpu.memory_space<vmem>>) dst(%dma_wait3A_309 : memref<10240x64xf32, #tpu.memory_space<vmem_shared>>)
        tpu.yield
      }) : () -> ()
      %add3A_194 = arith.constant 6 : i32
      %add3A_195 = arith.addi %add3A_186, %add3A_194 : i32
      %dma_start3A_196 = arith.constant 0 : i32
      %dma_start3A_197 = tpu.memref_slice %arg6[%add3A_195, %dma_start3A_196] : memref<125x80xi32, #tpu.memory_space<vmem>> -> memref<1x80xi32, #tpu.memory_space<vmem>>
      %dma_start3A_198 = tpu.memref_squeeze %dma_start3A_197 : memref<1x80xi32, #tpu.memory_space<vmem>> -> memref<80xi32, #tpu.memory_space<vmem>>
      %dma_start3A_199 = arith.constant 0 : i32
      %dma_start3A_200 = arith.constant 0 : i32
      %dma_start3A_201 = tpu.memref_slice %arg3[%dma_start3A_199, %dma_start3A_200] : memref<10000x64xf32, #tpu.memory_space<hbm>> -> memref<10000x64xf32, #tpu.memory_space<hbm>>
      tpu.enqueue_indirect_dma source(%dma_start3A_201 : memref<10000x64xf32, #tpu.memory_space<hbm>>) target(%arg8 : memref<80x64xf32, #tpu.memory_space<vmem>>) offsets(%dma_start3A_198 : memref<80xi32, #tpu.memory_space<vmem>>) semaphore(%arg15 : memref<!tpu.dma_semaphore, #tpu.memory_space<semaphore_mem>>)
      %mul3A_202 = arith.constant 6 : i32
      %mul3A_203 = arith.muli %add3A_182, %mul3A_202 : i32
      %add3A_204 = arith.constant 1 : i32
      %add3A_205 = arith.addi %mul3A_203, %add3A_204 : i32
      %dma_wait3A_206 = arith.constant 0 : i32
      %dma_wait3A_207 = arith.constant 0 : i32
      %dma_wait3A_208 = tpu.memref_slice %arg6[%dma_wait3A_206, %dma_wait3A_207] : memref<125x80xi32, #tpu.memory_space<vmem>> -> memref<1x80xi32, #tpu.memory_space<vmem>>
      %dma_wait3A_209 = tpu.memref_squeeze %dma_wait3A_208 : memref<1x80xi32, #tpu.memory_space<vmem>> -> memref<80xi32, #tpu.memory_space<vmem>>
      %dma_wait3A_210 = arith.constant 0 : i32
      %dma_wait3A_211 = arith.constant 0 : i32
      %dma_wait3A_212 = tpu.memref_slice %arg3[%dma_wait3A_210, %dma_wait3A_211] : memref<10000x64xf32, #tpu.memory_space<hbm>> -> memref<10000x64xf32, #tpu.memory_space<hbm>>
      tpu.wait_indirect_dma semaphore(%arg16 : memref<!tpu.dma_semaphore, #tpu.memory_space<semaphore_mem>>) src(%dma_wait3A_212 : memref<10000x64xf32, #tpu.memory_space<hbm>>) dst(%arg9 : memref<80x64xf32, #tpu.memory_space<vmem>>)
      "tpu.region"() ({
        %run_scoped3A_297 = tpu.sem_alloc : memref<!tpu.dma_semaphore, #tpu.memory_space<semaphore_mem>>
        %dma_start3A_298 = arith.constant 0 : i32
        %dma_start3A_299 = tpu.memref_slice %arg7[%add3A_205, %dma_start3A_298] : memref<125x80xi32, #tpu.memory_space<vmem>> -> memref<1x80xi32, #tpu.memory_space<vmem>>
        %dma_start3A_300 = tpu.memref_squeeze %dma_start3A_299 : memref<1x80xi32, #tpu.memory_space<vmem>> -> memref<80xi32, #tpu.memory_space<vmem>>
        %dma_start3A_301 = arith.constant 0 : i32
        %dma_start3A_302 = arith.constant 0 : i32
        %dma_start3A_303 = tpu.memref_slice %arg14[%dma_start3A_301, %dma_start3A_302] : memref<10240x64xf32, #tpu.memory_space<vmem_shared>> -> memref<10240x64xf32, #tpu.memory_space<vmem_shared>>
        tpu.enqueue_indirect_dma source(%arg9 : memref<80x64xf32, #tpu.memory_space<vmem>>) target(%dma_start3A_303 : memref<10240x64xf32, #tpu.memory_space<vmem_shared>>) offsets(%dma_start3A_300 : memref<80xi32, #tpu.memory_space<vmem>>) semaphore(%run_scoped3A_297 : memref<!tpu.dma_semaphore, #tpu.memory_space<semaphore_mem>>) {add = true}
        %dma_wait3A_304 = arith.constant 0 : i32
        %dma_wait3A_305 = tpu.memref_slice %arg7[%add3A_205, %dma_wait3A_304] : memref<125x80xi32, #tpu.memory_space<vmem>> -> memref<1x80xi32, #tpu.memory_space<vmem>>
        %dma_wait3A_306 = tpu.memref_squeeze %dma_wait3A_305 : memref<1x80xi32, #tpu.memory_space<vmem>> -> memref<80xi32, #tpu.memory_space<vmem>>
        %dma_wait3A_307 = arith.constant 0 : i32
        %dma_wait3A_308 = arith.constant 0 : i32
        %dma_wait3A_309 = tpu.memref_slice %arg14[%dma_wait3A_307, %dma_wait3A_308] : memref<10240x64xf32, #tpu.memory_space<vmem_shared>> -> memref<10240x64xf32, #tpu.memory_space<vmem_shared>>
        tpu.wait_indirect_dma semaphore(%run_scoped3A_297 : memref<!tpu.dma_semaphore, #tpu.memory_space<semaphore_mem>>) src(%arg9 : memref<80x64xf32, #tpu.memory_space<vmem>>) dst(%dma_wait3A_309 : memref<10240x64xf32, #tpu.memory_space<vmem_shared>>)
        tpu.yield
      }) : () -> ()
      %add3A_213 = arith.constant 6 : i32
      %add3A_214 = arith.addi %add3A_205, %add3A_213 : i32
      %dma_start3A_215 = arith.constant 0 : i32
      %dma_start3A_216 = tpu.memref_slice %arg6[%add3A_214, %dma_start3A_215] : memref<125x80xi32, #tpu.memory_space<vmem>> -> memref<1x80xi32, #tpu.memory_space<vmem>>
      %dma_start3A_217 = tpu.memref_squeeze %dma_start3A_216 : memref<1x80xi32, #tpu.memory_space<vmem>> -> memref<80xi32, #tpu.memory_space<vmem>>
      %dma_start3A_218 = arith.constant 0 : i32
      %dma_start3A_219 = arith.constant 0 : i32
      %dma_start3A_220 = tpu.memref_slice %arg3[%dma_start3A_218, %dma_start3A_219] : memref<10000x64xf32, #tpu.memory_space<hbm>> -> memref<10000x64xf32, #tpu.memory_space<hbm>>
      tpu.enqueue_indirect_dma source(%dma_start3A_220 : memref<10000x64xf32, #tpu.memory_space<hbm>>) target(%arg9 : memref<80x64xf32, #tpu.memory_space<vmem>>) offsets(%dma_start3A_217 : memref<80xi32, #tpu.memory_space<vmem>>) semaphore(%arg16 : memref<!tpu.dma_semaphore, #tpu.memory_space<semaphore_mem>>)
      %mul3A_221 = arith.constant 6 : i32
      %mul3A_222 = arith.muli %add3A_182, %mul3A_221 : i32
      %add3A_223 = arith.constant 2 : i32
      %add3A_224 = arith.addi %mul3A_222, %add3A_223 : i32
      %dma_wait3A_225 = arith.constant 0 : i32
      %dma_wait3A_226 = arith.constant 0 : i32
      %dma_wait3A_227 = tpu.memref_slice %arg6[%dma_wait3A_225, %dma_wait3A_226] : memref<125x80xi32, #tpu.memory_space<vmem>> -> memref<1x80xi32, #tpu.memory_space<vmem>>
      %dma_wait3A_228 = tpu.memref_squeeze %dma_wait3A_227 : memref<1x80xi32, #tpu.memory_space<vmem>> -> memref<80xi32, #tpu.memory_space<vmem>>
      %dma_wait3A_229 = arith.constant 0 : i32
      %dma_wait3A_230 = arith.constant 0 : i32
      %dma_wait3A_231 = tpu.memref_slice %arg3[%dma_wait3A_229, %dma_wait3A_230] : memref<10000x64xf32, #tpu.memory_space<hbm>> -> memref<10000x64xf32, #tpu.memory_space<hbm>>
      tpu.wait_indirect_dma semaphore(%arg17 : memref<!tpu.dma_semaphore, #tpu.memory_space<semaphore_mem>>) src(%dma_wait3A_231 : memref<10000x64xf32, #tpu.memory_space<hbm>>) dst(%arg10 : memref<80x64xf32, #tpu.memory_space<vmem>>)
      "tpu.region"() ({
        %run_scoped3A_297 = tpu.sem_alloc : memref<!tpu.dma_semaphore, #tpu.memory_space<semaphore_mem>>
        %dma_start3A_298 = arith.constant 0 : i32
        %dma_start3A_299 = tpu.memref_slice %arg7[%add3A_224, %dma_start3A_298] : memref<125x80xi32, #tpu.memory_space<vmem>> -> memref<1x80xi32, #tpu.memory_space<vmem>>
        %dma_start3A_300 = tpu.memref_squeeze %dma_start3A_299 : memref<1x80xi32, #tpu.memory_space<vmem>> -> memref<80xi32, #tpu.memory_space<vmem>>
        %dma_start3A_301 = arith.constant 0 : i32
        %dma_start3A_302 = arith.constant 0 : i32
        %dma_start3A_303 = tpu.memref_slice %arg14[%dma_start3A_301, %dma_start3A_302] : memref<10240x64xf32, #tpu.memory_space<vmem_shared>> -> memref<10240x64xf32, #tpu.memory_space<vmem_shared>>
        tpu.enqueue_indirect_dma source(%arg10 : memref<80x64xf32, #tpu.memory_space<vmem>>) target(%dma_start3A_303 : memref<10240x64xf32, #tpu.memory_space<vmem_shared>>) offsets(%dma_start3A_300 : memref<80xi32, #tpu.memory_space<vmem>>) semaphore(%run_scoped3A_297 : memref<!tpu.dma_semaphore, #tpu.memory_space<semaphore_mem>>) {add = true}
        %dma_wait3A_304 = arith.constant 0 : i32
        %dma_wait3A_305 = tpu.memref_slice %arg7[%add3A_224, %dma_wait3A_304] : memref<125x80xi32, #tpu.memory_space<vmem>> -> memref<1x80xi32, #tpu.memory_space<vmem>>
        %dma_wait3A_306 = tpu.memref_squeeze %dma_wait3A_305 : memref<1x80xi32, #tpu.memory_space<vmem>> -> memref<80xi32, #tpu.memory_space<vmem>>
        %dma_wait3A_307 = arith.constant 0 : i32
        %dma_wait3A_308 = arith.constant 0 : i32
        %dma_wait3A_309 = tpu.memref_slice %arg14[%dma_wait3A_307, %dma_wait3A_308] : memref<10240x64xf32, #tpu.memory_space<vmem_shared>> -> memref<10240x64xf32, #tpu.memory_space<vmem_shared>>
        tpu.wait_indirect_dma semaphore(%run_scoped3A_297 : memref<!tpu.dma_semaphore, #tpu.memory_space<semaphore_mem>>) src(%arg10 : memref<80x64xf32, #tpu.memory_space<vmem>>) dst(%dma_wait3A_309 : memref<10240x64xf32, #tpu.memory_space<vmem_shared>>)
        tpu.yield
      }) : () -> ()
      %add3A_232 = arith.constant 6 : i32
      %add3A_233 = arith.addi %add3A_224, %add3A_232 : i32
      %dma_start3A_234 = arith.constant 0 : i32
      %dma_start3A_235 = tpu.memref_slice %arg6[%add3A_233, %dma_start3A_234] : memref<125x80xi32, #tpu.memory_space<vmem>> -> memref<1x80xi32, #tpu.memory_space<vmem>>
      %dma_start3A_236 = tpu.memref_squeeze %dma_start3A_235 : memref<1x80xi32, #tpu.memory_space<vmem>> -> memref<80xi32, #tpu.memory_space<vmem>>
      %dma_start3A_237 = arith.constant 0 : i32
      %dma_start3A_238 = arith.constant 0 : i32
      %dma_start3A_239 = tpu.memref_slice %arg3[%dma_start3A_237, %dma_start3A_238] : memref<10000x64xf32, #tpu.memory_space<hbm>> -> memref<10000x64xf32, #tpu.memory_space<hbm>>
      tpu.enqueue_indirect_dma source(%dma_start3A_239 : memref<10000x64xf32, #tpu.memory_space<hbm>>) target(%arg10 : memref<80x64xf32, #tpu.memory_space<vmem>>) offsets(%dma_start3A_236 : memref<80xi32, #tpu.memory_space<vmem>>) semaphore(%arg17 : memref<!tpu.dma_semaphore, #tpu.memory_space<semaphore_mem>>)
      %mul3A_240 = arith.constant 6 : i32
      %mul3A_241 = arith.muli %add3A_182, %mul3A_240 : i32
      %add3A_242 = arith.constant 3 : i32
      %add3A_243 = arith.addi %mul3A_241, %add3A_242 : i32
      %dma_wait3A_244 = arith.constant 0 : i32
      %dma_wait3A_245 = arith.constant 0 : i32
      %dma_wait3A_246 = tpu.memref_slice %arg6[%dma_wait3A_244, %dma_wait3A_245] : memref<125x80xi32, #tpu.memory_space<vmem>> -> memref<1x80xi32, #tpu.memory_space<vmem>>
      %dma_wait3A_247 = tpu.memref_squeeze %dma_wait3A_246 : memref<1x80xi32, #tpu.memory_space<vmem>> -> memref<80xi32, #tpu.memory_space<vmem>>
      %dma_wait3A_248 = arith.constant 0 : i32
      %dma_wait3A_249 = arith.constant 0 : i32
      %dma_wait3A_250 = tpu.memref_slice %arg3[%dma_wait3A_248, %dma_wait3A_249] : memref<10000x64xf32, #tpu.memory_space<hbm>> -> memref<10000x64xf32, #tpu.memory_space<hbm>>
      tpu.wait_indirect_dma semaphore(%arg18 : memref<!tpu.dma_semaphore, #tpu.memory_space<semaphore_mem>>) src(%dma_wait3A_250 : memref<10000x64xf32, #tpu.memory_space<hbm>>) dst(%arg11 : memref<80x64xf32, #tpu.memory_space<vmem>>)
      "tpu.region"() ({
        %run_scoped3A_297 = tpu.sem_alloc : memref<!tpu.dma_semaphore, #tpu.memory_space<semaphore_mem>>
        %dma_start3A_298 = arith.constant 0 : i32
        %dma_start3A_299 = tpu.memref_slice %arg7[%add3A_243, %dma_start3A_298] : memref<125x80xi32, #tpu.memory_space<vmem>> -> memref<1x80xi32, #tpu.memory_space<vmem>>
        %dma_start3A_300 = tpu.memref_squeeze %dma_start3A_299 : memref<1x80xi32, #tpu.memory_space<vmem>> -> memref<80xi32, #tpu.memory_space<vmem>>
        %dma_start3A_301 = arith.constant 0 : i32
        %dma_start3A_302 = arith.constant 0 : i32
        %dma_start3A_303 = tpu.memref_slice %arg14[%dma_start3A_301, %dma_start3A_302] : memref<10240x64xf32, #tpu.memory_space<vmem_shared>> -> memref<10240x64xf32, #tpu.memory_space<vmem_shared>>
        tpu.enqueue_indirect_dma source(%arg11 : memref<80x64xf32, #tpu.memory_space<vmem>>) target(%dma_start3A_303 : memref<10240x64xf32, #tpu.memory_space<vmem_shared>>) offsets(%dma_start3A_300 : memref<80xi32, #tpu.memory_space<vmem>>) semaphore(%run_scoped3A_297 : memref<!tpu.dma_semaphore, #tpu.memory_space<semaphore_mem>>) {add = true}
        %dma_wait3A_304 = arith.constant 0 : i32
        %dma_wait3A_305 = tpu.memref_slice %arg7[%add3A_243, %dma_wait3A_304] : memref<125x80xi32, #tpu.memory_space<vmem>> -> memref<1x80xi32, #tpu.memory_space<vmem>>
        %dma_wait3A_306 = tpu.memref_squeeze %dma_wait3A_305 : memref<1x80xi32, #tpu.memory_space<vmem>> -> memref<80xi32, #tpu.memory_space<vmem>>
        %dma_wait3A_307 = arith.constant 0 : i32
        %dma_wait3A_308 = arith.constant 0 : i32
        %dma_wait3A_309 = tpu.memref_slice %arg14[%dma_wait3A_307, %dma_wait3A_308] : memref<10240x64xf32, #tpu.memory_space<vmem_shared>> -> memref<10240x64xf32, #tpu.memory_space<vmem_shared>>
        tpu.wait_indirect_dma semaphore(%run_scoped3A_297 : memref<!tpu.dma_semaphore, #tpu.memory_space<semaphore_mem>>) src(%arg11 : memref<80x64xf32, #tpu.memory_space<vmem>>) dst(%dma_wait3A_309 : memref<10240x64xf32, #tpu.memory_space<vmem_shared>>)
        tpu.yield
      }) : () -> ()
      %add3A_251 = arith.constant 6 : i32
      %add3A_252 = arith.addi %add3A_243, %add3A_251 : i32
      %dma_start3A_253 = arith.constant 0 : i32
      %dma_start3A_254 = tpu.memref_slice %arg6[%add3A_252, %dma_start3A_253] : memref<125x80xi32, #tpu.memory_space<vmem>> -> memref<1x80xi32, #tpu.memory_space<vmem>>
      %dma_start3A_255 = tpu.memref_squeeze %dma_start3A_254 : memref<1x80xi32, #tpu.memory_space<vmem>> -> memref<80xi32, #tpu.memory_space<vmem>>
      %dma_start3A_256 = arith.constant 0 : i32
      %dma_start3A_257 = arith.constant 0 : i32
      %dma_start3A_258 = tpu.memref_slice %arg3[%dma_start3A_256, %dma_start3A_257] : memref<10000x64xf32, #tpu.memory_space<hbm>> -> memref<10000x64xf32, #tpu.memory_space<hbm>>
      tpu.enqueue_indirect_dma source(%dma_start3A_258 : memref<10000x64xf32, #tpu.memory_space<hbm>>) target(%arg11 : memref<80x64xf32, #tpu.memory_space<vmem>>) offsets(%dma_start3A_255 : memref<80xi32, #tpu.memory_space<vmem>>) semaphore(%arg18 : memref<!tpu.dma_semaphore, #tpu.memory_space<semaphore_mem>>)
      %mul3A_259 = arith.constant 6 : i32
      %mul3A_260 = arith.muli %add3A_182, %mul3A_259 : i32
      %add3A_261 = arith.constant 4 : i32
      %add3A_262 = arith.addi %mul3A_260, %add3A_261 : i32
      %dma_wait3A_263 = arith.constant 0 : i32
      %dma_wait3A_264 = arith.constant 0 : i32
      %dma_wait3A_265 = tpu.memref_slice %arg6[%dma_wait3A_263, %dma_wait3A_264] : memref<125x80xi32, #tpu.memory_space<vmem>> -> memref<1x80xi32, #tpu.memory_space<vmem>>
      %dma_wait3A_266 = tpu.memref_squeeze %dma_wait3A_265 : memref<1x80xi32, #tpu.memory_space<vmem>> -> memref<80xi32, #tpu.memory_space<vmem>>
      %dma_wait3A_267 = arith.constant 0 : i32
      %dma_wait3A_268 = arith.constant 0 : i32
      %dma_wait3A_269 = tpu.memref_slice %arg3[%dma_wait3A_267, %dma_wait3A_268] : memref<10000x64xf32, #tpu.memory_space<hbm>> -> memref<10000x64xf32, #tpu.memory_space<hbm>>
      tpu.wait_indirect_dma semaphore(%arg19 : memref<!tpu.dma_semaphore, #tpu.memory_space<semaphore_mem>>) src(%dma_wait3A_269 : memref<10000x64xf32, #tpu.memory_space<hbm>>) dst(%arg12 : memref<80x64xf32, #tpu.memory_space<vmem>>)
      "tpu.region"() ({
        %run_scoped3A_297 = tpu.sem_alloc : memref<!tpu.dma_semaphore, #tpu.memory_space<semaphore_mem>>
        %dma_start3A_298 = arith.constant 0 : i32
        %dma_start3A_299 = tpu.memref_slice %arg7[%add3A_262, %dma_start3A_298] : memref<125x80xi32, #tpu.memory_space<vmem>> -> memref<1x80xi32, #tpu.memory_space<vmem>>
        %dma_start3A_300 = tpu.memref_squeeze %dma_start3A_299 : memref<1x80xi32, #tpu.memory_space<vmem>> -> memref<80xi32, #tpu.memory_space<vmem>>
        %dma_start3A_301 = arith.constant 0 : i32
        %dma_start3A_302 = arith.constant 0 : i32
        %dma_start3A_303 = tpu.memref_slice %arg14[%dma_start3A_301, %dma_start3A_302] : memref<10240x64xf32, #tpu.memory_space<vmem_shared>> -> memref<10240x64xf32, #tpu.memory_space<vmem_shared>>
        tpu.enqueue_indirect_dma source(%arg12 : memref<80x64xf32, #tpu.memory_space<vmem>>) target(%dma_start3A_303 : memref<10240x64xf32, #tpu.memory_space<vmem_shared>>) offsets(%dma_start3A_300 : memref<80xi32, #tpu.memory_space<vmem>>) semaphore(%run_scoped3A_297 : memref<!tpu.dma_semaphore, #tpu.memory_space<semaphore_mem>>) {add = true}
        %dma_wait3A_304 = arith.constant 0 : i32
        %dma_wait3A_305 = tpu.memref_slice %arg7[%add3A_262, %dma_wait3A_304] : memref<125x80xi32, #tpu.memory_space<vmem>> -> memref<1x80xi32, #tpu.memory_space<vmem>>
        %dma_wait3A_306 = tpu.memref_squeeze %dma_wait3A_305 : memref<1x80xi32, #tpu.memory_space<vmem>> -> memref<80xi32, #tpu.memory_space<vmem>>
        %dma_wait3A_307 = arith.constant 0 : i32
        %dma_wait3A_308 = arith.constant 0 : i32
        %dma_wait3A_309 = tpu.memref_slice %arg14[%dma_wait3A_307, %dma_wait3A_308] : memref<10240x64xf32, #tpu.memory_space<vmem_shared>> -> memref<10240x64xf32, #tpu.memory_space<vmem_shared>>
        tpu.wait_indirect_dma semaphore(%run_scoped3A_297 : memref<!tpu.dma_semaphore, #tpu.memory_space<semaphore_mem>>) src(%arg12 : memref<80x64xf32, #tpu.memory_space<vmem>>) dst(%dma_wait3A_309 : memref<10240x64xf32, #tpu.memory_space<vmem_shared>>)
        tpu.yield
      }) : () -> ()
      %add3A_270 = arith.constant 6 : i32
      %add3A_271 = arith.addi %add3A_262, %add3A_270 : i32
      %dma_start3A_272 = arith.constant 0 : i32
      %dma_start3A_273 = tpu.memref_slice %arg6[%add3A_271, %dma_start3A_272] : memref<125x80xi32, #tpu.memory_space<vmem>> -> memref<1x80xi32, #tpu.memory_space<vmem>>
      %dma_start3A_274 = tpu.memref_squeeze %dma_start3A_273 : memref<1x80xi32, #tpu.memory_space<vmem>> -> memref<80xi32, #tpu.memory_space<vmem>>
      %dma_start3A_275 = arith.constant 0 : i32
      %dma_start3A_276 = arith.constant 0 : i32
      %dma_start3A_277 = tpu.memref_slice %arg3[%dma_start3A_275, %dma_start3A_276] : memref<10000x64xf32, #tpu.memory_space<hbm>> -> memref<10000x64xf32, #tpu.memory_space<hbm>>
      tpu.enqueue_indirect_dma source(%dma_start3A_277 : memref<10000x64xf32, #tpu.memory_space<hbm>>) target(%arg12 : memref<80x64xf32, #tpu.memory_space<vmem>>) offsets(%dma_start3A_274 : memref<80xi32, #tpu.memory_space<vmem>>) semaphore(%arg19 : memref<!tpu.dma_semaphore, #tpu.memory_space<semaphore_mem>>)
      %mul3A_278 = arith.constant 6 : i32
      %mul3A_279 = arith.muli %add3A_182, %mul3A_278 : i32
      %add3A_280 = arith.constant 5 : i32
      %add3A_281 = arith.addi %mul3A_279, %add3A_280 : i32
      %dma_wait3A_282 = arith.constant 0 : i32
      %dma_wait3A_283 = arith.constant 0 : i32
      %dma_wait3A_284 = tpu.memref_slice %arg6[%dma_wait3A_282, %dma_wait3A_283] : memref<125x80xi32, #tpu.memory_space<vmem>> -> memref<1x80xi32, #tpu.memory_space<vmem>>
      %dma_wait3A_285 = tpu.memref_squeeze %dma_wait3A_284 : memref<1x80xi32, #tpu.memory_space<vmem>> -> memref<80xi32, #tpu.memory_space<vmem>>
      %dma_wait3A_286 = arith.constant 0 : i32
      %dma_wait3A_287 = arith.constant 0 : i32
      %dma_wait3A_288 = tpu.memref_slice %arg3[%dma_wait3A_286, %dma_wait3A_287] : memref<10000x64xf32, #tpu.memory_space<hbm>> -> memref<10000x64xf32, #tpu.memory_space<hbm>>
      tpu.wait_indirect_dma semaphore(%arg20 : memref<!tpu.dma_semaphore, #tpu.memory_space<semaphore_mem>>) src(%dma_wait3A_288 : memref<10000x64xf32, #tpu.memory_space<hbm>>) dst(%arg13 : memref<80x64xf32, #tpu.memory_space<vmem>>)
      "tpu.region"() ({
        %run_scoped3A_297 = tpu.sem_alloc : memref<!tpu.dma_semaphore, #tpu.memory_space<semaphore_mem>>
        %dma_start3A_298 = arith.constant 0 : i32
        %dma_start3A_299 = tpu.memref_slice %arg7[%add3A_281, %dma_start3A_298] : memref<125x80xi32, #tpu.memory_space<vmem>> -> memref<1x80xi32, #tpu.memory_space<vmem>>
        %dma_start3A_300 = tpu.memref_squeeze %dma_start3A_299 : memref<1x80xi32, #tpu.memory_space<vmem>> -> memref<80xi32, #tpu.memory_space<vmem>>
        %dma_start3A_301 = arith.constant 0 : i32
        %dma_start3A_302 = arith.constant 0 : i32
        %dma_start3A_303 = tpu.memref_slice %arg14[%dma_start3A_301, %dma_start3A_302] : memref<10240x64xf32, #tpu.memory_space<vmem_shared>> -> memref<10240x64xf32, #tpu.memory_space<vmem_shared>>
        tpu.enqueue_indirect_dma source(%arg13 : memref<80x64xf32, #tpu.memory_space<vmem>>) target(%dma_start3A_303 : memref<10240x64xf32, #tpu.memory_space<vmem_shared>>) offsets(%dma_start3A_300 : memref<80xi32, #tpu.memory_space<vmem>>) semaphore(%run_scoped3A_297 : memref<!tpu.dma_semaphore, #tpu.memory_space<semaphore_mem>>) {add = true}
        %dma_wait3A_304 = arith.constant 0 : i32
        %dma_wait3A_305 = tpu.memref_slice %arg7[%add3A_281, %dma_wait3A_304] : memref<125x80xi32, #tpu.memory_space<vmem>> -> memref<1x80xi32, #tpu.memory_space<vmem>>
        %dma_wait3A_306 = tpu.memref_squeeze %dma_wait3A_305 : memref<1x80xi32, #tpu.memory_space<vmem>> -> memref<80xi32, #tpu.memory_space<vmem>>
        %dma_wait3A_307 = arith.constant 0 : i32
        %dma_wait3A_308 = arith.constant 0 : i32
        %dma_wait3A_309 = tpu.memref_slice %arg14[%dma_wait3A_307, %dma_wait3A_308] : memref<10240x64xf32, #tpu.memory_space<vmem_shared>> -> memref<10240x64xf32, #tpu.memory_space<vmem_shared>>
        tpu.wait_indirect_dma semaphore(%run_scoped3A_297 : memref<!tpu.dma_semaphore, #tpu.memory_space<semaphore_mem>>) src(%arg13 : memref<80x64xf32, #tpu.memory_space<vmem>>) dst(%dma_wait3A_309 : memref<10240x64xf32, #tpu.memory_space<vmem_shared>>)
        tpu.yield
      }) : () -> ()
      %add3A_289 = arith.constant 6 : i32
      %add3A_290 = arith.addi %add3A_281, %add3A_289 : i32
      %dma_start3A_291 = arith.constant 0 : i32
      %dma_start3A_292 = tpu.memref_slice %arg6[%add3A_290, %dma_start3A_291] : memref<125x80xi32, #tpu.memory_space<vmem>> -> memref<1x80xi32, #tpu.memory_space<vmem>>
      %dma_start3A_293 = tpu.memref_squeeze %dma_start3A_292 : memref<1x80xi32, #tpu.memory_space<vmem>> -> memref<80xi32, #tpu.memory_space<vmem>>
      %dma_start3A_294 = arith.constant 0 : i32
      %dma_start3A_295 = arith.constant 0 : i32
      %dma_start3A_296 = tpu.memref_slice %arg3[%dma_start3A_294, %dma_start3A_295] : memref<10000x64xf32, #tpu.memory_space<hbm>> -> memref<10000x64xf32, #tpu.memory_space<hbm>>
      tpu.enqueue_indirect_dma source(%dma_start3A_296 : memref<10000x64xf32, #tpu.memory_space<hbm>>) target(%arg13 : memref<80x64xf32, #tpu.memory_space<vmem>>) offsets(%dma_start3A_293 : memref<80xi32, #tpu.memory_space<vmem>>) semaphore(%arg20 : memref<!tpu.dma_semaphore, #tpu.memory_space<semaphore_mem>>)
    }
    %scan3A_50 = arith.constant 19 : i32
    %dma_wait3A = arith.constant 0 : i32
    %dma_wait3A_51 = arith.constant 0 : i32
    %dma_wait3A_52 = tpu.memref_slice %arg6[%dma_wait3A, %dma_wait3A_51] : memref<125x80xi32, #tpu.memory_space<vmem>> -> memref<1x80xi32, #tpu.memory_space<vmem>>
    %dma_wait3A_53 = tpu.memref_squeeze %dma_wait3A_52 : memref<1x80xi32, #tpu.memory_space<vmem>> -> memref<80xi32, #tpu.memory_space<vmem>>
    %dma_wait3A_54 = arith.constant 0 : i32
    %dma_wait3A_55 = arith.constant 0 : i32
    %dma_wait3A_56 = tpu.memref_slice %arg3[%dma_wait3A_54, %dma_wait3A_55] : memref<10000x64xf32, #tpu.memory_space<hbm>> -> memref<10000x64xf32, #tpu.memory_space<hbm>>
    tpu.wait_indirect_dma semaphore(%arg15 : memref<!tpu.dma_semaphore, #tpu.memory_space<semaphore_mem>>) src(%dma_wait3A_56 : memref<10000x64xf32, #tpu.memory_space<hbm>>) dst(%arg8 : memref<80x64xf32, #tpu.memory_space<vmem>>)
    %run_scoped3A_57 = arith.constant 114 : i32
    "tpu.region"() ({
      %run_scoped3A_178 = tpu.sem_alloc : memref<!tpu.dma_semaphore, #tpu.memory_space<semaphore_mem>>
      %dma_start3A_179 = arith.constant 0 : i32
      %dma_start3A_180 = tpu.memref_slice %arg7[%run_scoped3A_57, %dma_start3A_179] : memref<125x80xi32, #tpu.memory_space<vmem>> -> memref<1x80xi32, #tpu.memory_space<vmem>>
      %dma_start3A_181 = tpu.memref_squeeze %dma_start3A_180 : memref<1x80xi32, #tpu.memory_space<vmem>> -> memref<80xi32, #tpu.memory_space<vmem>>
      %dma_start3A_182 = arith.constant 0 : i32
      %dma_start3A_183 = arith.constant 0 : i32
      %dma_start3A_184 = tpu.memref_slice %arg14[%dma_start3A_182, %dma_start3A_183] : memref<10240x64xf32, #tpu.memory_space<vmem_shared>> -> memref<10240x64xf32, #tpu.memory_space<vmem_shared>>
      tpu.enqueue_indirect_dma source(%arg8 : memref<80x64xf32, #tpu.memory_space<vmem>>) target(%dma_start3A_184 : memref<10240x64xf32, #tpu.memory_space<vmem_shared>>) offsets(%dma_start3A_181 : memref<80xi32, #tpu.memory_space<vmem>>) semaphore(%run_scoped3A_178 : memref<!tpu.dma_semaphore, #tpu.memory_space<semaphore_mem>>) {add = true}
      %dma_wait3A_185 = arith.constant 0 : i32
      %dma_wait3A_186 = tpu.memref_slice %arg7[%run_scoped3A_57, %dma_wait3A_185] : memref<125x80xi32, #tpu.memory_space<vmem>> -> memref<1x80xi32, #tpu.memory_space<vmem>>
      %dma_wait3A_187 = tpu.memref_squeeze %dma_wait3A_186 : memref<1x80xi32, #tpu.memory_space<vmem>> -> memref<80xi32, #tpu.memory_space<vmem>>
      %dma_wait3A_188 = arith.constant 0 : i32
      %dma_wait3A_189 = arith.constant 0 : i32
      %dma_wait3A_190 = tpu.memref_slice %arg14[%dma_wait3A_188, %dma_wait3A_189] : memref<10240x64xf32, #tpu.memory_space<vmem_shared>> -> memref<10240x64xf32, #tpu.memory_space<vmem_shared>>
      tpu.wait_indirect_dma semaphore(%run_scoped3A_178 : memref<!tpu.dma_semaphore, #tpu.memory_space<semaphore_mem>>) src(%arg8 : memref<80x64xf32, #tpu.memory_space<vmem>>) dst(%dma_wait3A_190 : memref<10240x64xf32, #tpu.memory_space<vmem_shared>>)
      tpu.yield
    }) : () -> ()
    %dma_start3A_58 = arith.constant 120 : i32
    %dma_start3A_59 = arith.constant 0 : i32
    %dma_start3A_60 = tpu.memref_slice %arg6[%dma_start3A_58, %dma_start3A_59] : memref<125x80xi32, #tpu.memory_space<vmem>> -> memref<1x80xi32, #tpu.memory_space<vmem>>
    %dma_start3A_61 = tpu.memref_squeeze %dma_start3A_60 : memref<1x80xi32, #tpu.memory_space<vmem>> -> memref<80xi32, #tpu.memory_space<vmem>>
    %dma_start3A_62 = arith.constant 0 : i32
    %dma_start3A_63 = arith.constant 0 : i32
    %dma_start3A_64 = tpu.memref_slice %arg3[%dma_start3A_62, %dma_start3A_63] : memref<10000x64xf32, #tpu.memory_space<hbm>> -> memref<10000x64xf32, #tpu.memory_space<hbm>>
    tpu.enqueue_indirect_dma source(%dma_start3A_64 : memref<10000x64xf32, #tpu.memory_space<hbm>>) target(%arg8 : memref<80x64xf32, #tpu.memory_space<vmem>>) offsets(%dma_start3A_61 : memref<80xi32, #tpu.memory_space<vmem>>) semaphore(%arg15 : memref<!tpu.dma_semaphore, #tpu.memory_space<semaphore_mem>>)
    %dma_wait3A_65 = arith.constant 0 : i32
    %dma_wait3A_66 = arith.constant 0 : i32
    %dma_wait3A_67 = tpu.memref_slice %arg6[%dma_wait3A_65, %dma_wait3A_66] : memref<125x80xi32, #tpu.memory_space<vmem>> -> memref<1x80xi32, #tpu.memory_space<vmem>>
    %dma_wait3A_68 = tpu.memref_squeeze %dma_wait3A_67 : memref<1x80xi32, #tpu.memory_space<vmem>> -> memref<80xi32, #tpu.memory_space<vmem>>
    %dma_wait3A_69 = arith.constant 0 : i32
    %dma_wait3A_70 = arith.constant 0 : i32
    %dma_wait3A_71 = tpu.memref_slice %arg3[%dma_wait3A_69, %dma_wait3A_70] : memref<10000x64xf32, #tpu.memory_space<hbm>> -> memref<10000x64xf32, #tpu.memory_space<hbm>>
    tpu.wait_indirect_dma semaphore(%arg16 : memref<!tpu.dma_semaphore, #tpu.memory_space<semaphore_mem>>) src(%dma_wait3A_71 : memref<10000x64xf32, #tpu.memory_space<hbm>>) dst(%arg9 : memref<80x64xf32, #tpu.memory_space<vmem>>)
    %run_scoped3A_72 = arith.constant 115 : i32
    "tpu.region"() ({
      %run_scoped3A_178 = tpu.sem_alloc : memref<!tpu.dma_semaphore, #tpu.memory_space<semaphore_mem>>
      %dma_start3A_179 = arith.constant 0 : i32
      %dma_start3A_180 = tpu.memref_slice %arg7[%run_scoped3A_72, %dma_start3A_179] : memref<125x80xi32, #tpu.memory_space<vmem>> -> memref<1x80xi32, #tpu.memory_space<vmem>>
      %dma_start3A_181 = tpu.memref_squeeze %dma_start3A_180 : memref<1x80xi32, #tpu.memory_space<vmem>> -> memref<80xi32, #tpu.memory_space<vmem>>
      %dma_start3A_182 = arith.constant 0 : i32
      %dma_start3A_183 = arith.constant 0 : i32
      %dma_start3A_184 = tpu.memref_slice %arg14[%dma_start3A_182, %dma_start3A_183] : memref<10240x64xf32, #tpu.memory_space<vmem_shared>> -> memref<10240x64xf32, #tpu.memory_space<vmem_shared>>
      tpu.enqueue_indirect_dma source(%arg9 : memref<80x64xf32, #tpu.memory_space<vmem>>) target(%dma_start3A_184 : memref<10240x64xf32, #tpu.memory_space<vmem_shared>>) offsets(%dma_start3A_181 : memref<80xi32, #tpu.memory_space<vmem>>) semaphore(%run_scoped3A_178 : memref<!tpu.dma_semaphore, #tpu.memory_space<semaphore_mem>>) {add = true}
      %dma_wait3A_185 = arith.constant 0 : i32
      %dma_wait3A_186 = tpu.memref_slice %arg7[%run_scoped3A_72, %dma_wait3A_185] : memref<125x80xi32, #tpu.memory_space<vmem>> -> memref<1x80xi32, #tpu.memory_space<vmem>>
      %dma_wait3A_187 = tpu.memref_squeeze %dma_wait3A_186 : memref<1x80xi32, #tpu.memory_space<vmem>> -> memref<80xi32, #tpu.memory_space<vmem>>
      %dma_wait3A_188 = arith.constant 0 : i32
      %dma_wait3A_189 = arith.constant 0 : i32
      %dma_wait3A_190 = tpu.memref_slice %arg14[%dma_wait3A_188, %dma_wait3A_189] : memref<10240x64xf32, #tpu.memory_space<vmem_shared>> -> memref<10240x64xf32, #tpu.memory_space<vmem_shared>>
      tpu.wait_indirect_dma semaphore(%run_scoped3A_178 : memref<!tpu.dma_semaphore, #tpu.memory_space<semaphore_mem>>) src(%arg9 : memref<80x64xf32, #tpu.memory_space<vmem>>) dst(%dma_wait3A_190 : memref<10240x64xf32, #tpu.memory_space<vmem_shared>>)
      tpu.yield
    }) : () -> ()
    %dma_start3A_73 = arith.constant 121 : i32
    %dma_start3A_74 = arith.constant 0 : i32
    %dma_start3A_75 = tpu.memref_slice %arg6[%dma_start3A_73, %dma_start3A_74] : memref<125x80xi32, #tpu.memory_space<vmem>> -> memref<1x80xi32, #tpu.memory_space<vmem>>
    %dma_start3A_76 = tpu.memref_squeeze %dma_start3A_75 : memref<1x80xi32, #tpu.memory_space<vmem>> -> memref<80xi32, #tpu.memory_space<vmem>>
    %dma_start3A_77 = arith.constant 0 : i32
    %dma_start3A_78 = arith.constant 0 : i32
    %dma_start3A_79 = tpu.memref_slice %arg3[%dma_start3A_77, %dma_start3A_78] : memref<10000x64xf32, #tpu.memory_space<hbm>> -> memref<10000x64xf32, #tpu.memory_space<hbm>>
    tpu.enqueue_indirect_dma source(%dma_start3A_79 : memref<10000x64xf32, #tpu.memory_space<hbm>>) target(%arg9 : memref<80x64xf32, #tpu.memory_space<vmem>>) offsets(%dma_start3A_76 : memref<80xi32, #tpu.memory_space<vmem>>) semaphore(%arg16 : memref<!tpu.dma_semaphore, #tpu.memory_space<semaphore_mem>>)
    %dma_wait3A_80 = arith.constant 0 : i32
    %dma_wait3A_81 = arith.constant 0 : i32
    %dma_wait3A_82 = tpu.memref_slice %arg6[%dma_wait3A_80, %dma_wait3A_81] : memref<125x80xi32, #tpu.memory_space<vmem>> -> memref<1x80xi32, #tpu.memory_space<vmem>>
    %dma_wait3A_83 = tpu.memref_squeeze %dma_wait3A_82 : memref<1x80xi32, #tpu.memory_space<vmem>> -> memref<80xi32, #tpu.memory_space<vmem>>
    %dma_wait3A_84 = arith.constant 0 : i32
    %dma_wait3A_85 = arith.constant 0 : i32
    %dma_wait3A_86 = tpu.memref_slice %arg3[%dma_wait3A_84, %dma_wait3A_85] : memref<10000x64xf32, #tpu.memory_space<hbm>> -> memref<10000x64xf32, #tpu.memory_space<hbm>>
    tpu.wait_indirect_dma semaphore(%arg17 : memref<!tpu.dma_semaphore, #tpu.memory_space<semaphore_mem>>) src(%dma_wait3A_86 : memref<10000x64xf32, #tpu.memory_space<hbm>>) dst(%arg10 : memref<80x64xf32, #tpu.memory_space<vmem>>)
    %run_scoped3A_87 = arith.constant 116 : i32
    "tpu.region"() ({
      %run_scoped3A_178 = tpu.sem_alloc : memref<!tpu.dma_semaphore, #tpu.memory_space<semaphore_mem>>
      %dma_start3A_179 = arith.constant 0 : i32
      %dma_start3A_180 = tpu.memref_slice %arg7[%run_scoped3A_87, %dma_start3A_179] : memref<125x80xi32, #tpu.memory_space<vmem>> -> memref<1x80xi32, #tpu.memory_space<vmem>>
      %dma_start3A_181 = tpu.memref_squeeze %dma_start3A_180 : memref<1x80xi32, #tpu.memory_space<vmem>> -> memref<80xi32, #tpu.memory_space<vmem>>
      %dma_start3A_182 = arith.constant 0 : i32
      %dma_start3A_183 = arith.constant 0 : i32
      %dma_start3A_184 = tpu.memref_slice %arg14[%dma_start3A_182, %dma_start3A_183] : memref<10240x64xf32, #tpu.memory_space<vmem_shared>> -> memref<10240x64xf32, #tpu.memory_space<vmem_shared>>
      tpu.enqueue_indirect_dma source(%arg10 : memref<80x64xf32, #tpu.memory_space<vmem>>) target(%dma_start3A_184 : memref<10240x64xf32, #tpu.memory_space<vmem_shared>>) offsets(%dma_start3A_181 : memref<80xi32, #tpu.memory_space<vmem>>) semaphore(%run_scoped3A_178 : memref<!tpu.dma_semaphore, #tpu.memory_space<semaphore_mem>>) {add = true}
      %dma_wait3A_185 = arith.constant 0 : i32
      %dma_wait3A_186 = tpu.memref_slice %arg7[%run_scoped3A_87, %dma_wait3A_185] : memref<125x80xi32, #tpu.memory_space<vmem>> -> memref<1x80xi32, #tpu.memory_space<vmem>>
      %dma_wait3A_187 = tpu.memref_squeeze %dma_wait3A_186 : memref<1x80xi32, #tpu.memory_space<vmem>> -> memref<80xi32, #tpu.memory_space<vmem>>
      %dma_wait3A_188 = arith.constant 0 : i32
      %dma_wait3A_189 = arith.constant 0 : i32
      %dma_wait3A_190 = tpu.memref_slice %arg14[%dma_wait3A_188, %dma_wait3A_189] : memref<10240x64xf32, #tpu.memory_space<vmem_shared>> -> memref<10240x64xf32, #tpu.memory_space<vmem_shared>>
      tpu.wait_indirect_dma semaphore(%run_scoped3A_178 : memref<!tpu.dma_semaphore, #tpu.memory_space<semaphore_mem>>) src(%arg10 : memref<80x64xf32, #tpu.memory_space<vmem>>) dst(%dma_wait3A_190 : memref<10240x64xf32, #tpu.memory_space<vmem_shared>>)
      tpu.yield
    }) : () -> ()
    %dma_start3A_88 = arith.constant 122 : i32
    %dma_start3A_89 = arith.constant 0 : i32
    %dma_start3A_90 = tpu.memref_slice %arg6[%dma_start3A_88, %dma_start3A_89] : memref<125x80xi32, #tpu.memory_space<vmem>> -> memref<1x80xi32, #tpu.memory_space<vmem>>
    %dma_start3A_91 = tpu.memref_squeeze %dma_start3A_90 : memref<1x80xi32, #tpu.memory_space<vmem>> -> memref<80xi32, #tpu.memory_space<vmem>>
    %dma_start3A_92 = arith.constant 0 : i32
    %dma_start3A_93 = arith.constant 0 : i32
    %dma_start3A_94 = tpu.memref_slice %arg3[%dma_start3A_92, %dma_start3A_93] : memref<10000x64xf32, #tpu.memory_space<hbm>> -> memref<10000x64xf32, #tpu.memory_space<hbm>>
    tpu.enqueue_indirect_dma source(%dma_start3A_94 : memref<10000x64xf32, #tpu.memory_space<hbm>>) target(%arg10 : memref<80x64xf32, #tpu.memory_space<vmem>>) offsets(%dma_start3A_91 : memref<80xi32, #tpu.memory_space<vmem>>) semaphore(%arg17 : memref<!tpu.dma_semaphore, #tpu.memory_space<semaphore_mem>>)
    %dma_wait3A_95 = arith.constant 0 : i32
    %dma_wait3A_96 = arith.constant 0 : i32
    %dma_wait3A_97 = tpu.memref_slice %arg6[%dma_wait3A_95, %dma_wait3A_96] : memref<125x80xi32, #tpu.memory_space<vmem>> -> memref<1x80xi32, #tpu.memory_space<vmem>>
    %dma_wait3A_98 = tpu.memref_squeeze %dma_wait3A_97 : memref<1x80xi32, #tpu.memory_space<vmem>> -> memref<80xi32, #tpu.memory_space<vmem>>
    %dma_wait3A_99 = arith.constant 0 : i32
    %dma_wait3A_100 = arith.constant 0 : i32
    %dma_wait3A_101 = tpu.memref_slice %arg3[%dma_wait3A_99, %dma_wait3A_100] : memref<10000x64xf32, #tpu.memory_space<hbm>> -> memref<10000x64xf32, #tpu.memory_space<hbm>>
    tpu.wait_indirect_dma semaphore(%arg18 : memref<!tpu.dma_semaphore, #tpu.memory_space<semaphore_mem>>) src(%dma_wait3A_101 : memref<10000x64xf32, #tpu.memory_space<hbm>>) dst(%arg11 : memref<80x64xf32, #tpu.memory_space<vmem>>)
    %run_scoped3A_102 = arith.constant 117 : i32
    "tpu.region"() ({
      %run_scoped3A_178 = tpu.sem_alloc : memref<!tpu.dma_semaphore, #tpu.memory_space<semaphore_mem>>
      %dma_start3A_179 = arith.constant 0 : i32
      %dma_start3A_180 = tpu.memref_slice %arg7[%run_scoped3A_102, %dma_start3A_179] : memref<125x80xi32, #tpu.memory_space<vmem>> -> memref<1x80xi32, #tpu.memory_space<vmem>>
      %dma_start3A_181 = tpu.memref_squeeze %dma_start3A_180 : memref<1x80xi32, #tpu.memory_space<vmem>> -> memref<80xi32, #tpu.memory_space<vmem>>
      %dma_start3A_182 = arith.constant 0 : i32
      %dma_start3A_183 = arith.constant 0 : i32
      %dma_start3A_184 = tpu.memref_slice %arg14[%dma_start3A_182, %dma_start3A_183] : memref<10240x64xf32, #tpu.memory_space<vmem_shared>> -> memref<10240x64xf32, #tpu.memory_space<vmem_shared>>
      tpu.enqueue_indirect_dma source(%arg11 : memref<80x64xf32, #tpu.memory_space<vmem>>) target(%dma_start3A_184 : memref<10240x64xf32, #tpu.memory_space<vmem_shared>>) offsets(%dma_start3A_181 : memref<80xi32, #tpu.memory_space<vmem>>) semaphore(%run_scoped3A_178 : memref<!tpu.dma_semaphore, #tpu.memory_space<semaphore_mem>>) {add = true}
      %dma_wait3A_185 = arith.constant 0 : i32
      %dma_wait3A_186 = tpu.memref_slice %arg7[%run_scoped3A_102, %dma_wait3A_185] : memref<125x80xi32, #tpu.memory_space<vmem>> -> memref<1x80xi32, #tpu.memory_space<vmem>>
      %dma_wait3A_187 = tpu.memref_squeeze %dma_wait3A_186 : memref<1x80xi32, #tpu.memory_space<vmem>> -> memref<80xi32, #tpu.memory_space<vmem>>
      %dma_wait3A_188 = arith.constant 0 : i32
      %dma_wait3A_189 = arith.constant 0 : i32
      %dma_wait3A_190 = tpu.memref_slice %arg14[%dma_wait3A_188, %dma_wait3A_189] : memref<10240x64xf32, #tpu.memory_space<vmem_shared>> -> memref<10240x64xf32, #tpu.memory_space<vmem_shared>>
      tpu.wait_indirect_dma semaphore(%run_scoped3A_178 : memref<!tpu.dma_semaphore, #tpu.memory_space<semaphore_mem>>) src(%arg11 : memref<80x64xf32, #tpu.memory_space<vmem>>) dst(%dma_wait3A_190 : memref<10240x64xf32, #tpu.memory_space<vmem_shared>>)
      tpu.yield
    }) : () -> ()
    %dma_start3A_103 = arith.constant 123 : i32
    %dma_start3A_104 = arith.constant 0 : i32
    %dma_start3A_105 = tpu.memref_slice %arg6[%dma_start3A_103, %dma_start3A_104] : memref<125x80xi32, #tpu.memory_space<vmem>> -> memref<1x80xi32, #tpu.memory_space<vmem>>
    %dma_start3A_106 = tpu.memref_squeeze %dma_start3A_105 : memref<1x80xi32, #tpu.memory_space<vmem>> -> memref<80xi32, #tpu.memory_space<vmem>>
    %dma_start3A_107 = arith.constant 0 : i32
    %dma_start3A_108 = arith.constant 0 : i32
    %dma_start3A_109 = tpu.memref_slice %arg3[%dma_start3A_107, %dma_start3A_108] : memref<10000x64xf32, #tpu.memory_space<hbm>> -> memref<10000x64xf32, #tpu.memory_space<hbm>>
    tpu.enqueue_indirect_dma source(%dma_start3A_109 : memref<10000x64xf32, #tpu.memory_space<hbm>>) target(%arg11 : memref<80x64xf32, #tpu.memory_space<vmem>>) offsets(%dma_start3A_106 : memref<80xi32, #tpu.memory_space<vmem>>) semaphore(%arg18 : memref<!tpu.dma_semaphore, #tpu.memory_space<semaphore_mem>>)
    %dma_wait3A_110 = arith.constant 0 : i32
    %dma_wait3A_111 = arith.constant 0 : i32
    %dma_wait3A_112 = tpu.memref_slice %arg6[%dma_wait3A_110, %dma_wait3A_111] : memref<125x80xi32, #tpu.memory_space<vmem>> -> memref<1x80xi32, #tpu.memory_space<vmem>>
    %dma_wait3A_113 = tpu.memref_squeeze %dma_wait3A_112 : memref<1x80xi32, #tpu.memory_space<vmem>> -> memref<80xi32, #tpu.memory_space<vmem>>
    %dma_wait3A_114 = arith.constant 0 : i32
    %dma_wait3A_115 = arith.constant 0 : i32
    %dma_wait3A_116 = tpu.memref_slice %arg3[%dma_wait3A_114, %dma_wait3A_115] : memref<10000x64xf32, #tpu.memory_space<hbm>> -> memref<10000x64xf32, #tpu.memory_space<hbm>>
    tpu.wait_indirect_dma semaphore(%arg19 : memref<!tpu.dma_semaphore, #tpu.memory_space<semaphore_mem>>) src(%dma_wait3A_116 : memref<10000x64xf32, #tpu.memory_space<hbm>>) dst(%arg12 : memref<80x64xf32, #tpu.memory_space<vmem>>)
    %run_scoped3A_117 = arith.constant 118 : i32
    "tpu.region"() ({
      %run_scoped3A_178 = tpu.sem_alloc : memref<!tpu.dma_semaphore, #tpu.memory_space<semaphore_mem>>
      %dma_start3A_179 = arith.constant 0 : i32
      %dma_start3A_180 = tpu.memref_slice %arg7[%run_scoped3A_117, %dma_start3A_179] : memref<125x80xi32, #tpu.memory_space<vmem>> -> memref<1x80xi32, #tpu.memory_space<vmem>>
      %dma_start3A_181 = tpu.memref_squeeze %dma_start3A_180 : memref<1x80xi32, #tpu.memory_space<vmem>> -> memref<80xi32, #tpu.memory_space<vmem>>
      %dma_start3A_182 = arith.constant 0 : i32
      %dma_start3A_183 = arith.constant 0 : i32
      %dma_start3A_184 = tpu.memref_slice %arg14[%dma_start3A_182, %dma_start3A_183] : memref<10240x64xf32, #tpu.memory_space<vmem_shared>> -> memref<10240x64xf32, #tpu.memory_space<vmem_shared>>
      tpu.enqueue_indirect_dma source(%arg12 : memref<80x64xf32, #tpu.memory_space<vmem>>) target(%dma_start3A_184 : memref<10240x64xf32, #tpu.memory_space<vmem_shared>>) offsets(%dma_start3A_181 : memref<80xi32, #tpu.memory_space<vmem>>) semaphore(%run_scoped3A_178 : memref<!tpu.dma_semaphore, #tpu.memory_space<semaphore_mem>>) {add = true}
      %dma_wait3A_185 = arith.constant 0 : i32
      %dma_wait3A_186 = tpu.memref_slice %arg7[%run_scoped3A_117, %dma_wait3A_185] : memref<125x80xi32, #tpu.memory_space<vmem>> -> memref<1x80xi32, #tpu.memory_space<vmem>>
      %dma_wait3A_187 = tpu.memref_squeeze %dma_wait3A_186 : memref<1x80xi32, #tpu.memory_space<vmem>> -> memref<80xi32, #tpu.memory_space<vmem>>
      %dma_wait3A_188 = arith.constant 0 : i32
      %dma_wait3A_189 = arith.constant 0 : i32
      %dma_wait3A_190 = tpu.memref_slice %arg14[%dma_wait3A_188, %dma_wait3A_189] : memref<10240x64xf32, #tpu.memory_space<vmem_shared>> -> memref<10240x64xf32, #tpu.memory_space<vmem_shared>>
      tpu.wait_indirect_dma semaphore(%run_scoped3A_178 : memref<!tpu.dma_semaphore, #tpu.memory_space<semaphore_mem>>) src(%arg12 : memref<80x64xf32, #tpu.memory_space<vmem>>) dst(%dma_wait3A_190 : memref<10240x64xf32, #tpu.memory_space<vmem_shared>>)
      tpu.yield
    }) : () -> ()
    %dma_start3A_118 = arith.constant 124 : i32
    %dma_start3A_119 = arith.constant 0 : i32
    %dma_start3A_120 = tpu.memref_slice %arg6[%dma_start3A_118, %dma_start3A_119] : memref<125x80xi32, #tpu.memory_space<vmem>> -> memref<1x80xi32, #tpu.memory_space<vmem>>
    %dma_start3A_121 = tpu.memref_squeeze %dma_start3A_120 : memref<1x80xi32, #tpu.memory_space<vmem>> -> memref<80xi32, #tpu.memory_space<vmem>>
    %dma_start3A_122 = arith.constant 0 : i32
    %dma_start3A_123 = arith.constant 0 : i32
    %dma_start3A_124 = tpu.memref_slice %arg3[%dma_start3A_122, %dma_start3A_123] : memref<10000x64xf32, #tpu.memory_space<hbm>> -> memref<10000x64xf32, #tpu.memory_space<hbm>>
    tpu.enqueue_indirect_dma source(%dma_start3A_124 : memref<10000x64xf32, #tpu.memory_space<hbm>>) target(%arg12 : memref<80x64xf32, #tpu.memory_space<vmem>>) offsets(%dma_start3A_121 : memref<80xi32, #tpu.memory_space<vmem>>) semaphore(%arg19 : memref<!tpu.dma_semaphore, #tpu.memory_space<semaphore_mem>>)
    %dma_wait3A_125 = arith.constant 0 : i32
    %dma_wait3A_126 = arith.constant 0 : i32
    %dma_wait3A_127 = tpu.memref_slice %arg6[%dma_wait3A_125, %dma_wait3A_126] : memref<125x80xi32, #tpu.memory_space<vmem>> -> memref<1x80xi32, #tpu.memory_space<vmem>>
    %dma_wait3A_128 = tpu.memref_squeeze %dma_wait3A_127 : memref<1x80xi32, #tpu.memory_space<vmem>> -> memref<80xi32, #tpu.memory_space<vmem>>
    %dma_wait3A_129 = arith.constant 0 : i32
    %dma_wait3A_130 = arith.constant 0 : i32
    %dma_wait3A_131 = tpu.memref_slice %arg3[%dma_wait3A_129, %dma_wait3A_130] : memref<10000x64xf32, #tpu.memory_space<hbm>> -> memref<10000x64xf32, #tpu.memory_space<hbm>>
    tpu.wait_indirect_dma semaphore(%arg20 : memref<!tpu.dma_semaphore, #tpu.memory_space<semaphore_mem>>) src(%dma_wait3A_131 : memref<10000x64xf32, #tpu.memory_space<hbm>>) dst(%arg13 : memref<80x64xf32, #tpu.memory_space<vmem>>)
    %run_scoped3A_132 = arith.constant 119 : i32
    "tpu.region"() ({
      %run_scoped3A_178 = tpu.sem_alloc : memref<!tpu.dma_semaphore, #tpu.memory_space<semaphore_mem>>
      %dma_start3A_179 = arith.constant 0 : i32
      %dma_start3A_180 = tpu.memref_slice %arg7[%run_scoped3A_132, %dma_start3A_179] : memref<125x80xi32, #tpu.memory_space<vmem>> -> memref<1x80xi32, #tpu.memory_space<vmem>>
      %dma_start3A_181 = tpu.memref_squeeze %dma_start3A_180 : memref<1x80xi32, #tpu.memory_space<vmem>> -> memref<80xi32, #tpu.memory_space<vmem>>
      %dma_start3A_182 = arith.constant 0 : i32
      %dma_start3A_183 = arith.constant 0 : i32
      %dma_start3A_184 = tpu.memref_slice %arg14[%dma_start3A_182, %dma_start3A_183] : memref<10240x64xf32, #tpu.memory_space<vmem_shared>> -> memref<10240x64xf32, #tpu.memory_space<vmem_shared>>
      tpu.enqueue_indirect_dma source(%arg13 : memref<80x64xf32, #tpu.memory_space<vmem>>) target(%dma_start3A_184 : memref<10240x64xf32, #tpu.memory_space<vmem_shared>>) offsets(%dma_start3A_181 : memref<80xi32, #tpu.memory_space<vmem>>) semaphore(%run_scoped3A_178 : memref<!tpu.dma_semaphore, #tpu.memory_space<semaphore_mem>>) {add = true}
      %dma_wait3A_185 = arith.constant 0 : i32
      %dma_wait3A_186 = tpu.memref_slice %arg7[%run_scoped3A_132, %dma_wait3A_185] : memref<125x80xi32, #tpu.memory_space<vmem>> -> memref<1x80xi32, #tpu.memory_space<vmem>>
      %dma_wait3A_187 = tpu.memref_squeeze %dma_wait3A_186 : memref<1x80xi32, #tpu.memory_space<vmem>> -> memref<80xi32, #tpu.memory_space<vmem>>
      %dma_wait3A_188 = arith.constant 0 : i32
      %dma_wait3A_189 = arith.constant 0 : i32
      %dma_wait3A_190 = tpu.memref_slice %arg14[%dma_wait3A_188, %dma_wait3A_189] : memref<10240x64xf32, #tpu.memory_space<vmem_shared>> -> memref<10240x64xf32, #tpu.memory_space<vmem_shared>>
      tpu.wait_indirect_dma semaphore(%run_scoped3A_178 : memref<!tpu.dma_semaphore, #tpu.memory_space<semaphore_mem>>) src(%arg13 : memref<80x64xf32, #tpu.memory_space<vmem>>) dst(%dma_wait3A_190 : memref<10240x64xf32, #tpu.memory_space<vmem_shared>>)
      tpu.yield
    }) : () -> ()
    %dma_wait3A_133 = arith.constant 0 : i32
    %dma_wait3A_134 = arith.constant 0 : i32
    %dma_wait3A_135 = tpu.memref_slice %arg6[%dma_wait3A_133, %dma_wait3A_134] : memref<125x80xi32, #tpu.memory_space<vmem>> -> memref<1x80xi32, #tpu.memory_space<vmem>>
    %dma_wait3A_136 = tpu.memref_squeeze %dma_wait3A_135 : memref<1x80xi32, #tpu.memory_space<vmem>> -> memref<80xi32, #tpu.memory_space<vmem>>
    %dma_wait3A_137 = arith.constant 0 : i32
    %dma_wait3A_138 = arith.constant 0 : i32
    %dma_wait3A_139 = tpu.memref_slice %arg3[%dma_wait3A_137, %dma_wait3A_138] : memref<10000x64xf32, #tpu.memory_space<hbm>> -> memref<10000x64xf32, #tpu.memory_space<hbm>>
    tpu.wait_indirect_dma semaphore(%arg15 : memref<!tpu.dma_semaphore, #tpu.memory_space<semaphore_mem>>) src(%dma_wait3A_139 : memref<10000x64xf32, #tpu.memory_space<hbm>>) dst(%arg8 : memref<80x64xf32, #tpu.memory_space<vmem>>)
    %run_scoped3A_140 = arith.constant 120 : i32
    "tpu.region"() ({
      %run_scoped3A_178 = tpu.sem_alloc : memref<!tpu.dma_semaphore, #tpu.memory_space<semaphore_mem>>
      %dma_start3A_179 = arith.constant 0 : i32
      %dma_start3A_180 = tpu.memref_slice %arg7[%run_scoped3A_140, %dma_start3A_179] : memref<125x80xi32, #tpu.memory_space<vmem>> -> memref<1x80xi32, #tpu.memory_space<vmem>>
      %dma_start3A_181 = tpu.memref_squeeze %dma_start3A_180 : memref<1x80xi32, #tpu.memory_space<vmem>> -> memref<80xi32, #tpu.memory_space<vmem>>
      %dma_start3A_182 = arith.constant 0 : i32
      %dma_start3A_183 = arith.constant 0 : i32
      %dma_start3A_184 = tpu.memref_slice %arg14[%dma_start3A_182, %dma_start3A_183] : memref<10240x64xf32, #tpu.memory_space<vmem_shared>> -> memref<10240x64xf32, #tpu.memory_space<vmem_shared>>
      tpu.enqueue_indirect_dma source(%arg8 : memref<80x64xf32, #tpu.memory_space<vmem>>) target(%dma_start3A_184 : memref<10240x64xf32, #tpu.memory_space<vmem_shared>>) offsets(%dma_start3A_181 : memref<80xi32, #tpu.memory_space<vmem>>) semaphore(%run_scoped3A_178 : memref<!tpu.dma_semaphore, #tpu.memory_space<semaphore_mem>>) {add = true}
      %dma_wait3A_185 = arith.constant 0 : i32
      %dma_wait3A_186 = tpu.memref_slice %arg7[%run_scoped3A_140, %dma_wait3A_185] : memref<125x80xi32, #tpu.memory_space<vmem>> -> memref<1x80xi32, #tpu.memory_space<vmem>>
      %dma_wait3A_187 = tpu.memref_squeeze %dma_wait3A_186 : memref<1x80xi32, #tpu.memory_space<vmem>> -> memref<80xi32, #tpu.memory_space<vmem>>
      %dma_wait3A_188 = arith.constant 0 : i32
      %dma_wait3A_189 = arith.constant 0 : i32
      %dma_wait3A_190 = tpu.memref_slice %arg14[%dma_wait3A_188, %dma_wait3A_189] : memref<10240x64xf32, #tpu.memory_space<vmem_shared>> -> memref<10240x64xf32, #tpu.memory_space<vmem_shared>>
      tpu.wait_indirect_dma semaphore(%run_scoped3A_178 : memref<!tpu.dma_semaphore, #tpu.memory_space<semaphore_mem>>) src(%arg8 : memref<80x64xf32, #tpu.memory_space<vmem>>) dst(%dma_wait3A_190 : memref<10240x64xf32, #tpu.memory_space<vmem_shared>>)
      tpu.yield
    }) : () -> ()
    %dma_wait3A_141 = arith.constant 0 : i32
    %dma_wait3A_142 = arith.constant 0 : i32
    %dma_wait3A_143 = tpu.memref_slice %arg6[%dma_wait3A_141, %dma_wait3A_142] : memref<125x80xi32, #tpu.memory_space<vmem>> -> memref<1x80xi32, #tpu.memory_space<vmem>>
    %dma_wait3A_144 = tpu.memref_squeeze %dma_wait3A_143 : memref<1x80xi32, #tpu.memory_space<vmem>> -> memref<80xi32, #tpu.memory_space<vmem>>
    %dma_wait3A_145 = arith.constant 0 : i32
    %dma_wait3A_146 = arith.constant 0 : i32
    %dma_wait3A_147 = tpu.memref_slice %arg3[%dma_wait3A_145, %dma_wait3A_146] : memref<10000x64xf32, #tpu.memory_space<hbm>> -> memref<10000x64xf32, #tpu.memory_space<hbm>>
    tpu.wait_indirect_dma semaphore(%arg16 : memref<!tpu.dma_semaphore, #tpu.memory_space<semaphore_mem>>) src(%dma_wait3A_147 : memref<10000x64xf32, #tpu.memory_space<hbm>>) dst(%arg9 : memref<80x64xf32, #tpu.memory_space<vmem>>)
    %run_scoped3A_148 = arith.constant 121 : i32
    "tpu.region"() ({
      %run_scoped3A_178 = tpu.sem_alloc : memref<!tpu.dma_semaphore, #tpu.memory_space<semaphore_mem>>
      %dma_start3A_179 = arith.constant 0 : i32
      %dma_start3A_180 = tpu.memref_slice %arg7[%run_scoped3A_148, %dma_start3A_179] : memref<125x80xi32, #tpu.memory_space<vmem>> -> memref<1x80xi32, #tpu.memory_space<vmem>>
      %dma_start3A_181 = tpu.memref_squeeze %dma_start3A_180 : memref<1x80xi32, #tpu.memory_space<vmem>> -> memref<80xi32, #tpu.memory_space<vmem>>
      %dma_start3A_182 = arith.constant 0 : i32
      %dma_start3A_183 = arith.constant 0 : i32
      %dma_start3A_184 = tpu.memref_slice %arg14[%dma_start3A_182, %dma_start3A_183] : memref<10240x64xf32, #tpu.memory_space<vmem_shared>> -> memref<10240x64xf32, #tpu.memory_space<vmem_shared>>
      tpu.enqueue_indirect_dma source(%arg9 : memref<80x64xf32, #tpu.memory_space<vmem>>) target(%dma_start3A_184 : memref<10240x64xf32, #tpu.memory_space<vmem_shared>>) offsets(%dma_start3A_181 : memref<80xi32, #tpu.memory_space<vmem>>) semaphore(%run_scoped3A_178 : memref<!tpu.dma_semaphore, #tpu.memory_space<semaphore_mem>>) {add = true}
      %dma_wait3A_185 = arith.constant 0 : i32
      %dma_wait3A_186 = tpu.memref_slice %arg7[%run_scoped3A_148, %dma_wait3A_185] : memref<125x80xi32, #tpu.memory_space<vmem>> -> memref<1x80xi32, #tpu.memory_space<vmem>>
      %dma_wait3A_187 = tpu.memref_squeeze %dma_wait3A_186 : memref<1x80xi32, #tpu.memory_space<vmem>> -> memref<80xi32, #tpu.memory_space<vmem>>
      %dma_wait3A_188 = arith.constant 0 : i32
      %dma_wait3A_189 = arith.constant 0 : i32
      %dma_wait3A_190 = tpu.memref_slice %arg14[%dma_wait3A_188, %dma_wait3A_189] : memref<10240x64xf32, #tpu.memory_space<vmem_shared>> -> memref<10240x64xf32, #tpu.memory_space<vmem_shared>>
      tpu.wait_indirect_dma semaphore(%run_scoped3A_178 : memref<!tpu.dma_semaphore, #tpu.memory_space<semaphore_mem>>) src(%arg9 : memref<80x64xf32, #tpu.memory_space<vmem>>) dst(%dma_wait3A_190 : memref<10240x64xf32, #tpu.memory_space<vmem_shared>>)
      tpu.yield
    }) : () -> ()
    %dma_wait3A_149 = arith.constant 0 : i32
    %dma_wait3A_150 = arith.constant 0 : i32
    %dma_wait3A_151 = tpu.memref_slice %arg6[%dma_wait3A_149, %dma_wait3A_150] : memref<125x80xi32, #tpu.memory_space<vmem>> -> memref<1x80xi32, #tpu.memory_space<vmem>>
    %dma_wait3A_152 = tpu.memref_squeeze %dma_wait3A_151 : memref<1x80xi32, #tpu.memory_space<vmem>> -> memref<80xi32, #tpu.memory_space<vmem>>
    %dma_wait3A_153 = arith.constant 0 : i32
    %dma_wait3A_154 = arith.constant 0 : i32
    %dma_wait3A_155 = tpu.memref_slice %arg3[%dma_wait3A_153, %dma_wait3A_154] : memref<10000x64xf32, #tpu.memory_space<hbm>> -> memref<10000x64xf32, #tpu.memory_space<hbm>>
    tpu.wait_indirect_dma semaphore(%arg17 : memref<!tpu.dma_semaphore, #tpu.memory_space<semaphore_mem>>) src(%dma_wait3A_155 : memref<10000x64xf32, #tpu.memory_space<hbm>>) dst(%arg10 : memref<80x64xf32, #tpu.memory_space<vmem>>)
    %run_scoped3A_156 = arith.constant 122 : i32
    "tpu.region"() ({
      %run_scoped3A_178 = tpu.sem_alloc : memref<!tpu.dma_semaphore, #tpu.memory_space<semaphore_mem>>
      %dma_start3A_179 = arith.constant 0 : i32
      %dma_start3A_180 = tpu.memref_slice %arg7[%run_scoped3A_156, %dma_start3A_179] : memref<125x80xi32, #tpu.memory_space<vmem>> -> memref<1x80xi32, #tpu.memory_space<vmem>>
      %dma_start3A_181 = tpu.memref_squeeze %dma_start3A_180 : memref<1x80xi32, #tpu.memory_space<vmem>> -> memref<80xi32, #tpu.memory_space<vmem>>
      %dma_start3A_182 = arith.constant 0 : i32
      %dma_start3A_183 = arith.constant 0 : i32
      %dma_start3A_184 = tpu.memref_slice %arg14[%dma_start3A_182, %dma_start3A_183] : memref<10240x64xf32, #tpu.memory_space<vmem_shared>> -> memref<10240x64xf32, #tpu.memory_space<vmem_shared>>
      tpu.enqueue_indirect_dma source(%arg10 : memref<80x64xf32, #tpu.memory_space<vmem>>) target(%dma_start3A_184 : memref<10240x64xf32, #tpu.memory_space<vmem_shared>>) offsets(%dma_start3A_181 : memref<80xi32, #tpu.memory_space<vmem>>) semaphore(%run_scoped3A_178 : memref<!tpu.dma_semaphore, #tpu.memory_space<semaphore_mem>>) {add = true}
      %dma_wait3A_185 = arith.constant 0 : i32
      %dma_wait3A_186 = tpu.memref_slice %arg7[%run_scoped3A_156, %dma_wait3A_185] : memref<125x80xi32, #tpu.memory_space<vmem>> -> memref<1x80xi32, #tpu.memory_space<vmem>>
      %dma_wait3A_187 = tpu.memref_squeeze %dma_wait3A_186 : memref<1x80xi32, #tpu.memory_space<vmem>> -> memref<80xi32, #tpu.memory_space<vmem>>
      %dma_wait3A_188 = arith.constant 0 : i32
      %dma_wait3A_189 = arith.constant 0 : i32
      %dma_wait3A_190 = tpu.memref_slice %arg14[%dma_wait3A_188, %dma_wait3A_189] : memref<10240x64xf32, #tpu.memory_space<vmem_shared>> -> memref<10240x64xf32, #tpu.memory_space<vmem_shared>>
      tpu.wait_indirect_dma semaphore(%run_scoped3A_178 : memref<!tpu.dma_semaphore, #tpu.memory_space<semaphore_mem>>) src(%arg10 : memref<80x64xf32, #tpu.memory_space<vmem>>) dst(%dma_wait3A_190 : memref<10240x64xf32, #tpu.memory_space<vmem_shared>>)
      tpu.yield
    }) : () -> ()
    %dma_wait3A_157 = arith.constant 0 : i32
    %dma_wait3A_158 = arith.constant 0 : i32
    %dma_wait3A_159 = tpu.memref_slice %arg6[%dma_wait3A_157, %dma_wait3A_158] : memref<125x80xi32, #tpu.memory_space<vmem>> -> memref<1x80xi32, #tpu.memory_space<vmem>>
    %dma_wait3A_160 = tpu.memref_squeeze %dma_wait3A_159 : memref<1x80xi32, #tpu.memory_space<vmem>> -> memref<80xi32, #tpu.memory_space<vmem>>
    %dma_wait3A_161 = arith.constant 0 : i32
    %dma_wait3A_162 = arith.constant 0 : i32
    %dma_wait3A_163 = tpu.memref_slice %arg3[%dma_wait3A_161, %dma_wait3A_162] : memref<10000x64xf32, #tpu.memory_space<hbm>> -> memref<10000x64xf32, #tpu.memory_space<hbm>>
    tpu.wait_indirect_dma semaphore(%arg18 : memref<!tpu.dma_semaphore, #tpu.memory_space<semaphore_mem>>) src(%dma_wait3A_163 : memref<10000x64xf32, #tpu.memory_space<hbm>>) dst(%arg11 : memref<80x64xf32, #tpu.memory_space<vmem>>)
    %run_scoped3A_164 = arith.constant 123 : i32
    "tpu.region"() ({
      %run_scoped3A_178 = tpu.sem_alloc : memref<!tpu.dma_semaphore, #tpu.memory_space<semaphore_mem>>
      %dma_start3A_179 = arith.constant 0 : i32
      %dma_start3A_180 = tpu.memref_slice %arg7[%run_scoped3A_164, %dma_start3A_179] : memref<125x80xi32, #tpu.memory_space<vmem>> -> memref<1x80xi32, #tpu.memory_space<vmem>>
      %dma_start3A_181 = tpu.memref_squeeze %dma_start3A_180 : memref<1x80xi32, #tpu.memory_space<vmem>> -> memref<80xi32, #tpu.memory_space<vmem>>
      %dma_start3A_182 = arith.constant 0 : i32
      %dma_start3A_183 = arith.constant 0 : i32
      %dma_start3A_184 = tpu.memref_slice %arg14[%dma_start3A_182, %dma_start3A_183] : memref<10240x64xf32, #tpu.memory_space<vmem_shared>> -> memref<10240x64xf32, #tpu.memory_space<vmem_shared>>
      tpu.enqueue_indirect_dma source(%arg11 : memref<80x64xf32, #tpu.memory_space<vmem>>) target(%dma_start3A_184 : memref<10240x64xf32, #tpu.memory_space<vmem_shared>>) offsets(%dma_start3A_181 : memref<80xi32, #tpu.memory_space<vmem>>) semaphore(%run_scoped3A_178 : memref<!tpu.dma_semaphore, #tpu.memory_space<semaphore_mem>>) {add = true}
      %dma_wait3A_185 = arith.constant 0 : i32
      %dma_wait3A_186 = tpu.memref_slice %arg7[%run_scoped3A_164, %dma_wait3A_185] : memref<125x80xi32, #tpu.memory_space<vmem>> -> memref<1x80xi32, #tpu.memory_space<vmem>>
      %dma_wait3A_187 = tpu.memref_squeeze %dma_wait3A_186 : memref<1x80xi32, #tpu.memory_space<vmem>> -> memref<80xi32, #tpu.memory_space<vmem>>
      %dma_wait3A_188 = arith.constant 0 : i32
      %dma_wait3A_189 = arith.constant 0 : i32
      %dma_wait3A_190 = tpu.memref_slice %arg14[%dma_wait3A_188, %dma_wait3A_189] : memref<10240x64xf32, #tpu.memory_space<vmem_shared>> -> memref<10240x64xf32, #tpu.memory_space<vmem_shared>>
      tpu.wait_indirect_dma semaphore(%run_scoped3A_178 : memref<!tpu.dma_semaphore, #tpu.memory_space<semaphore_mem>>) src(%arg11 : memref<80x64xf32, #tpu.memory_space<vmem>>) dst(%dma_wait3A_190 : memref<10240x64xf32, #tpu.memory_space<vmem_shared>>)
      tpu.yield
    }) : () -> ()
    %dma_wait3A_165 = arith.constant 0 : i32
    %dma_wait3A_166 = arith.constant 0 : i32
    %dma_wait3A_167 = tpu.memref_slice %arg6[%dma_wait3A_165, %dma_wait3A_166] : memref<125x80xi32, #tpu.memory_space<vmem>> -> memref<1x80xi32, #tpu.memory_space<vmem>>
    %dma_wait3A_168 = tpu.memref_squeeze %dma_wait3A_167 : memref<1x80xi32, #tpu.memory_space<vmem>> -> memref<80xi32, #tpu.memory_space<vmem>>
    %dma_wait3A_169 = arith.constant 0 : i32
    %dma_wait3A_170 = arith.constant 0 : i32
    %dma_wait3A_171 = tpu.memref_slice %arg3[%dma_wait3A_169, %dma_wait3A_170] : memref<10000x64xf32, #tpu.memory_space<hbm>> -> memref<10000x64xf32, #tpu.memory_space<hbm>>
    tpu.wait_indirect_dma semaphore(%arg19 : memref<!tpu.dma_semaphore, #tpu.memory_space<semaphore_mem>>) src(%dma_wait3A_171 : memref<10000x64xf32, #tpu.memory_space<hbm>>) dst(%arg12 : memref<80x64xf32, #tpu.memory_space<vmem>>)
    %run_scoped3A_172 = arith.constant 124 : i32
    "tpu.region"() ({
      %run_scoped3A_178 = tpu.sem_alloc : memref<!tpu.dma_semaphore, #tpu.memory_space<semaphore_mem>>
      %dma_start3A_179 = arith.constant 0 : i32
      %dma_start3A_180 = tpu.memref_slice %arg7[%run_scoped3A_172, %dma_start3A_179] : memref<125x80xi32, #tpu.memory_space<vmem>> -> memref<1x80xi32, #tpu.memory_space<vmem>>
      %dma_start3A_181 = tpu.memref_squeeze %dma_start3A_180 : memref<1x80xi32, #tpu.memory_space<vmem>> -> memref<80xi32, #tpu.memory_space<vmem>>
      %dma_start3A_182 = arith.constant 0 : i32
      %dma_start3A_183 = arith.constant 0 : i32
      %dma_start3A_184 = tpu.memref_slice %arg14[%dma_start3A_182, %dma_start3A_183] : memref<10240x64xf32, #tpu.memory_space<vmem_shared>> -> memref<10240x64xf32, #tpu.memory_space<vmem_shared>>
      tpu.enqueue_indirect_dma source(%arg12 : memref<80x64xf32, #tpu.memory_space<vmem>>) target(%dma_start3A_184 : memref<10240x64xf32, #tpu.memory_space<vmem_shared>>) offsets(%dma_start3A_181 : memref<80xi32, #tpu.memory_space<vmem>>) semaphore(%run_scoped3A_178 : memref<!tpu.dma_semaphore, #tpu.memory_space<semaphore_mem>>) {add = true}
      %dma_wait3A_185 = arith.constant 0 : i32
      %dma_wait3A_186 = tpu.memref_slice %arg7[%run_scoped3A_172, %dma_wait3A_185] : memref<125x80xi32, #tpu.memory_space<vmem>> -> memref<1x80xi32, #tpu.memory_space<vmem>>
      %dma_wait3A_187 = tpu.memref_squeeze %dma_wait3A_186 : memref<1x80xi32, #tpu.memory_space<vmem>> -> memref<80xi32, #tpu.memory_space<vmem>>
      %dma_wait3A_188 = arith.constant 0 : i32
      %dma_wait3A_189 = arith.constant 0 : i32
      %dma_wait3A_190 = tpu.memref_slice %arg14[%dma_wait3A_188, %dma_wait3A_189] : memref<10240x64xf32, #tpu.memory_space<vmem_shared>> -> memref<10240x64xf32, #tpu.memory_space<vmem_shared>>
      tpu.wait_indirect_dma semaphore(%run_scoped3A_178 : memref<!tpu.dma_semaphore, #tpu.memory_space<semaphore_mem>>) src(%arg12 : memref<80x64xf32, #tpu.memory_space<vmem>>) dst(%dma_wait3A_190 : memref<10240x64xf32, #tpu.memory_space<vmem_shared>>)
      tpu.yield
    }) : () -> ()
    %barrier3A_173 = arith.constant 0 : index
    tpu.barrier barrier_id(%barrier3A_173)
    %mul3A_174 = arith.constant 640 : i32
    %mul3A_175 = arith.muli %arg1, %mul3A_174 : i32
    %mul3A_176 = arith.constant 640 : i32
    %mul3A_177 = arith.muli %arg1, %mul3A_176 : i32
    "tpu.region"() ({
      %run_scoped3A_178 = tpu.sem_alloc : memref<!tpu.dma_semaphore, #tpu.memory_space<semaphore_mem>>
      %dma_start3A_179 = arith.constant 0 : i32
      %dma_start3A_180 = tpu.memref_slice %arg5[%arg0, %mul3A_177, %dma_start3A_179] : memref<2x10240x64xf32, #tpu.memory_space<hbm>> -> memref<1x640x64xf32, #tpu.memory_space<hbm>>
      %dma_start3A_181 = tpu.memref_squeeze %dma_start3A_180 : memref<1x640x64xf32, #tpu.memory_space<hbm>> -> memref<640x64xf32, #tpu.memory_space<hbm>>
      %dma_start3A_182 = arith.constant 0 : i32
      %dma_start3A_183 = tpu.memref_slice %arg14[%mul3A_175, %dma_start3A_182] : memref<10240x64xf32, #tpu.memory_space<vmem_shared>> -> memref<640x64xf32, #tpu.memory_space<vmem_shared>>
      tpu.enqueue_dma source(%dma_start3A_183 : memref<640x64xf32, #tpu.memory_space<vmem_shared>>) target(%dma_start3A_181 : memref<640x64xf32, #tpu.memory_space<hbm>>) target_semaphore(%run_scoped3A_178 : memref<!tpu.dma_semaphore, #tpu.memory_space<semaphore_mem>>)
      %dma_wait3A_184 = arith.constant 0 : i32
      %dma_wait3A_185 = tpu.memref_slice %arg5[%arg0, %mul3A_177, %dma_wait3A_184] : memref<2x10240x64xf32, #tpu.memory_space<hbm>> -> memref<1x640x64xf32, #tpu.memory_space<hbm>>
      %dma_wait3A_186 = tpu.memref_squeeze %dma_wait3A_185 : memref<1x640x64xf32, #tpu.memory_space<hbm>> -> memref<640x64xf32, #tpu.memory_space<hbm>>
      %dma_wait3A_187 = arith.constant 0 : i32
      %dma_wait3A_188 = tpu.memref_slice %arg14[%mul3A_175, %dma_wait3A_187] : memref<10240x64xf32, #tpu.memory_space<vmem_shared>> -> memref<640x64xf32, #tpu.memory_space<vmem_shared>>
      tpu.wait_dma2 semaphore(%run_scoped3A_178 : memref<!tpu.dma_semaphore, #tpu.memory_space<semaphore_mem>>) src(%dma_wait3A_188 : memref<640x64xf32, #tpu.memory_space<vmem_shared>>) dst(%dma_wait3A_186 : memref<640x64xf32, #tpu.memory_space<hbm>>)
      tpu.yield
    }) : () -> ()
    return
  }
}

#map = affine_map<(d0, d1) -> (0, 0, 0, 0)>
#map1 = affine_map<(d0, d1) -> (0, 0)>
#map2 = affine_map<(d0, d1) -> (0, 0, 0)>
module attributes {stable_mosaic.version = 14 : i64} {
  func.func @_deg_body(%arg0: i32, %arg1: i32, %arg2: memref<2x32x125x80xi32, #tpu.memory_space<hbm>>, %arg3: memref<80x16xf32, #tpu.memory_space<hbm>>, %arg4: memref<10240x16xf32, #tpu.memory_space<hbm>>, %arg5: memref<2x10240x16xf32, #tpu.memory_space<hbm>>, %arg6: memref<125x80xi32, #tpu.memory_space<vmem>>, %arg7: memref<80x16xf32, #tpu.memory_space<vmem>>, %arg8: memref<10240x16xf32, #tpu.memory_space<vmem_shared>>, %arg9: memref<!tpu.dma_semaphore, #tpu.memory_space<semaphore_mem>>) attributes {dimension_semantics = [#tpu.dimension_semantics<core_parallel>, #tpu.dimension_semantics<subcore_parallel>], iteration_bounds = array<i64: 2, 16>, scalar_prefetch = 0 : i64, scratch_operands = 4 : i64, tpu.core_type = #tpu.core_type<sc_vector_subcore>, window_params = [{transform_indices = #map}, {transform_indices = #map1}, {transform_indices = #map1}, {transform_indices = #map2}]} {
    %mul3A = arith.constant 2 : i32
    %mul3A_0 = arith.muli %arg1, %mul3A : i32
    %add3A = arith.addi %mul3A_0, %arg0 : i32
    %mul3A_1 = arith.constant 640 : i32
    %mul3A_2 = arith.muli %arg1, %mul3A_1 : i32
    %mul3A_3 = arith.constant 640 : i32
    %mul3A_4 = arith.muli %arg1, %mul3A_3 : i32
    "tpu.region"() ({
      %run_scoped3A_14 = tpu.sem_alloc : memref<!tpu.dma_semaphore, #tpu.memory_space<semaphore_mem>>
      %dma_start3A = arith.constant 0 : i32
      %dma_start3A_15 = tpu.memref_slice %arg8[%mul3A_4, %dma_start3A] : memref<10240x16xf32, #tpu.memory_space<vmem_shared>> -> memref<640x16xf32, #tpu.memory_space<vmem_shared>>
      %dma_start3A_16 = arith.constant 0 : i32
      %dma_start3A_17 = tpu.memref_slice %arg4[%mul3A_2, %dma_start3A_16] : memref<10240x16xf32, #tpu.memory_space<hbm>> -> memref<640x16xf32, #tpu.memory_space<hbm>>
      tpu.enqueue_dma source(%dma_start3A_17 : memref<640x16xf32, #tpu.memory_space<hbm>>) target(%dma_start3A_15 : memref<640x16xf32, #tpu.memory_space<vmem_shared>>) target_semaphore(%run_scoped3A_14 : memref<!tpu.dma_semaphore, #tpu.memory_space<semaphore_mem>>)
      %dma_wait3A = arith.constant 0 : i32
      %dma_wait3A_18 = tpu.memref_slice %arg8[%mul3A_4, %dma_wait3A] : memref<10240x16xf32, #tpu.memory_space<vmem_shared>> -> memref<640x16xf32, #tpu.memory_space<vmem_shared>>
      %dma_wait3A_19 = arith.constant 0 : i32
      %dma_wait3A_20 = tpu.memref_slice %arg4[%mul3A_2, %dma_wait3A_19] : memref<10240x16xf32, #tpu.memory_space<hbm>> -> memref<640x16xf32, #tpu.memory_space<hbm>>
      tpu.wait_dma2 semaphore(%run_scoped3A_14 : memref<!tpu.dma_semaphore, #tpu.memory_space<semaphore_mem>>) src(%dma_wait3A_20 : memref<640x16xf32, #tpu.memory_space<hbm>>) dst(%dma_wait3A_18 : memref<640x16xf32, #tpu.memory_space<vmem_shared>>)
      tpu.yield
    }) : () -> ()
    %run_scoped3A = arith.constant 1 : i32
    "tpu.region"() ({
      %run_scoped3A_14 = tpu.sem_alloc : memref<!tpu.dma_semaphore, #tpu.memory_space<semaphore_mem>>
      %dma_start3A = arith.constant 0 : i32
      %dma_start3A_15 = arith.constant 0 : i32
      %dma_start3A_16 = tpu.memref_slice %arg2[%run_scoped3A, %add3A, %dma_start3A, %dma_start3A_15] : memref<2x32x125x80xi32, #tpu.memory_space<hbm>> -> memref<1x1x125x80xi32, #tpu.memory_space<hbm>>
      %dma_start3A_17 = tpu.memref_squeeze %dma_start3A_16 : memref<1x1x125x80xi32, #tpu.memory_space<hbm>> -> memref<125x80xi32, #tpu.memory_space<hbm>>
      %dma_start3A_18 = arith.constant 0 : i32
      %dma_start3A_19 = arith.constant 0 : i32
      %dma_start3A_20 = tpu.memref_slice %arg2[%run_scoped3A, %add3A, %dma_start3A_18, %dma_start3A_19] : memref<2x32x125x80xi32, #tpu.memory_space<hbm>> -> memref<1x1x125x80xi32, #tpu.memory_space<hbm>>
      %dma_start3A_21 = tpu.memref_squeeze %dma_start3A_20 : memref<1x1x125x80xi32, #tpu.memory_space<hbm>> -> memref<125x80xi32, #tpu.memory_space<hbm>>
      tpu.enqueue_dma source(%dma_start3A_21 : memref<125x80xi32, #tpu.memory_space<hbm>>) target(%arg6 : memref<125x80xi32, #tpu.memory_space<vmem>>) target_semaphore(%run_scoped3A_14 : memref<!tpu.dma_semaphore, #tpu.memory_space<semaphore_mem>>)
      %dma_wait3A = arith.constant 0 : i32
      %dma_wait3A_22 = arith.constant 0 : i32
      %dma_wait3A_23 = tpu.memref_slice %arg2[%run_scoped3A, %add3A, %dma_wait3A, %dma_wait3A_22] : memref<2x32x125x80xi32, #tpu.memory_space<hbm>> -> memref<1x1x125x80xi32, #tpu.memory_space<hbm>>
      %dma_wait3A_24 = tpu.memref_squeeze %dma_wait3A_23 : memref<1x1x125x80xi32, #tpu.memory_space<hbm>> -> memref<125x80xi32, #tpu.memory_space<hbm>>
      %dma_wait3A_25 = arith.constant 0 : i32
      %dma_wait3A_26 = arith.constant 0 : i32
      %dma_wait3A_27 = tpu.memref_slice %arg2[%run_scoped3A, %add3A, %dma_wait3A_25, %dma_wait3A_26] : memref<2x32x125x80xi32, #tpu.memory_space<hbm>> -> memref<1x1x125x80xi32, #tpu.memory_space<hbm>>
      %dma_wait3A_28 = tpu.memref_squeeze %dma_wait3A_27 : memref<1x1x125x80xi32, #tpu.memory_space<hbm>> -> memref<125x80xi32, #tpu.memory_space<hbm>>
      tpu.wait_dma2 semaphore(%run_scoped3A_14 : memref<!tpu.dma_semaphore, #tpu.memory_space<semaphore_mem>>) src(%dma_wait3A_28 : memref<125x80xi32, #tpu.memory_space<hbm>>) dst(%arg6 : memref<125x80xi32, #tpu.memory_space<vmem>>)
      tpu.yield
    }) : () -> ()
    "tpu.region"() ({
      %run_scoped3A_14 = tpu.sem_alloc : memref<!tpu.dma_semaphore, #tpu.memory_space<semaphore_mem>>
      tpu.enqueue_dma source(%arg3 : memref<80x16xf32, #tpu.memory_space<hbm>>) target(%arg7 : memref<80x16xf32, #tpu.memory_space<vmem>>) target_semaphore(%run_scoped3A_14 : memref<!tpu.dma_semaphore, #tpu.memory_space<semaphore_mem>>)
      tpu.wait_dma2 semaphore(%run_scoped3A_14 : memref<!tpu.dma_semaphore, #tpu.memory_space<semaphore_mem>>) src(%arg3 : memref<80x16xf32, #tpu.memory_space<hbm>>) dst(%arg7 : memref<80x16xf32, #tpu.memory_space<vmem>>)
      tpu.yield
    }) : () -> ()
    %barrier3A = arith.constant 0 : index
    tpu.barrier barrier_id(%barrier3A)
    %scan3A = arith.constant 0 : i32
    %scan3A_5 = arith.constant 125 : i32
    %scan3A_6 = arith.addi %scan3A, %scan3A_5 : i32
    %scan3A_7 = arith.constant 1 : i32
    scf.for %scan3A_14 = %scan3A to %scan3A_6 step %scan3A_7  : i32 {
      %mul3A_15 = arith.constant 1 : i32
      %mul3A_16 = arith.muli %scan3A_14, %mul3A_15 : i32
      %add3A_17 = arith.constant 0 : i32
      %add3A_18 = arith.addi %add3A_17, %mul3A_16 : i32
      "tpu.region"() ({
        %run_scoped3A_19 = tpu.sem_alloc : memref<!tpu.dma_semaphore, #tpu.memory_space<semaphore_mem>>
        %dma_start3A = arith.constant 0 : i32
        %dma_start3A_20 = tpu.memref_slice %arg6[%add3A_18, %dma_start3A] : memref<125x80xi32, #tpu.memory_space<vmem>> -> memref<1x80xi32, #tpu.memory_space<vmem>>
        %dma_start3A_21 = tpu.memref_squeeze %dma_start3A_20 : memref<1x80xi32, #tpu.memory_space<vmem>> -> memref<80xi32, #tpu.memory_space<vmem>>
        %dma_start3A_22 = arith.constant 0 : i32
        %dma_start3A_23 = arith.constant 0 : i32
        %dma_start3A_24 = tpu.memref_slice %arg8[%dma_start3A_22, %dma_start3A_23] : memref<10240x16xf32, #tpu.memory_space<vmem_shared>> -> memref<10240x16xf32, #tpu.memory_space<vmem_shared>>
        tpu.enqueue_indirect_dma source(%arg7 : memref<80x16xf32, #tpu.memory_space<vmem>>) target(%dma_start3A_24 : memref<10240x16xf32, #tpu.memory_space<vmem_shared>>) offsets(%dma_start3A_21 : memref<80xi32, #tpu.memory_space<vmem>>) semaphore(%run_scoped3A_19 : memref<!tpu.dma_semaphore, #tpu.memory_space<semaphore_mem>>) {add = true}
        %dma_wait3A = arith.constant 0 : i32
        %dma_wait3A_25 = tpu.memref_slice %arg6[%add3A_18, %dma_wait3A] : memref<125x80xi32, #tpu.memory_space<vmem>> -> memref<1x80xi32, #tpu.memory_space<vmem>>
        %dma_wait3A_26 = tpu.memref_squeeze %dma_wait3A_25 : memref<1x80xi32, #tpu.memory_space<vmem>> -> memref<80xi32, #tpu.memory_space<vmem>>
        %dma_wait3A_27 = arith.constant 0 : i32
        %dma_wait3A_28 = arith.constant 0 : i32
        %dma_wait3A_29 = tpu.memref_slice %arg8[%dma_wait3A_27, %dma_wait3A_28] : memref<10240x16xf32, #tpu.memory_space<vmem_shared>> -> memref<10240x16xf32, #tpu.memory_space<vmem_shared>>
        tpu.wait_indirect_dma semaphore(%run_scoped3A_19 : memref<!tpu.dma_semaphore, #tpu.memory_space<semaphore_mem>>) src(%arg7 : memref<80x16xf32, #tpu.memory_space<vmem>>) dst(%dma_wait3A_29 : memref<10240x16xf32, #tpu.memory_space<vmem_shared>>)
        tpu.yield
      }) : () -> ()
    }
    %scan3A_8 = arith.constant 125 : i32
    %barrier3A_9 = arith.constant 0 : index
    tpu.barrier barrier_id(%barrier3A_9)
    %mul3A_10 = arith.constant 640 : i32
    %mul3A_11 = arith.muli %arg1, %mul3A_10 : i32
    %mul3A_12 = arith.constant 640 : i32
    %mul3A_13 = arith.muli %arg1, %mul3A_12 : i32
    "tpu.region"() ({
      %run_scoped3A_14 = tpu.sem_alloc : memref<!tpu.dma_semaphore, #tpu.memory_space<semaphore_mem>>
      %dma_start3A = arith.constant 0 : i32
      %dma_start3A_15 = tpu.memref_slice %arg5[%arg0, %mul3A_13, %dma_start3A] : memref<2x10240x16xf32, #tpu.memory_space<hbm>> -> memref<1x640x16xf32, #tpu.memory_space<hbm>>
      %dma_start3A_16 = tpu.memref_squeeze %dma_start3A_15 : memref<1x640x16xf32, #tpu.memory_space<hbm>> -> memref<640x16xf32, #tpu.memory_space<hbm>>
      %dma_start3A_17 = arith.constant 0 : i32
      %dma_start3A_18 = tpu.memref_slice %arg8[%mul3A_11, %dma_start3A_17] : memref<10240x16xf32, #tpu.memory_space<vmem_shared>> -> memref<640x16xf32, #tpu.memory_space<vmem_shared>>
      tpu.enqueue_dma source(%dma_start3A_18 : memref<640x16xf32, #tpu.memory_space<vmem_shared>>) target(%dma_start3A_16 : memref<640x16xf32, #tpu.memory_space<hbm>>) target_semaphore(%run_scoped3A_14 : memref<!tpu.dma_semaphore, #tpu.memory_space<semaphore_mem>>)
      %dma_wait3A = arith.constant 0 : i32
      %dma_wait3A_19 = tpu.memref_slice %arg5[%arg0, %mul3A_13, %dma_wait3A] : memref<2x10240x16xf32, #tpu.memory_space<hbm>> -> memref<1x640x16xf32, #tpu.memory_space<hbm>>
      %dma_wait3A_20 = tpu.memref_squeeze %dma_wait3A_19 : memref<1x640x16xf32, #tpu.memory_space<hbm>> -> memref<640x16xf32, #tpu.memory_space<hbm>>
      %dma_wait3A_21 = arith.constant 0 : i32
      %dma_wait3A_22 = tpu.memref_slice %arg8[%mul3A_11, %dma_wait3A_21] : memref<10240x16xf32, #tpu.memory_space<vmem_shared>> -> memref<640x16xf32, #tpu.memory_space<vmem_shared>>
      tpu.wait_dma2 semaphore(%run_scoped3A_14 : memref<!tpu.dma_semaphore, #tpu.memory_space<semaphore_mem>>) src(%dma_wait3A_22 : memref<640x16xf32, #tpu.memory_space<vmem_shared>>) dst(%dma_wait3A_20 : memref<640x16xf32, #tpu.memory_space<hbm>>)
      tpu.yield
    }) : () -> ()
    return
  }
}

#map = affine_map<(d0, d1) -> (0, 0, 0, 0)>
#map1 = affine_map<(d0, d1) -> (0, 0)>
#map2 = affine_map<(d0, d1) -> (0, 0, 0)>
module attributes {stable_mosaic.version = 14 : i64} {
  func.func @_scat_body(%arg0: i32, %arg1: i32, %arg2: memref<2x32x125x80xi32, #tpu.memory_space<hbm>>, %arg3: memref<10000x64xf32, #tpu.memory_space<hbm>>, %arg4: memref<10240x64xf32, #tpu.memory_space<hbm>>, %arg5: memref<2x10240x64xf32, #tpu.memory_space<hbm>>, %arg6: memref<125x80xi32, #tpu.memory_space<vmem>>, %arg7: memref<125x80xi32, #tpu.memory_space<vmem>>, %arg8: memref<80x64xf32, #tpu.memory_space<vmem>>, %arg9: memref<80x64xf32, #tpu.memory_space<vmem>>, %arg10: memref<80x64xf32, #tpu.memory_space<vmem>>, %arg11: memref<80x64xf32, #tpu.memory_space<vmem>>, %arg12: memref<80x64xf32, #tpu.memory_space<vmem>>, %arg13: memref<80x64xf32, #tpu.memory_space<vmem>>, %arg14: memref<10240x64xf32, #tpu.memory_space<vmem_shared>>, %arg15: memref<!tpu.dma_semaphore, #tpu.memory_space<semaphore_mem>>, %arg16: memref<!tpu.dma_semaphore, #tpu.memory_space<semaphore_mem>>, %arg17: memref<!tpu.dma_semaphore, #tpu.memory_space<semaphore_mem>>, %arg18: memref<!tpu.dma_semaphore, #tpu.memory_space<semaphore_mem>>, %arg19: memref<!tpu.dma_semaphore, #tpu.memory_space<semaphore_mem>>, %arg20: memref<!tpu.dma_semaphore, #tpu.memory_space<semaphore_mem>>) attributes {dimension_semantics = [#tpu.dimension_semantics<core_parallel>, #tpu.dimension_semantics<subcore_parallel>], iteration_bounds = array<i64: 2, 16>, scalar_prefetch = 0 : i64, scratch_operands = 15 : i64, tpu.core_type = #tpu.core_type<sc_vector_subcore>, window_params = [{transform_indices = #map}, {transform_indices = #map1}, {transform_indices = #map1}, {transform_indices = #map2}]} {
    %mul3A = arith.constant 2 : i32
    %mul3A_0 = arith.muli %arg1, %mul3A : i32
    %add3A = arith.addi %mul3A_0, %arg0 : i32
    %mul3A_1 = arith.constant 640 : i32
    %mul3A_2 = arith.muli %arg1, %mul3A_1 : i32
    %mul3A_3 = arith.constant 640 : i32
    %mul3A_4 = arith.muli %arg1, %mul3A_3 : i32
    "tpu.region"() ({
      %run_scoped3A_178 = tpu.sem_alloc : memref<!tpu.dma_semaphore, #tpu.memory_space<semaphore_mem>>
      %dma_start3A_179 = arith.constant 0 : i32
      %dma_start3A_180 = tpu.memref_slice %arg14[%mul3A_4, %dma_start3A_179] : memref<10240x64xf32, #tpu.memory_space<vmem_shared>> -> memref<640x64xf32, #tpu.memory_space<vmem_shared>>
      %dma_start3A_181 = arith.constant 0 : i32
      %dma_start3A_182 = tpu.memref_slice %arg4[%mul3A_2, %dma_start3A_181] : memref<10240x64xf32, #tpu.memory_space<hbm>> -> memref<640x64xf32, #tpu.memory_space<hbm>>
      tpu.enqueue_dma source(%dma_start3A_182 : memref<640x64xf32, #tpu.memory_space<hbm>>) target(%dma_start3A_180 : memref<640x64xf32, #tpu.memory_space<vmem_shared>>) target_semaphore(%run_scoped3A_178 : memref<!tpu.dma_semaphore, #tpu.memory_space<semaphore_mem>>)
      %dma_wait3A_183 = arith.constant 0 : i32
      %dma_wait3A_184 = tpu.memref_slice %arg14[%mul3A_4, %dma_wait3A_183] : memref<10240x64xf32, #tpu.memory_space<vmem_shared>> -> memref<640x64xf32, #tpu.memory_space<vmem_shared>>
      %dma_wait3A_185 = arith.constant 0 : i32
      %dma_wait3A_186 = tpu.memref_slice %arg4[%mul3A_2, %dma_wait3A_185] : memref<10240x64xf32, #tpu.memory_space<hbm>> -> memref<640x64xf32, #tpu.memory_space<hbm>>
      tpu.wait_dma2 semaphore(%run_scoped3A_178 : memref<!tpu.dma_semaphore, #tpu.memory_space<semaphore_mem>>) src(%dma_wait3A_186 : memref<640x64xf32, #tpu.memory_space<hbm>>) dst(%dma_wait3A_184 : memref<640x64xf32, #tpu.memory_space<vmem_shared>>)
      tpu.yield
    }) : () -> ()
    %run_scoped3A = arith.constant 0 : i32
    "tpu.region"() ({
      %run_scoped3A_178 = tpu.sem_alloc : memref<!tpu.dma_semaphore, #tpu.memory_space<semaphore_mem>>
      %dma_start3A_179 = arith.constant 0 : i32
      %dma_start3A_180 = arith.constant 0 : i32
      %dma_start3A_181 = tpu.memref_slice %arg2[%run_scoped3A, %add3A, %dma_start3A_179, %dma_start3A_180] : memref<2x32x125x80xi32, #tpu.memory_space<hbm>> -> memref<1x1x125x80xi32, #tpu.memory_space<hbm>>
      %dma_start3A_182 = tpu.memref_squeeze %dma_start3A_181 : memref<1x1x125x80xi32, #tpu.memory_space<hbm>> -> memref<125x80xi32, #tpu.memory_space<hbm>>
      %dma_start3A_183 = arith.constant 0 : i32
      %dma_start3A_184 = arith.constant 0 : i32
      %dma_start3A_185 = tpu.memref_slice %arg2[%run_scoped3A, %add3A, %dma_start3A_183, %dma_start3A_184] : memref<2x32x125x80xi32, #tpu.memory_space<hbm>> -> memref<1x1x125x80xi32, #tpu.memory_space<hbm>>
      %dma_start3A_186 = tpu.memref_squeeze %dma_start3A_185 : memref<1x1x125x80xi32, #tpu.memory_space<hbm>> -> memref<125x80xi32, #tpu.memory_space<hbm>>
      tpu.enqueue_dma source(%dma_start3A_186 : memref<125x80xi32, #tpu.memory_space<hbm>>) target(%arg6 : memref<125x80xi32, #tpu.memory_space<vmem>>) target_semaphore(%run_scoped3A_178 : memref<!tpu.dma_semaphore, #tpu.memory_space<semaphore_mem>>)
      %dma_wait3A_187 = arith.constant 0 : i32
      %dma_wait3A_188 = arith.constant 0 : i32
      %dma_wait3A_189 = tpu.memref_slice %arg2[%run_scoped3A, %add3A, %dma_wait3A_187, %dma_wait3A_188] : memref<2x32x125x80xi32, #tpu.memory_space<hbm>> -> memref<1x1x125x80xi32, #tpu.memory_space<hbm>>
      %dma_wait3A_190 = tpu.memref_squeeze %dma_wait3A_189 : memref<1x1x125x80xi32, #tpu.memory_space<hbm>> -> memref<125x80xi32, #tpu.memory_space<hbm>>
      %dma_wait3A_191 = arith.constant 0 : i32
      %dma_wait3A_192 = arith.constant 0 : i32
      %dma_wait3A_193 = tpu.memref_slice %arg2[%run_scoped3A, %add3A, %dma_wait3A_191, %dma_wait3A_192] : memref<2x32x125x80xi32, #tpu.memory_space<hbm>> -> memref<1x1x125x80xi32, #tpu.memory_space<hbm>>
      %dma_wait3A_194 = tpu.memref_squeeze %dma_wait3A_193 : memref<1x1x125x80xi32, #tpu.memory_space<hbm>> -> memref<125x80xi32, #tpu.memory_space<hbm>>
      tpu.wait_dma2 semaphore(%run_scoped3A_178 : memref<!tpu.dma_semaphore, #tpu.memory_space<semaphore_mem>>) src(%dma_wait3A_194 : memref<125x80xi32, #tpu.memory_space<hbm>>) dst(%arg6 : memref<125x80xi32, #tpu.memory_space<vmem>>)
      tpu.yield
    }) : () -> ()
    %run_scoped3A_5 = arith.constant 1 : i32
    "tpu.region"() ({
      %run_scoped3A_178 = tpu.sem_alloc : memref<!tpu.dma_semaphore, #tpu.memory_space<semaphore_mem>>
      %dma_start3A_179 = arith.constant 0 : i32
      %dma_start3A_180 = arith.constant 0 : i32
      %dma_start3A_181 = tpu.memref_slice %arg2[%run_scoped3A_5, %add3A, %dma_start3A_179, %dma_start3A_180] : memref<2x32x125x80xi32, #tpu.memory_space<hbm>> -> memref<1x1x125x80xi32, #tpu.memory_space<hbm>>
      %dma_start3A_182 = tpu.memref_squeeze %dma_start3A_181 : memref<1x1x125x80xi32, #tpu.memory_space<hbm>> -> memref<125x80xi32, #tpu.memory_space<hbm>>
      %dma_start3A_183 = arith.constant 0 : i32
      %dma_start3A_184 = arith.constant 0 : i32
      %dma_start3A_185 = tpu.memref_slice %arg2[%run_scoped3A_5, %add3A, %dma_start3A_183, %dma_start3A_184] : memref<2x32x125x80xi32, #tpu.memory_space<hbm>> -> memref<1x1x125x80xi32, #tpu.memory_space<hbm>>
      %dma_start3A_186 = tpu.memref_squeeze %dma_start3A_185 : memref<1x1x125x80xi32, #tpu.memory_space<hbm>> -> memref<125x80xi32, #tpu.memory_space<hbm>>
      tpu.enqueue_dma source(%dma_start3A_186 : memref<125x80xi32, #tpu.memory_space<hbm>>) target(%arg7 : memref<125x80xi32, #tpu.memory_space<vmem>>) target_semaphore(%run_scoped3A_178 : memref<!tpu.dma_semaphore, #tpu.memory_space<semaphore_mem>>)
      %dma_wait3A_187 = arith.constant 0 : i32
      %dma_wait3A_188 = arith.constant 0 : i32
      %dma_wait3A_189 = tpu.memref_slice %arg2[%run_scoped3A_5, %add3A, %dma_wait3A_187, %dma_wait3A_188] : memref<2x32x125x80xi32, #tpu.memory_space<hbm>> -> memref<1x1x125x80xi32, #tpu.memory_space<hbm>>
      %dma_wait3A_190 = tpu.memref_squeeze %dma_wait3A_189 : memref<1x1x125x80xi32, #tpu.memory_space<hbm>> -> memref<125x80xi32, #tpu.memory_space<hbm>>
      %dma_wait3A_191 = arith.constant 0 : i32
      %dma_wait3A_192 = arith.constant 0 : i32
      %dma_wait3A_193 = tpu.memref_slice %arg2[%run_scoped3A_5, %add3A, %dma_wait3A_191, %dma_wait3A_192] : memref<2x32x125x80xi32, #tpu.memory_space<hbm>> -> memref<1x1x125x80xi32, #tpu.memory_space<hbm>>
      %dma_wait3A_194 = tpu.memref_squeeze %dma_wait3A_193 : memref<1x1x125x80xi32, #tpu.memory_space<hbm>> -> memref<125x80xi32, #tpu.memory_space<hbm>>
      tpu.wait_dma2 semaphore(%run_scoped3A_178 : memref<!tpu.dma_semaphore, #tpu.memory_space<semaphore_mem>>) src(%dma_wait3A_194 : memref<125x80xi32, #tpu.memory_space<hbm>>) dst(%arg7 : memref<125x80xi32, #tpu.memory_space<vmem>>)
      tpu.yield
    }) : () -> ()
    %barrier3A = arith.constant 0 : index
    tpu.barrier barrier_id(%barrier3A)
    %dma_start3A = arith.constant 0 : i32
    %dma_start3A_6 = arith.constant 0 : i32
    %dma_start3A_7 = tpu.memref_slice %arg6[%dma_start3A, %dma_start3A_6] : memref<125x80xi32, #tpu.memory_space<vmem>> -> memref<1x80xi32, #tpu.memory_space<vmem>>
    %dma_start3A_8 = tpu.memref_squeeze %dma_start3A_7 : memref<1x80xi32, #tpu.memory_space<vmem>> -> memref<80xi32, #tpu.memory_space<vmem>>
    %dma_start3A_9 = arith.constant 0 : i32
    %dma_start3A_10 = arith.constant 0 : i32
    %dma_start3A_11 = tpu.memref_slice %arg3[%dma_start3A_9, %dma_start3A_10] : memref<10000x64xf32, #tpu.memory_space<hbm>> -> memref<10000x64xf32, #tpu.memory_space<hbm>>
    tpu.enqueue_indirect_dma source(%dma_start3A_11 : memref<10000x64xf32, #tpu.memory_space<hbm>>) target(%arg8 : memref<80x64xf32, #tpu.memory_space<vmem>>) offsets(%dma_start3A_8 : memref<80xi32, #tpu.memory_space<vmem>>) semaphore(%arg15 : memref<!tpu.dma_semaphore, #tpu.memory_space<semaphore_mem>>)
    %dma_start3A_12 = arith.constant 1 : i32
    %dma_start3A_13 = arith.constant 0 : i32
    %dma_start3A_14 = tpu.memref_slice %arg6[%dma_start3A_12, %dma_start3A_13] : memref<125x80xi32, #tpu.memory_space<vmem>> -> memref<1x80xi32, #tpu.memory_space<vmem>>
    %dma_start3A_15 = tpu.memref_squeeze %dma_start3A_14 : memref<1x80xi32, #tpu.memory_space<vmem>> -> memref<80xi32, #tpu.memory_space<vmem>>
    %dma_start3A_16 = arith.constant 0 : i32
    %dma_start3A_17 = arith.constant 0 : i32
    %dma_start3A_18 = tpu.memref_slice %arg3[%dma_start3A_16, %dma_start3A_17] : memref<10000x64xf32, #tpu.memory_space<hbm>> -> memref<10000x64xf32, #tpu.memory_space<hbm>>
    tpu.enqueue_indirect_dma source(%dma_start3A_18 : memref<10000x64xf32, #tpu.memory_space<hbm>>) target(%arg9 : memref<80x64xf32, #tpu.memory_space<vmem>>) offsets(%dma_start3A_15 : memref<80xi32, #tpu.memory_space<vmem>>) semaphore(%arg16 : memref<!tpu.dma_semaphore, #tpu.memory_space<semaphore_mem>>)
    %dma_start3A_19 = arith.constant 2 : i32
    %dma_start3A_20 = arith.constant 0 : i32
    %dma_start3A_21 = tpu.memref_slice %arg6[%dma_start3A_19, %dma_start3A_20] : memref<125x80xi32, #tpu.memory_space<vmem>> -> memref<1x80xi32, #tpu.memory_space<vmem>>
    %dma_start3A_22 = tpu.memref_squeeze %dma_start3A_21 : memref<1x80xi32, #tpu.memory_space<vmem>> -> memref<80xi32, #tpu.memory_space<vmem>>
    %dma_start3A_23 = arith.constant 0 : i32
    %dma_start3A_24 = arith.constant 0 : i32
    %dma_start3A_25 = tpu.memref_slice %arg3[%dma_start3A_23, %dma_start3A_24] : memref<10000x64xf32, #tpu.memory_space<hbm>> -> memref<10000x64xf32, #tpu.memory_space<hbm>>
    tpu.enqueue_indirect_dma source(%dma_start3A_25 : memref<10000x64xf32, #tpu.memory_space<hbm>>) target(%arg10 : memref<80x64xf32, #tpu.memory_space<vmem>>) offsets(%dma_start3A_22 : memref<80xi32, #tpu.memory_space<vmem>>) semaphore(%arg17 : memref<!tpu.dma_semaphore, #tpu.memory_space<semaphore_mem>>)
    %dma_start3A_26 = arith.constant 3 : i32
    %dma_start3A_27 = arith.constant 0 : i32
    %dma_start3A_28 = tpu.memref_slice %arg6[%dma_start3A_26, %dma_start3A_27] : memref<125x80xi32, #tpu.memory_space<vmem>> -> memref<1x80xi32, #tpu.memory_space<vmem>>
    %dma_start3A_29 = tpu.memref_squeeze %dma_start3A_28 : memref<1x80xi32, #tpu.memory_space<vmem>> -> memref<80xi32, #tpu.memory_space<vmem>>
    %dma_start3A_30 = arith.constant 0 : i32
    %dma_start3A_31 = arith.constant 0 : i32
    %dma_start3A_32 = tpu.memref_slice %arg3[%dma_start3A_30, %dma_start3A_31] : memref<10000x64xf32, #tpu.memory_space<hbm>> -> memref<10000x64xf32, #tpu.memory_space<hbm>>
    tpu.enqueue_indirect_dma source(%dma_start3A_32 : memref<10000x64xf32, #tpu.memory_space<hbm>>) target(%arg11 : memref<80x64xf32, #tpu.memory_space<vmem>>) offsets(%dma_start3A_29 : memref<80xi32, #tpu.memory_space<vmem>>) semaphore(%arg18 : memref<!tpu.dma_semaphore, #tpu.memory_space<semaphore_mem>>)
    %dma_start3A_33 = arith.constant 4 : i32
    %dma_start3A_34 = arith.constant 0 : i32
    %dma_start3A_35 = tpu.memref_slice %arg6[%dma_start3A_33, %dma_start3A_34] : memref<125x80xi32, #tpu.memory_space<vmem>> -> memref<1x80xi32, #tpu.memory_space<vmem>>
    %dma_start3A_36 = tpu.memref_squeeze %dma_start3A_35 : memref<1x80xi32, #tpu.memory_space<vmem>> -> memref<80xi32, #tpu.memory_space<vmem>>
    %dma_start3A_37 = arith.constant 0 : i32
    %dma_start3A_38 = arith.constant 0 : i32
    %dma_start3A_39 = tpu.memref_slice %arg3[%dma_start3A_37, %dma_start3A_38] : memref<10000x64xf32, #tpu.memory_space<hbm>> -> memref<10000x64xf32, #tpu.memory_space<hbm>>
    tpu.enqueue_indirect_dma source(%dma_start3A_39 : memref<10000x64xf32, #tpu.memory_space<hbm>>) target(%arg12 : memref<80x64xf32, #tpu.memory_space<vmem>>) offsets(%dma_start3A_36 : memref<80xi32, #tpu.memory_space<vmem>>) semaphore(%arg19 : memref<!tpu.dma_semaphore, #tpu.memory_space<semaphore_mem>>)
    %dma_start3A_40 = arith.constant 5 : i32
    %dma_start3A_41 = arith.constant 0 : i32
    %dma_start3A_42 = tpu.memref_slice %arg6[%dma_start3A_40, %dma_start3A_41] : memref<125x80xi32, #tpu.memory_space<vmem>> -> memref<1x80xi32, #tpu.memory_space<vmem>>
    %dma_start3A_43 = tpu.memref_squeeze %dma_start3A_42 : memref<1x80xi32, #tpu.memory_space<vmem>> -> memref<80xi32, #tpu.memory_space<vmem>>
    %dma_start3A_44 = arith.constant 0 : i32
    %dma_start3A_45 = arith.constant 0 : i32
    %dma_start3A_46 = tpu.memref_slice %arg3[%dma_start3A_44, %dma_start3A_45] : memref<10000x64xf32, #tpu.memory_space<hbm>> -> memref<10000x64xf32, #tpu.memory_space<hbm>>
    tpu.enqueue_indirect_dma source(%dma_start3A_46 : memref<10000x64xf32, #tpu.memory_space<hbm>>) target(%arg13 : memref<80x64xf32, #tpu.memory_space<vmem>>) offsets(%dma_start3A_43 : memref<80xi32, #tpu.memory_space<vmem>>) semaphore(%arg20 : memref<!tpu.dma_semaphore, #tpu.memory_space<semaphore_mem>>)
    %scan3A = arith.constant 0 : i32
    %scan3A_47 = arith.constant 19 : i32
    %scan3A_48 = arith.addi %scan3A, %scan3A_47 : i32
    %scan3A_49 = arith.constant 1 : i32
    scf.for %scan3A_178 = %scan3A to %scan3A_48 step %scan3A_49  : i32 {
      %mul3A_179 = arith.constant 1 : i32
      %mul3A_180 = arith.muli %scan3A_178, %mul3A_179 : i32
      %add3A_181 = arith.constant 0 : i32
      %add3A_182 = arith.addi %add3A_181, %mul3A_180 : i32
      %mul3A_183 = arith.constant 6 : i32
      %mul3A_184 = arith.muli %add3A_182, %mul3A_183 : i32
      %add3A_185 = arith.constant 0 : i32
      %add3A_186 = arith.addi %mul3A_184, %add3A_185 : i32
      %dma_wait3A_187 = arith.constant 0 : i32
      %dma_wait3A_188 = arith.constant 0 : i32
      %dma_wait3A_189 = tpu.memref_slice %arg6[%dma_wait3A_187, %dma_wait3A_188] : memref<125x80xi32, #tpu.memory_space<vmem>> -> memref<1x80xi32, #tpu.memory_space<vmem>>
      %dma_wait3A_190 = tpu.memref_squeeze %dma_wait3A_189 : memref<1x80xi32, #tpu.memory_space<vmem>> -> memref<80xi32, #tpu.memory_space<vmem>>
      %dma_wait3A_191 = arith.constant 0 : i32
      %dma_wait3A_192 = arith.constant 0 : i32
      %dma_wait3A_193 = tpu.memref_slice %arg3[%dma_wait3A_191, %dma_wait3A_192] : memref<10000x64xf32, #tpu.memory_space<hbm>> -> memref<10000x64xf32, #tpu.memory_space<hbm>>
      tpu.wait_indirect_dma semaphore(%arg15 : memref<!tpu.dma_semaphore, #tpu.memory_space<semaphore_mem>>) src(%dma_wait3A_193 : memref<10000x64xf32, #tpu.memory_space<hbm>>) dst(%arg8 : memref<80x64xf32, #tpu.memory_space<vmem>>)
      "tpu.region"() ({
        %run_scoped3A_297 = tpu.sem_alloc : memref<!tpu.dma_semaphore, #tpu.memory_space<semaphore_mem>>
        %dma_start3A_298 = arith.constant 0 : i32
        %dma_start3A_299 = tpu.memref_slice %arg7[%add3A_186, %dma_start3A_298] : memref<125x80xi32, #tpu.memory_space<vmem>> -> memref<1x80xi32, #tpu.memory_space<vmem>>
        %dma_start3A_300 = tpu.memref_squeeze %dma_start3A_299 : memref<1x80xi32, #tpu.memory_space<vmem>> -> memref<80xi32, #tpu.memory_space<vmem>>
        %dma_start3A_301 = arith.constant 0 : i32
        %dma_start3A_302 = arith.constant 0 : i32
        %dma_start3A_303 = tpu.memref_slice %arg14[%dma_start3A_301, %dma_start3A_302] : memref<10240x64xf32, #tpu.memory_space<vmem_shared>> -> memref<10240x64xf32, #tpu.memory_space<vmem_shared>>
        tpu.enqueue_indirect_dma source(%arg8 : memref<80x64xf32, #tpu.memory_space<vmem>>) target(%dma_start3A_303 : memref<10240x64xf32, #tpu.memory_space<vmem_shared>>) offsets(%dma_start3A_300 : memref<80xi32, #tpu.memory_space<vmem>>) semaphore(%run_scoped3A_297 : memref<!tpu.dma_semaphore, #tpu.memory_space<semaphore_mem>>) {add = true}
        %dma_wait3A_304 = arith.constant 0 : i32
        %dma_wait3A_305 = tpu.memref_slice %arg7[%add3A_186, %dma_wait3A_304] : memref<125x80xi32, #tpu.memory_space<vmem>> -> memref<1x80xi32, #tpu.memory_space<vmem>>
        %dma_wait3A_306 = tpu.memref_squeeze %dma_wait3A_305 : memref<1x80xi32, #tpu.memory_space<vmem>> -> memref<80xi32, #tpu.memory_space<vmem>>
        %dma_wait3A_307 = arith.constant 0 : i32
        %dma_wait3A_308 = arith.constant 0 : i32
        %dma_wait3A_309 = tpu.memref_slice %arg14[%dma_wait3A_307, %dma_wait3A_308] : memref<10240x64xf32, #tpu.memory_space<vmem_shared>> -> memref<10240x64xf32, #tpu.memory_space<vmem_shared>>
        tpu.wait_indirect_dma semaphore(%run_scoped3A_297 : memref<!tpu.dma_semaphore, #tpu.memory_space<semaphore_mem>>) src(%arg8 : memref<80x64xf32, #tpu.memory_space<vmem>>) dst(%dma_wait3A_309 : memref<10240x64xf32, #tpu.memory_space<vmem_shared>>)
        tpu.yield
      }) : () -> ()
      %add3A_194 = arith.constant 6 : i32
      %add3A_195 = arith.addi %add3A_186, %add3A_194 : i32
      %dma_start3A_196 = arith.constant 0 : i32
      %dma_start3A_197 = tpu.memref_slice %arg6[%add3A_195, %dma_start3A_196] : memref<125x80xi32, #tpu.memory_space<vmem>> -> memref<1x80xi32, #tpu.memory_space<vmem>>
      %dma_start3A_198 = tpu.memref_squeeze %dma_start3A_197 : memref<1x80xi32, #tpu.memory_space<vmem>> -> memref<80xi32, #tpu.memory_space<vmem>>
      %dma_start3A_199 = arith.constant 0 : i32
      %dma_start3A_200 = arith.constant 0 : i32
      %dma_start3A_201 = tpu.memref_slice %arg3[%dma_start3A_199, %dma_start3A_200] : memref<10000x64xf32, #tpu.memory_space<hbm>> -> memref<10000x64xf32, #tpu.memory_space<hbm>>
      tpu.enqueue_indirect_dma source(%dma_start3A_201 : memref<10000x64xf32, #tpu.memory_space<hbm>>) target(%arg8 : memref<80x64xf32, #tpu.memory_space<vmem>>) offsets(%dma_start3A_198 : memref<80xi32, #tpu.memory_space<vmem>>) semaphore(%arg15 : memref<!tpu.dma_semaphore, #tpu.memory_space<semaphore_mem>>)
      %mul3A_202 = arith.constant 6 : i32
      %mul3A_203 = arith.muli %add3A_182, %mul3A_202 : i32
      %add3A_204 = arith.constant 1 : i32
      %add3A_205 = arith.addi %mul3A_203, %add3A_204 : i32
      %dma_wait3A_206 = arith.constant 0 : i32
      %dma_wait3A_207 = arith.constant 0 : i32
      %dma_wait3A_208 = tpu.memref_slice %arg6[%dma_wait3A_206, %dma_wait3A_207] : memref<125x80xi32, #tpu.memory_space<vmem>> -> memref<1x80xi32, #tpu.memory_space<vmem>>
      %dma_wait3A_209 = tpu.memref_squeeze %dma_wait3A_208 : memref<1x80xi32, #tpu.memory_space<vmem>> -> memref<80xi32, #tpu.memory_space<vmem>>
      %dma_wait3A_210 = arith.constant 0 : i32
      %dma_wait3A_211 = arith.constant 0 : i32
      %dma_wait3A_212 = tpu.memref_slice %arg3[%dma_wait3A_210, %dma_wait3A_211] : memref<10000x64xf32, #tpu.memory_space<hbm>> -> memref<10000x64xf32, #tpu.memory_space<hbm>>
      tpu.wait_indirect_dma semaphore(%arg16 : memref<!tpu.dma_semaphore, #tpu.memory_space<semaphore_mem>>) src(%dma_wait3A_212 : memref<10000x64xf32, #tpu.memory_space<hbm>>) dst(%arg9 : memref<80x64xf32, #tpu.memory_space<vmem>>)
      "tpu.region"() ({
        %run_scoped3A_297 = tpu.sem_alloc : memref<!tpu.dma_semaphore, #tpu.memory_space<semaphore_mem>>
        %dma_start3A_298 = arith.constant 0 : i32
        %dma_start3A_299 = tpu.memref_slice %arg7[%add3A_205, %dma_start3A_298] : memref<125x80xi32, #tpu.memory_space<vmem>> -> memref<1x80xi32, #tpu.memory_space<vmem>>
        %dma_start3A_300 = tpu.memref_squeeze %dma_start3A_299 : memref<1x80xi32, #tpu.memory_space<vmem>> -> memref<80xi32, #tpu.memory_space<vmem>>
        %dma_start3A_301 = arith.constant 0 : i32
        %dma_start3A_302 = arith.constant 0 : i32
        %dma_start3A_303 = tpu.memref_slice %arg14[%dma_start3A_301, %dma_start3A_302] : memref<10240x64xf32, #tpu.memory_space<vmem_shared>> -> memref<10240x64xf32, #tpu.memory_space<vmem_shared>>
        tpu.enqueue_indirect_dma source(%arg9 : memref<80x64xf32, #tpu.memory_space<vmem>>) target(%dma_start3A_303 : memref<10240x64xf32, #tpu.memory_space<vmem_shared>>) offsets(%dma_start3A_300 : memref<80xi32, #tpu.memory_space<vmem>>) semaphore(%run_scoped3A_297 : memref<!tpu.dma_semaphore, #tpu.memory_space<semaphore_mem>>) {add = true}
        %dma_wait3A_304 = arith.constant 0 : i32
        %dma_wait3A_305 = tpu.memref_slice %arg7[%add3A_205, %dma_wait3A_304] : memref<125x80xi32, #tpu.memory_space<vmem>> -> memref<1x80xi32, #tpu.memory_space<vmem>>
        %dma_wait3A_306 = tpu.memref_squeeze %dma_wait3A_305 : memref<1x80xi32, #tpu.memory_space<vmem>> -> memref<80xi32, #tpu.memory_space<vmem>>
        %dma_wait3A_307 = arith.constant 0 : i32
        %dma_wait3A_308 = arith.constant 0 : i32
        %dma_wait3A_309 = tpu.memref_slice %arg14[%dma_wait3A_307, %dma_wait3A_308] : memref<10240x64xf32, #tpu.memory_space<vmem_shared>> -> memref<10240x64xf32, #tpu.memory_space<vmem_shared>>
        tpu.wait_indirect_dma semaphore(%run_scoped3A_297 : memref<!tpu.dma_semaphore, #tpu.memory_space<semaphore_mem>>) src(%arg9 : memref<80x64xf32, #tpu.memory_space<vmem>>) dst(%dma_wait3A_309 : memref<10240x64xf32, #tpu.memory_space<vmem_shared>>)
        tpu.yield
      }) : () -> ()
      %add3A_213 = arith.constant 6 : i32
      %add3A_214 = arith.addi %add3A_205, %add3A_213 : i32
      %dma_start3A_215 = arith.constant 0 : i32
      %dma_start3A_216 = tpu.memref_slice %arg6[%add3A_214, %dma_start3A_215] : memref<125x80xi32, #tpu.memory_space<vmem>> -> memref<1x80xi32, #tpu.memory_space<vmem>>
      %dma_start3A_217 = tpu.memref_squeeze %dma_start3A_216 : memref<1x80xi32, #tpu.memory_space<vmem>> -> memref<80xi32, #tpu.memory_space<vmem>>
      %dma_start3A_218 = arith.constant 0 : i32
      %dma_start3A_219 = arith.constant 0 : i32
      %dma_start3A_220 = tpu.memref_slice %arg3[%dma_start3A_218, %dma_start3A_219] : memref<10000x64xf32, #tpu.memory_space<hbm>> -> memref<10000x64xf32, #tpu.memory_space<hbm>>
      tpu.enqueue_indirect_dma source(%dma_start3A_220 : memref<10000x64xf32, #tpu.memory_space<hbm>>) target(%arg9 : memref<80x64xf32, #tpu.memory_space<vmem>>) offsets(%dma_start3A_217 : memref<80xi32, #tpu.memory_space<vmem>>) semaphore(%arg16 : memref<!tpu.dma_semaphore, #tpu.memory_space<semaphore_mem>>)
      %mul3A_221 = arith.constant 6 : i32
      %mul3A_222 = arith.muli %add3A_182, %mul3A_221 : i32
      %add3A_223 = arith.constant 2 : i32
      %add3A_224 = arith.addi %mul3A_222, %add3A_223 : i32
      %dma_wait3A_225 = arith.constant 0 : i32
      %dma_wait3A_226 = arith.constant 0 : i32
      %dma_wait3A_227 = tpu.memref_slice %arg6[%dma_wait3A_225, %dma_wait3A_226] : memref<125x80xi32, #tpu.memory_space<vmem>> -> memref<1x80xi32, #tpu.memory_space<vmem>>
      %dma_wait3A_228 = tpu.memref_squeeze %dma_wait3A_227 : memref<1x80xi32, #tpu.memory_space<vmem>> -> memref<80xi32, #tpu.memory_space<vmem>>
      %dma_wait3A_229 = arith.constant 0 : i32
      %dma_wait3A_230 = arith.constant 0 : i32
      %dma_wait3A_231 = tpu.memref_slice %arg3[%dma_wait3A_229, %dma_wait3A_230] : memref<10000x64xf32, #tpu.memory_space<hbm>> -> memref<10000x64xf32, #tpu.memory_space<hbm>>
      tpu.wait_indirect_dma semaphore(%arg17 : memref<!tpu.dma_semaphore, #tpu.memory_space<semaphore_mem>>) src(%dma_wait3A_231 : memref<10000x64xf32, #tpu.memory_space<hbm>>) dst(%arg10 : memref<80x64xf32, #tpu.memory_space<vmem>>)
      "tpu.region"() ({
        %run_scoped3A_297 = tpu.sem_alloc : memref<!tpu.dma_semaphore, #tpu.memory_space<semaphore_mem>>
        %dma_start3A_298 = arith.constant 0 : i32
        %dma_start3A_299 = tpu.memref_slice %arg7[%add3A_224, %dma_start3A_298] : memref<125x80xi32, #tpu.memory_space<vmem>> -> memref<1x80xi32, #tpu.memory_space<vmem>>
        %dma_start3A_300 = tpu.memref_squeeze %dma_start3A_299 : memref<1x80xi32, #tpu.memory_space<vmem>> -> memref<80xi32, #tpu.memory_space<vmem>>
        %dma_start3A_301 = arith.constant 0 : i32
        %dma_start3A_302 = arith.constant 0 : i32
        %dma_start3A_303 = tpu.memref_slice %arg14[%dma_start3A_301, %dma_start3A_302] : memref<10240x64xf32, #tpu.memory_space<vmem_shared>> -> memref<10240x64xf32, #tpu.memory_space<vmem_shared>>
        tpu.enqueue_indirect_dma source(%arg10 : memref<80x64xf32, #tpu.memory_space<vmem>>) target(%dma_start3A_303 : memref<10240x64xf32, #tpu.memory_space<vmem_shared>>) offsets(%dma_start3A_300 : memref<80xi32, #tpu.memory_space<vmem>>) semaphore(%run_scoped3A_297 : memref<!tpu.dma_semaphore, #tpu.memory_space<semaphore_mem>>) {add = true}
        %dma_wait3A_304 = arith.constant 0 : i32
        %dma_wait3A_305 = tpu.memref_slice %arg7[%add3A_224, %dma_wait3A_304] : memref<125x80xi32, #tpu.memory_space<vmem>> -> memref<1x80xi32, #tpu.memory_space<vmem>>
        %dma_wait3A_306 = tpu.memref_squeeze %dma_wait3A_305 : memref<1x80xi32, #tpu.memory_space<vmem>> -> memref<80xi32, #tpu.memory_space<vmem>>
        %dma_wait3A_307 = arith.constant 0 : i32
        %dma_wait3A_308 = arith.constant 0 : i32
        %dma_wait3A_309 = tpu.memref_slice %arg14[%dma_wait3A_307, %dma_wait3A_308] : memref<10240x64xf32, #tpu.memory_space<vmem_shared>> -> memref<10240x64xf32, #tpu.memory_space<vmem_shared>>
        tpu.wait_indirect_dma semaphore(%run_scoped3A_297 : memref<!tpu.dma_semaphore, #tpu.memory_space<semaphore_mem>>) src(%arg10 : memref<80x64xf32, #tpu.memory_space<vmem>>) dst(%dma_wait3A_309 : memref<10240x64xf32, #tpu.memory_space<vmem_shared>>)
        tpu.yield
      }) : () -> ()
      %add3A_232 = arith.constant 6 : i32
      %add3A_233 = arith.addi %add3A_224, %add3A_232 : i32
      %dma_start3A_234 = arith.constant 0 : i32
      %dma_start3A_235 = tpu.memref_slice %arg6[%add3A_233, %dma_start3A_234] : memref<125x80xi32, #tpu.memory_space<vmem>> -> memref<1x80xi32, #tpu.memory_space<vmem>>
      %dma_start3A_236 = tpu.memref_squeeze %dma_start3A_235 : memref<1x80xi32, #tpu.memory_space<vmem>> -> memref<80xi32, #tpu.memory_space<vmem>>
      %dma_start3A_237 = arith.constant 0 : i32
      %dma_start3A_238 = arith.constant 0 : i32
      %dma_start3A_239 = tpu.memref_slice %arg3[%dma_start3A_237, %dma_start3A_238] : memref<10000x64xf32, #tpu.memory_space<hbm>> -> memref<10000x64xf32, #tpu.memory_space<hbm>>
      tpu.enqueue_indirect_dma source(%dma_start3A_239 : memref<10000x64xf32, #tpu.memory_space<hbm>>) target(%arg10 : memref<80x64xf32, #tpu.memory_space<vmem>>) offsets(%dma_start3A_236 : memref<80xi32, #tpu.memory_space<vmem>>) semaphore(%arg17 : memref<!tpu.dma_semaphore, #tpu.memory_space<semaphore_mem>>)
      %mul3A_240 = arith.constant 6 : i32
      %mul3A_241 = arith.muli %add3A_182, %mul3A_240 : i32
      %add3A_242 = arith.constant 3 : i32
      %add3A_243 = arith.addi %mul3A_241, %add3A_242 : i32
      %dma_wait3A_244 = arith.constant 0 : i32
      %dma_wait3A_245 = arith.constant 0 : i32
      %dma_wait3A_246 = tpu.memref_slice %arg6[%dma_wait3A_244, %dma_wait3A_245] : memref<125x80xi32, #tpu.memory_space<vmem>> -> memref<1x80xi32, #tpu.memory_space<vmem>>
      %dma_wait3A_247 = tpu.memref_squeeze %dma_wait3A_246 : memref<1x80xi32, #tpu.memory_space<vmem>> -> memref<80xi32, #tpu.memory_space<vmem>>
      %dma_wait3A_248 = arith.constant 0 : i32
      %dma_wait3A_249 = arith.constant 0 : i32
      %dma_wait3A_250 = tpu.memref_slice %arg3[%dma_wait3A_248, %dma_wait3A_249] : memref<10000x64xf32, #tpu.memory_space<hbm>> -> memref<10000x64xf32, #tpu.memory_space<hbm>>
      tpu.wait_indirect_dma semaphore(%arg18 : memref<!tpu.dma_semaphore, #tpu.memory_space<semaphore_mem>>) src(%dma_wait3A_250 : memref<10000x64xf32, #tpu.memory_space<hbm>>) dst(%arg11 : memref<80x64xf32, #tpu.memory_space<vmem>>)
      "tpu.region"() ({
        %run_scoped3A_297 = tpu.sem_alloc : memref<!tpu.dma_semaphore, #tpu.memory_space<semaphore_mem>>
        %dma_start3A_298 = arith.constant 0 : i32
        %dma_start3A_299 = tpu.memref_slice %arg7[%add3A_243, %dma_start3A_298] : memref<125x80xi32, #tpu.memory_space<vmem>> -> memref<1x80xi32, #tpu.memory_space<vmem>>
        %dma_start3A_300 = tpu.memref_squeeze %dma_start3A_299 : memref<1x80xi32, #tpu.memory_space<vmem>> -> memref<80xi32, #tpu.memory_space<vmem>>
        %dma_start3A_301 = arith.constant 0 : i32
        %dma_start3A_302 = arith.constant 0 : i32
        %dma_start3A_303 = tpu.memref_slice %arg14[%dma_start3A_301, %dma_start3A_302] : memref<10240x64xf32, #tpu.memory_space<vmem_shared>> -> memref<10240x64xf32, #tpu.memory_space<vmem_shared>>
        tpu.enqueue_indirect_dma source(%arg11 : memref<80x64xf32, #tpu.memory_space<vmem>>) target(%dma_start3A_303 : memref<10240x64xf32, #tpu.memory_space<vmem_shared>>) offsets(%dma_start3A_300 : memref<80xi32, #tpu.memory_space<vmem>>) semaphore(%run_scoped3A_297 : memref<!tpu.dma_semaphore, #tpu.memory_space<semaphore_mem>>) {add = true}
        %dma_wait3A_304 = arith.constant 0 : i32
        %dma_wait3A_305 = tpu.memref_slice %arg7[%add3A_243, %dma_wait3A_304] : memref<125x80xi32, #tpu.memory_space<vmem>> -> memref<1x80xi32, #tpu.memory_space<vmem>>
        %dma_wait3A_306 = tpu.memref_squeeze %dma_wait3A_305 : memref<1x80xi32, #tpu.memory_space<vmem>> -> memref<80xi32, #tpu.memory_space<vmem>>
        %dma_wait3A_307 = arith.constant 0 : i32
        %dma_wait3A_308 = arith.constant 0 : i32
        %dma_wait3A_309 = tpu.memref_slice %arg14[%dma_wait3A_307, %dma_wait3A_308] : memref<10240x64xf32, #tpu.memory_space<vmem_shared>> -> memref<10240x64xf32, #tpu.memory_space<vmem_shared>>
        tpu.wait_indirect_dma semaphore(%run_scoped3A_297 : memref<!tpu.dma_semaphore, #tpu.memory_space<semaphore_mem>>) src(%arg11 : memref<80x64xf32, #tpu.memory_space<vmem>>) dst(%dma_wait3A_309 : memref<10240x64xf32, #tpu.memory_space<vmem_shared>>)
        tpu.yield
      }) : () -> ()
      %add3A_251 = arith.constant 6 : i32
      %add3A_252 = arith.addi %add3A_243, %add3A_251 : i32
      %dma_start3A_253 = arith.constant 0 : i32
      %dma_start3A_254 = tpu.memref_slice %arg6[%add3A_252, %dma_start3A_253] : memref<125x80xi32, #tpu.memory_space<vmem>> -> memref<1x80xi32, #tpu.memory_space<vmem>>
      %dma_start3A_255 = tpu.memref_squeeze %dma_start3A_254 : memref<1x80xi32, #tpu.memory_space<vmem>> -> memref<80xi32, #tpu.memory_space<vmem>>
      %dma_start3A_256 = arith.constant 0 : i32
      %dma_start3A_257 = arith.constant 0 : i32
      %dma_start3A_258 = tpu.memref_slice %arg3[%dma_start3A_256, %dma_start3A_257] : memref<10000x64xf32, #tpu.memory_space<hbm>> -> memref<10000x64xf32, #tpu.memory_space<hbm>>
      tpu.enqueue_indirect_dma source(%dma_start3A_258 : memref<10000x64xf32, #tpu.memory_space<hbm>>) target(%arg11 : memref<80x64xf32, #tpu.memory_space<vmem>>) offsets(%dma_start3A_255 : memref<80xi32, #tpu.memory_space<vmem>>) semaphore(%arg18 : memref<!tpu.dma_semaphore, #tpu.memory_space<semaphore_mem>>)
      %mul3A_259 = arith.constant 6 : i32
      %mul3A_260 = arith.muli %add3A_182, %mul3A_259 : i32
      %add3A_261 = arith.constant 4 : i32
      %add3A_262 = arith.addi %mul3A_260, %add3A_261 : i32
      %dma_wait3A_263 = arith.constant 0 : i32
      %dma_wait3A_264 = arith.constant 0 : i32
      %dma_wait3A_265 = tpu.memref_slice %arg6[%dma_wait3A_263, %dma_wait3A_264] : memref<125x80xi32, #tpu.memory_space<vmem>> -> memref<1x80xi32, #tpu.memory_space<vmem>>
      %dma_wait3A_266 = tpu.memref_squeeze %dma_wait3A_265 : memref<1x80xi32, #tpu.memory_space<vmem>> -> memref<80xi32, #tpu.memory_space<vmem>>
      %dma_wait3A_267 = arith.constant 0 : i32
      %dma_wait3A_268 = arith.constant 0 : i32
      %dma_wait3A_269 = tpu.memref_slice %arg3[%dma_wait3A_267, %dma_wait3A_268] : memref<10000x64xf32, #tpu.memory_space<hbm>> -> memref<10000x64xf32, #tpu.memory_space<hbm>>
      tpu.wait_indirect_dma semaphore(%arg19 : memref<!tpu.dma_semaphore, #tpu.memory_space<semaphore_mem>>) src(%dma_wait3A_269 : memref<10000x64xf32, #tpu.memory_space<hbm>>) dst(%arg12 : memref<80x64xf32, #tpu.memory_space<vmem>>)
      "tpu.region"() ({
        %run_scoped3A_297 = tpu.sem_alloc : memref<!tpu.dma_semaphore, #tpu.memory_space<semaphore_mem>>
        %dma_start3A_298 = arith.constant 0 : i32
        %dma_start3A_299 = tpu.memref_slice %arg7[%add3A_262, %dma_start3A_298] : memref<125x80xi32, #tpu.memory_space<vmem>> -> memref<1x80xi32, #tpu.memory_space<vmem>>
        %dma_start3A_300 = tpu.memref_squeeze %dma_start3A_299 : memref<1x80xi32, #tpu.memory_space<vmem>> -> memref<80xi32, #tpu.memory_space<vmem>>
        %dma_start3A_301 = arith.constant 0 : i32
        %dma_start3A_302 = arith.constant 0 : i32
        %dma_start3A_303 = tpu.memref_slice %arg14[%dma_start3A_301, %dma_start3A_302] : memref<10240x64xf32, #tpu.memory_space<vmem_shared>> -> memref<10240x64xf32, #tpu.memory_space<vmem_shared>>
        tpu.enqueue_indirect_dma source(%arg12 : memref<80x64xf32, #tpu.memory_space<vmem>>) target(%dma_start3A_303 : memref<10240x64xf32, #tpu.memory_space<vmem_shared>>) offsets(%dma_start3A_300 : memref<80xi32, #tpu.memory_space<vmem>>) semaphore(%run_scoped3A_297 : memref<!tpu.dma_semaphore, #tpu.memory_space<semaphore_mem>>) {add = true}
        %dma_wait3A_304 = arith.constant 0 : i32
        %dma_wait3A_305 = tpu.memref_slice %arg7[%add3A_262, %dma_wait3A_304] : memref<125x80xi32, #tpu.memory_space<vmem>> -> memref<1x80xi32, #tpu.memory_space<vmem>>
        %dma_wait3A_306 = tpu.memref_squeeze %dma_wait3A_305 : memref<1x80xi32, #tpu.memory_space<vmem>> -> memref<80xi32, #tpu.memory_space<vmem>>
        %dma_wait3A_307 = arith.constant 0 : i32
        %dma_wait3A_308 = arith.constant 0 : i32
        %dma_wait3A_309 = tpu.memref_slice %arg14[%dma_wait3A_307, %dma_wait3A_308] : memref<10240x64xf32, #tpu.memory_space<vmem_shared>> -> memref<10240x64xf32, #tpu.memory_space<vmem_shared>>
        tpu.wait_indirect_dma semaphore(%run_scoped3A_297 : memref<!tpu.dma_semaphore, #tpu.memory_space<semaphore_mem>>) src(%arg12 : memref<80x64xf32, #tpu.memory_space<vmem>>) dst(%dma_wait3A_309 : memref<10240x64xf32, #tpu.memory_space<vmem_shared>>)
        tpu.yield
      }) : () -> ()
      %add3A_270 = arith.constant 6 : i32
      %add3A_271 = arith.addi %add3A_262, %add3A_270 : i32
      %dma_start3A_272 = arith.constant 0 : i32
      %dma_start3A_273 = tpu.memref_slice %arg6[%add3A_271, %dma_start3A_272] : memref<125x80xi32, #tpu.memory_space<vmem>> -> memref<1x80xi32, #tpu.memory_space<vmem>>
      %dma_start3A_274 = tpu.memref_squeeze %dma_start3A_273 : memref<1x80xi32, #tpu.memory_space<vmem>> -> memref<80xi32, #tpu.memory_space<vmem>>
      %dma_start3A_275 = arith.constant 0 : i32
      %dma_start3A_276 = arith.constant 0 : i32
      %dma_start3A_277 = tpu.memref_slice %arg3[%dma_start3A_275, %dma_start3A_276] : memref<10000x64xf32, #tpu.memory_space<hbm>> -> memref<10000x64xf32, #tpu.memory_space<hbm>>
      tpu.enqueue_indirect_dma source(%dma_start3A_277 : memref<10000x64xf32, #tpu.memory_space<hbm>>) target(%arg12 : memref<80x64xf32, #tpu.memory_space<vmem>>) offsets(%dma_start3A_274 : memref<80xi32, #tpu.memory_space<vmem>>) semaphore(%arg19 : memref<!tpu.dma_semaphore, #tpu.memory_space<semaphore_mem>>)
      %mul3A_278 = arith.constant 6 : i32
      %mul3A_279 = arith.muli %add3A_182, %mul3A_278 : i32
      %add3A_280 = arith.constant 5 : i32
      %add3A_281 = arith.addi %mul3A_279, %add3A_280 : i32
      %dma_wait3A_282 = arith.constant 0 : i32
      %dma_wait3A_283 = arith.constant 0 : i32
      %dma_wait3A_284 = tpu.memref_slice %arg6[%dma_wait3A_282, %dma_wait3A_283] : memref<125x80xi32, #tpu.memory_space<vmem>> -> memref<1x80xi32, #tpu.memory_space<vmem>>
      %dma_wait3A_285 = tpu.memref_squeeze %dma_wait3A_284 : memref<1x80xi32, #tpu.memory_space<vmem>> -> memref<80xi32, #tpu.memory_space<vmem>>
      %dma_wait3A_286 = arith.constant 0 : i32
      %dma_wait3A_287 = arith.constant 0 : i32
      %dma_wait3A_288 = tpu.memref_slice %arg3[%dma_wait3A_286, %dma_wait3A_287] : memref<10000x64xf32, #tpu.memory_space<hbm>> -> memref<10000x64xf32, #tpu.memory_space<hbm>>
      tpu.wait_indirect_dma semaphore(%arg20 : memref<!tpu.dma_semaphore, #tpu.memory_space<semaphore_mem>>) src(%dma_wait3A_288 : memref<10000x64xf32, #tpu.memory_space<hbm>>) dst(%arg13 : memref<80x64xf32, #tpu.memory_space<vmem>>)
      "tpu.region"() ({
        %run_scoped3A_297 = tpu.sem_alloc : memref<!tpu.dma_semaphore, #tpu.memory_space<semaphore_mem>>
        %dma_start3A_298 = arith.constant 0 : i32
        %dma_start3A_299 = tpu.memref_slice %arg7[%add3A_281, %dma_start3A_298] : memref<125x80xi32, #tpu.memory_space<vmem>> -> memref<1x80xi32, #tpu.memory_space<vmem>>
        %dma_start3A_300 = tpu.memref_squeeze %dma_start3A_299 : memref<1x80xi32, #tpu.memory_space<vmem>> -> memref<80xi32, #tpu.memory_space<vmem>>
        %dma_start3A_301 = arith.constant 0 : i32
        %dma_start3A_302 = arith.constant 0 : i32
        %dma_start3A_303 = tpu.memref_slice %arg14[%dma_start3A_301, %dma_start3A_302] : memref<10240x64xf32, #tpu.memory_space<vmem_shared>> -> memref<10240x64xf32, #tpu.memory_space<vmem_shared>>
        tpu.enqueue_indirect_dma source(%arg13 : memref<80x64xf32, #tpu.memory_space<vmem>>) target(%dma_start3A_303 : memref<10240x64xf32, #tpu.memory_space<vmem_shared>>) offsets(%dma_start3A_300 : memref<80xi32, #tpu.memory_space<vmem>>) semaphore(%run_scoped3A_297 : memref<!tpu.dma_semaphore, #tpu.memory_space<semaphore_mem>>) {add = true}
        %dma_wait3A_304 = arith.constant 0 : i32
        %dma_wait3A_305 = tpu.memref_slice %arg7[%add3A_281, %dma_wait3A_304] : memref<125x80xi32, #tpu.memory_space<vmem>> -> memref<1x80xi32, #tpu.memory_space<vmem>>
        %dma_wait3A_306 = tpu.memref_squeeze %dma_wait3A_305 : memref<1x80xi32, #tpu.memory_space<vmem>> -> memref<80xi32, #tpu.memory_space<vmem>>
        %dma_wait3A_307 = arith.constant 0 : i32
        %dma_wait3A_308 = arith.constant 0 : i32
        %dma_wait3A_309 = tpu.memref_slice %arg14[%dma_wait3A_307, %dma_wait3A_308] : memref<10240x64xf32, #tpu.memory_space<vmem_shared>> -> memref<10240x64xf32, #tpu.memory_space<vmem_shared>>
        tpu.wait_indirect_dma semaphore(%run_scoped3A_297 : memref<!tpu.dma_semaphore, #tpu.memory_space<semaphore_mem>>) src(%arg13 : memref<80x64xf32, #tpu.memory_space<vmem>>) dst(%dma_wait3A_309 : memref<10240x64xf32, #tpu.memory_space<vmem_shared>>)
        tpu.yield
      }) : () -> ()
      %add3A_289 = arith.constant 6 : i32
      %add3A_290 = arith.addi %add3A_281, %add3A_289 : i32
      %dma_start3A_291 = arith.constant 0 : i32
      %dma_start3A_292 = tpu.memref_slice %arg6[%add3A_290, %dma_start3A_291] : memref<125x80xi32, #tpu.memory_space<vmem>> -> memref<1x80xi32, #tpu.memory_space<vmem>>
      %dma_start3A_293 = tpu.memref_squeeze %dma_start3A_292 : memref<1x80xi32, #tpu.memory_space<vmem>> -> memref<80xi32, #tpu.memory_space<vmem>>
      %dma_start3A_294 = arith.constant 0 : i32
      %dma_start3A_295 = arith.constant 0 : i32
      %dma_start3A_296 = tpu.memref_slice %arg3[%dma_start3A_294, %dma_start3A_295] : memref<10000x64xf32, #tpu.memory_space<hbm>> -> memref<10000x64xf32, #tpu.memory_space<hbm>>
      tpu.enqueue_indirect_dma source(%dma_start3A_296 : memref<10000x64xf32, #tpu.memory_space<hbm>>) target(%arg13 : memref<80x64xf32, #tpu.memory_space<vmem>>) offsets(%dma_start3A_293 : memref<80xi32, #tpu.memory_space<vmem>>) semaphore(%arg20 : memref<!tpu.dma_semaphore, #tpu.memory_space<semaphore_mem>>)
    }
    %scan3A_50 = arith.constant 19 : i32
    %dma_wait3A = arith.constant 0 : i32
    %dma_wait3A_51 = arith.constant 0 : i32
    %dma_wait3A_52 = tpu.memref_slice %arg6[%dma_wait3A, %dma_wait3A_51] : memref<125x80xi32, #tpu.memory_space<vmem>> -> memref<1x80xi32, #tpu.memory_space<vmem>>
    %dma_wait3A_53 = tpu.memref_squeeze %dma_wait3A_52 : memref<1x80xi32, #tpu.memory_space<vmem>> -> memref<80xi32, #tpu.memory_space<vmem>>
    %dma_wait3A_54 = arith.constant 0 : i32
    %dma_wait3A_55 = arith.constant 0 : i32
    %dma_wait3A_56 = tpu.memref_slice %arg3[%dma_wait3A_54, %dma_wait3A_55] : memref<10000x64xf32, #tpu.memory_space<hbm>> -> memref<10000x64xf32, #tpu.memory_space<hbm>>
    tpu.wait_indirect_dma semaphore(%arg15 : memref<!tpu.dma_semaphore, #tpu.memory_space<semaphore_mem>>) src(%dma_wait3A_56 : memref<10000x64xf32, #tpu.memory_space<hbm>>) dst(%arg8 : memref<80x64xf32, #tpu.memory_space<vmem>>)
    %run_scoped3A_57 = arith.constant 114 : i32
    "tpu.region"() ({
      %run_scoped3A_178 = tpu.sem_alloc : memref<!tpu.dma_semaphore, #tpu.memory_space<semaphore_mem>>
      %dma_start3A_179 = arith.constant 0 : i32
      %dma_start3A_180 = tpu.memref_slice %arg7[%run_scoped3A_57, %dma_start3A_179] : memref<125x80xi32, #tpu.memory_space<vmem>> -> memref<1x80xi32, #tpu.memory_space<vmem>>
      %dma_start3A_181 = tpu.memref_squeeze %dma_start3A_180 : memref<1x80xi32, #tpu.memory_space<vmem>> -> memref<80xi32, #tpu.memory_space<vmem>>
      %dma_start3A_182 = arith.constant 0 : i32
      %dma_start3A_183 = arith.constant 0 : i32
      %dma_start3A_184 = tpu.memref_slice %arg14[%dma_start3A_182, %dma_start3A_183] : memref<10240x64xf32, #tpu.memory_space<vmem_shared>> -> memref<10240x64xf32, #tpu.memory_space<vmem_shared>>
      tpu.enqueue_indirect_dma source(%arg8 : memref<80x64xf32, #tpu.memory_space<vmem>>) target(%dma_start3A_184 : memref<10240x64xf32, #tpu.memory_space<vmem_shared>>) offsets(%dma_start3A_181 : memref<80xi32, #tpu.memory_space<vmem>>) semaphore(%run_scoped3A_178 : memref<!tpu.dma_semaphore, #tpu.memory_space<semaphore_mem>>) {add = true}
      %dma_wait3A_185 = arith.constant 0 : i32
      %dma_wait3A_186 = tpu.memref_slice %arg7[%run_scoped3A_57, %dma_wait3A_185] : memref<125x80xi32, #tpu.memory_space<vmem>> -> memref<1x80xi32, #tpu.memory_space<vmem>>
      %dma_wait3A_187 = tpu.memref_squeeze %dma_wait3A_186 : memref<1x80xi32, #tpu.memory_space<vmem>> -> memref<80xi32, #tpu.memory_space<vmem>>
      %dma_wait3A_188 = arith.constant 0 : i32
      %dma_wait3A_189 = arith.constant 0 : i32
      %dma_wait3A_190 = tpu.memref_slice %arg14[%dma_wait3A_188, %dma_wait3A_189] : memref<10240x64xf32, #tpu.memory_space<vmem_shared>> -> memref<10240x64xf32, #tpu.memory_space<vmem_shared>>
      tpu.wait_indirect_dma semaphore(%run_scoped3A_178 : memref<!tpu.dma_semaphore, #tpu.memory_space<semaphore_mem>>) src(%arg8 : memref<80x64xf32, #tpu.memory_space<vmem>>) dst(%dma_wait3A_190 : memref<10240x64xf32, #tpu.memory_space<vmem_shared>>)
      tpu.yield
    }) : () -> ()
    %dma_start3A_58 = arith.constant 120 : i32
    %dma_start3A_59 = arith.constant 0 : i32
    %dma_start3A_60 = tpu.memref_slice %arg6[%dma_start3A_58, %dma_start3A_59] : memref<125x80xi32, #tpu.memory_space<vmem>> -> memref<1x80xi32, #tpu.memory_space<vmem>>
    %dma_start3A_61 = tpu.memref_squeeze %dma_start3A_60 : memref<1x80xi32, #tpu.memory_space<vmem>> -> memref<80xi32, #tpu.memory_space<vmem>>
    %dma_start3A_62 = arith.constant 0 : i32
    %dma_start3A_63 = arith.constant 0 : i32
    %dma_start3A_64 = tpu.memref_slice %arg3[%dma_start3A_62, %dma_start3A_63] : memref<10000x64xf32, #tpu.memory_space<hbm>> -> memref<10000x64xf32, #tpu.memory_space<hbm>>
    tpu.enqueue_indirect_dma source(%dma_start3A_64 : memref<10000x64xf32, #tpu.memory_space<hbm>>) target(%arg8 : memref<80x64xf32, #tpu.memory_space<vmem>>) offsets(%dma_start3A_61 : memref<80xi32, #tpu.memory_space<vmem>>) semaphore(%arg15 : memref<!tpu.dma_semaphore, #tpu.memory_space<semaphore_mem>>)
    %dma_wait3A_65 = arith.constant 0 : i32
    %dma_wait3A_66 = arith.constant 0 : i32
    %dma_wait3A_67 = tpu.memref_slice %arg6[%dma_wait3A_65, %dma_wait3A_66] : memref<125x80xi32, #tpu.memory_space<vmem>> -> memref<1x80xi32, #tpu.memory_space<vmem>>
    %dma_wait3A_68 = tpu.memref_squeeze %dma_wait3A_67 : memref<1x80xi32, #tpu.memory_space<vmem>> -> memref<80xi32, #tpu.memory_space<vmem>>
    %dma_wait3A_69 = arith.constant 0 : i32
    %dma_wait3A_70 = arith.constant 0 : i32
    %dma_wait3A_71 = tpu.memref_slice %arg3[%dma_wait3A_69, %dma_wait3A_70] : memref<10000x64xf32, #tpu.memory_space<hbm>> -> memref<10000x64xf32, #tpu.memory_space<hbm>>
    tpu.wait_indirect_dma semaphore(%arg16 : memref<!tpu.dma_semaphore, #tpu.memory_space<semaphore_mem>>) src(%dma_wait3A_71 : memref<10000x64xf32, #tpu.memory_space<hbm>>) dst(%arg9 : memref<80x64xf32, #tpu.memory_space<vmem>>)
    %run_scoped3A_72 = arith.constant 115 : i32
    "tpu.region"() ({
      %run_scoped3A_178 = tpu.sem_alloc : memref<!tpu.dma_semaphore, #tpu.memory_space<semaphore_mem>>
      %dma_start3A_179 = arith.constant 0 : i32
      %dma_start3A_180 = tpu.memref_slice %arg7[%run_scoped3A_72, %dma_start3A_179] : memref<125x80xi32, #tpu.memory_space<vmem>> -> memref<1x80xi32, #tpu.memory_space<vmem>>
      %dma_start3A_181 = tpu.memref_squeeze %dma_start3A_180 : memref<1x80xi32, #tpu.memory_space<vmem>> -> memref<80xi32, #tpu.memory_space<vmem>>
      %dma_start3A_182 = arith.constant 0 : i32
      %dma_start3A_183 = arith.constant 0 : i32
      %dma_start3A_184 = tpu.memref_slice %arg14[%dma_start3A_182, %dma_start3A_183] : memref<10240x64xf32, #tpu.memory_space<vmem_shared>> -> memref<10240x64xf32, #tpu.memory_space<vmem_shared>>
      tpu.enqueue_indirect_dma source(%arg9 : memref<80x64xf32, #tpu.memory_space<vmem>>) target(%dma_start3A_184 : memref<10240x64xf32, #tpu.memory_space<vmem_shared>>) offsets(%dma_start3A_181 : memref<80xi32, #tpu.memory_space<vmem>>) semaphore(%run_scoped3A_178 : memref<!tpu.dma_semaphore, #tpu.memory_space<semaphore_mem>>) {add = true}
      %dma_wait3A_185 = arith.constant 0 : i32
      %dma_wait3A_186 = tpu.memref_slice %arg7[%run_scoped3A_72, %dma_wait3A_185] : memref<125x80xi32, #tpu.memory_space<vmem>> -> memref<1x80xi32, #tpu.memory_space<vmem>>
      %dma_wait3A_187 = tpu.memref_squeeze %dma_wait3A_186 : memref<1x80xi32, #tpu.memory_space<vmem>> -> memref<80xi32, #tpu.memory_space<vmem>>
      %dma_wait3A_188 = arith.constant 0 : i32
      %dma_wait3A_189 = arith.constant 0 : i32
      %dma_wait3A_190 = tpu.memref_slice %arg14[%dma_wait3A_188, %dma_wait3A_189] : memref<10240x64xf32, #tpu.memory_space<vmem_shared>> -> memref<10240x64xf32, #tpu.memory_space<vmem_shared>>
      tpu.wait_indirect_dma semaphore(%run_scoped3A_178 : memref<!tpu.dma_semaphore, #tpu.memory_space<semaphore_mem>>) src(%arg9 : memref<80x64xf32, #tpu.memory_space<vmem>>) dst(%dma_wait3A_190 : memref<10240x64xf32, #tpu.memory_space<vmem_shared>>)
      tpu.yield
    }) : () -> ()
    %dma_start3A_73 = arith.constant 121 : i32
    %dma_start3A_74 = arith.constant 0 : i32
    %dma_start3A_75 = tpu.memref_slice %arg6[%dma_start3A_73, %dma_start3A_74] : memref<125x80xi32, #tpu.memory_space<vmem>> -> memref<1x80xi32, #tpu.memory_space<vmem>>
    %dma_start3A_76 = tpu.memref_squeeze %dma_start3A_75 : memref<1x80xi32, #tpu.memory_space<vmem>> -> memref<80xi32, #tpu.memory_space<vmem>>
    %dma_start3A_77 = arith.constant 0 : i32
    %dma_start3A_78 = arith.constant 0 : i32
    %dma_start3A_79 = tpu.memref_slice %arg3[%dma_start3A_77, %dma_start3A_78] : memref<10000x64xf32, #tpu.memory_space<hbm>> -> memref<10000x64xf32, #tpu.memory_space<hbm>>
    tpu.enqueue_indirect_dma source(%dma_start3A_79 : memref<10000x64xf32, #tpu.memory_space<hbm>>) target(%arg9 : memref<80x64xf32, #tpu.memory_space<vmem>>) offsets(%dma_start3A_76 : memref<80xi32, #tpu.memory_space<vmem>>) semaphore(%arg16 : memref<!tpu.dma_semaphore, #tpu.memory_space<semaphore_mem>>)
    %dma_wait3A_80 = arith.constant 0 : i32
    %dma_wait3A_81 = arith.constant 0 : i32
    %dma_wait3A_82 = tpu.memref_slice %arg6[%dma_wait3A_80, %dma_wait3A_81] : memref<125x80xi32, #tpu.memory_space<vmem>> -> memref<1x80xi32, #tpu.memory_space<vmem>>
    %dma_wait3A_83 = tpu.memref_squeeze %dma_wait3A_82 : memref<1x80xi32, #tpu.memory_space<vmem>> -> memref<80xi32, #tpu.memory_space<vmem>>
    %dma_wait3A_84 = arith.constant 0 : i32
    %dma_wait3A_85 = arith.constant 0 : i32
    %dma_wait3A_86 = tpu.memref_slice %arg3[%dma_wait3A_84, %dma_wait3A_85] : memref<10000x64xf32, #tpu.memory_space<hbm>> -> memref<10000x64xf32, #tpu.memory_space<hbm>>
    tpu.wait_indirect_dma semaphore(%arg17 : memref<!tpu.dma_semaphore, #tpu.memory_space<semaphore_mem>>) src(%dma_wait3A_86 : memref<10000x64xf32, #tpu.memory_space<hbm>>) dst(%arg10 : memref<80x64xf32, #tpu.memory_space<vmem>>)
    %run_scoped3A_87 = arith.constant 116 : i32
    "tpu.region"() ({
      %run_scoped3A_178 = tpu.sem_alloc : memref<!tpu.dma_semaphore, #tpu.memory_space<semaphore_mem>>
      %dma_start3A_179 = arith.constant 0 : i32
      %dma_start3A_180 = tpu.memref_slice %arg7[%run_scoped3A_87, %dma_start3A_179] : memref<125x80xi32, #tpu.memory_space<vmem>> -> memref<1x80xi32, #tpu.memory_space<vmem>>
      %dma_start3A_181 = tpu.memref_squeeze %dma_start3A_180 : memref<1x80xi32, #tpu.memory_space<vmem>> -> memref<80xi32, #tpu.memory_space<vmem>>
      %dma_start3A_182 = arith.constant 0 : i32
      %dma_start3A_183 = arith.constant 0 : i32
      %dma_start3A_184 = tpu.memref_slice %arg14[%dma_start3A_182, %dma_start3A_183] : memref<10240x64xf32, #tpu.memory_space<vmem_shared>> -> memref<10240x64xf32, #tpu.memory_space<vmem_shared>>
      tpu.enqueue_indirect_dma source(%arg10 : memref<80x64xf32, #tpu.memory_space<vmem>>) target(%dma_start3A_184 : memref<10240x64xf32, #tpu.memory_space<vmem_shared>>) offsets(%dma_start3A_181 : memref<80xi32, #tpu.memory_space<vmem>>) semaphore(%run_scoped3A_178 : memref<!tpu.dma_semaphore, #tpu.memory_space<semaphore_mem>>) {add = true}
      %dma_wait3A_185 = arith.constant 0 : i32
      %dma_wait3A_186 = tpu.memref_slice %arg7[%run_scoped3A_87, %dma_wait3A_185] : memref<125x80xi32, #tpu.memory_space<vmem>> -> memref<1x80xi32, #tpu.memory_space<vmem>>
      %dma_wait3A_187 = tpu.memref_squeeze %dma_wait3A_186 : memref<1x80xi32, #tpu.memory_space<vmem>> -> memref<80xi32, #tpu.memory_space<vmem>>
      %dma_wait3A_188 = arith.constant 0 : i32
      %dma_wait3A_189 = arith.constant 0 : i32
      %dma_wait3A_190 = tpu.memref_slice %arg14[%dma_wait3A_188, %dma_wait3A_189] : memref<10240x64xf32, #tpu.memory_space<vmem_shared>> -> memref<10240x64xf32, #tpu.memory_space<vmem_shared>>
      tpu.wait_indirect_dma semaphore(%run_scoped3A_178 : memref<!tpu.dma_semaphore, #tpu.memory_space<semaphore_mem>>) src(%arg10 : memref<80x64xf32, #tpu.memory_space<vmem>>) dst(%dma_wait3A_190 : memref<10240x64xf32, #tpu.memory_space<vmem_shared>>)
      tpu.yield
    }) : () -> ()
    %dma_start3A_88 = arith.constant 122 : i32
    %dma_start3A_89 = arith.constant 0 : i32
    %dma_start3A_90 = tpu.memref_slice %arg6[%dma_start3A_88, %dma_start3A_89] : memref<125x80xi32, #tpu.memory_space<vmem>> -> memref<1x80xi32, #tpu.memory_space<vmem>>
    %dma_start3A_91 = tpu.memref_squeeze %dma_start3A_90 : memref<1x80xi32, #tpu.memory_space<vmem>> -> memref<80xi32, #tpu.memory_space<vmem>>
    %dma_start3A_92 = arith.constant 0 : i32
    %dma_start3A_93 = arith.constant 0 : i32
    %dma_start3A_94 = tpu.memref_slice %arg3[%dma_start3A_92, %dma_start3A_93] : memref<10000x64xf32, #tpu.memory_space<hbm>> -> memref<10000x64xf32, #tpu.memory_space<hbm>>
    tpu.enqueue_indirect_dma source(%dma_start3A_94 : memref<10000x64xf32, #tpu.memory_space<hbm>>) target(%arg10 : memref<80x64xf32, #tpu.memory_space<vmem>>) offsets(%dma_start3A_91 : memref<80xi32, #tpu.memory_space<vmem>>) semaphore(%arg17 : memref<!tpu.dma_semaphore, #tpu.memory_space<semaphore_mem>>)
    %dma_wait3A_95 = arith.constant 0 : i32
    %dma_wait3A_96 = arith.constant 0 : i32
    %dma_wait3A_97 = tpu.memref_slice %arg6[%dma_wait3A_95, %dma_wait3A_96] : memref<125x80xi32, #tpu.memory_space<vmem>> -> memref<1x80xi32, #tpu.memory_space<vmem>>
    %dma_wait3A_98 = tpu.memref_squeeze %dma_wait3A_97 : memref<1x80xi32, #tpu.memory_space<vmem>> -> memref<80xi32, #tpu.memory_space<vmem>>
    %dma_wait3A_99 = arith.constant 0 : i32
    %dma_wait3A_100 = arith.constant 0 : i32
    %dma_wait3A_101 = tpu.memref_slice %arg3[%dma_wait3A_99, %dma_wait3A_100] : memref<10000x64xf32, #tpu.memory_space<hbm>> -> memref<10000x64xf32, #tpu.memory_space<hbm>>
    tpu.wait_indirect_dma semaphore(%arg18 : memref<!tpu.dma_semaphore, #tpu.memory_space<semaphore_mem>>) src(%dma_wait3A_101 : memref<10000x64xf32, #tpu.memory_space<hbm>>) dst(%arg11 : memref<80x64xf32, #tpu.memory_space<vmem>>)
    %run_scoped3A_102 = arith.constant 117 : i32
    "tpu.region"() ({
      %run_scoped3A_178 = tpu.sem_alloc : memref<!tpu.dma_semaphore, #tpu.memory_space<semaphore_mem>>
      %dma_start3A_179 = arith.constant 0 : i32
      %dma_start3A_180 = tpu.memref_slice %arg7[%run_scoped3A_102, %dma_start3A_179] : memref<125x80xi32, #tpu.memory_space<vmem>> -> memref<1x80xi32, #tpu.memory_space<vmem>>
      %dma_start3A_181 = tpu.memref_squeeze %dma_start3A_180 : memref<1x80xi32, #tpu.memory_space<vmem>> -> memref<80xi32, #tpu.memory_space<vmem>>
      %dma_start3A_182 = arith.constant 0 : i32
      %dma_start3A_183 = arith.constant 0 : i32
      %dma_start3A_184 = tpu.memref_slice %arg14[%dma_start3A_182, %dma_start3A_183] : memref<10240x64xf32, #tpu.memory_space<vmem_shared>> -> memref<10240x64xf32, #tpu.memory_space<vmem_shared>>
      tpu.enqueue_indirect_dma source(%arg11 : memref<80x64xf32, #tpu.memory_space<vmem>>) target(%dma_start3A_184 : memref<10240x64xf32, #tpu.memory_space<vmem_shared>>) offsets(%dma_start3A_181 : memref<80xi32, #tpu.memory_space<vmem>>) semaphore(%run_scoped3A_178 : memref<!tpu.dma_semaphore, #tpu.memory_space<semaphore_mem>>) {add = true}
      %dma_wait3A_185 = arith.constant 0 : i32
      %dma_wait3A_186 = tpu.memref_slice %arg7[%run_scoped3A_102, %dma_wait3A_185] : memref<125x80xi32, #tpu.memory_space<vmem>> -> memref<1x80xi32, #tpu.memory_space<vmem>>
      %dma_wait3A_187 = tpu.memref_squeeze %dma_wait3A_186 : memref<1x80xi32, #tpu.memory_space<vmem>> -> memref<80xi32, #tpu.memory_space<vmem>>
      %dma_wait3A_188 = arith.constant 0 : i32
      %dma_wait3A_189 = arith.constant 0 : i32
      %dma_wait3A_190 = tpu.memref_slice %arg14[%dma_wait3A_188, %dma_wait3A_189] : memref<10240x64xf32, #tpu.memory_space<vmem_shared>> -> memref<10240x64xf32, #tpu.memory_space<vmem_shared>>
      tpu.wait_indirect_dma semaphore(%run_scoped3A_178 : memref<!tpu.dma_semaphore, #tpu.memory_space<semaphore_mem>>) src(%arg11 : memref<80x64xf32, #tpu.memory_space<vmem>>) dst(%dma_wait3A_190 : memref<10240x64xf32, #tpu.memory_space<vmem_shared>>)
      tpu.yield
    }) : () -> ()
    %dma_start3A_103 = arith.constant 123 : i32
    %dma_start3A_104 = arith.constant 0 : i32
    %dma_start3A_105 = tpu.memref_slice %arg6[%dma_start3A_103, %dma_start3A_104] : memref<125x80xi32, #tpu.memory_space<vmem>> -> memref<1x80xi32, #tpu.memory_space<vmem>>
    %dma_start3A_106 = tpu.memref_squeeze %dma_start3A_105 : memref<1x80xi32, #tpu.memory_space<vmem>> -> memref<80xi32, #tpu.memory_space<vmem>>
    %dma_start3A_107 = arith.constant 0 : i32
    %dma_start3A_108 = arith.constant 0 : i32
    %dma_start3A_109 = tpu.memref_slice %arg3[%dma_start3A_107, %dma_start3A_108] : memref<10000x64xf32, #tpu.memory_space<hbm>> -> memref<10000x64xf32, #tpu.memory_space<hbm>>
    tpu.enqueue_indirect_dma source(%dma_start3A_109 : memref<10000x64xf32, #tpu.memory_space<hbm>>) target(%arg11 : memref<80x64xf32, #tpu.memory_space<vmem>>) offsets(%dma_start3A_106 : memref<80xi32, #tpu.memory_space<vmem>>) semaphore(%arg18 : memref<!tpu.dma_semaphore, #tpu.memory_space<semaphore_mem>>)
    %dma_wait3A_110 = arith.constant 0 : i32
    %dma_wait3A_111 = arith.constant 0 : i32
    %dma_wait3A_112 = tpu.memref_slice %arg6[%dma_wait3A_110, %dma_wait3A_111] : memref<125x80xi32, #tpu.memory_space<vmem>> -> memref<1x80xi32, #tpu.memory_space<vmem>>
    %dma_wait3A_113 = tpu.memref_squeeze %dma_wait3A_112 : memref<1x80xi32, #tpu.memory_space<vmem>> -> memref<80xi32, #tpu.memory_space<vmem>>
    %dma_wait3A_114 = arith.constant 0 : i32
    %dma_wait3A_115 = arith.constant 0 : i32
    %dma_wait3A_116 = tpu.memref_slice %arg3[%dma_wait3A_114, %dma_wait3A_115] : memref<10000x64xf32, #tpu.memory_space<hbm>> -> memref<10000x64xf32, #tpu.memory_space<hbm>>
    tpu.wait_indirect_dma semaphore(%arg19 : memref<!tpu.dma_semaphore, #tpu.memory_space<semaphore_mem>>) src(%dma_wait3A_116 : memref<10000x64xf32, #tpu.memory_space<hbm>>) dst(%arg12 : memref<80x64xf32, #tpu.memory_space<vmem>>)
    %run_scoped3A_117 = arith.constant 118 : i32
    "tpu.region"() ({
      %run_scoped3A_178 = tpu.sem_alloc : memref<!tpu.dma_semaphore, #tpu.memory_space<semaphore_mem>>
      %dma_start3A_179 = arith.constant 0 : i32
      %dma_start3A_180 = tpu.memref_slice %arg7[%run_scoped3A_117, %dma_start3A_179] : memref<125x80xi32, #tpu.memory_space<vmem>> -> memref<1x80xi32, #tpu.memory_space<vmem>>
      %dma_start3A_181 = tpu.memref_squeeze %dma_start3A_180 : memref<1x80xi32, #tpu.memory_space<vmem>> -> memref<80xi32, #tpu.memory_space<vmem>>
      %dma_start3A_182 = arith.constant 0 : i32
      %dma_start3A_183 = arith.constant 0 : i32
      %dma_start3A_184 = tpu.memref_slice %arg14[%dma_start3A_182, %dma_start3A_183] : memref<10240x64xf32, #tpu.memory_space<vmem_shared>> -> memref<10240x64xf32, #tpu.memory_space<vmem_shared>>
      tpu.enqueue_indirect_dma source(%arg12 : memref<80x64xf32, #tpu.memory_space<vmem>>) target(%dma_start3A_184 : memref<10240x64xf32, #tpu.memory_space<vmem_shared>>) offsets(%dma_start3A_181 : memref<80xi32, #tpu.memory_space<vmem>>) semaphore(%run_scoped3A_178 : memref<!tpu.dma_semaphore, #tpu.memory_space<semaphore_mem>>) {add = true}
      %dma_wait3A_185 = arith.constant 0 : i32
      %dma_wait3A_186 = tpu.memref_slice %arg7[%run_scoped3A_117, %dma_wait3A_185] : memref<125x80xi32, #tpu.memory_space<vmem>> -> memref<1x80xi32, #tpu.memory_space<vmem>>
      %dma_wait3A_187 = tpu.memref_squeeze %dma_wait3A_186 : memref<1x80xi32, #tpu.memory_space<vmem>> -> memref<80xi32, #tpu.memory_space<vmem>>
      %dma_wait3A_188 = arith.constant 0 : i32
      %dma_wait3A_189 = arith.constant 0 : i32
      %dma_wait3A_190 = tpu.memref_slice %arg14[%dma_wait3A_188, %dma_wait3A_189] : memref<10240x64xf32, #tpu.memory_space<vmem_shared>> -> memref<10240x64xf32, #tpu.memory_space<vmem_shared>>
      tpu.wait_indirect_dma semaphore(%run_scoped3A_178 : memref<!tpu.dma_semaphore, #tpu.memory_space<semaphore_mem>>) src(%arg12 : memref<80x64xf32, #tpu.memory_space<vmem>>) dst(%dma_wait3A_190 : memref<10240x64xf32, #tpu.memory_space<vmem_shared>>)
      tpu.yield
    }) : () -> ()
    %dma_start3A_118 = arith.constant 124 : i32
    %dma_start3A_119 = arith.constant 0 : i32
    %dma_start3A_120 = tpu.memref_slice %arg6[%dma_start3A_118, %dma_start3A_119] : memref<125x80xi32, #tpu.memory_space<vmem>> -> memref<1x80xi32, #tpu.memory_space<vmem>>
    %dma_start3A_121 = tpu.memref_squeeze %dma_start3A_120 : memref<1x80xi32, #tpu.memory_space<vmem>> -> memref<80xi32, #tpu.memory_space<vmem>>
    %dma_start3A_122 = arith.constant 0 : i32
    %dma_start3A_123 = arith.constant 0 : i32
    %dma_start3A_124 = tpu.memref_slice %arg3[%dma_start3A_122, %dma_start3A_123] : memref<10000x64xf32, #tpu.memory_space<hbm>> -> memref<10000x64xf32, #tpu.memory_space<hbm>>
    tpu.enqueue_indirect_dma source(%dma_start3A_124 : memref<10000x64xf32, #tpu.memory_space<hbm>>) target(%arg12 : memref<80x64xf32, #tpu.memory_space<vmem>>) offsets(%dma_start3A_121 : memref<80xi32, #tpu.memory_space<vmem>>) semaphore(%arg19 : memref<!tpu.dma_semaphore, #tpu.memory_space<semaphore_mem>>)
    %dma_wait3A_125 = arith.constant 0 : i32
    %dma_wait3A_126 = arith.constant 0 : i32
    %dma_wait3A_127 = tpu.memref_slice %arg6[%dma_wait3A_125, %dma_wait3A_126] : memref<125x80xi32, #tpu.memory_space<vmem>> -> memref<1x80xi32, #tpu.memory_space<vmem>>
    %dma_wait3A_128 = tpu.memref_squeeze %dma_wait3A_127 : memref<1x80xi32, #tpu.memory_space<vmem>> -> memref<80xi32, #tpu.memory_space<vmem>>
    %dma_wait3A_129 = arith.constant 0 : i32
    %dma_wait3A_130 = arith.constant 0 : i32
    %dma_wait3A_131 = tpu.memref_slice %arg3[%dma_wait3A_129, %dma_wait3A_130] : memref<10000x64xf32, #tpu.memory_space<hbm>> -> memref<10000x64xf32, #tpu.memory_space<hbm>>
    tpu.wait_indirect_dma semaphore(%arg20 : memref<!tpu.dma_semaphore, #tpu.memory_space<semaphore_mem>>) src(%dma_wait3A_131 : memref<10000x64xf32, #tpu.memory_space<hbm>>) dst(%arg13 : memref<80x64xf32, #tpu.memory_space<vmem>>)
    %run_scoped3A_132 = arith.constant 119 : i32
    "tpu.region"() ({
      %run_scoped3A_178 = tpu.sem_alloc : memref<!tpu.dma_semaphore, #tpu.memory_space<semaphore_mem>>
      %dma_start3A_179 = arith.constant 0 : i32
      %dma_start3A_180 = tpu.memref_slice %arg7[%run_scoped3A_132, %dma_start3A_179] : memref<125x80xi32, #tpu.memory_space<vmem>> -> memref<1x80xi32, #tpu.memory_space<vmem>>
      %dma_start3A_181 = tpu.memref_squeeze %dma_start3A_180 : memref<1x80xi32, #tpu.memory_space<vmem>> -> memref<80xi32, #tpu.memory_space<vmem>>
      %dma_start3A_182 = arith.constant 0 : i32
      %dma_start3A_183 = arith.constant 0 : i32
      %dma_start3A_184 = tpu.memref_slice %arg14[%dma_start3A_182, %dma_start3A_183] : memref<10240x64xf32, #tpu.memory_space<vmem_shared>> -> memref<10240x64xf32, #tpu.memory_space<vmem_shared>>
      tpu.enqueue_indirect_dma source(%arg13 : memref<80x64xf32, #tpu.memory_space<vmem>>) target(%dma_start3A_184 : memref<10240x64xf32, #tpu.memory_space<vmem_shared>>) offsets(%dma_start3A_181 : memref<80xi32, #tpu.memory_space<vmem>>) semaphore(%run_scoped3A_178 : memref<!tpu.dma_semaphore, #tpu.memory_space<semaphore_mem>>) {add = true}
      %dma_wait3A_185 = arith.constant 0 : i32
      %dma_wait3A_186 = tpu.memref_slice %arg7[%run_scoped3A_132, %dma_wait3A_185] : memref<125x80xi32, #tpu.memory_space<vmem>> -> memref<1x80xi32, #tpu.memory_space<vmem>>
      %dma_wait3A_187 = tpu.memref_squeeze %dma_wait3A_186 : memref<1x80xi32, #tpu.memory_space<vmem>> -> memref<80xi32, #tpu.memory_space<vmem>>
      %dma_wait3A_188 = arith.constant 0 : i32
      %dma_wait3A_189 = arith.constant 0 : i32
      %dma_wait3A_190 = tpu.memref_slice %arg14[%dma_wait3A_188, %dma_wait3A_189] : memref<10240x64xf32, #tpu.memory_space<vmem_shared>> -> memref<10240x64xf32, #tpu.memory_space<vmem_shared>>
      tpu.wait_indirect_dma semaphore(%run_scoped3A_178 : memref<!tpu.dma_semaphore, #tpu.memory_space<semaphore_mem>>) src(%arg13 : memref<80x64xf32, #tpu.memory_space<vmem>>) dst(%dma_wait3A_190 : memref<10240x64xf32, #tpu.memory_space<vmem_shared>>)
      tpu.yield
    }) : () -> ()
    %dma_wait3A_133 = arith.constant 0 : i32
    %dma_wait3A_134 = arith.constant 0 : i32
    %dma_wait3A_135 = tpu.memref_slice %arg6[%dma_wait3A_133, %dma_wait3A_134] : memref<125x80xi32, #tpu.memory_space<vmem>> -> memref<1x80xi32, #tpu.memory_space<vmem>>
    %dma_wait3A_136 = tpu.memref_squeeze %dma_wait3A_135 : memref<1x80xi32, #tpu.memory_space<vmem>> -> memref<80xi32, #tpu.memory_space<vmem>>
    %dma_wait3A_137 = arith.constant 0 : i32
    %dma_wait3A_138 = arith.constant 0 : i32
    %dma_wait3A_139 = tpu.memref_slice %arg3[%dma_wait3A_137, %dma_wait3A_138] : memref<10000x64xf32, #tpu.memory_space<hbm>> -> memref<10000x64xf32, #tpu.memory_space<hbm>>
    tpu.wait_indirect_dma semaphore(%arg15 : memref<!tpu.dma_semaphore, #tpu.memory_space<semaphore_mem>>) src(%dma_wait3A_139 : memref<10000x64xf32, #tpu.memory_space<hbm>>) dst(%arg8 : memref<80x64xf32, #tpu.memory_space<vmem>>)
    %run_scoped3A_140 = arith.constant 120 : i32
    "tpu.region"() ({
      %run_scoped3A_178 = tpu.sem_alloc : memref<!tpu.dma_semaphore, #tpu.memory_space<semaphore_mem>>
      %dma_start3A_179 = arith.constant 0 : i32
      %dma_start3A_180 = tpu.memref_slice %arg7[%run_scoped3A_140, %dma_start3A_179] : memref<125x80xi32, #tpu.memory_space<vmem>> -> memref<1x80xi32, #tpu.memory_space<vmem>>
      %dma_start3A_181 = tpu.memref_squeeze %dma_start3A_180 : memref<1x80xi32, #tpu.memory_space<vmem>> -> memref<80xi32, #tpu.memory_space<vmem>>
      %dma_start3A_182 = arith.constant 0 : i32
      %dma_start3A_183 = arith.constant 0 : i32
      %dma_start3A_184 = tpu.memref_slice %arg14[%dma_start3A_182, %dma_start3A_183] : memref<10240x64xf32, #tpu.memory_space<vmem_shared>> -> memref<10240x64xf32, #tpu.memory_space<vmem_shared>>
      tpu.enqueue_indirect_dma source(%arg8 : memref<80x64xf32, #tpu.memory_space<vmem>>) target(%dma_start3A_184 : memref<10240x64xf32, #tpu.memory_space<vmem_shared>>) offsets(%dma_start3A_181 : memref<80xi32, #tpu.memory_space<vmem>>) semaphore(%run_scoped3A_178 : memref<!tpu.dma_semaphore, #tpu.memory_space<semaphore_mem>>) {add = true}
      %dma_wait3A_185 = arith.constant 0 : i32
      %dma_wait3A_186 = tpu.memref_slice %arg7[%run_scoped3A_140, %dma_wait3A_185] : memref<125x80xi32, #tpu.memory_space<vmem>> -> memref<1x80xi32, #tpu.memory_space<vmem>>
      %dma_wait3A_187 = tpu.memref_squeeze %dma_wait3A_186 : memref<1x80xi32, #tpu.memory_space<vmem>> -> memref<80xi32, #tpu.memory_space<vmem>>
      %dma_wait3A_188 = arith.constant 0 : i32
      %dma_wait3A_189 = arith.constant 0 : i32
      %dma_wait3A_190 = tpu.memref_slice %arg14[%dma_wait3A_188, %dma_wait3A_189] : memref<10240x64xf32, #tpu.memory_space<vmem_shared>> -> memref<10240x64xf32, #tpu.memory_space<vmem_shared>>
      tpu.wait_indirect_dma semaphore(%run_scoped3A_178 : memref<!tpu.dma_semaphore, #tpu.memory_space<semaphore_mem>>) src(%arg8 : memref<80x64xf32, #tpu.memory_space<vmem>>) dst(%dma_wait3A_190 : memref<10240x64xf32, #tpu.memory_space<vmem_shared>>)
      tpu.yield
    }) : () -> ()
    %dma_wait3A_141 = arith.constant 0 : i32
    %dma_wait3A_142 = arith.constant 0 : i32
    %dma_wait3A_143 = tpu.memref_slice %arg6[%dma_wait3A_141, %dma_wait3A_142] : memref<125x80xi32, #tpu.memory_space<vmem>> -> memref<1x80xi32, #tpu.memory_space<vmem>>
    %dma_wait3A_144 = tpu.memref_squeeze %dma_wait3A_143 : memref<1x80xi32, #tpu.memory_space<vmem>> -> memref<80xi32, #tpu.memory_space<vmem>>
    %dma_wait3A_145 = arith.constant 0 : i32
    %dma_wait3A_146 = arith.constant 0 : i32
    %dma_wait3A_147 = tpu.memref_slice %arg3[%dma_wait3A_145, %dma_wait3A_146] : memref<10000x64xf32, #tpu.memory_space<hbm>> -> memref<10000x64xf32, #tpu.memory_space<hbm>>
    tpu.wait_indirect_dma semaphore(%arg16 : memref<!tpu.dma_semaphore, #tpu.memory_space<semaphore_mem>>) src(%dma_wait3A_147 : memref<10000x64xf32, #tpu.memory_space<hbm>>) dst(%arg9 : memref<80x64xf32, #tpu.memory_space<vmem>>)
    %run_scoped3A_148 = arith.constant 121 : i32
    "tpu.region"() ({
      %run_scoped3A_178 = tpu.sem_alloc : memref<!tpu.dma_semaphore, #tpu.memory_space<semaphore_mem>>
      %dma_start3A_179 = arith.constant 0 : i32
      %dma_start3A_180 = tpu.memref_slice %arg7[%run_scoped3A_148, %dma_start3A_179] : memref<125x80xi32, #tpu.memory_space<vmem>> -> memref<1x80xi32, #tpu.memory_space<vmem>>
      %dma_start3A_181 = tpu.memref_squeeze %dma_start3A_180 : memref<1x80xi32, #tpu.memory_space<vmem>> -> memref<80xi32, #tpu.memory_space<vmem>>
      %dma_start3A_182 = arith.constant 0 : i32
      %dma_start3A_183 = arith.constant 0 : i32
      %dma_start3A_184 = tpu.memref_slice %arg14[%dma_start3A_182, %dma_start3A_183] : memref<10240x64xf32, #tpu.memory_space<vmem_shared>> -> memref<10240x64xf32, #tpu.memory_space<vmem_shared>>
      tpu.enqueue_indirect_dma source(%arg9 : memref<80x64xf32, #tpu.memory_space<vmem>>) target(%dma_start3A_184 : memref<10240x64xf32, #tpu.memory_space<vmem_shared>>) offsets(%dma_start3A_181 : memref<80xi32, #tpu.memory_space<vmem>>) semaphore(%run_scoped3A_178 : memref<!tpu.dma_semaphore, #tpu.memory_space<semaphore_mem>>) {add = true}
      %dma_wait3A_185 = arith.constant 0 : i32
      %dma_wait3A_186 = tpu.memref_slice %arg7[%run_scoped3A_148, %dma_wait3A_185] : memref<125x80xi32, #tpu.memory_space<vmem>> -> memref<1x80xi32, #tpu.memory_space<vmem>>
      %dma_wait3A_187 = tpu.memref_squeeze %dma_wait3A_186 : memref<1x80xi32, #tpu.memory_space<vmem>> -> memref<80xi32, #tpu.memory_space<vmem>>
      %dma_wait3A_188 = arith.constant 0 : i32
      %dma_wait3A_189 = arith.constant 0 : i32
      %dma_wait3A_190 = tpu.memref_slice %arg14[%dma_wait3A_188, %dma_wait3A_189] : memref<10240x64xf32, #tpu.memory_space<vmem_shared>> -> memref<10240x64xf32, #tpu.memory_space<vmem_shared>>
      tpu.wait_indirect_dma semaphore(%run_scoped3A_178 : memref<!tpu.dma_semaphore, #tpu.memory_space<semaphore_mem>>) src(%arg9 : memref<80x64xf32, #tpu.memory_space<vmem>>) dst(%dma_wait3A_190 : memref<10240x64xf32, #tpu.memory_space<vmem_shared>>)
      tpu.yield
    }) : () -> ()
    %dma_wait3A_149 = arith.constant 0 : i32
    %dma_wait3A_150 = arith.constant 0 : i32
    %dma_wait3A_151 = tpu.memref_slice %arg6[%dma_wait3A_149, %dma_wait3A_150] : memref<125x80xi32, #tpu.memory_space<vmem>> -> memref<1x80xi32, #tpu.memory_space<vmem>>
    %dma_wait3A_152 = tpu.memref_squeeze %dma_wait3A_151 : memref<1x80xi32, #tpu.memory_space<vmem>> -> memref<80xi32, #tpu.memory_space<vmem>>
    %dma_wait3A_153 = arith.constant 0 : i32
    %dma_wait3A_154 = arith.constant 0 : i32
    %dma_wait3A_155 = tpu.memref_slice %arg3[%dma_wait3A_153, %dma_wait3A_154] : memref<10000x64xf32, #tpu.memory_space<hbm>> -> memref<10000x64xf32, #tpu.memory_space<hbm>>
    tpu.wait_indirect_dma semaphore(%arg17 : memref<!tpu.dma_semaphore, #tpu.memory_space<semaphore_mem>>) src(%dma_wait3A_155 : memref<10000x64xf32, #tpu.memory_space<hbm>>) dst(%arg10 : memref<80x64xf32, #tpu.memory_space<vmem>>)
    %run_scoped3A_156 = arith.constant 122 : i32
    "tpu.region"() ({
      %run_scoped3A_178 = tpu.sem_alloc : memref<!tpu.dma_semaphore, #tpu.memory_space<semaphore_mem>>
      %dma_start3A_179 = arith.constant 0 : i32
      %dma_start3A_180 = tpu.memref_slice %arg7[%run_scoped3A_156, %dma_start3A_179] : memref<125x80xi32, #tpu.memory_space<vmem>> -> memref<1x80xi32, #tpu.memory_space<vmem>>
      %dma_start3A_181 = tpu.memref_squeeze %dma_start3A_180 : memref<1x80xi32, #tpu.memory_space<vmem>> -> memref<80xi32, #tpu.memory_space<vmem>>
      %dma_start3A_182 = arith.constant 0 : i32
      %dma_start3A_183 = arith.constant 0 : i32
      %dma_start3A_184 = tpu.memref_slice %arg14[%dma_start3A_182, %dma_start3A_183] : memref<10240x64xf32, #tpu.memory_space<vmem_shared>> -> memref<10240x64xf32, #tpu.memory_space<vmem_shared>>
      tpu.enqueue_indirect_dma source(%arg10 : memref<80x64xf32, #tpu.memory_space<vmem>>) target(%dma_start3A_184 : memref<10240x64xf32, #tpu.memory_space<vmem_shared>>) offsets(%dma_start3A_181 : memref<80xi32, #tpu.memory_space<vmem>>) semaphore(%run_scoped3A_178 : memref<!tpu.dma_semaphore, #tpu.memory_space<semaphore_mem>>) {add = true}
      %dma_wait3A_185 = arith.constant 0 : i32
      %dma_wait3A_186 = tpu.memref_slice %arg7[%run_scoped3A_156, %dma_wait3A_185] : memref<125x80xi32, #tpu.memory_space<vmem>> -> memref<1x80xi32, #tpu.memory_space<vmem>>
      %dma_wait3A_187 = tpu.memref_squeeze %dma_wait3A_186 : memref<1x80xi32, #tpu.memory_space<vmem>> -> memref<80xi32, #tpu.memory_space<vmem>>
      %dma_wait3A_188 = arith.constant 0 : i32
      %dma_wait3A_189 = arith.constant 0 : i32
      %dma_wait3A_190 = tpu.memref_slice %arg14[%dma_wait3A_188, %dma_wait3A_189] : memref<10240x64xf32, #tpu.memory_space<vmem_shared>> -> memref<10240x64xf32, #tpu.memory_space<vmem_shared>>
      tpu.wait_indirect_dma semaphore(%run_scoped3A_178 : memref<!tpu.dma_semaphore, #tpu.memory_space<semaphore_mem>>) src(%arg10 : memref<80x64xf32, #tpu.memory_space<vmem>>) dst(%dma_wait3A_190 : memref<10240x64xf32, #tpu.memory_space<vmem_shared>>)
      tpu.yield
    }) : () -> ()
    %dma_wait3A_157 = arith.constant 0 : i32
    %dma_wait3A_158 = arith.constant 0 : i32
    %dma_wait3A_159 = tpu.memref_slice %arg6[%dma_wait3A_157, %dma_wait3A_158] : memref<125x80xi32, #tpu.memory_space<vmem>> -> memref<1x80xi32, #tpu.memory_space<vmem>>
    %dma_wait3A_160 = tpu.memref_squeeze %dma_wait3A_159 : memref<1x80xi32, #tpu.memory_space<vmem>> -> memref<80xi32, #tpu.memory_space<vmem>>
    %dma_wait3A_161 = arith.constant 0 : i32
    %dma_wait3A_162 = arith.constant 0 : i32
    %dma_wait3A_163 = tpu.memref_slice %arg3[%dma_wait3A_161, %dma_wait3A_162] : memref<10000x64xf32, #tpu.memory_space<hbm>> -> memref<10000x64xf32, #tpu.memory_space<hbm>>
    tpu.wait_indirect_dma semaphore(%arg18 : memref<!tpu.dma_semaphore, #tpu.memory_space<semaphore_mem>>) src(%dma_wait3A_163 : memref<10000x64xf32, #tpu.memory_space<hbm>>) dst(%arg11 : memref<80x64xf32, #tpu.memory_space<vmem>>)
    %run_scoped3A_164 = arith.constant 123 : i32
    "tpu.region"() ({
      %run_scoped3A_178 = tpu.sem_alloc : memref<!tpu.dma_semaphore, #tpu.memory_space<semaphore_mem>>
      %dma_start3A_179 = arith.constant 0 : i32
      %dma_start3A_180 = tpu.memref_slice %arg7[%run_scoped3A_164, %dma_start3A_179] : memref<125x80xi32, #tpu.memory_space<vmem>> -> memref<1x80xi32, #tpu.memory_space<vmem>>
      %dma_start3A_181 = tpu.memref_squeeze %dma_start3A_180 : memref<1x80xi32, #tpu.memory_space<vmem>> -> memref<80xi32, #tpu.memory_space<vmem>>
      %dma_start3A_182 = arith.constant 0 : i32
      %dma_start3A_183 = arith.constant 0 : i32
      %dma_start3A_184 = tpu.memref_slice %arg14[%dma_start3A_182, %dma_start3A_183] : memref<10240x64xf32, #tpu.memory_space<vmem_shared>> -> memref<10240x64xf32, #tpu.memory_space<vmem_shared>>
      tpu.enqueue_indirect_dma source(%arg11 : memref<80x64xf32, #tpu.memory_space<vmem>>) target(%dma_start3A_184 : memref<10240x64xf32, #tpu.memory_space<vmem_shared>>) offsets(%dma_start3A_181 : memref<80xi32, #tpu.memory_space<vmem>>) semaphore(%run_scoped3A_178 : memref<!tpu.dma_semaphore, #tpu.memory_space<semaphore_mem>>) {add = true}
      %dma_wait3A_185 = arith.constant 0 : i32
      %dma_wait3A_186 = tpu.memref_slice %arg7[%run_scoped3A_164, %dma_wait3A_185] : memref<125x80xi32, #tpu.memory_space<vmem>> -> memref<1x80xi32, #tpu.memory_space<vmem>>
      %dma_wait3A_187 = tpu.memref_squeeze %dma_wait3A_186 : memref<1x80xi32, #tpu.memory_space<vmem>> -> memref<80xi32, #tpu.memory_space<vmem>>
      %dma_wait3A_188 = arith.constant 0 : i32
      %dma_wait3A_189 = arith.constant 0 : i32
      %dma_wait3A_190 = tpu.memref_slice %arg14[%dma_wait3A_188, %dma_wait3A_189] : memref<10240x64xf32, #tpu.memory_space<vmem_shared>> -> memref<10240x64xf32, #tpu.memory_space<vmem_shared>>
      tpu.wait_indirect_dma semaphore(%run_scoped3A_178 : memref<!tpu.dma_semaphore, #tpu.memory_space<semaphore_mem>>) src(%arg11 : memref<80x64xf32, #tpu.memory_space<vmem>>) dst(%dma_wait3A_190 : memref<10240x64xf32, #tpu.memory_space<vmem_shared>>)
      tpu.yield
    }) : () -> ()
    %dma_wait3A_165 = arith.constant 0 : i32
    %dma_wait3A_166 = arith.constant 0 : i32
    %dma_wait3A_167 = tpu.memref_slice %arg6[%dma_wait3A_165, %dma_wait3A_166] : memref<125x80xi32, #tpu.memory_space<vmem>> -> memref<1x80xi32, #tpu.memory_space<vmem>>
    %dma_wait3A_168 = tpu.memref_squeeze %dma_wait3A_167 : memref<1x80xi32, #tpu.memory_space<vmem>> -> memref<80xi32, #tpu.memory_space<vmem>>
    %dma_wait3A_169 = arith.constant 0 : i32
    %dma_wait3A_170 = arith.constant 0 : i32
    %dma_wait3A_171 = tpu.memref_slice %arg3[%dma_wait3A_169, %dma_wait3A_170] : memref<10000x64xf32, #tpu.memory_space<hbm>> -> memref<10000x64xf32, #tpu.memory_space<hbm>>
    tpu.wait_indirect_dma semaphore(%arg19 : memref<!tpu.dma_semaphore, #tpu.memory_space<semaphore_mem>>) src(%dma_wait3A_171 : memref<10000x64xf32, #tpu.memory_space<hbm>>) dst(%arg12 : memref<80x64xf32, #tpu.memory_space<vmem>>)
    %run_scoped3A_172 = arith.constant 124 : i32
    "tpu.region"() ({
      %run_scoped3A_178 = tpu.sem_alloc : memref<!tpu.dma_semaphore, #tpu.memory_space<semaphore_mem>>
      %dma_start3A_179 = arith.constant 0 : i32
      %dma_start3A_180 = tpu.memref_slice %arg7[%run_scoped3A_172, %dma_start3A_179] : memref<125x80xi32, #tpu.memory_space<vmem>> -> memref<1x80xi32, #tpu.memory_space<vmem>>
      %dma_start3A_181 = tpu.memref_squeeze %dma_start3A_180 : memref<1x80xi32, #tpu.memory_space<vmem>> -> memref<80xi32, #tpu.memory_space<vmem>>
      %dma_start3A_182 = arith.constant 0 : i32
      %dma_start3A_183 = arith.constant 0 : i32
      %dma_start3A_184 = tpu.memref_slice %arg14[%dma_start3A_182, %dma_start3A_183] : memref<10240x64xf32, #tpu.memory_space<vmem_shared>> -> memref<10240x64xf32, #tpu.memory_space<vmem_shared>>
      tpu.enqueue_indirect_dma source(%arg12 : memref<80x64xf32, #tpu.memory_space<vmem>>) target(%dma_start3A_184 : memref<10240x64xf32, #tpu.memory_space<vmem_shared>>) offsets(%dma_start3A_181 : memref<80xi32, #tpu.memory_space<vmem>>) semaphore(%run_scoped3A_178 : memref<!tpu.dma_semaphore, #tpu.memory_space<semaphore_mem>>) {add = true}
      %dma_wait3A_185 = arith.constant 0 : i32
      %dma_wait3A_186 = tpu.memref_slice %arg7[%run_scoped3A_172, %dma_wait3A_185] : memref<125x80xi32, #tpu.memory_space<vmem>> -> memref<1x80xi32, #tpu.memory_space<vmem>>
      %dma_wait3A_187 = tpu.memref_squeeze %dma_wait3A_186 : memref<1x80xi32, #tpu.memory_space<vmem>> -> memref<80xi32, #tpu.memory_space<vmem>>
      %dma_wait3A_188 = arith.constant 0 : i32
      %dma_wait3A_189 = arith.constant 0 : i32
      %dma_wait3A_190 = tpu.memref_slice %arg14[%dma_wait3A_188, %dma_wait3A_189] : memref<10240x64xf32, #tpu.memory_space<vmem_shared>> -> memref<10240x64xf32, #tpu.memory_space<vmem_shared>>
      tpu.wait_indirect_dma semaphore(%run_scoped3A_178 : memref<!tpu.dma_semaphore, #tpu.memory_space<semaphore_mem>>) src(%arg12 : memref<80x64xf32, #tpu.memory_space<vmem>>) dst(%dma_wait3A_190 : memref<10240x64xf32, #tpu.memory_space<vmem_shared>>)
      tpu.yield
    }) : () -> ()
    %barrier3A_173 = arith.constant 0 : index
    tpu.barrier barrier_id(%barrier3A_173)
    %mul3A_174 = arith.constant 640 : i32
    %mul3A_175 = arith.muli %arg1, %mul3A_174 : i32
    %mul3A_176 = arith.constant 640 : i32
    %mul3A_177 = arith.muli %arg1, %mul3A_176 : i32
    "tpu.region"() ({
      %run_scoped3A_178 = tpu.sem_alloc : memref<!tpu.dma_semaphore, #tpu.memory_space<semaphore_mem>>
      %dma_start3A_179 = arith.constant 0 : i32
      %dma_start3A_180 = tpu.memref_slice %arg5[%arg0, %mul3A_177, %dma_start3A_179] : memref<2x10240x64xf32, #tpu.memory_space<hbm>> -> memref<1x640x64xf32, #tpu.memory_space<hbm>>
      %dma_start3A_181 = tpu.memref_squeeze %dma_start3A_180 : memref<1x640x64xf32, #tpu.memory_space<hbm>> -> memref<640x64xf32, #tpu.memory_space<hbm>>
      %dma_start3A_182 = arith.constant 0 : i32
      %dma_start3A_183 = tpu.memref_slice %arg14[%mul3A_175, %dma_start3A_182] : memref<10240x64xf32, #tpu.memory_space<vmem_shared>> -> memref<640x64xf32, #tpu.memory_space<vmem_shared>>
      tpu.enqueue_dma source(%dma_start3A_183 : memref<640x64xf32, #tpu.memory_space<vmem_shared>>) target(%dma_start3A_181 : memref<640x64xf32, #tpu.memory_space<hbm>>) target_semaphore(%run_scoped3A_178 : memref<!tpu.dma_semaphore, #tpu.memory_space<semaphore_mem>>)
      %dma_wait3A_184 = arith.constant 0 : i32
      %dma_wait3A_185 = tpu.memref_slice %arg5[%arg0, %mul3A_177, %dma_wait3A_184] : memref<2x10240x64xf32, #tpu.memory_space<hbm>> -> memref<1x640x64xf32, #tpu.memory_space<hbm>>
      %dma_wait3A_186 = tpu.memref_squeeze %dma_wait3A_185 : memref<1x640x64xf32, #tpu.memory_space<hbm>> -> memref<640x64xf32, #tpu.memory_space<hbm>>
      %dma_wait3A_187 = arith.constant 0 : i32
      %dma_wait3A_188 = tpu.memref_slice %arg14[%mul3A_175, %dma_wait3A_187] : memref<10240x64xf32, #tpu.memory_space<vmem_shared>> -> memref<640x64xf32, #tpu.memory_space<vmem_shared>>
      tpu.wait_dma2 semaphore(%run_scoped3A_178 : memref<!tpu.dma_semaphore, #tpu.memory_space<semaphore_mem>>) src(%dma_wait3A_188 : memref<640x64xf32, #tpu.memory_space<vmem_shared>>) dst(%dma_wait3A_186 : memref<640x64xf32, #tpu.memory_space<hbm>>)
      tpu.yield
    }) : () -> ()
    return
  }
}

module attributes {stable_mosaic.version = 14 : i64} {
  func.func @_pre_body(%arg0: i32, %arg1: memref<2000x128xf32, #tpu.memory_space<vmem>>, %arg2: memref<128x64xf32, #tpu.memory_space<vmem>>, %arg3: memref<1x2000x16xf32, #tpu.memory_space<vmem>>, %arg4: memref<1x2000x16xf32, #tpu.memory_space<vmem>>, %arg5: memref<2000x64xf32, #tpu.memory_space<vmem>>) attributes {dimension_semantics = [#tpu.dimension_semantics<arbitrary>], iteration_bounds = array<i64: 5>, scalar_prefetch = 0 : i64, scratch_operands = 0 : i64, tpu.core_type = #tpu.core_type<tc>, window_params = [{transform_indices = @transform_0, window_bounds = array<i64: 2000, 128>}, {pipeline_mode = #tpu.pipeline_mode<synchronous>, transform_indices = @transform_1, window_bounds = array<i64: 128, 64>}, {transform_indices = @transform_2, window_bounds = array<i64: 1, 2000, 16>}, {transform_indices = @transform_3, window_bounds = array<i64: 1, 2000, 16>}, {transform_indices = @transform_4, window_bounds = array<i64: 2000, 64>}]} {
    %get3A = arith.constant 0 : index
    %get3A_0 = arith.constant 0 : index
    %get3A_1 = arith.constant 0 : index
    %get3A_2 = vector.load %arg3[%get3A, %get3A_0, %get3A_1] : memref<1x2000x16xf32, #tpu.memory_space<vmem>>, vector<1x2000x16xf32>
    %get3A_3 = vector.shape_cast %get3A_2 : vector<1x2000x16xf32> to vector<2000x16xf32>
    %get3A_4 = arith.constant 0 : index
    %get3A_5 = arith.constant 0 : index
    %get3A_6 = arith.constant 0 : index
    %get3A_7 = vector.load %arg4[%get3A_4, %get3A_5, %get3A_6] : memref<1x2000x16xf32, #tpu.memory_space<vmem>>, vector<1x2000x16xf32>
    %get3A_8 = vector.shape_cast %get3A_7 : vector<1x2000x16xf32> to vector<2000x16xf32>
    %add3A = arith.addf %get3A_3, %get3A_8 : vector<2000x16xf32>
    %reduce_sum3A = arith.constant dense<0.000000e+00> : vector<2000xf32>
    %reduce_sum3A_9 = vector.multi_reduction <add>, %add3A, %reduce_sum3A [1] : vector<2000x16xf32> to vector<2000xf32>
    %broadcast_in_dim3A = vector.shape_cast %reduce_sum3A_9 : vector<2000xf32> to vector<2000x1xf32>
    %mul3A = arith.constant 6.250000e-02 : f32
    %mul3A_10 = vector.broadcast %mul3A : f32 to vector<2000x1xf32>
    %mul3A_11 = arith.mulf %broadcast_in_dim3A, %mul3A_10 : vector<2000x1xf32>
    %add3A_12 = arith.constant 1.000000e+00 : f32
    %add3A_13 = vector.broadcast %add3A_12 : f32 to vector<2000x1xf32>
    %add3A_14 = arith.addf %mul3A_11, %add3A_13 : vector<2000x1xf32>
    %sqrt3A = math.sqrt %add3A_14 : vector<2000x1xf32>
    %div3A = arith.constant 1.000000e+00 : f32
    %div3A_15 = vector.broadcast %div3A : f32 to vector<2000x1xf32>
    %div3A_16 = arith.divf %div3A_15, %sqrt3A : vector<2000x1xf32>
    %get3A_17 = arith.constant 0 : index
    %get3A_18 = arith.constant 0 : index
    %get3A_19 = vector.load %arg1[%get3A_17, %get3A_18] : memref<2000x128xf32, #tpu.memory_space<vmem>>, vector<2000x128xf32>
    %get3A_20 = arith.constant 0 : index
    %get3A_21 = arith.constant 0 : index
    %get3A_22 = vector.load %arg2[%get3A_20, %get3A_21] : memref<128x64xf32, #tpu.memory_space<vmem>>, vector<128x64xf32>
    %dot_general3A = arith.constant dense<0.000000e+00> : vector<2000x64xf32>
    %dot_general3A_23 = tpu.matmul %get3A_19, %get3A_22, %dot_general3A {dimension_numbers = #tpu.dot_dimension_numbers<[1], [0], [0], [1], [0, 0, 1, 1], [], []>, transpose_lhs_hint = false} : vector<2000x128xf32>, vector<128x64xf32>, vector<2000x64xf32> -> vector<2000x64xf32>
    %mul3A_24 = vector.broadcast %div3A_16 : vector<2000x1xf32> to vector<2000x64xf32>
    %mul3A_25 = arith.mulf %dot_general3A_23, %mul3A_24 : vector<2000x64xf32>
    %swap3A = arith.constant 0 : index
    %swap3A_26 = arith.constant 0 : index
    %swap3A_27 = vector.load %arg5[%swap3A, %swap3A_26] : memref<2000x64xf32, #tpu.memory_space<vmem>>, vector<2000x64xf32>
    tpu.vector_store %arg5[%swap3A, %swap3A_26], %mul3A_25 {strides = array<i32>} : memref<2000x64xf32, #tpu.memory_space<vmem>>, vector<2000x64xf32>,
    return
  }
  func.func @transform_0(%arg0: i32) -> (i32, i32) {
    %c0_i32 = arith.constant 0 : i32
    %c0_i32_0 = arith.constant 0 : i32
    return %arg0, %c0_i32 : i32, i32
  }
  func.func @transform_1(%arg0: i32) -> (i32, i32) {
    %c0_i32 = arith.constant 0 : i32
    %c0_i32_0 = arith.constant 0 : i32
    %c0_i32_1 = arith.constant 0 : i32
    return %c0_i32, %c0_i32_0 : i32, i32
  }
  func.func @transform_2(%arg0: i32) -> (i32, i32, i32) {
    %c0_i32 = arith.constant 0 : i32
    %c0_i32_0 = arith.constant 0 : i32
    %c0_i32_1 = arith.constant 0 : i32
    return %c0_i32, %arg0, %c0_i32_0 : i32, i32, i32
  }
  func.func @transform_3(%arg0: i32) -> (i32, i32, i32) {
    %c1_i32 = arith.constant 1 : i32
    %c0_i32 = arith.constant 0 : i32
    %c0_i32_0 = arith.constant 0 : i32
    return %c1_i32, %arg0, %c0_i32 : i32, i32, i32
  }
  func.func @transform_4(%arg0: i32) -> (i32, i32) {
    %c0_i32 = arith.constant 0 : i32
    %c0_i32_0 = arith.constant 0 : i32
    return %arg0, %c0_i32 : i32, i32
  }
}

module attributes {stable_mosaic.version = 14 : i64} {
  func.func @_mid_body(%arg0: i32, %arg1: memref<1x2000x64xf32, #tpu.memory_space<vmem>>, %arg2: memref<1x2000x64xf32, #tpu.memory_space<vmem>>, %arg3: memref<2000x64xf32, #tpu.memory_space<vmem>>, %arg4: memref<64x64xf32, #tpu.memory_space<vmem>>, %arg5: memref<1x64xf32, #tpu.memory_space<vmem>>, %arg6: memref<1x2000x16xf32, #tpu.memory_space<vmem>>, %arg7: memref<1x2000x16xf32, #tpu.memory_space<vmem>>, %arg8: memref<2000x64xf32, #tpu.memory_space<vmem>>) attributes {dimension_semantics = [#tpu.dimension_semantics<arbitrary>], iteration_bounds = array<i64: 5>, scalar_prefetch = 0 : i64, scratch_operands = 0 : i64, tpu.core_type = #tpu.core_type<tc>, window_params = [{transform_indices = @transform_0, window_bounds = array<i64: 1, 2000, 64>}, {transform_indices = @transform_1, window_bounds = array<i64: 1, 2000, 64>}, {transform_indices = @transform_2, window_bounds = array<i64: 2000, 64>}, {pipeline_mode = #tpu.pipeline_mode<synchronous>, transform_indices = @transform_3, window_bounds = array<i64: 64, 64>}, {pipeline_mode = #tpu.pipeline_mode<synchronous>, transform_indices = @transform_4, window_bounds = array<i64: 1, 64>}, {transform_indices = @transform_5, window_bounds = array<i64: 1, 2000, 16>}, {transform_indices = @transform_6, window_bounds = array<i64: 1, 2000, 16>}, {transform_indices = @transform_7, window_bounds = array<i64: 2000, 64>}]} {
    %get3A = arith.constant 0 : index
    %get3A_0 = arith.constant 0 : index
    %get3A_1 = arith.constant 0 : index
    %get3A_2 = vector.load %arg6[%get3A, %get3A_0, %get3A_1] : memref<1x2000x16xf32, #tpu.memory_space<vmem>>, vector<1x2000x16xf32>
    %get3A_3 = vector.shape_cast %get3A_2 : vector<1x2000x16xf32> to vector<2000x16xf32>
    %get3A_4 = arith.constant 0 : index
    %get3A_5 = arith.constant 0 : index
    %get3A_6 = arith.constant 0 : index
    %get3A_7 = vector.load %arg7[%get3A_4, %get3A_5, %get3A_6] : memref<1x2000x16xf32, #tpu.memory_space<vmem>>, vector<1x2000x16xf32>
    %get3A_8 = vector.shape_cast %get3A_7 : vector<1x2000x16xf32> to vector<2000x16xf32>
    %add3A = arith.addf %get3A_3, %get3A_8 : vector<2000x16xf32>
    %reduce_sum3A = arith.constant dense<0.000000e+00> : vector<2000xf32>
    %reduce_sum3A_9 = vector.multi_reduction <add>, %add3A, %reduce_sum3A [1] : vector<2000x16xf32> to vector<2000xf32>
    %broadcast_in_dim3A = vector.shape_cast %reduce_sum3A_9 : vector<2000xf32> to vector<2000x1xf32>
    %mul3A = arith.constant 6.250000e-02 : f32
    %mul3A_10 = vector.broadcast %mul3A : f32 to vector<2000x1xf32>
    %mul3A_11 = arith.mulf %broadcast_in_dim3A, %mul3A_10 : vector<2000x1xf32>
    %add3A_12 = arith.constant 1.000000e+00 : f32
    %add3A_13 = vector.broadcast %add3A_12 : f32 to vector<2000x1xf32>
    %add3A_14 = arith.addf %mul3A_11, %add3A_13 : vector<2000x1xf32>
    %sqrt3A = math.sqrt %add3A_14 : vector<2000x1xf32>
    %div3A = arith.constant 1.000000e+00 : f32
    %div3A_15 = vector.broadcast %div3A : f32 to vector<2000x1xf32>
    %div3A_16 = arith.divf %div3A_15, %sqrt3A : vector<2000x1xf32>
    %get3A_17 = arith.constant 0 : index
    %get3A_18 = arith.constant 0 : index
    %get3A_19 = arith.constant 0 : index
    %get3A_20 = vector.load %arg1[%get3A_17, %get3A_18, %get3A_19] : memref<1x2000x64xf32, #tpu.memory_space<vmem>>, vector<1x2000x64xf32>
    %get3A_21 = vector.shape_cast %get3A_20 : vector<1x2000x64xf32> to vector<2000x64xf32>
    %get3A_22 = arith.constant 0 : index
    %get3A_23 = arith.constant 0 : index
    %get3A_24 = arith.constant 0 : index
    %get3A_25 = vector.load %arg2[%get3A_22, %get3A_23, %get3A_24] : memref<1x2000x64xf32, #tpu.memory_space<vmem>>, vector<1x2000x64xf32>
    %get3A_26 = vector.shape_cast %get3A_25 : vector<1x2000x64xf32> to vector<2000x64xf32>
    %add3A_27 = arith.addf %get3A_21, %get3A_26 : vector<2000x64xf32>
    %get3A_28 = arith.constant 0 : index
    %get3A_29 = arith.constant 0 : index
    %get3A_30 = vector.load %arg3[%get3A_28, %get3A_29] : memref<2000x64xf32, #tpu.memory_space<vmem>>, vector<2000x64xf32>
    %add3A_31 = arith.addf %add3A_27, %get3A_30 : vector<2000x64xf32>
    %mul3A_32 = vector.broadcast %div3A_16 : vector<2000x1xf32> to vector<2000x64xf32>
    %mul3A_33 = arith.mulf %mul3A_32, %add3A_31 : vector<2000x64xf32>
    %get3A_34 = arith.constant 0 : index
    %get3A_35 = arith.constant 0 : index
    %get3A_36 = vector.load %arg5[%get3A_34, %get3A_35] : memref<1x64xf32, #tpu.memory_space<vmem>>, vector<1x64xf32>
    %add3A_37 = vector.broadcast %get3A_36 : vector<1x64xf32> to vector<2000x64xf32>
    %add3A_38 = arith.addf %mul3A_33, %add3A_37 : vector<2000x64xf32>
    %max3A = arith.constant 0.000000e+00 : f32
    %max3A_39 = vector.broadcast %max3A : f32 to vector<2000x64xf32>
    %max3A_40 = arith.maximumf %add3A_38, %max3A_39 : vector<2000x64xf32>
    %get3A_41 = arith.constant 0 : index
    %get3A_42 = arith.constant 0 : index
    %get3A_43 = vector.load %arg4[%get3A_41, %get3A_42] : memref<64x64xf32, #tpu.memory_space<vmem>>, vector<64x64xf32>
    %dot_general3A = arith.constant dense<0.000000e+00> : vector<2000x64xf32>
    %dot_general3A_44 = tpu.matmul %max3A_40, %get3A_43, %dot_general3A {dimension_numbers = #tpu.dot_dimension_numbers<[1], [0], [0], [1], [0, 0, 1, 1], [], []>, transpose_lhs_hint = false} : vector<2000x64xf32>, vector<64x64xf32>, vector<2000x64xf32> -> vector<2000x64xf32>
    %mul3A_45 = vector.broadcast %div3A_16 : vector<2000x1xf32> to vector<2000x64xf32>
    %mul3A_46 = arith.mulf %dot_general3A_44, %mul3A_45 : vector<2000x64xf32>
    %swap3A = arith.constant 0 : index
    %swap3A_47 = arith.constant 0 : index
    %swap3A_48 = vector.load %arg8[%swap3A, %swap3A_47] : memref<2000x64xf32, #tpu.memory_space<vmem>>, vector<2000x64xf32>
    tpu.vector_store %arg8[%swap3A, %swap3A_47], %mul3A_46 {strides = array<i32>} : memref<2000x64xf32, #tpu.memory_space<vmem>>, vector<2000x64xf32>,
    return
  }
  func.func @transform_0(%arg0: i32) -> (i32, i32, i32) {
    %c0_i32 = arith.constant 0 : i32
    %c0_i32_0 = arith.constant 0 : i32
    %c0_i32_1 = arith.constant 0 : i32
    return %c0_i32, %arg0, %c0_i32_0 : i32, i32, i32
  }
  func.func @transform_1(%arg0: i32) -> (i32, i32, i32) {
    %c1_i32 = arith.constant 1 : i32
    %c0_i32 = arith.constant 0 : i32
    %c0_i32_0 = arith.constant 0 : i32
    return %c1_i32, %arg0, %c0_i32 : i32, i32, i32
  }
  func.func @transform_2(%arg0: i32) -> (i32, i32) {
    %c0_i32 = arith.constant 0 : i32
    %c0_i32_0 = arith.constant 0 : i32
    return %arg0, %c0_i32 : i32, i32
  }
  func.func @transform_3(%arg0: i32) -> (i32, i32) {
    %c0_i32 = arith.constant 0 : i32
    %c0_i32_0 = arith.constant 0 : i32
    %c0_i32_1 = arith.constant 0 : i32
    return %c0_i32, %c0_i32_0 : i32, i32
  }
  func.func @transform_4(%arg0: i32) -> (i32, i32) {
    %c0_i32 = arith.constant 0 : i32
    %c0_i32_0 = arith.constant 0 : i32
    %c0_i32_1 = arith.constant 0 : i32
    return %c0_i32, %c0_i32_0 : i32, i32
  }
  func.func @transform_5(%arg0: i32) -> (i32, i32, i32) {
    %c0_i32 = arith.constant 0 : i32
    %c0_i32_0 = arith.constant 0 : i32
    %c0_i32_1 = arith.constant 0 : i32
    return %c0_i32, %arg0, %c0_i32_0 : i32, i32, i32
  }
  func.func @transform_6(%arg0: i32) -> (i32, i32, i32) {
    %c1_i32 = arith.constant 1 : i32
    %c0_i32 = arith.constant 0 : i32
    %c0_i32_0 = arith.constant 0 : i32
    return %c1_i32, %arg0, %c0_i32 : i32, i32, i32
  }
  func.func @transform_7(%arg0: i32) -> (i32, i32) {
    %c0_i32 = arith.constant 0 : i32
    %c0_i32_0 = arith.constant 0 : i32
    return %arg0, %c0_i32 : i32, i32
  }
}

module attributes {stable_mosaic.version = 14 : i64} {
  func.func @_fin_body(%arg0: i32, %arg1: memref<1x2000x64xf32, #tpu.memory_space<vmem>>, %arg2: memref<1x2000x64xf32, #tpu.memory_space<vmem>>, %arg3: memref<2000x64xf32, #tpu.memory_space<vmem>>, %arg4: memref<1x64xf32, #tpu.memory_space<vmem>>, %arg5: memref<1x2000x16xf32, #tpu.memory_space<vmem>>, %arg6: memref<1x2000x16xf32, #tpu.memory_space<vmem>>, %arg7: memref<2000x64xf32, #tpu.memory_space<vmem>>) attributes {dimension_semantics = [#tpu.dimension_semantics<arbitrary>], iteration_bounds = array<i64: 5>, scalar_prefetch = 0 : i64, scratch_operands = 0 : i64, tpu.core_type = #tpu.core_type<tc>, window_params = [{transform_indices = @transform_0, window_bounds = array<i64: 1, 2000, 64>}, {transform_indices = @transform_1, window_bounds = array<i64: 1, 2000, 64>}, {transform_indices = @transform_2, window_bounds = array<i64: 2000, 64>}, {pipeline_mode = #tpu.pipeline_mode<synchronous>, transform_indices = @transform_3, window_bounds = array<i64: 1, 64>}, {transform_indices = @transform_4, window_bounds = array<i64: 1, 2000, 16>}, {transform_indices = @transform_5, window_bounds = array<i64: 1, 2000, 16>}, {transform_indices = @transform_6, window_bounds = array<i64: 2000, 64>}]} {
    %get3A = arith.constant 0 : index
    %get3A_0 = arith.constant 0 : index
    %get3A_1 = arith.constant 0 : index
    %get3A_2 = vector.load %arg5[%get3A, %get3A_0, %get3A_1] : memref<1x2000x16xf32, #tpu.memory_space<vmem>>, vector<1x2000x16xf32>
    %get3A_3 = vector.shape_cast %get3A_2 : vector<1x2000x16xf32> to vector<2000x16xf32>
    %get3A_4 = arith.constant 0 : index
    %get3A_5 = arith.constant 0 : index
    %get3A_6 = arith.constant 0 : index
    %get3A_7 = vector.load %arg6[%get3A_4, %get3A_5, %get3A_6] : memref<1x2000x16xf32, #tpu.memory_space<vmem>>, vector<1x2000x16xf32>
    %get3A_8 = vector.shape_cast %get3A_7 : vector<1x2000x16xf32> to vector<2000x16xf32>
    %add3A = arith.addf %get3A_3, %get3A_8 : vector<2000x16xf32>
    %reduce_sum3A = arith.constant dense<0.000000e+00> : vector<2000xf32>
    %reduce_sum3A_9 = vector.multi_reduction <add>, %add3A, %reduce_sum3A [1] : vector<2000x16xf32> to vector<2000xf32>
    %broadcast_in_dim3A = vector.shape_cast %reduce_sum3A_9 : vector<2000xf32> to vector<2000x1xf32>
    %mul3A = arith.constant 6.250000e-02 : f32
    %mul3A_10 = vector.broadcast %mul3A : f32 to vector<2000x1xf32>
    %mul3A_11 = arith.mulf %broadcast_in_dim3A, %mul3A_10 : vector<2000x1xf32>
    %add3A_12 = arith.constant 1.000000e+00 : f32
    %add3A_13 = vector.broadcast %add3A_12 : f32 to vector<2000x1xf32>
    %add3A_14 = arith.addf %mul3A_11, %add3A_13 : vector<2000x1xf32>
    %sqrt3A = math.sqrt %add3A_14 : vector<2000x1xf32>
    %div3A = arith.constant 1.000000e+00 : f32
    %div3A_15 = vector.broadcast %div3A : f32 to vector<2000x1xf32>
    %div3A_16 = arith.divf %div3A_15, %sqrt3A : vector<2000x1xf32>
    %get3A_17 = arith.constant 0 : index
    %get3A_18 = arith.constant 0 : index
    %get3A_19 = arith.constant 0 : index
    %get3A_20 = vector.load %arg1[%get3A_17, %get3A_18, %get3A_19] : memref<1x2000x64xf32, #tpu.memory_space<vmem>>, vector<1x2000x64xf32>
    %get3A_21 = vector.shape_cast %get3A_20 : vector<1x2000x64xf32> to vector<2000x64xf32>
    %get3A_22 = arith.constant 0 : index
    %get3A_23 = arith.constant 0 : index
    %get3A_24 = arith.constant 0 : index
    %get3A_25 = vector.load %arg2[%get3A_22, %get3A_23, %get3A_24] : memref<1x2000x64xf32, #tpu.memory_space<vmem>>, vector<1x2000x64xf32>
    %get3A_26 = vector.shape_cast %get3A_25 : vector<1x2000x64xf32> to vector<2000x64xf32>
    %add3A_27 = arith.addf %get3A_21, %get3A_26 : vector<2000x64xf32>
    %get3A_28 = arith.constant 0 : index
    %get3A_29 = arith.constant 0 : index
    %get3A_30 = vector.load %arg3[%get3A_28, %get3A_29] : memref<2000x64xf32, #tpu.memory_space<vmem>>, vector<2000x64xf32>
    %add3A_31 = arith.addf %add3A_27, %get3A_30 : vector<2000x64xf32>
    %mul3A_32 = vector.broadcast %div3A_16 : vector<2000x1xf32> to vector<2000x64xf32>
    %mul3A_33 = arith.mulf %mul3A_32, %add3A_31 : vector<2000x64xf32>
    %get3A_34 = arith.constant 0 : index
    %get3A_35 = arith.constant 0 : index
    %get3A_36 = vector.load %arg4[%get3A_34, %get3A_35] : memref<1x64xf32, #tpu.memory_space<vmem>>, vector<1x64xf32>
    %add3A_37 = vector.broadcast %get3A_36 : vector<1x64xf32> to vector<2000x64xf32>
    %add3A_38 = arith.addf %mul3A_33, %add3A_37 : vector<2000x64xf32>
    %swap3A = arith.constant 0 : index
    %swap3A_39 = arith.constant 0 : index
    %swap3A_40 = vector.load %arg7[%swap3A, %swap3A_39] : memref<2000x64xf32, #tpu.memory_space<vmem>>, vector<2000x64xf32>
    tpu.vector_store %arg7[%swap3A, %swap3A_39], %add3A_38 {strides = array<i32>} : memref<2000x64xf32, #tpu.memory_space<vmem>>, vector<2000x64xf32>,
    return
  }
  func.func @transform_0(%arg0: i32) -> (i32, i32, i32) {
    %c0_i32 = arith.constant 0 : i32
    %c0_i32_0 = arith.constant 0 : i32
    %c0_i32_1 = arith.constant 0 : i32
    return %c0_i32, %arg0, %c0_i32_0 : i32, i32, i32
  }
  func.func @transform_1(%arg0: i32) -> (i32, i32, i32) {
    %c1_i32 = arith.constant 1 : i32
    %c0_i32 = arith.constant 0 : i32
    %c0_i32_0 = arith.constant 0 : i32
    return %c1_i32, %arg0, %c0_i32 : i32, i32, i32
  }
  func.func @transform_2(%arg0: i32) -> (i32, i32) {
    %c0_i32 = arith.constant 0 : i32
    %c0_i32_0 = arith.constant 0 : i32
    return %arg0, %c0_i32 : i32, i32
  }
  func.func @transform_3(%arg0: i32) -> (i32, i32) {
    %c0_i32 = arith.constant 0 : i32
    %c0_i32_0 = arith.constant 0 : i32
    %c0_i32_1 = arith.constant 0 : i32
    return %c0_i32, %c0_i32_0 : i32, i32
  }
  func.func @transform_4(%arg0: i32) -> (i32, i32, i32) {
    %c0_i32 = arith.constant 0 : i32
    %c0_i32_0 = arith.constant 0 : i32
    %c0_i32_1 = arith.constant 0 : i32
    return %c0_i32, %arg0, %c0_i32_0 : i32, i32, i32
  }
  func.func @transform_5(%arg0: i32) -> (i32, i32, i32) {
    %c1_i32 = arith.constant 1 : i32
    %c0_i32 = arith.constant 0 : i32
    %c0_i32_0 = arith.constant 0 : i32
    return %c1_i32, %arg0, %c0_i32 : i32, i32, i32
  }
  func.func @transform_6(%arg0: i32) -> (i32, i32) {
    %c0_i32 = arith.constant 0 : i32
    %c0_i32_0 = arith.constant 0 : i32
    return %arg0, %c0_i32 : i32, i32
  }
}

</mosaic_0001>

<sc_bundles>
// kernel: kernel.10.cloned.1.call-start
scs
__scs_entry_jumppad:
0x0: {  	(pc) =	sbr.rel $0x88, $3  }
0x1: {  	(tag) =	ssettag $0x0;
	lr =	simm.s32 $0x1  }
0x2: {  	[smem:$0x3F99] =	sst lr;
	_ =	strace $0xD0000000  }
0x3: {  	_ = 	snop  }
0x4: {  	_ = 	snop  }
0x5: {  	_ = 	snop  }
0x6: {  	_ = 	snop  }
0x7: {  	_ = 	snop  }
__scs_overlays_trampoline_lowered:
0x8: {  	[smem:$0x3FA8] =	sst s0  }
0x9: {  	[smem:$0x3FA9] =	sst s1  }
0xa: {  	[smem:$0x3FAA] =	sst s2  }
0xb: {  	[smem:$0x3FAB] =	sst s3  }
0xc: {  	[smem:$0x3FAC] =	sst s4  }
0xd: {  	[smem:$0x3FAD] =	sst s5  }
0xe: {  	[smem:$0x3FAE] =	sst s6  }
0xf: {  	[smem:$0x3FAF] =	sst s7  }
0x10: {  	[smem:$0x3FB0] =	sst s8  }
0x11: {  	[smem:$0x3FB1] =	sst s9;
	s0 =	simm.s32 @!p0 $0x0  }
0x12: {  	s1 =	sld [smem:$0x3F97];
	s0 =	simm.s32 @p0 $0x1  }
0x13: {  	[smem:$0x3FB2] =	sst s0;
	s0 =	simm.s32 @!p1 $0x0  }
0x14: {  	s2 =	sld [smem:$0x3F96];
	s0 =	simm.s32 @p1 $0x1  }
0x15: {  	[smem:$0x3FB3] =	sst s0;
	s0 =	simm.s32 @!p2 $0x0  }
0x16: {  	s3 =	sld [smem:$0x3FDB];
	s0 =	simm.s32 @p2 $0x1  }
0x17: {  	s4 =	simm.s32 $0x1BF5;
	[smem:$0x3FB5] =	sst s0  }
0x18: {  	s0 =	sld [smem:$0x3F98];
	_ =	swait.ge [sflag:s4], $0x0  }
0x19: {  	s7 =	sld [smem:$0x3F99]  }
0x1a: {  	s8 =	sadd.s32 $0xFFFFE003, lr  }
0x1b: {  	s9 =	sadd.s32 $0xFFFFFEF7, lr;
	s5 =	simm.s32 $0xFFFFFFFF;
	p2 =	slt.u32 s8, $0xFFFFF086  }
0x1c: {  	p1 =	slt.u32 s9, $0xF7A;
	s5 =	simm.s32 @!p2 $0x0  }
0x1d: {  	s5 =	simm.s32 @p1 $0x1;
	p0 =	seq.s32 s7, s2  }
0x1e: {  	s7 =	smul.u32 @!p0 $0xF7A, s2;
	p2 =	seq.s32 @!p0 s5, $0x0  }
0x1f: {  	s9 =	smul.u32 $0xF7A, s1;
	s8 =	simm.s32 @!p0 $0x1BF5;
	p2 =	por !p2, p0  }
0x20: {  	[sflag:s8] =	ssyncset.s32 @!p0 $0xFFFFF086;
	s6 =	sadd.s32 @!p0 s3, s7;
	s7 =	simm.s32 @!p0 $0x108  }
0x21: {  	s3 =	sadd.s32 s3, s9;
	s6 =	sadd.s32 @!p0 $0x88, s6;
	s7 =	simm.s32 @p2 $0x1082  }
0x22: {  	[simem:s7], [sflag:s8] =	dma.local @!p0 [hbm:s6], $0xF7A  }
0x23: {  	s9 =	sor.u32 $0xD0000000, s2;
	s6 =	simm.s32 $0x108;
	_ =	swait.ge @!p0 [sflag:s8], $0x0  }
0x24: {  	s3 =	sadd.s32 $0x88, s3;
	s6 =	simm.s32 @!p1 $0x1082;
	[sflag:s4] =	ssyncset.s32 $0xFFFFF086  }
0x25: {  	[simem:s6], [sflag:s4] =	dma.local [hbm:s3], $0xF7A  }
0x26: {  	[smem:$0x3F99] =	sst s1;
	(tag) =	ssettag s2;
	_ =	strace s9  }
0x27: {  	s1 =	sld [smem:$0x3FA9]  }
0x28: {  	s2 =	sld [smem:$0x3FAA]  }
0x29: {  	s4 =	sld [smem:$0x3FAC]  }
0x2a: {  	p0 =	seq.s32 s5, $0x0;
	s5 =	sld [smem:$0x3FAD]  }
0x2b: {  	s6 =	sld [smem:$0x3FAE]  }
0x2c: {  	s7 =	sld [smem:$0x3FAF]  }
0x2d: {  	s3 =	simm.s32 $0x108;
	s8 =	sld [smem:$0x3FB0]  }
0x2e: {  	s3 =	simm.s32 @!p0 $0x1082;
	s9 =	sld [smem:$0x3FB1]  }
0x2f: {  	lr =	sadd.s32 s0, s3;
	s0 =	sld [smem:$0x3FA8]  }
0x30: {  	s3 =	sld [smem:$0x3FAB]  }
0x31: {  	[smem:$0x3FB4] =	sst s10  }
0x32: {  	s10 =	sld [smem:$0x3FB2];
	_ =	sdelay $0x3  }
0x33: {  	p0 =	seq.s32 s10, $0x1;
	s10 =	sld [smem:$0x3FB4];
	_ =	sdelay $0x3  }
0x34: {  	[smem:$0x3FB4] =	sst s10  }
0x35: {  	s10 =	sld [smem:$0x3FB3];
	_ =	sdelay $0x3  }
0x36: {  	p1 =	seq.s32 s10, $0x1;
	s10 =	sld [smem:$0x3FB4];
	_ =	sdelay $0x3  }
0x37: {  	[smem:$0x3FB4] =	sst s10  }
0x38: {  	s10 =	sld [smem:$0x3FB5]  }
0x39: {  	_ = 	snop;
	(pc) =	sbr.ind lr, $3  }
0x3a: {  	_ = 	snop  }
0x3b: {  	_ = 	snop  }
0x3c: {  	p2 =	seq.s32 s10, $0x1;
	s10 =	sld [smem:$0x3FB4]  }
0x3d: {  	_ =	shalt  }
0x3e: {  	_ =	shalt  }
0x3f: {  	_ =	shalt  }
0x40: {  	_ =	shalt  }
0x41: {  	_ =	shalt  }
0x42: {  	_ =	shalt  }
0x43: {  	_ =	shalt  }
0x44: {  	_ =	shalt  }
0x45: {  	_ =	shalt  }
0x46: {  	_ =	shalt  }
0x47: {  	_ =	shalt  }
0x48: {  	_ =	shalt  }
0x49: {  	_ =	shalt  }
0x4a: {  	_ =	shalt  }
0x4b: {  	_ =	shalt  }
0x4c: {  	_ =	shalt  }
0x4d: {  	_ =	shalt  }
0x4e: {  	_ =	shalt  }
0x4f: {  	_ =	shalt  }
0x50: {  	_ =	shalt  }
0x51: {  	_ =	shalt  }
0x52: {  	_ =	shalt  }
0x53: {  	_ =	shalt  }
0x54: {  	_ =	shalt  }
0x55: {  	_ =	shalt  }
0x56: {  	_ =	shalt  }
0x57: {  	_ =	shalt  }
0x58: {  	_ =	shalt  }
0x59: {  	_ =	shalt  }
0x5a: {  	_ =	shalt  }
0x5b: {  	_ =	shalt  }
0x5c: {  	_ =	shalt  }
0x5d: {  	_ =	shalt  }
0x5e: {  	_ =	shalt  }
0x5f: {  	_ =	shalt  }
0x60: {  	_ =	shalt  }
0x61: {  	_ =	shalt  }
0x62: {  	_ =	shalt  }
0x63: {  	_ =	shalt  }
0x64: {  	_ =	shalt  }
0x65: {  	_ =	shalt  }
0x66: {  	_ =	shalt  }
0x67: {  	_ =	shalt  }
0x68: {  	_ =	shalt  }
0x69: {  	_ =	shalt  }
0x6a: {  	_ =	shalt  }
0x6b: {  	_ =	shalt  }
0x6c: {  	_ =	shalt  }
0x6d: {  	_ =	shalt  }
0x6e: {  	_ =	shalt  }
0x6f: {  	_ =	shalt  }
0x70: {  	_ =	shalt  }
0x71: {  	_ =	shalt  }
0x72: {  	_ =	shalt  }
0x73: {  	_ =	shalt  }
0x74: {  	_ =	shalt  }
0x75: {  	_ =	shalt  }
0x76: {  	_ =	shalt  }
0x77: {  	_ =	shalt  }
0x78: {  	_ =	shalt  }
0x79: {  	_ =	shalt  }
0x7a: {  	_ =	shalt  }
0x7b: {  	_ =	shalt  }
0x7c: {  	_ =	shalt  }
0x7d: {  	_ =	shalt  }
0x7e: {  	_ =	shalt  }
0x7f: {  	_ =	shalt  }
0x80: {  	_ =	shalt  }
0x81: {  	_ =	shalt  }
0x82: {  	_ =	shalt  }
0x83: {  	_ =	shalt  }
0x84: {  	_ =	shalt  }
0x85: {  	_ =	shalt  }
0x86: {  	_ =	shalt  }
0x87: {  	_ =	shalt  }
.Lfunc_end0:
.L_simem_size_0:
called_computation_lowered:
.L_overlay_start_0:
0x88: {  	s2 =	sld [smem:$0x3FD9]  }
0x89: {  	s3 =	sld [smem:$0x3FFE];
	_ =	sdelay $0x1  }
0x8a: {  	s1 =	srdreg.scid  }
0x8b: {  	s0 =	sand.u32 $0x1, s1  }
0x8c: {  	s17 =	sshll.u32 s0, $0xA;
	s2 =	sadd.s32 s3, s2  }
0x8d: {  	s2 =	sadd.s32 s2, s17  }
0x8e: {  	[smem:$0x3FC0] =	sst s2  }
0x8f: {  	_ = 	snop  }
0x90: {  	s2 =	sld [smem:$0x3FD0];
	(tm) =	ssettm $0x1  }
0x91: {  	s18 =	sld [smem:$0x3FFB];
	_ =	sdelay $0x3  }
0x92: {  	_ =	strace s18  }
0x93: {  	s3 =	sld [smem:$0x3FFC];
	_ =	sdelay $0x3  }
0x94: {  	_ =	strace s3  }
0x95: {  	s3 =	sld [smem:$0x3FFD];
	_ =	sdelay $0x3  }
0x96: {  	_ =	strace s3  }
0x97: {  	_ =	strace $0x8FFFFFFF  }
0x98: {  	s19 =	sld [smem:$0x3FDB];
	_ =	sdelay $0x1  }
0x99: {  	s4 =	simm.s32 $_scs_section_size  }
0x9a: {  	s5 =	simm.s32 $_size__tile_overlayer_lowered;
	s6 =	simm.s32 $_tile_overlayer_lowered  }
0x9b: {  	s22 =	simm.s32 $0x1BFF;
	s21 =	sshll.u32 s6, $0x1;
	s3 =	sadd.s32 s4, s19  }
0x9c: {  	s7 =	simm.s32 $0x0;
	s20 =	sshll.u32 s5, $0x1;
	s5 =	sadd.s32 s21, s3  }
0x9d: {  	[timem:s7], [sflag:s22] =	dma.local [hbm:s5], s20  }
0x9e: {  	_ =	swait.ge [sflag:s22], s20  }
0x9f: {  	s4 =	ssub.s32 $0x0, s20;
	[sflag:s22] =	ssyncset.done $0x0  }
0xa0: {  	[sflag:s22] =	ssyncadd.s32 s4;
	_ =	sdelay $0x1  }
0xa1: {  	s23 =	simm.s32 $0x1B8B  }
0xa2: {  	_ =	swait.ge [sflag:s23], $0x1  }
0xa3: {  	[sflag:s23] =	ssyncset.done $0x0  }
0xa4: {  	s25 =	simm.s32 $0x1B8E;
	s24 =	sld [smem:$0x3FFE];
	[sflag:s23] =	ssyncadd.s32 $0xFFFFFFFF  }
0xa5: {  	s26 =	simm.s32 $execute0_lowered;
	[smem:$0x3FD2] =	sst s25  }
0xa6: {  	s5 =	sshll.u32 s26, $0x1;
	_ =	strace $0x80000046;
	[dreg:$0x1] =	wrdreg $0xFFFFFFFF  }
0xa7: {  	s28 =	simm.s32 $_size_execute0_lowered;
	s3 =	sadd.s32 s3, s5;
	[dreg:$0x0] =	wrdreg $0x0  }
0xa8: {  	s5 =	sshll.u32 s28, $0x1;
	[dreg:$0x2] =	wrdreg s3  }
0xa9: {  	[dreg:$0x3] =	wrdreg s5  }
0xaa: {  	[dreg:$0x4] =	wrdreg $0xC0  }
0xab: {  	_ =	task [dreg:s7], $0x5FFFF  }
0xac: {  	[dreg:$0x1] =	wrdreg $0xFFFFFFFF  }
0xad: {  	[dreg:$0x0] =	wrdreg $0x60  }
0xae: {  	[dreg:$0x2] =	wrdreg s2  }
0xaf: {  	[dreg:$0x3] =	wrdreg s24  }
0xb0: {  	[dreg:$0x4] =	wrdreg $0x2C100  }
0xb1: {  	[dreg:$0x5] =	wrdreg $0x9  }
0xb2: {  	_ =	task.clear_ibuf [dreg:s7], $0x6FFFF;
	_ =	strace $0x90000046  }
0xb3: {  	s29 =	simm.s32 $0x9;
	_ =	strace $0x80000048  }
0xb4: {  	_ =	swait.ge [sflag:s29], $0x1  }
0xb5: {  	[sflag:s29] =	ssyncadd.s32 $0xFFFFFFFF  }
0xb6: {  	_ =	strace $0x90000048  }
0xb7: {  	_ =	sfence  }
0xb8: {  	s30 =	sld [smem:$0x0];
	_ =	sdelay $0x2  }
0xb9: {  	s31 =	sshll.u32 s1, $0xD;
	s1 =	sshrl.u32 s1, $0x2  }
0xba: {  	s3 =	sand.u32 $0x4000, s31;
	s1 =	sadd.s32 s1, s30  }
0xbb: {  	s0 =	sor.u32 s3, s0;
	s1 =	sshll.u32 s1, $0x11  }
0xbc: {  	s0 =	sor.u32 s1, s0  }
0xbd: {  	s0 =	sadd.s32 $0x8F2B, s0  }
0xbe: {  	[sflag:s0] =	ssyncadd.remote.s32 $0x1  }
0xbf: {  	_ =	sfence.sel $0xFFFF  }
0xc0: {  	[dreg:$0x0] =	wrdreg $0xFFFFFFFF;
	(pc) =	sbr.abs _section_cstart, $3  }
0xc1: {  	[dreg:$0x1] =	wrdreg $0xFFFFFFFF  }
0xc2: {  	_ =	task.clear_ibuf [dreg:s7], $0x2FFFF;
	_ =	strace $0x9FFFFFFF  }
0xc3: {  	(tm) =	ssettm $0x7FFFFFFF  }
tec
execute0_lowered:
.L_overlay_start_1:
0x0: {  	(tag) =	ssettag $0x1  }
0x1: {  	s6 =	rddreg [dreg:$0x0]  }
0x2: {  	s5 =	rddreg [dreg:$0x1]  }
0x3: {  	s2 =	rddreg [dreg:$0x2]  }
0x4: {  	s0 =	rddreg [dreg:$0x3];
	s1 =	stileid.u32  }
0x5: {  	s4 =	srdreg.scid;
	s3 =	simm.s32 $0x0;
	s14 =	simm.s32 $0x0  }
0x6: {  	s7 =	smul.u32 $0x2800, s1;
	s8 =	sand.u32 $0x1, s4;
	[smem:$0x7FF] =	sst s3  }
0x7: {  	s4 =	sadd.s32 $0x2A00, s5;
	s10 =	sshll.u32 s1, $0x1;
	s31 =	sshll.u32 s1, $0x6  }
0x8: {  	s9 =	smul.u32 $0x28000, s8;
	_ =	strace $0x80000047;
	s10 =	sor.u32 s8, s10  }
0x9: {  	s8 =	ssub.s32 $0x2, s8;
	s11 =	sshrl.u32 s7, $0x3;
	s10 =	smul.u32 $0x2710, s10  }
0xa: {  	s29 =	sshrl.u32 s8, $0x1;
	s13 =	sadd.s32 s7, s2;
	s9 =	sadd.s32 s7, s9  }
0xb: {  	s11 =	sadd.s32 s11, s5;
	s12 =	ssub.s32 s8, s29;
	s9 =	sshrl.u32 s9, $0x3  }
0xc: {  	s30 =	sshrl.u32 s10, $0x3;
	s10 =	sshrl.u32 s13, $0x3;
	s13 =	simm.s32 $0x50  }
0xd: {  	s9 =	sadd.s32 s9, s5;
	s5 =	sadd.s32 $0x2C00, s11;
	s7 =	sadd.s32 s6, s30  }
0xe: {  	s6 =	sor.u32 $0x1C01, s31;
	s11 =	simm.s32 $0x1;
	s7 =	sadd.s32 $0x9C40, s7  }
0xf: {  	s8 =	sadd.s32 $0x7C00, s9;
	s9 =	smax.u32 s12, $0x1;
	s12 =	simm.s32 $0x2710  }
.LBB2_1:
0x10: {  	[spmem:s10], [sflag:s6] =	dma.local [hbm:s5], $0x500  }
0x11: {  	_ =	swait.ge [sflag:s11], $0x500  }
0x12: {  	[sflag:s11] =	ssyncset.done $0x0  }
0x13: {  	[sflag:s11] =	ssyncadd.s32 $0xFFFFFB00  }
0x14: {  	[tilespmem:s3], [sflag:$0x1] =	stream.linear.gather [hbm4b:s7+s3], $0x2710, $0x38;
	[tilespmem:$0x5410] =	vst v63  }
0x15: {  	_ =	swait.ge [sflag:s11], $0x2710  }
0x16: {  	[sflag:s11] =	ssyncset.done $0x0  }
0x17: {  	[sflag:s11] =	ssyncadd.s32 $0xFFFFD8F0  }
0x18: {  	[tilespmem:s12], [sflag:$0x1] =	stream.linear.gather [hbm4b:s4+s3], $0x500, $0x38;
	[tilespmem:$0x5410] =	vst v63  }
0x19: {  	_ =	swait.ge [sflag:s11], $0x500  }
0x1a: {  	[sflag:s11] =	ssyncset.done $0x0  }
0x1b: {  	[sflag:s11] =	ssyncadd.s32 $0xFFFFFB00  }
0x1c: {  	s15 =	simm.s32 $0x0;
	[bflag:$0x0] =	sbarrier.arrive $0xFFFF  }
0x1d: {  	[spmem:s2] =	stream.indirect.scatter.add.f32 [tilespmem:s12], [sflag:$0x1], $0x10, s15, s13, $0xb8;
	[tilespmem:$0x5410] =	vst v63  }
0x1e: {  	_ =	swait.ge [sflag:s11], $0x500  }
0x1f: {  	s15 =	simm.s32 $0x140;
	[sflag:s11] =	ssyncset.done $0x0  }
.LBB2_2:
0x20: {  	s16 =	sshra.s32 s15, $0x2;
	[sflag:s11] =	ssyncadd.s32 $0xFFFFFB00;
	p0 =	sne.s32 s15, $0x9B00  }
0x21: {  	[spmem:s2] =	stream.indirect.scatter.add.f32 [tilespmem:s12], [sflag:$0x1], $0x10, s16, s13, $0xb8;
	[tilespmem:$0x5410] =	vst v63  }
.Ltmp0:
0x22: {  	_ = 	snop;
	(pc) =	sbr.rel @p0 .LBB2_2-.Ltmp0, $4  }
0x23: {  	_ = 	snop  }
0x24: {  	s15 =	sadd.s32 $0x140, s15  }
0x25: {  	_ =	swait.ge [sflag:s11], $0x500  }
0x26: {  	[sflag:s11] =	ssyncset.done $0x0  }
0x27: {  	s14 =	sadd.s32 $0x1, s14  }
0x28: {  	[sflag:s11] =	ssyncadd.s32 $0xFFFFFB00;
	p0 =	sne.s32 s14, s9  }
.Ltmp1:
0x29: {  	[bflag:$0x0] =	sbarrier.arrive $0xFFFF;
	(pc) =	sbr.rel @p0 .LBB2_1-.Ltmp1, $4  }
0x2a: {  	[hbm:s8], [sflag:s6] =	dma.local [spmem:s10], $0x500  }
0x2b: {  	_ =	swait.ge [sflag:s11], $0x500  }
0x2c: {  	[sflag:s11] =	ssyncset.done $0x0  }
0x2d: {  	[sflag:s11] =	ssyncadd.s32 $0xFFFFFB00  }
0x2e: {  	_ =	sfence.sel $0x180000  }
0x2f: {  	[bflag:$0x0] =	sbarrier.arrive $0xFFFF  }
0x30: {  	p0 =	sne.s32 s1, $0x0;
	_ =	strace $0x90000047  }
0x31: {  	s0 =	sadd.s32 @!p0 $0x100000, s0;
	[bflag:$0x2] =	sbarrier.arrive $0xFFFF  }
0x32: {  	[sflag:s0] =	ssyncadd.tile.s32 @!p0 $0x1;
	_ =	shalt  }
.Lfunc_end2:
_tile_overlayer_lowered:
.L_overlay_start_2:
0x33: {  	(tag) =	ssettag $0x2  }
0x34: {  	s0 =	rddreg [dreg:$0x0];
	s2 =	stileid.u32  }
0x35: {  	s1 =	rddreg [dreg:$0x1];
	p0 =	sne.s32 s2, $0x0  }
0x36: {  	s3 =	rddreg [dreg:$0x2];
	[bflag:$0x3] =	sbarrier.arrive $0xFFFF;
	s2 =	simm.s32 @!p0 $0x1C01  }
0x37: {  	[timem:s3], [sflag:s2] =	dma.local @!p0 [hbm:s0], s1  }
0x38: {  	s0 =	simm.s32 @!p0 $0x1  }
0x39: {  	_ =	swait.ge @!p0 [sflag:s0], s1  }
0x3a: {  	s1 =	ssub.s32 @!p0 $0x0, s1;
	[sflag:s0] =	ssyncset.done @!p0 $0x0  }
0x3b: {  	[sflag:s0] =	ssyncadd.s32 @!p0 s1  }
0x3c: {  	[bflag:$0x3] =	sbarrier.arrive $0xFFFF  }
0x3d: {  	_ =	shalt  }

// kernel: kernel.13.cloned.1.call-start
scs
__scs_entry_jumppad:
0x0: {  	(pc) =	sbr.rel $0x88, $3  }
0x1: {  	(tag) =	ssettag $0x0;
	lr =	simm.s32 $0x1  }
0x2: {  	[smem:$0x3F99] =	sst lr;
	_ =	strace $0xD0000000  }
0x3: {  	_ = 	snop  }
0x4: {  	_ = 	snop  }
0x5: {  	_ = 	snop  }
0x6: {  	_ = 	snop  }
0x7: {  	_ = 	snop  }
__scs_overlays_trampoline_lowered:
0x8: {  	[smem:$0x3FA8] =	sst s0  }
0x9: {  	[smem:$0x3FA9] =	sst s1  }
0xa: {  	[smem:$0x3FAA] =	sst s2  }
0xb: {  	[smem:$0x3FAB] =	sst s3  }
0xc: {  	[smem:$0x3FAC] =	sst s4  }
0xd: {  	[smem:$0x3FAD] =	sst s5  }
0xe: {  	[smem:$0x3FAE] =	sst s6  }
0xf: {  	[smem:$0x3FAF] =	sst s7  }
0x10: {  	[smem:$0x3FB0] =	sst s8  }
0x11: {  	[smem:$0x3FB1] =	sst s9;
	s0 =	simm.s32 @!p0 $0x0  }
0x12: {  	s1 =	sld [smem:$0x3F97];
	s0 =	simm.s32 @p0 $0x1  }
0x13: {  	[smem:$0x3FB2] =	sst s0;
	s0 =	simm.s32 @!p1 $0x0  }
0x14: {  	s2 =	sld [smem:$0x3F96];
	s0 =	simm.s32 @p1 $0x1  }
0x15: {  	[smem:$0x3FB3] =	sst s0;
	s0 =	simm.s32 @!p2 $0x0  }
0x16: {  	s3 =	sld [smem:$0x3FDB];
	s0 =	simm.s32 @p2 $0x1  }
0x17: {  	s4 =	simm.s32 $0x1BF5;
	[smem:$0x3FB5] =	sst s0  }
0x18: {  	s0 =	sld [smem:$0x3F98];
	_ =	swait.ge [sflag:s4], $0x0  }
0x19: {  	s7 =	sld [smem:$0x3F99]  }
0x1a: {  	s8 =	sadd.s32 $0xFFFFE003, lr  }
0x1b: {  	s9 =	sadd.s32 $0xFFFFFEF7, lr;
	s5 =	simm.s32 $0xFFFFFFFF;
	p2 =	slt.u32 s8, $0xFFFFF086  }
0x1c: {  	p1 =	slt.u32 s9, $0xF7A;
	s5 =	simm.s32 @!p2 $0x0  }
0x1d: {  	s5 =	simm.s32 @p1 $0x1;
	p0 =	seq.s32 s7, s2  }
0x1e: {  	s7 =	smul.u32 @!p0 $0xF7A, s2;
	p2 =	seq.s32 @!p0 s5, $0x0  }
0x1f: {  	s9 =	smul.u32 $0xF7A, s1;
	s8 =	simm.s32 @!p0 $0x1BF5;
	p2 =	por !p2, p0  }
0x20: {  	[sflag:s8] =	ssyncset.s32 @!p0 $0xFFFFF086;
	s6 =	sadd.s32 @!p0 s3, s7;
	s7 =	simm.s32 @!p0 $0x108  }
0x21: {  	s3 =	sadd.s32 s3, s9;
	s6 =	sadd.s32 @!p0 $0x88, s6;
	s7 =	simm.s32 @p2 $0x1082  }
0x22: {  	[simem:s7], [sflag:s8] =	dma.local @!p0 [hbm:s6], $0xF7A  }
0x23: {  	s9 =	sor.u32 $0xD0000000, s2;
	s6 =	simm.s32 $0x108;
	_ =	swait.ge @!p0 [sflag:s8], $0x0  }
0x24: {  	s3 =	sadd.s32 $0x88, s3;
	s6 =	simm.s32 @!p1 $0x1082;
	[sflag:s4] =	ssyncset.s32 $0xFFFFF086  }
0x25: {  	[simem:s6], [sflag:s4] =	dma.local [hbm:s3], $0xF7A  }
0x26: {  	[smem:$0x3F99] =	sst s1;
	(tag) =	ssettag s2;
	_ =	strace s9  }
0x27: {  	s1 =	sld [smem:$0x3FA9]  }
0x28: {  	s2 =	sld [smem:$0x3FAA]  }
0x29: {  	s4 =	sld [smem:$0x3FAC]  }
0x2a: {  	p0 =	seq.s32 s5, $0x0;
	s5 =	sld [smem:$0x3FAD]  }
0x2b: {  	s6 =	sld [smem:$0x3FAE]  }
0x2c: {  	s7 =	sld [smem:$0x3FAF]  }
0x2d: {  	s3 =	simm.s32 $0x108;
	s8 =	sld [smem:$0x3FB0]  }
0x2e: {  	s3 =	simm.s32 @!p0 $0x1082;
	s9 =	sld [smem:$0x3FB1]  }
0x2f: {  	lr =	sadd.s32 s0, s3;
	s0 =	sld [smem:$0x3FA8]  }
0x30: {  	s3 =	sld [smem:$0x3FAB]  }
0x31: {  	[smem:$0x3FB4] =	sst s10  }
0x32: {  	s10 =	sld [smem:$0x3FB2];
	_ =	sdelay $0x3  }
0x33: {  	p0 =	seq.s32 s10, $0x1;
	s10 =	sld [smem:$0x3FB4];
	_ =	sdelay $0x3  }
0x34: {  	[smem:$0x3FB4] =	sst s10  }
0x35: {  	s10 =	sld [smem:$0x3FB3];
	_ =	sdelay $0x3  }
0x36: {  	p1 =	seq.s32 s10, $0x1;
	s10 =	sld [smem:$0x3FB4];
	_ =	sdelay $0x3  }
0x37: {  	[smem:$0x3FB4] =	sst s10  }
0x38: {  	s10 =	sld [smem:$0x3FB5]  }
0x39: {  	_ = 	snop;
	(pc) =	sbr.ind lr, $3  }
0x3a: {  	_ = 	snop  }
0x3b: {  	_ = 	snop  }
0x3c: {  	p2 =	seq.s32 s10, $0x1;
	s10 =	sld [smem:$0x3FB4]  }
0x3d: {  	_ =	shalt  }
0x3e: {  	_ =	shalt  }
0x3f: {  	_ =	shalt  }
0x40: {  	_ =	shalt  }
0x41: {  	_ =	shalt  }
0x42: {  	_ =	shalt  }
0x43: {  	_ =	shalt  }
0x44: {  	_ =	shalt  }
0x45: {  	_ =	shalt  }
0x46: {  	_ =	shalt  }
0x47: {  	_ =	shalt  }
0x48: {  	_ =	shalt  }
0x49: {  	_ =	shalt  }
0x4a: {  	_ =	shalt  }
0x4b: {  	_ =	shalt  }
0x4c: {  	_ =	shalt  }
0x4d: {  	_ =	shalt  }
0x4e: {  	_ =	shalt  }
0x4f: {  	_ =	shalt  }
0x50: {  	_ =	shalt  }
0x51: {  	_ =	shalt  }
0x52: {  	_ =	shalt  }
0x53: {  	_ =	shalt  }
0x54: {  	_ =	shalt  }
0x55: {  	_ =	shalt  }
0x56: {  	_ =	shalt  }
0x57: {  	_ =	shalt  }
0x58: {  	_ =	shalt  }
0x59: {  	_ =	shalt  }
0x5a: {  	_ =	shalt  }
0x5b: {  	_ =	shalt  }
0x5c: {  	_ =	shalt  }
0x5d: {  	_ =	shalt  }
0x5e: {  	_ =	shalt  }
0x5f: {  	_ =	shalt  }
0x60: {  	_ =	shalt  }
0x61: {  	_ =	shalt  }
0x62: {  	_ =	shalt  }
0x63: {  	_ =	shalt  }
0x64: {  	_ =	shalt  }
0x65: {  	_ =	shalt  }
0x66: {  	_ =	shalt  }
0x67: {  	_ =	shalt  }
0x68: {  	_ =	shalt  }
0x69: {  	_ =	shalt  }
0x6a: {  	_ =	shalt  }
0x6b: {  	_ =	shalt  }
0x6c: {  	_ =	shalt  }
0x6d: {  	_ =	shalt  }
0x6e: {  	_ =	shalt  }
0x6f: {  	_ =	shalt  }
0x70: {  	_ =	shalt  }
0x71: {  	_ =	shalt  }
0x72: {  	_ =	shalt  }
0x73: {  	_ =	shalt  }
0x74: {  	_ =	shalt  }
0x75: {  	_ =	shalt  }
0x76: {  	_ =	shalt  }
0x77: {  	_ =	shalt  }
0x78: {  	_ =	shalt  }
0x79: {  	_ =	shalt  }
0x7a: {  	_ =	shalt  }
0x7b: {  	_ =	shalt  }
0x7c: {  	_ =	shalt  }
0x7d: {  	_ =	shalt  }
0x7e: {  	_ =	shalt  }
0x7f: {  	_ =	shalt  }
0x80: {  	_ =	shalt  }
0x81: {  	_ =	shalt  }
0x82: {  	_ =	shalt  }
0x83: {  	_ =	shalt  }
0x84: {  	_ =	shalt  }
0x85: {  	_ =	shalt  }
0x86: {  	_ =	shalt  }
0x87: {  	_ =	shalt  }
.Lfunc_end0:
.L_simem_size_0:
called_computation.1_lowered:
.L_overlay_start_0:
0x88: {  	s2 =	sld [smem:$0x3FD9]  }
0x89: {  	s3 =	sld [smem:$0x3FFE];
	_ =	sdelay $0x1  }
0x8a: {  	s1 =	srdreg.scid  }
0x8b: {  	s0 =	sand.u32 $0x1, s1  }
0x8c: {  	s17 =	sshll.u32 s0, $0xA;
	s2 =	sadd.s32 s3, s2  }
0x8d: {  	s2 =	sadd.s32 s2, s17  }
0x8e: {  	[smem:$0x3FC0] =	sst s2  }
0x8f: {  	_ = 	snop  }
0x90: {  	s2 =	sld [smem:$0x3FD0];
	(tm) =	ssettm $0x1  }
0x91: {  	s18 =	sld [smem:$0x3FFB];
	_ =	sdelay $0x3  }
0x92: {  	_ =	strace s18  }
0x93: {  	s3 =	sld [smem:$0x3FFC];
	_ =	sdelay $0x3  }
0x94: {  	_ =	strace s3  }
0x95: {  	s3 =	sld [smem:$0x3FFD];
	_ =	sdelay $0x3  }
0x96: {  	_ =	strace s3  }
0x97: {  	_ =	strace $0x8FFFFFFF  }
0x98: {  	s19 =	sld [smem:$0x3FDB];
	_ =	sdelay $0x1  }
0x99: {  	s4 =	simm.s32 $_scs_section_size  }
0x9a: {  	s5 =	simm.s32 $_size__tile_overlayer_lowered;
	s6 =	simm.s32 $_tile_overlayer_lowered  }
0x9b: {  	s22 =	simm.s32 $0x1BFF;
	s21 =	sshll.u32 s6, $0x1;
	s3 =	sadd.s32 s4, s19  }
0x9c: {  	s7 =	simm.s32 $0x0;
	s20 =	sshll.u32 s5, $0x1;
	s5 =	sadd.s32 s21, s3  }
0x9d: {  	[timem:s7], [sflag:s22] =	dma.local [hbm:s5], s20  }
0x9e: {  	_ =	swait.ge [sflag:s22], s20  }
0x9f: {  	s4 =	ssub.s32 $0x0, s20;
	[sflag:s22] =	ssyncset.done $0x0  }
0xa0: {  	[sflag:s22] =	ssyncadd.s32 s4;
	_ =	sdelay $0x1  }
0xa1: {  	s23 =	simm.s32 $0x1B8B  }
0xa2: {  	_ =	swait.ge [sflag:s23], $0x1  }
0xa3: {  	[sflag:s23] =	ssyncset.done $0x0  }
0xa4: {  	s25 =	simm.s32 $0x1B8E;
	s24 =	sld [smem:$0x3FFE];
	[sflag:s23] =	ssyncadd.s32 $0xFFFFFFFF  }
0xa5: {  	s26 =	simm.s32 $execute0_lowered;
	[smem:$0x3FD2] =	sst s25  }
0xa6: {  	s5 =	sshll.u32 s26, $0x1;
	_ =	strace $0x80000049;
	[dreg:$0x1] =	wrdreg $0xFFFFFFFF  }
0xa7: {  	s28 =	simm.s32 $_size_execute0_lowered;
	s3 =	sadd.s32 s3, s5;
	[dreg:$0x0] =	wrdreg $0x0  }
0xa8: {  	s5 =	sshll.u32 s28, $0x1;
	[dreg:$0x2] =	wrdreg s3  }
0xa9: {  	[dreg:$0x3] =	wrdreg s5  }
0xaa: {  	[dreg:$0x4] =	wrdreg $0xC0  }
0xab: {  	_ =	task [dreg:s7], $0x5FFFF  }
0xac: {  	[dreg:$0x1] =	wrdreg $0xFFFFFFFF  }
0xad: {  	[dreg:$0x0] =	wrdreg $0x60  }
0xae: {  	[dreg:$0x2] =	wrdreg s2  }
0xaf: {  	[dreg:$0x3] =	wrdreg s24  }
0xb0: {  	[dreg:$0x4] =	wrdreg $0xC6200  }
0xb1: {  	[dreg:$0x5] =	wrdreg $0x9  }
0xb2: {  	_ =	task.clear_ibuf [dreg:s7], $0x6FFFF;
	_ =	strace $0x90000049  }
0xb3: {  	s29 =	simm.s32 $0x9;
	_ =	strace $0x8000004B  }
0xb4: {  	_ =	swait.ge [sflag:s29], $0x1  }
0xb5: {  	[sflag:s29] =	ssyncadd.s32 $0xFFFFFFFF  }
0xb6: {  	_ =	strace $0x9000004B  }
0xb7: {  	_ =	sfence  }
0xb8: {  	s30 =	sld [smem:$0x0];
	_ =	sdelay $0x2  }
0xb9: {  	s31 =	sshll.u32 s1, $0xD;
	s1 =	sshrl.u32 s1, $0x2  }
0xba: {  	s3 =	sand.u32 $0x4000, s31;
	s1 =	sadd.s32 s1, s30  }
0xbb: {  	s0 =	sor.u32 s3, s0;
	s1 =	sshll.u32 s1, $0x11  }
0xbc: {  	s0 =	sor.u32 s1, s0  }
0xbd: {  	s0 =	sadd.s32 $0x8F2B, s0  }
0xbe: {  	[sflag:s0] =	ssyncadd.remote.s32 $0x1  }
0xbf: {  	_ =	sfence.sel $0xFFFF  }
0xc0: {  	[dreg:$0x0] =	wrdreg $0xFFFFFFFF;
	(pc) =	sbr.abs _section_cstart, $3  }
0xc1: {  	[dreg:$0x1] =	wrdreg $0xFFFFFFFF  }
0xc2: {  	_ =	task.clear_ibuf [dreg:s7], $0x2FFFF;
	_ =	strace $0x9FFFFFFF  }
0xc3: {  	(tm) =	ssettm $0x7FFFFFFF  }
tec
execute0_lowered:
.L_overlay_start_1:
0x0: {  	(tag) =	ssettag $0x1  }
0x1: {  	s0 =	rddreg [dreg:$0x0]  }
0x2: {  	s1 =	rddreg [dreg:$0x1]  }
0x3: {  	s2 =	rddreg [dreg:$0x2]  }
0x4: {  	s3 =	simm.s32 $0x0;
	s12 =	stileid.u32;
	s4 =	srdreg.scid  }
0x5: {  	s14 =	simm.s32 $0x50;
	s15 =	simm.s32 $0x4E20;
	s16 =	simm.s32 $0x6220  }
0x6: {  	s18 =	simm.s32 $0x7620;
	s20 =	simm.s32 $0x8A20;
	s22 =	simm.s32 $0x9E20  }
0x7: {  	s24 =	simm.s32 $0xB220;
	s28 =	simm.s32 $0x3;
	s29 =	simm.s32 $0x4  }
0x8: {  	s30 =	simm.s32 $0x5;
	s31 =	simm.s32 $0x6;
	s23 =	simm.s32 $0x4D30  }
0x9: {  	s13 =	simm.s32 $0x0;
	[smem:$0x7FF] =	sst s3;
	s5 =	smul.u32 $0xA000, s12  }
0xa: {  	s6 =	sand.u32 $0x1, s4;
	s8 =	sshll.u32 s12, $0x1;
	s4 =	sadd.s32 $0x79C00, s1  }
0xb: {  	s26 =	sshll.u32 s12, $0x6;
	s12 =	simm.s32 $0x7;
	_ =	strace $0x8000004A  }
0xc: {  	s7 =	smul.u32 $0xA0000, s6;
	s8 =	sor.u32 s6, s8;
	s6 =	ssub.s32 $0x2, s6  }
0xd: {  	s9 =	sshrl.u32 s5, $0x3;
	s8 =	smul.u32 $0x2710, s8;
	s10 =	sshrl.u32 s6, $0x1  }
0xe: {  	s11 =	sadd.s32 s5, s2;
	s7 =	sadd.s32 s5, s7;
	s9 =	sadd.s32 s9, s1  }
0xf: {  	s10 =	ssub.s32 s6, s10;
	s11 =	sshrl.u32 s11, $0x3;
	s7 =	sshrl.u32 s7, $0x3  }
0x10: {  	s25 =	sshrl.u32 s8, $0x3;
	s6 =	sadd.s32 $0x8D600, s9;
	s10 =	smax.u32 s10, $0x1  }
0x11: {  	s1 =	sadd.s32 s7, s1;
	s5 =	sadd.s32 s0, s25;
	s7 =	sor.u32 $0x1C07, s26  }
0x12: {  	s25 =	simm.s32 $0x1;
	s26 =	simm.s32 $0x2;
	s0 =	simm.s32 $0x4D80  }
0x13: {  	s8 =	sadd.s32 $0x9C40, s5;
	s9 =	sadd.s32 $0xA1600, s1;
	s1 =	simm.s32 $0x4DD0  }
.LBB2_1:
0x14: {  	[spmem:s11], [sflag:s7] =	dma.local [hbm:s6], $0x1400  }
0x15: {  	_ =	swait.ge [sflag:s12], $0x1400  }
0x16: {  	[sflag:s12] =	ssyncset.done $0x0  }
0x17: {  	[sflag:s12] =	ssyncadd.s32 $0xFFFFEC00  }
0x18: {  	[tilespmem:s3], [sflag:$0x7] =	stream.linear.gather [hbm4b:s5+s3], $0x2710, $0x38;
	[tilespmem:$0x16620] =	vst v63  }
0x19: {  	_ =	swait.ge [sflag:s12], $0x2710  }
0x1a: {  	[sflag:s12] =	ssyncset.done $0x0  }
0x1b: {  	s17 =	simm.s32 $0x2710;
	[sflag:s12] =	ssyncadd.s32 $0xFFFFD8F0  }
0x1c: {  	[tilespmem:s17], [sflag:$0x7] =	stream.linear.gather [hbm4b:s8+s3], $0x2710, $0x38;
	[tilespmem:$0x16620] =	vst v63  }
0x1d: {  	_ =	swait.ge [sflag:s12], $0x2710  }
0x1e: {  	[sflag:s12] =	ssyncset.done $0x0  }
0x1f: {  	[sflag:s12] =	ssyncadd.s32 $0xFFFFD8F0  }
0x20: {  	[bflag:$0x0] =	sbarrier.arrive $0xFFFF  }
0x21: {  	[tilespmem:s15], [sflag:$0x1] =	stream.indirect.gather [hbm4b:s4+s14], $0x40, s3, s14, $0xb8;
	[tilespmem:$0x16620] =	vst v63  }
0x22: {  	_ = 	snop  }
0x23: {  	[tilespmem:s16], [sflag:$0x2] =	stream.indirect.gather [hbm4b:s4+s14], $0x40, s14, s14, $0xb8;
	[tilespmem:$0x16620] =	vst v63  }
0x24: {  	s21 =	simm.s32 $0xA0  }
0x25: {  	[tilespmem:s18], [sflag:$0x3] =	stream.indirect.gather [hbm4b:s4+s14], $0x40, s21, s14, $0xb8;
	[tilespmem:$0x16620] =	vst v63  }
0x26: {  	s19 =	simm.s32 $0xF0  }
0x27: {  	[tilespmem:s20], [sflag:$0x4] =	stream.indirect.gather [hbm4b:s4+s14], $0x40, s19, s14, $0xb8;
	[tilespmem:$0x16620] =	vst v63  }
0x28: {  	s21 =	simm.s32 $0x140  }
0x29: {  	[tilespmem:s22], [sflag:$0x5] =	stream.indirect.gather [hbm4b:s4+s14], $0x40, s21, s14, $0xb8;
	[tilespmem:$0x16620] =	vst v63  }
0x2a: {  	s19 =	simm.s32 $0x190  }
0x2b: {  	[tilespmem:s24], [sflag:$0x6] =	stream.indirect.gather [hbm4b:s4+s14], $0x40, s19, s14, $0xb8;
	[tilespmem:$0x16620] =	vst v63  }
0x2c: {  	_ =	swait.ge [sflag:s25], $0x1400  }
0x2d: {  	[sflag:s25] =	ssyncset.done $0x0  }
0x2e: {  	s21 =	simm.s32 $0x2710;
	[sflag:s25] =	ssyncadd.s32 $0xFFFFEC00  }
0x2f: {  	[spmem:s2] =	stream.indirect.scatter.add.f32 [tilespmem:s15], [sflag:$0x7], $0x40, s21, s14, $0xb8;
	[tilespmem:$0x16620] =	vst v63  }
0x30: {  	_ =	swait.ge [sflag:s12], $0x1400  }
0x31: {  	[sflag:s12] =	ssyncset.done $0x0  }
0x32: {  	s19 =	simm.s32 $0x1E0;
	[sflag:s12] =	ssyncadd.s32 $0xFFFFEC00  }
0x33: {  	[tilespmem:s15], [sflag:$0x1] =	stream.indirect.gather [hbm4b:s4+s14], $0x40, s19, s14, $0xb8;
	[tilespmem:$0x16620] =	vst v63  }
0x34: {  	_ =	swait.ge [sflag:s26], $0x1400  }
0x35: {  	[sflag:s26] =	ssyncset.done $0x0  }
0x36: {  	s21 =	simm.s32 $0x2760;
	[sflag:s26] =	ssyncadd.s32 $0xFFFFEC00  }
0x37: {  	[spmem:s2] =	stream.indirect.scatter.add.f32 [tilespmem:s16], [sflag:$0x7], $0x40, s21, s14, $0xb8;
	[tilespmem:$0x16620] =	vst v63  }
0x38: {  	_ =	swait.ge [sflag:s12], $0x1400  }
0x39: {  	[sflag:s12] =	ssyncset.done $0x0  }
0x3a: {  	s19 =	simm.s32 $0x230;
	[sflag:s12] =	ssyncadd.s32 $0xFFFFEC00  }
0x3b: {  	[tilespmem:s16], [sflag:$0x2] =	stream.indirect.gather [hbm4b:s4+s14], $0x40, s19, s14, $0xb8;
	[tilespmem:$0x16620] =	vst v63  }
0x3c: {  	_ =	swait.ge [sflag:s28], $0x1400  }
0x3d: {  	[sflag:s28] =	ssyncset.done $0x0  }
0x3e: {  	s21 =	simm.s32 $0x27B0;
	[sflag:s28] =	ssyncadd.s32 $0xFFFFEC00  }
0x3f: {  	[spmem:s2] =	stream.indirect.scatter.add.f32 [tilespmem:s18], [sflag:$0x7], $0x40, s21, s14, $0xb8;
	[tilespmem:$0x16620] =	vst v63  }
0x40: {  	_ =	swait.ge [sflag:s12], $0x1400  }
0x41: {  	[sflag:s12] =	ssyncset.done $0x0  }
0x42: {  	s19 =	simm.s32 $0x280;
	[sflag:s12] =	ssyncadd.s32 $0xFFFFEC00  }
0x43: {  	[tilespmem:s18], [sflag:$0x3] =	stream.indirect.gather [hbm4b:s4+s14], $0x40, s19, s14, $0xb8;
	[tilespmem:$0x16620] =	vst v63  }
0x44: {  	_ =	swait.ge [sflag:s29], $0x1400  }
0x45: {  	[sflag:s29] =	ssyncset.done $0x0  }
0x46: {  	s21 =	simm.s32 $0x2800;
	[sflag:s29] =	ssyncadd.s32 $0xFFFFEC00  }
0x47: {  	[spmem:s2] =	stream.indirect.scatter.add.f32 [tilespmem:s20], [sflag:$0x7], $0x40, s21, s14, $0xb8;
	[tilespmem:$0x16620] =	vst v63  }
0x48: {  	_ =	swait.ge [sflag:s12], $0x1400  }
0x49: {  	[sflag:s12] =	ssyncset.done $0x0  }
0x4a: {  	s19 =	simm.s32 $0x2D0;
	[sflag:s12] =	ssyncadd.s32 $0xFFFFEC00  }
0x4b: {  	[tilespmem:s20], [sflag:$0x4] =	stream.indirect.gather [hbm4b:s4+s14], $0x40, s19, s14, $0xb8;
	[tilespmem:$0x16620] =	vst v63  }
0x4c: {  	_ =	swait.ge [sflag:s30], $0x1400  }
0x4d: {  	[sflag:s30] =	ssyncset.done $0x0  }
0x4e: {  	s21 =	simm.s32 $0x2850;
	[sflag:s30] =	ssyncadd.s32 $0xFFFFEC00  }
0x4f: {  	[spmem:s2] =	stream.indirect.scatter.add.f32 [tilespmem:s22], [sflag:$0x7], $0x40, s21, s14, $0xb8;
	[tilespmem:$0x16620] =	vst v63  }
0x50: {  	_ =	swait.ge [sflag:s12], $0x1400  }
0x51: {  	[sflag:s12] =	ssyncset.done $0x0  }
0x52: {  	s19 =	simm.s32 $0x320;
	[sflag:s12] =	ssyncadd.s32 $0xFFFFEC00  }
0x53: {  	[tilespmem:s22], [sflag:$0x5] =	stream.indirect.gather [hbm4b:s4+s14], $0x40, s19, s14, $0xb8;
	[tilespmem:$0x16620] =	vst v63  }
0x54: {  	_ =	swait.ge [sflag:s31], $0x1400  }
0x55: {  	[sflag:s31] =	ssyncset.done $0x0  }
0x56: {  	s21 =	simm.s32 $0x28A0;
	[sflag:s31] =	ssyncadd.s32 $0xFFFFEC00  }
0x57: {  	[spmem:s2] =	stream.indirect.scatter.add.f32 [tilespmem:s24], [sflag:$0x7], $0x40, s21, s14, $0xb8;
	[tilespmem:$0x16620] =	vst v63  }
0x58: {  	_ =	swait.ge [sflag:s12], $0x1400  }
0x59: {  	[sflag:s12] =	ssyncset.done $0x0  }
0x5a: {  	s17 =	simm.s32 $0x780;
	s19 =	simm.s32 $0x370;
	[sflag:s12] =	ssyncadd.s32 $0xFFFFEC00  }
.LBB2_2:
0x5b: {  	[tilespmem:s24], [sflag:$0x6] =	stream.indirect.gather [hbm4b:s4+s14], $0x40, s19, s14, $0xb8;
	[tilespmem:$0x16620] =	vst v63  }
0x5c: {  	s19 =	smov.u32 s17  }
0x5d: {  	p0 =	sne.s32 s17, $0x8700;
	s17 =	sadd.s32 $0x780, s17;
	_ =	swait.ge [sflag:s25], $0x1400  }
0x5e: {  	s19 =	sshra.s32 s19, $0x2;
	[sflag:s25] =	ssyncset.done $0x0  }
0x5f: {  	s21 =	sadd.s32 $0x2710, s19;
	[sflag:s25] =	ssyncadd.s32 $0xFFFFEC00  }
0x60: {  	[spmem:s2] =	stream.indirect.scatter.add.f32 [tilespmem:s15], [sflag:$0x7], $0x40, s21, s14, $0xb8;
	[tilespmem:$0x16620] =	vst v63  }
0x61: {  	_ =	swait.ge [sflag:s12], $0x1400  }
0x62: {  	[sflag:s12] =	ssyncset.done $0x0  }
0x63: {  	s21 =	sadd.s32 $0x1E0, s19;
	[sflag:s12] =	ssyncadd.s32 $0xFFFFEC00  }
0x64: {  	[tilespmem:s15], [sflag:$0x1] =	stream.indirect.gather [hbm4b:s4+s14], $0x40, s21, s14, $0xb8;
	[tilespmem:$0x16620] =	vst v63  }
0x65: {  	_ =	swait.ge [sflag:s26], $0x1400  }
0x66: {  	[sflag:s26] =	ssyncset.done $0x0  }
0x67: {  	s21 =	sadd.s32 $0x2760, s19;
	[sflag:s26] =	ssyncadd.s32 $0xFFFFEC00  }
0x68: {  	[spmem:s2] =	stream.indirect.scatter.add.f32 [tilespmem:s16], [sflag:$0x7], $0x40, s21, s14, $0xb8;
	[tilespmem:$0x16620] =	vst v63  }
0x69: {  	_ =	swait.ge [sflag:s12], $0x1400  }
0x6a: {  	[sflag:s12] =	ssyncset.done $0x0  }
0x6b: {  	s21 =	sadd.s32 $0x230, s19;
	[sflag:s12] =	ssyncadd.s32 $0xFFFFEC00  }
0x6c: {  	[tilespmem:s16], [sflag:$0x2] =	stream.indirect.gather [hbm4b:s4+s14], $0x40, s21, s14, $0xb8;
	[tilespmem:$0x16620] =	vst v63  }
0x6d: {  	_ =	swait.ge [sflag:s28], $0x1400  }
0x6e: {  	[sflag:s28] =	ssyncset.done $0x0  }
0x6f: {  	s21 =	sadd.s32 $0x27B0, s19;
	[sflag:s28] =	ssyncadd.s32 $0xFFFFEC00  }
0x70: {  	[spmem:s2] =	stream.indirect.scatter.add.f32 [tilespmem:s18], [sflag:$0x7], $0x40, s21, s14, $0xb8;
	[tilespmem:$0x16620] =	vst v63  }
0x71: {  	_ =	swait.ge [sflag:s12], $0x1400  }
0x72: {  	[sflag:s12] =	ssyncset.done $0x0  }
0x73: {  	s21 =	sadd.s32 $0x280, s19;
	[sflag:s12] =	ssyncadd.s32 $0xFFFFEC00  }
0x74: {  	[tilespmem:s18], [sflag:$0x3] =	stream.indirect.gather [hbm4b:s4+s14], $0x40, s21, s14, $0xb8;
	[tilespmem:$0x16620] =	vst v63  }
0x75: {  	_ =	swait.ge [sflag:s29], $0x1400  }
0x76: {  	[sflag:s29] =	ssyncset.done $0x0  }
0x77: {  	s21 =	sadd.s32 $0x2800, s19;
	[sflag:s29] =	ssyncadd.s32 $0xFFFFEC00  }
0x78: {  	[spmem:s2] =	stream.indirect.scatter.add.f32 [tilespmem:s20], [sflag:$0x7], $0x40, s21, s14, $0xb8;
	[tilespmem:$0x16620] =	vst v63  }
0x79: {  	_ =	swait.ge [sflag:s12], $0x1400  }
0x7a: {  	[sflag:s12] =	ssyncset.done $0x0  }
0x7b: {  	s21 =	sadd.s32 $0x2D0, s19;
	[sflag:s12] =	ssyncadd.s32 $0xFFFFEC00  }
0x7c: {  	[tilespmem:s20], [sflag:$0x4] =	stream.indirect.gather [hbm4b:s4+s14], $0x40, s21, s14, $0xb8;
	[tilespmem:$0x16620] =	vst v63  }
0x7d: {  	_ =	swait.ge [sflag:s30], $0x1400  }
0x7e: {  	[sflag:s30] =	ssyncset.done $0x0  }
0x7f: {  	s21 =	sadd.s32 $0x2850, s19;
	[sflag:s30] =	ssyncadd.s32 $0xFFFFEC00  }
0x80: {  	[spmem:s2] =	stream.indirect.scatter.add.f32 [tilespmem:s22], [sflag:$0x7], $0x40, s21, s14, $0xb8;
	[tilespmem:$0x16620] =	vst v63  }
0x81: {  	_ =	swait.ge [sflag:s12], $0x1400  }
0x82: {  	[sflag:s12] =	ssyncset.done $0x0  }
0x83: {  	s21 =	sadd.s32 $0x320, s19;
	[sflag:s12] =	ssyncadd.s32 $0xFFFFEC00  }
0x84: {  	[tilespmem:s22], [sflag:$0x5] =	stream.indirect.gather [hbm4b:s4+s14], $0x40, s21, s14, $0xb8;
	[tilespmem:$0x16620] =	vst v63  }
0x85: {  	_ =	swait.ge [sflag:s31], $0x1400  }
0x86: {  	[sflag:s31] =	ssyncset.done $0x0  }
.Ltmp0:
0x87: {  	s21 =	sadd.s32 $0x28A0, s19;
	[sflag:s31] =	ssyncadd.s32 $0xFFFFEC00;
	(pc) =	sbr.rel @p0 .LBB2_2-.Ltmp0, $4  }
0x88: {  	[spmem:s2] =	stream.indirect.scatter.add.f32 [tilespmem:s24], [sflag:$0x7], $0x40, s21, s14, $0xb8;
	[tilespmem:$0x16620] =	vst v63  }
0x89: {  	_ =	swait.ge [sflag:s12], $0x1400  }
0x8a: {  	[sflag:s12] =	ssyncset.done $0x0  }
0x8b: {  	s19 =	sadd.s32 $0x370, s19;
	[sflag:s12] =	ssyncadd.s32 $0xFFFFEC00  }
0x8c: {  	[tilespmem:s24], [sflag:$0x6] =	stream.indirect.gather [hbm4b:s4+s14], $0x40, s19, s14, $0xb8;
	[tilespmem:$0x16620] =	vst v63  }
0x8d: {  	_ =	swait.ge [sflag:s25], $0x1400  }
0x8e: {  	[sflag:s25] =	ssyncset.done $0x0  }
0x8f: {  	s17 =	simm.s32 $0x4AB0;
	[sflag:s25] =	ssyncadd.s32 $0xFFFFEC00  }
0x90: {  	[spmem:s2] =	stream.indirect.scatter.add.f32 [tilespmem:s15], [sflag:$0x7], $0x40, s17, s14, $0xb8;
	[tilespmem:$0x16620] =	vst v63  }
0x91: {  	_ =	swait.ge [sflag:s12], $0x1400  }
0x92: {  	[sflag:s12] =	ssyncset.done $0x0  }
0x93: {  	s19 =	simm.s32 $0x2580;
	[sflag:s12] =	ssyncadd.s32 $0xFFFFEC00  }
0x94: {  	[tilespmem:s15], [sflag:$0x1] =	stream.indirect.gather [hbm4b:s4+s14], $0x40, s19, s14, $0xb8;
	[tilespmem:$0x16620] =	vst v63  }
0x95: {  	_ =	swait.ge [sflag:s26], $0x1400  }
0x96: {  	[sflag:s26] =	ssyncset.done $0x0  }
0x97: {  	s21 =	simm.s32 $0x4B00;
	[sflag:s26] =	ssyncadd.s32 $0xFFFFEC00  }
0x98: {  	[spmem:s2] =	stream.indirect.scatter.add.f32 [tilespmem:s16], [sflag:$0x7], $0x40, s21, s14, $0xb8;
	[tilespmem:$0x16620] =	vst v63  }
0x99: {  	_ =	swait.ge [sflag:s12], $0x1400  }
0x9a: {  	[sflag:s12] =	ssyncset.done $0x0  }
0x9b: {  	s19 =	simm.s32 $0x25D0;
	[sflag:s12] =	ssyncadd.s32 $0xFFFFEC00  }
0x9c: {  	[tilespmem:s16], [sflag:$0x2] =	stream.indirect.gather [hbm4b:s4+s14], $0x40, s19, s14, $0xb8;
	[tilespmem:$0x16620] =	vst v63  }
0x9d: {  	_ =	swait.ge [sflag:s28], $0x1400  }
0x9e: {  	[sflag:s28] =	ssyncset.done $0x0  }
0x9f: {  	s21 =	simm.s32 $0x4B50;
	[sflag:s28] =	ssyncadd.s32 $0xFFFFEC00  }
0xa0: {  	[spmem:s2] =	stream.indirect.scatter.add.f32 [tilespmem:s18], [sflag:$0x7], $0x40, s21, s14, $0xb8;
	[tilespmem:$0x16620] =	vst v63  }
0xa1: {  	_ =	swait.ge [sflag:s12], $0x1400  }
0xa2: {  	[sflag:s12] =	ssyncset.done $0x0  }
0xa3: {  	s19 =	simm.s32 $0x2620;
	[sflag:s12] =	ssyncadd.s32 $0xFFFFEC00  }
0xa4: {  	[tilespmem:s18], [sflag:$0x3] =	stream.indirect.gather [hbm4b:s4+s14], $0x40, s19, s14, $0xb8;
	[tilespmem:$0x16620] =	vst v63  }
0xa5: {  	_ =	swait.ge [sflag:s29], $0x1400  }
0xa6: {  	[sflag:s29] =	ssyncset.done $0x0  }
0xa7: {  	s21 =	simm.s32 $0x4BA0;
	[sflag:s29] =	ssyncadd.s32 $0xFFFFEC00  }
0xa8: {  	[spmem:s2] =	stream.indirect.scatter.add.f32 [tilespmem:s20], [sflag:$0x7], $0x40, s21, s14, $0xb8;
	[tilespmem:$0x16620] =	vst v63  }
0xa9: {  	_ =	swait.ge [sflag:s12], $0x1400  }
0xaa: {  	[sflag:s12] =	ssyncset.done $0x0  }
0xab: {  	s19 =	simm.s32 $0x2670;
	[sflag:s12] =	ssyncadd.s32 $0xFFFFEC00  }
0xac: {  	[tilespmem:s20], [sflag:$0x4] =	stream.indirect.gather [hbm4b:s4+s14], $0x40, s19, s14, $0xb8;
	[tilespmem:$0x16620] =	vst v63  }
0xad: {  	_ =	swait.ge [sflag:s30], $0x1400  }
0xae: {  	[sflag:s30] =	ssyncset.done $0x0  }
0xaf: {  	s21 =	simm.s32 $0x4BF0;
	[sflag:s30] =	ssyncadd.s32 $0xFFFFEC00  }
0xb0: {  	[spmem:s2] =	stream.indirect.scatter.add.f32 [tilespmem:s22], [sflag:$0x7], $0x40, s21, s14, $0xb8;
	[tilespmem:$0x16620] =	vst v63  }
0xb1: {  	_ =	swait.ge [sflag:s12], $0x1400  }
0xb2: {  	[sflag:s12] =	ssyncset.done $0x0  }
0xb3: {  	s19 =	simm.s32 $0x26C0;
	[sflag:s12] =	ssyncadd.s32 $0xFFFFEC00  }
0xb4: {  	[tilespmem:s22], [sflag:$0x5] =	stream.indirect.gather [hbm4b:s4+s14], $0x40, s19, s14, $0xb8;
	[tilespmem:$0x16620] =	vst v63  }
0xb5: {  	_ =	swait.ge [sflag:s31], $0x1400  }
0xb6: {  	[sflag:s31] =	ssyncset.done $0x0  }
0xb7: {  	s21 =	simm.s32 $0x4C40;
	[sflag:s31] =	ssyncadd.s32 $0xFFFFEC00  }
0xb8: {  	[spmem:s2] =	stream.indirect.scatter.add.f32 [tilespmem:s24], [sflag:$0x7], $0x40, s21, s14, $0xb8;
	[tilespmem:$0x16620] =	vst v63  }
0xb9: {  	_ =	swait.ge [sflag:s12], $0x1400  }
0xba: {  	[sflag:s12] =	ssyncset.done $0x0  }
0xbb: {  	[sflag:s12] =	ssyncadd.s32 $0xFFFFEC00  }
0xbc: {  	_ =	swait.ge [sflag:s25], $0x1400  }
0xbd: {  	[sflag:s25] =	ssyncset.done $0x0  }
0xbe: {  	s19 =	simm.s32 $0x4C90;
	[sflag:s25] =	ssyncadd.s32 $0xFFFFEC00  }
0xbf: {  	[spmem:s2] =	stream.indirect.scatter.add.f32 [tilespmem:s15], [sflag:$0x7], $0x40, s19, s14, $0xb8;
	[tilespmem:$0x16620] =	vst v63  }
0xc0: {  	_ =	swait.ge [sflag:s12], $0x1400  }
0xc1: {  	[sflag:s12] =	ssyncset.done $0x0  }
0xc2: {  	[sflag:s12] =	ssyncadd.s32 $0xFFFFEC00  }
0xc3: {  	_ =	swait.ge [sflag:s26], $0x1400  }
0xc4: {  	[sflag:s26] =	ssyncset.done $0x0  }
0xc5: {  	s21 =	simm.s32 $0x4CE0;
	[sflag:s26] =	ssyncadd.s32 $0xFFFFEC00  }
0xc6: {  	[spmem:s2] =	stream.indirect.scatter.add.f32 [tilespmem:s16], [sflag:$0x7], $0x40, s21, s14, $0xb8;
	[tilespmem:$0x16620] =	vst v63  }
0xc7: {  	_ =	swait.ge [sflag:s12], $0x1400  }
0xc8: {  	[sflag:s12] =	ssyncset.done $0x0  }
0xc9: {  	[sflag:s12] =	ssyncadd.s32 $0xFFFFEC00  }
0xca: {  	_ =	swait.ge [sflag:s28], $0x1400  }
0xcb: {  	[sflag:s28] =	ssyncset.done $0x0  }
0xcc: {  	[sflag:s28] =	ssyncadd.s32 $0xFFFFEC00  }
0xcd: {  	[spmem:s2] =	stream.indirect.scatter.add.f32 [tilespmem:s18], [sflag:$0x7], $0x40, s23, s14, $0xb8;
	[tilespmem:$0x16620] =	vst v63  }
0xce: {  	_ =	swait.ge [sflag:s12], $0x1400  }
0xcf: {  	[sflag:s12] =	ssyncset.done $0x0  }
0xd0: {  	[sflag:s12] =	ssyncadd.s32 $0xFFFFEC00  }
0xd1: {  	_ =	swait.ge [sflag:s29], $0x1400  }
0xd2: {  	[sflag:s29] =	ssyncset.done $0x0  }
0xd3: {  	[sflag:s29] =	ssyncadd.s32 $0xFFFFEC00  }
0xd4: {  	[spmem:s2] =	stream.indirect.scatter.add.f32 [tilespmem:s20], [sflag:$0x7], $0x40, s0, s14, $0xb8;
	[tilespmem:$0x16620] =	vst v63  }
0xd5: {  	_ =	swait.ge [sflag:s12], $0x1400  }
0xd6: {  	[sflag:s12] =	ssyncset.done $0x0  }
0xd7: {  	[sflag:s12] =	ssyncadd.s32 $0xFFFFEC00  }
0xd8: {  	_ =	swait.ge [sflag:s30], $0x1400  }
0xd9: {  	[sflag:s30] =	ssyncset.done $0x0  }
0xda: {  	[sflag:s30] =	ssyncadd.s32 $0xFFFFEC00  }
0xdb: {  	[spmem:s2] =	stream.indirect.scatter.add.f32 [tilespmem:s22], [sflag:$0x7], $0x40, s1, s14, $0xb8;
	[tilespmem:$0x16620] =	vst v63  }
0xdc: {  	_ =	swait.ge [sflag:s12], $0x1400  }
0xdd: {  	s13 =	sadd.s32 $0x1, s13;
	[sflag:s12] =	ssyncset.done $0x0  }
0xde: {  	p0 =	sne.s32 s13, s10;
	[sflag:s12] =	ssyncadd.s32 $0xFFFFEC00  }
.Ltmp1:
0xdf: {  	[bflag:$0x0] =	sbarrier.arrive $0xFFFF;
	(pc) =	sbr.rel @p0 .LBB2_1-.Ltmp1, $4  }
0xe0: {  	[hbm:s9], [sflag:s7] =	dma.local [spmem:s11], $0x1400  }
0xe1: {  	_ =	swait.ge [sflag:s12], $0x1400  }
0xe2: {  	[sflag:s12] =	ssyncset.done $0x0  }
0xe3: {  	[sflag:s12] =	ssyncadd.s32 $0xFFFFEC00  }
0xe4: {  	_ =	sfence.sel $0x180000  }
0xe5: {  	[bflag:$0x0] =	sbarrier.arrive $0xFFFF  }
0xe6: {  	_ =	strace $0x9000004A  }
0xe7: {  	s0 =	stileid.u32;
	[bflag:$0x2] =	sbarrier.arrive $0xFFFF  }
0xe8: {  	p0 =	sne.s32 s0, $0x0;
	s0 =	rddreg [dreg:$0x3]  }
0xe9: {  	s0 =	sadd.s32 @!p0 $0x100000, s0  }
0xea: {  	[sflag:s0] =	ssyncadd.tile.s32 @!p0 $0x1;
	_ =	shalt  }
.Lfunc_end2:
_tile_overlayer_lowered:
.L_overlay_start_2:
0xeb: {  	(tag) =	ssettag $0x2  }
0xec: {  	s0 =	rddreg [dreg:$0x0];
	s2 =	stileid.u32  }
0xed: {  	s1 =	rddreg [dreg:$0x1];
	p0 =	sne.s32 s2, $0x0  }
0xee: {  	s3 =	rddreg [dreg:$0x2];
	[bflag:$0x3] =	sbarrier.arrive $0xFFFF;
	s2 =	simm.s32 @!p0 $0x1C07  }
0xef: {  	[timem:s3], [sflag:s2] =	dma.local @!p0 [hbm:s0], s1  }
0xf0: {  	s0 =	simm.s32 @!p0 $0x7  }
0xf1: {  	_ =	swait.ge @!p0 [sflag:s0], s1  }
0xf2: {  	s1 =	ssub.s32 @!p0 $0x0, s1;
	[sflag:s0] =	ssyncset.done @!p0 $0x0  }
0xf3: {  	[sflag:s0] =	ssyncadd.s32 @!p0 s1  }
0xf4: {  	[bflag:$0x3] =	sbarrier.arrive $0xFFFF  }
0xf5: {  	_ =	shalt  }

// kernel: kernel.16.cloned.1.call-start
scs
__scs_entry_jumppad:
0x0: {  	(pc) =	sbr.rel $0x88, $3  }
0x1: {  	(tag) =	ssettag $0x0;
	lr =	simm.s32 $0x1  }
0x2: {  	[smem:$0x3F99] =	sst lr;
	_ =	strace $0xD0000000  }
0x3: {  	_ = 	snop  }
0x4: {  	_ = 	snop  }
0x5: {  	_ = 	snop  }
0x6: {  	_ = 	snop  }
0x7: {  	_ = 	snop  }
__scs_overlays_trampoline_lowered:
0x8: {  	[smem:$0x3FA8] =	sst s0  }
0x9: {  	[smem:$0x3FA9] =	sst s1  }
0xa: {  	[smem:$0x3FAA] =	sst s2  }
0xb: {  	[smem:$0x3FAB] =	sst s3  }
0xc: {  	[smem:$0x3FAC] =	sst s4  }
0xd: {  	[smem:$0x3FAD] =	sst s5  }
0xe: {  	[smem:$0x3FAE] =	sst s6  }
0xf: {  	[smem:$0x3FAF] =	sst s7  }
0x10: {  	[smem:$0x3FB0] =	sst s8  }
0x11: {  	[smem:$0x3FB1] =	sst s9;
	s0 =	simm.s32 @!p0 $0x0  }
0x12: {  	s1 =	sld [smem:$0x3F97];
	s0 =	simm.s32 @p0 $0x1  }
0x13: {  	[smem:$0x3FB2] =	sst s0;
	s0 =	simm.s32 @!p1 $0x0  }
0x14: {  	s2 =	sld [smem:$0x3F96];
	s0 =	simm.s32 @p1 $0x1  }
0x15: {  	[smem:$0x3FB3] =	sst s0;
	s0 =	simm.s32 @!p2 $0x0  }
0x16: {  	s3 =	sld [smem:$0x3FDB];
	s0 =	simm.s32 @p2 $0x1  }
0x17: {  	s4 =	simm.s32 $0x1BF5;
	[smem:$0x3FB5] =	sst s0  }
0x18: {  	s0 =	sld [smem:$0x3F98];
	_ =	swait.ge [sflag:s4], $0x0  }
0x19: {  	s7 =	sld [smem:$0x3F99]  }
0x1a: {  	s8 =	sadd.s32 $0xFFFFE003, lr  }
0x1b: {  	s9 =	sadd.s32 $0xFFFFFEF7, lr;
	s5 =	simm.s32 $0xFFFFFFFF;
	p2 =	slt.u32 s8, $0xFFFFF086  }
0x1c: {  	p1 =	slt.u32 s9, $0xF7A;
	s5 =	simm.s32 @!p2 $0x0  }
0x1d: {  	s5 =	simm.s32 @p1 $0x1;
	p0 =	seq.s32 s7, s2  }
0x1e: {  	s7 =	smul.u32 @!p0 $0xF7A, s2;
	p2 =	seq.s32 @!p0 s5, $0x0  }
0x1f: {  	s9 =	smul.u32 $0xF7A, s1;
	s8 =	simm.s32 @!p0 $0x1BF5;
	p2 =	por !p2, p0  }
0x20: {  	[sflag:s8] =	ssyncset.s32 @!p0 $0xFFFFF086;
	s6 =	sadd.s32 @!p0 s3, s7;
	s7 =	simm.s32 @!p0 $0x108  }
0x21: {  	s3 =	sadd.s32 s3, s9;
	s6 =	sadd.s32 @!p0 $0x88, s6;
	s7 =	simm.s32 @p2 $0x1082  }
0x22: {  	[simem:s7], [sflag:s8] =	dma.local @!p0 [hbm:s6], $0xF7A  }
0x23: {  	s9 =	sor.u32 $0xD0000000, s2;
	s6 =	simm.s32 $0x108;
	_ =	swait.ge @!p0 [sflag:s8], $0x0  }
0x24: {  	s3 =	sadd.s32 $0x88, s3;
	s6 =	simm.s32 @!p1 $0x1082;
	[sflag:s4] =	ssyncset.s32 $0xFFFFF086  }
0x25: {  	[simem:s6], [sflag:s4] =	dma.local [hbm:s3], $0xF7A  }
0x26: {  	[smem:$0x3F99] =	sst s1;
	(tag) =	ssettag s2;
	_ =	strace s9  }
0x27: {  	s1 =	sld [smem:$0x3FA9]  }
0x28: {  	s2 =	sld [smem:$0x3FAA]  }
0x29: {  	s4 =	sld [smem:$0x3FAC]  }
0x2a: {  	p0 =	seq.s32 s5, $0x0;
	s5 =	sld [smem:$0x3FAD]  }
0x2b: {  	s6 =	sld [smem:$0x3FAE]  }
0x2c: {  	s7 =	sld [smem:$0x3FAF]  }
0x2d: {  	s3 =	simm.s32 $0x108;
	s8 =	sld [smem:$0x3FB0]  }
0x2e: {  	s3 =	simm.s32 @!p0 $0x1082;
	s9 =	sld [smem:$0x3FB1]  }
0x2f: {  	lr =	sadd.s32 s0, s3;
	s0 =	sld [smem:$0x3FA8]  }
0x30: {  	s3 =	sld [smem:$0x3FAB]  }
0x31: {  	[smem:$0x3FB4] =	sst s10  }
0x32: {  	s10 =	sld [smem:$0x3FB2];
	_ =	sdelay $0x3  }
0x33: {  	p0 =	seq.s32 s10, $0x1;
	s10 =	sld [smem:$0x3FB4];
	_ =	sdelay $0x3  }
0x34: {  	[smem:$0x3FB4] =	sst s10  }
0x35: {  	s10 =	sld [smem:$0x3FB3];
	_ =	sdelay $0x3  }
0x36: {  	p1 =	seq.s32 s10, $0x1;
	s10 =	sld [smem:$0x3FB4];
	_ =	sdelay $0x3  }
0x37: {  	[smem:$0x3FB4] =	sst s10  }
0x38: {  	s10 =	sld [smem:$0x3FB5]  }
0x39: {  	_ = 	snop;
	(pc) =	sbr.ind lr, $3  }
0x3a: {  	_ = 	snop  }
0x3b: {  	_ = 	snop  }
0x3c: {  	p2 =	seq.s32 s10, $0x1;
	s10 =	sld [smem:$0x3FB4]  }
0x3d: {  	_ =	shalt  }
0x3e: {  	_ =	shalt  }
0x3f: {  	_ =	shalt  }
0x40: {  	_ =	shalt  }
0x41: {  	_ =	shalt  }
0x42: {  	_ =	shalt  }
0x43: {  	_ =	shalt  }
0x44: {  	_ =	shalt  }
0x45: {  	_ =	shalt  }
0x46: {  	_ =	shalt  }
0x47: {  	_ =	shalt  }
0x48: {  	_ =	shalt  }
0x49: {  	_ =	shalt  }
0x4a: {  	_ =	shalt  }
0x4b: {  	_ =	shalt  }
0x4c: {  	_ =	shalt  }
0x4d: {  	_ =	shalt  }
0x4e: {  	_ =	shalt  }
0x4f: {  	_ =	shalt  }
0x50: {  	_ =	shalt  }
0x51: {  	_ =	shalt  }
0x52: {  	_ =	shalt  }
0x53: {  	_ =	shalt  }
0x54: {  	_ =	shalt  }
0x55: {  	_ =	shalt  }
0x56: {  	_ =	shalt  }
0x57: {  	_ =	shalt  }
0x58: {  	_ =	shalt  }
0x59: {  	_ =	shalt  }
0x5a: {  	_ =	shalt  }
0x5b: {  	_ =	shalt  }
0x5c: {  	_ =	shalt  }
0x5d: {  	_ =	shalt  }
0x5e: {  	_ =	shalt  }
0x5f: {  	_ =	shalt  }
0x60: {  	_ =	shalt  }
0x61: {  	_ =	shalt  }
0x62: {  	_ =	shalt  }
0x63: {  	_ =	shalt  }
0x64: {  	_ =	shalt  }
0x65: {  	_ =	shalt  }
0x66: {  	_ =	shalt  }
0x67: {  	_ =	shalt  }
0x68: {  	_ =	shalt  }
0x69: {  	_ =	shalt  }
0x6a: {  	_ =	shalt  }
0x6b: {  	_ =	shalt  }
0x6c: {  	_ =	shalt  }
0x6d: {  	_ =	shalt  }
0x6e: {  	_ =	shalt  }
0x6f: {  	_ =	shalt  }
0x70: {  	_ =	shalt  }
0x71: {  	_ =	shalt  }
0x72: {  	_ =	shalt  }
0x73: {  	_ =	shalt  }
0x74: {  	_ =	shalt  }
0x75: {  	_ =	shalt  }
0x76: {  	_ =	shalt  }
0x77: {  	_ =	shalt  }
0x78: {  	_ =	shalt  }
0x79: {  	_ =	shalt  }
0x7a: {  	_ =	shalt  }
0x7b: {  	_ =	shalt  }
0x7c: {  	_ =	shalt  }
0x7d: {  	_ =	shalt  }
0x7e: {  	_ =	shalt  }
0x7f: {  	_ =	shalt  }
0x80: {  	_ =	shalt  }
0x81: {  	_ =	shalt  }
0x82: {  	_ =	shalt  }
0x83: {  	_ =	shalt  }
0x84: {  	_ =	shalt  }
0x85: {  	_ =	shalt  }
0x86: {  	_ =	shalt  }
0x87: {  	_ =	shalt  }
.Lfunc_end0:
.L_simem_size_0:
called_computation.2_lowered:
.L_overlay_start_0:
0x88: {  	s2 =	sld [smem:$0x3FD9]  }
0x89: {  	s3 =	sld [smem:$0x3FFE];
	_ =	sdelay $0x1  }
0x8a: {  	s1 =	srdreg.scid  }
0x8b: {  	s0 =	sand.u32 $0x1, s1  }
0x8c: {  	s17 =	sshll.u32 s0, $0xA;
	s2 =	sadd.s32 s3, s2  }
0x8d: {  	s2 =	sadd.s32 s2, s17  }
0x8e: {  	[smem:$0x3FC0] =	sst s2  }
0x8f: {  	_ = 	snop  }
0x90: {  	s2 =	sld [smem:$0x3FD0];
	(tm) =	ssettm $0x1  }
0x91: {  	s18 =	sld [smem:$0x3FFB];
	_ =	sdelay $0x3  }
0x92: {  	_ =	strace s18  }
0x93: {  	s3 =	sld [smem:$0x3FFC];
	_ =	sdelay $0x3  }
0x94: {  	_ =	strace s3  }
0x95: {  	s3 =	sld [smem:$0x3FFD];
	_ =	sdelay $0x3  }
0x96: {  	_ =	strace s3  }
0x97: {  	_ =	strace $0x8FFFFFFF  }
0x98: {  	s19 =	sld [smem:$0x3FDB];
	_ =	sdelay $0x1  }
0x99: {  	s4 =	simm.s32 $_scs_section_size  }
0x9a: {  	s5 =	simm.s32 $_size__tile_overlayer_lowered;
	s6 =	simm.s32 $_tile_overlayer_lowered  }
0x9b: {  	s22 =	simm.s32 $0x1BFF;
	s21 =	sshll.u32 s6, $0x1;
	s3 =	sadd.s32 s4, s19  }
0x9c: {  	s7 =	simm.s32 $0x0;
	s20 =	sshll.u32 s5, $0x1;
	s5 =	sadd.s32 s21, s3  }
0x9d: {  	[timem:s7], [sflag:s22] =	dma.local [hbm:s5], s20  }
0x9e: {  	_ =	swait.ge [sflag:s22], s20  }
0x9f: {  	s4 =	ssub.s32 $0x0, s20;
	[sflag:s22] =	ssyncset.done $0x0  }
0xa0: {  	[sflag:s22] =	ssyncadd.s32 s4;
	_ =	sdelay $0x1  }
0xa1: {  	s23 =	simm.s32 $0x1B8B  }
0xa2: {  	_ =	swait.ge [sflag:s23], $0x1  }
0xa3: {  	[sflag:s23] =	ssyncset.done $0x0  }
0xa4: {  	s25 =	simm.s32 $0x1B8E;
	s24 =	sld [smem:$0x3FFE];
	[sflag:s23] =	ssyncadd.s32 $0xFFFFFFFF  }
0xa5: {  	s26 =	simm.s32 $execute0_lowered;
	[smem:$0x3FD2] =	sst s25  }
0xa6: {  	s5 =	sshll.u32 s26, $0x1;
	_ =	strace $0x8000004C;
	[dreg:$0x1] =	wrdreg $0xFFFFFFFF  }
0xa7: {  	s28 =	simm.s32 $_size_execute0_lowered;
	s3 =	sadd.s32 s3, s5;
	[dreg:$0x0] =	wrdreg $0x0  }
0xa8: {  	s5 =	sshll.u32 s28, $0x1;
	[dreg:$0x2] =	wrdreg s3  }
0xa9: {  	[dreg:$0x3] =	wrdreg s5  }
0xaa: {  	[dreg:$0x4] =	wrdreg $0xC0  }
0xab: {  	_ =	task [dreg:s7], $0x5FFFF  }
0xac: {  	[dreg:$0x1] =	wrdreg $0xFFFFFFFF  }
0xad: {  	[dreg:$0x0] =	wrdreg $0x60  }
0xae: {  	[dreg:$0x2] =	wrdreg s2  }
0xaf: {  	[dreg:$0x3] =	wrdreg s24  }
0xb0: {  	[dreg:$0x4] =	wrdreg $0xC6200  }
0xb1: {  	[dreg:$0x5] =	wrdreg $0x9  }
0xb2: {  	_ =	task.clear_ibuf [dreg:s7], $0x6FFFF;
	_ =	strace $0x9000004C  }
0xb3: {  	s29 =	simm.s32 $0x9;
	_ =	strace $0x8000004E  }
0xb4: {  	_ =	swait.ge [sflag:s29], $0x1  }
0xb5: {  	[sflag:s29] =	ssyncadd.s32 $0xFFFFFFFF  }
0xb6: {  	_ =	strace $0x9000004E  }
0xb7: {  	_ =	sfence  }
0xb8: {  	s30 =	sld [smem:$0x0];
	_ =	sdelay $0x2  }
0xb9: {  	s31 =	sshll.u32 s1, $0xD;
	s1 =	sshrl.u32 s1, $0x2  }
0xba: {  	s3 =	sand.u32 $0x4000, s31;
	s1 =	sadd.s32 s1, s30  }
0xbb: {  	s0 =	sor.u32 s3, s0;
	s1 =	sshll.u32 s1, $0x11  }
0xbc: {  	s0 =	sor.u32 s1, s0  }
0xbd: {  	s0 =	sadd.s32 $0x8F2B, s0  }
0xbe: {  	[sflag:s0] =	ssyncadd.remote.s32 $0x1  }
0xbf: {  	_ =	sfence.sel $0xFFFF  }
0xc0: {  	[dreg:$0x0] =	wrdreg $0xFFFFFFFF;
	(pc) =	sbr.abs _section_cstart, $3  }
0xc1: {  	[dreg:$0x1] =	wrdreg $0xFFFFFFFF  }
0xc2: {  	_ =	task.clear_ibuf [dreg:s7], $0x2FFFF;
	_ =	strace $0x9FFFFFFF  }
0xc3: {  	(tm) =	ssettm $0x7FFFFFFF  }
tec
execute0_lowered:
.L_overlay_start_1:
0x0: {  	(tag) =	ssettag $0x1  }
0x1: {  	s0 =	rddreg [dreg:$0x0]  }
0x2: {  	s1 =	rddreg [dreg:$0x1]  }
0x3: {  	s2 =	rddreg [dreg:$0x2]  }
0x4: {  	s3 =	simm.s32 $0x0;
	s12 =	stileid.u32;
	s4 =	srdreg.scid  }
0x5: {  	s14 =	simm.s32 $0x50;
	s15 =	simm.s32 $0x4E20;
	s16 =	simm.s32 $0x6220  }
0x6: {  	s18 =	simm.s32 $0x7620;
	s20 =	simm.s32 $0x8A20;
	s22 =	simm.s32 $0x9E20  }
0x7: {  	s24 =	simm.s32 $0xB220;
	s28 =	simm.s32 $0x3;
	s29 =	simm.s32 $0x4  }
0x8: {  	s30 =	simm.s32 $0x5;
	s31 =	simm.s32 $0x6;
	s23 =	simm.s32 $0x4D30  }
0x9: {  	s13 =	simm.s32 $0x0;
	[smem:$0x7FF] =	sst s3;
	s5 =	smul.u32 $0xA000, s12  }
0xa: {  	s6 =	sand.u32 $0x1, s4;
	s8 =	sshll.u32 s12, $0x1;
	s4 =	sadd.s32 $0x52A00, s1  }
0xb: {  	s26 =	sshll.u32 s12, $0x6;
	s12 =	simm.s32 $0x7;
	_ =	strace $0x8000004D  }
0xc: {  	s7 =	smul.u32 $0xA0000, s6;
	s8 =	sor.u32 s6, s8;
	s6 =	ssub.s32 $0x2, s6  }
0xd: {  	s9 =	sshrl.u32 s5, $0x3;
	s8 =	smul.u32 $0x2710, s8;
	s10 =	sshrl.u32 s6, $0x1  }
0xe: {  	s11 =	sadd.s32 s5, s2;
	s7 =	sadd.s32 s5, s7;
	s9 =	sadd.s32 s9, s1  }
0xf: {  	s10 =	ssub.s32 s6, s10;
	s11 =	sshrl.u32 s11, $0x3;
	s7 =	sshrl.u32 s7, $0x3  }
0x10: {  	s25 =	sshrl.u32 s8, $0x3;
	s6 =	sadd.s32 $0x8D600, s9;
	s10 =	smax.u32 s10, $0x1  }
0x11: {  	s1 =	sadd.s32 s7, s1;
	s5 =	sadd.s32 s0, s25;
	s7 =	sor.u32 $0x1C07, s26  }
0x12: {  	s25 =	simm.s32 $0x1;
	s26 =	simm.s32 $0x2;
	s0 =	simm.s32 $0x4D80  }
0x13: {  	s8 =	sadd.s32 $0x9C40, s5;
	s9 =	sadd.s32 $0xA1600, s1;
	s1 =	simm.s32 $0x4DD0  }
.LBB2_1:
0x14: {  	[spmem:s11], [sflag:s7] =	dma.local [hbm:s6], $0x1400  }
0x15: {  	_ =	swait.ge [sflag:s12], $0x1400  }
0x16: {  	[sflag:s12] =	ssyncset.done $0x0  }
0x17: {  	[sflag:s12] =	ssyncadd.s32 $0xFFFFEC00  }
0x18: {  	[tilespmem:s3], [sflag:$0x7] =	stream.linear.gather [hbm4b:s5+s3], $0x2710, $0x38;
	[tilespmem:$0x16620] =	vst v63  }
0x19: {  	_ =	swait.ge [sflag:s12], $0x2710  }
0x1a: {  	[sflag:s12] =	ssyncset.done $0x0  }
0x1b: {  	s17 =	simm.s32 $0x2710;
	[sflag:s12] =	ssyncadd.s32 $0xFFFFD8F0  }
0x1c: {  	[tilespmem:s17], [sflag:$0x7] =	stream.linear.gather [hbm4b:s8+s3], $0x2710, $0x38;
	[tilespmem:$0x16620] =	vst v63  }
0x1d: {  	_ =	swait.ge [sflag:s12], $0x2710  }
0x1e: {  	[sflag:s12] =	ssyncset.done $0x0  }
0x1f: {  	[sflag:s12] =	ssyncadd.s32 $0xFFFFD8F0  }
0x20: {  	[bflag:$0x0] =	sbarrier.arrive $0xFFFF  }
0x21: {  	[tilespmem:s15], [sflag:$0x1] =	stream.indirect.gather [hbm4b:s4+s14], $0x40, s3, s14, $0xb8;
	[tilespmem:$0x16620] =	vst v63  }
0x22: {  	_ = 	snop  }
0x23: {  	[tilespmem:s16], [sflag:$0x2] =	stream.indirect.gather [hbm4b:s4+s14], $0x40, s14, s14, $0xb8;
	[tilespmem:$0x16620] =	vst v63  }
0x24: {  	s21 =	simm.s32 $0xA0  }
0x25: {  	[tilespmem:s18], [sflag:$0x3] =	stream.indirect.gather [hbm4b:s4+s14], $0x40, s21, s14, $0xb8;
	[tilespmem:$0x16620] =	vst v63  }
0x26: {  	s19 =	simm.s32 $0xF0  }
0x27: {  	[tilespmem:s20], [sflag:$0x4] =	stream.indirect.gather [hbm4b:s4+s14], $0x40, s19, s14, $0xb8;
	[tilespmem:$0x16620] =	vst v63  }
0x28: {  	s21 =	simm.s32 $0x140  }
0x29: {  	[tilespmem:s22], [sflag:$0x5] =	stream.indirect.gather [hbm4b:s4+s14], $0x40, s21, s14, $0xb8;
	[tilespmem:$0x16620] =	vst v63  }
0x2a: {  	s19 =	simm.s32 $0x190  }
0x2b: {  	[tilespmem:s24], [sflag:$0x6] =	stream.indirect.gather [hbm4b:s4+s14], $0x40, s19, s14, $0xb8;
	[tilespmem:$0x16620] =	vst v63  }
0x2c: {  	_ =	swait.ge [sflag:s25], $0x1400  }
0x2d: {  	[sflag:s25] =	ssyncset.done $0x0  }
0x2e: {  	s21 =	simm.s32 $0x2710;
	[sflag:s25] =	ssyncadd.s32 $0xFFFFEC00  }
0x2f: {  	[spmem:s2] =	stream.indirect.scatter.add.f32 [tilespmem:s15], [sflag:$0x7], $0x40, s21, s14, $0xb8;
	[tilespmem:$0x16620] =	vst v63  }
0x30: {  	_ =	swait.ge [sflag:s12], $0x1400  }
0x31: {  	[sflag:s12] =	ssyncset.done $0x0  }
0x32: {  	s19 =	simm.s32 $0x1E0;
	[sflag:s12] =	ssyncadd.s32 $0xFFFFEC00  }
0x33: {  	[tilespmem:s15], [sflag:$0x1] =	stream.indirect.gather [hbm4b:s4+s14], $0x40, s19, s14, $0xb8;
	[tilespmem:$0x16620] =	vst v63  }
0x34: {  	_ =	swait.ge [sflag:s26], $0x1400  }
0x35: {  	[sflag:s26] =	ssyncset.done $0x0  }
0x36: {  	s21 =	simm.s32 $0x2760;
	[sflag:s26] =	ssyncadd.s32 $0xFFFFEC00  }
0x37: {  	[spmem:s2] =	stream.indirect.scatter.add.f32 [tilespmem:s16], [sflag:$0x7], $0x40, s21, s14, $0xb8;
	[tilespmem:$0x16620] =	vst v63  }
0x38: {  	_ =	swait.ge [sflag:s12], $0x1400  }
0x39: {  	[sflag:s12] =	ssyncset.done $0x0  }
0x3a: {  	s19 =	simm.s32 $0x230;
	[sflag:s12] =	ssyncadd.s32 $0xFFFFEC00  }
0x3b: {  	[tilespmem:s16], [sflag:$0x2] =	stream.indirect.gather [hbm4b:s4+s14], $0x40, s19, s14, $0xb8;
	[tilespmem:$0x16620] =	vst v63  }
0x3c: {  	_ =	swait.ge [sflag:s28], $0x1400  }
0x3d: {  	[sflag:s28] =	ssyncset.done $0x0  }
0x3e: {  	s21 =	simm.s32 $0x27B0;
	[sflag:s28] =	ssyncadd.s32 $0xFFFFEC00  }
0x3f: {  	[spmem:s2] =	stream.indirect.scatter.add.f32 [tilespmem:s18], [sflag:$0x7], $0x40, s21, s14, $0xb8;
	[tilespmem:$0x16620] =	vst v63  }
0x40: {  	_ =	swait.ge [sflag:s12], $0x1400  }
0x41: {  	[sflag:s12] =	ssyncset.done $0x0  }
0x42: {  	s19 =	simm.s32 $0x280;
	[sflag:s12] =	ssyncadd.s32 $0xFFFFEC00  }
0x43: {  	[tilespmem:s18], [sflag:$0x3] =	stream.indirect.gather [hbm4b:s4+s14], $0x40, s19, s14, $0xb8;
	[tilespmem:$0x16620] =	vst v63  }
0x44: {  	_ =	swait.ge [sflag:s29], $0x1400  }
0x45: {  	[sflag:s29] =	ssyncset.done $0x0  }
0x46: {  	s21 =	simm.s32 $0x2800;
	[sflag:s29] =	ssyncadd.s32 $0xFFFFEC00  }
0x47: {  	[spmem:s2] =	stream.indirect.scatter.add.f32 [tilespmem:s20], [sflag:$0x7], $0x40, s21, s14, $0xb8;
	[tilespmem:$0x16620] =	vst v63  }
0x48: {  	_ =	swait.ge [sflag:s12], $0x1400  }
0x49: {  	[sflag:s12] =	ssyncset.done $0x0  }
0x4a: {  	s19 =	simm.s32 $0x2D0;
	[sflag:s12] =	ssyncadd.s32 $0xFFFFEC00  }
0x4b: {  	[tilespmem:s20], [sflag:$0x4] =	stream.indirect.gather [hbm4b:s4+s14], $0x40, s19, s14, $0xb8;
	[tilespmem:$0x16620] =	vst v63  }
0x4c: {  	_ =	swait.ge [sflag:s30], $0x1400  }
0x4d: {  	[sflag:s30] =	ssyncset.done $0x0  }
0x4e: {  	s21 =	simm.s32 $0x2850;
	[sflag:s30] =	ssyncadd.s32 $0xFFFFEC00  }
0x4f: {  	[spmem:s2] =	stream.indirect.scatter.add.f32 [tilespmem:s22], [sflag:$0x7], $0x40, s21, s14, $0xb8;
	[tilespmem:$0x16620] =	vst v63  }
0x50: {  	_ =	swait.ge [sflag:s12], $0x1400  }
0x51: {  	[sflag:s12] =	ssyncset.done $0x0  }
0x52: {  	s19 =	simm.s32 $0x320;
	[sflag:s12] =	ssyncadd.s32 $0xFFFFEC00  }
0x53: {  	[tilespmem:s22], [sflag:$0x5] =	stream.indirect.gather [hbm4b:s4+s14], $0x40, s19, s14, $0xb8;
	[tilespmem:$0x16620] =	vst v63  }
0x54: {  	_ =	swait.ge [sflag:s31], $0x1400  }
0x55: {  	[sflag:s31] =	ssyncset.done $0x0  }
0x56: {  	s21 =	simm.s32 $0x28A0;
	[sflag:s31] =	ssyncadd.s32 $0xFFFFEC00  }
0x57: {  	[spmem:s2] =	stream.indirect.scatter.add.f32 [tilespmem:s24], [sflag:$0x7], $0x40, s21, s14, $0xb8;
	[tilespmem:$0x16620] =	vst v63  }
0x58: {  	_ =	swait.ge [sflag:s12], $0x1400  }
0x59: {  	[sflag:s12] =	ssyncset.done $0x0  }
0x5a: {  	s17 =	simm.s32 $0x780;
	s19 =	simm.s32 $0x370;
	[sflag:s12] =	ssyncadd.s32 $0xFFFFEC00  }
.LBB2_2:
0x5b: {  	[tilespmem:s24], [sflag:$0x6] =	stream.indirect.gather [hbm4b:s4+s14], $0x40, s19, s14, $0xb8;
	[tilespmem:$0x16620] =	vst v63  }
0x5c: {  	s19 =	smov.u32 s17  }
0x5d: {  	p0 =	sne.s32 s17, $0x8700;
	s17 =	sadd.s32 $0x780, s17;
	_ =	swait.ge [sflag:s25], $0x1400  }
0x5e: {  	s19 =	sshra.s32 s19, $0x2;
	[sflag:s25] =	ssyncset.done $0x0  }
0x5f: {  	s21 =	sadd.s32 $0x2710, s19;
	[sflag:s25] =	ssyncadd.s32 $0xFFFFEC00  }
0x60: {  	[spmem:s2] =	stream.indirect.scatter.add.f32 [tilespmem:s15], [sflag:$0x7], $0x40, s21, s14, $0xb8;
	[tilespmem:$0x16620] =	vst v63  }
0x61: {  	_ =	swait.ge [sflag:s12], $0x1400  }
0x62: {  	[sflag:s12] =	ssyncset.done $0x0  }
0x63: {  	s21 =	sadd.s32 $0x1E0, s19;
	[sflag:s12] =	ssyncadd.s32 $0xFFFFEC00  }
0x64: {  	[tilespmem:s15], [sflag:$0x1] =	stream.indirect.gather [hbm4b:s4+s14], $0x40, s21, s14, $0xb8;
	[tilespmem:$0x16620] =	vst v63  }
0x65: {  	_ =	swait.ge [sflag:s26], $0x1400  }
0x66: {  	[sflag:s26] =	ssyncset.done $0x0  }
0x67: {  	s21 =	sadd.s32 $0x2760, s19;
	[sflag:s26] =	ssyncadd.s32 $0xFFFFEC00  }
0x68: {  	[spmem:s2] =	stream.indirect.scatter.add.f32 [tilespmem:s16], [sflag:$0x7], $0x40, s21, s14, $0xb8;
	[tilespmem:$0x16620] =	vst v63  }
0x69: {  	_ =	swait.ge [sflag:s12], $0x1400  }
0x6a: {  	[sflag:s12] =	ssyncset.done $0x0  }
0x6b: {  	s21 =	sadd.s32 $0x230, s19;
	[sflag:s12] =	ssyncadd.s32 $0xFFFFEC00  }
0x6c: {  	[tilespmem:s16], [sflag:$0x2] =	stream.indirect.gather [hbm4b:s4+s14], $0x40, s21, s14, $0xb8;
	[tilespmem:$0x16620] =	vst v63  }
0x6d: {  	_ =	swait.ge [sflag:s28], $0x1400  }
0x6e: {  	[sflag:s28] =	ssyncset.done $0x0  }
0x6f: {  	s21 =	sadd.s32 $0x27B0, s19;
	[sflag:s28] =	ssyncadd.s32 $0xFFFFEC00  }
0x70: {  	[spmem:s2] =	stream.indirect.scatter.add.f32 [tilespmem:s18], [sflag:$0x7], $0x40, s21, s14, $0xb8;
	[tilespmem:$0x16620] =	vst v63  }
0x71: {  	_ =	swait.ge [sflag:s12], $0x1400  }
0x72: {  	[sflag:s12] =	ssyncset.done $0x0  }
0x73: {  	s21 =	sadd.s32 $0x280, s19;
	[sflag:s12] =	ssyncadd.s32 $0xFFFFEC00  }
0x74: {  	[tilespmem:s18], [sflag:$0x3] =	stream.indirect.gather [hbm4b:s4+s14], $0x40, s21, s14, $0xb8;
	[tilespmem:$0x16620] =	vst v63  }
0x75: {  	_ =	swait.ge [sflag:s29], $0x1400  }
0x76: {  	[sflag:s29] =	ssyncset.done $0x0  }
0x77: {  	s21 =	sadd.s32 $0x2800, s19;
	[sflag:s29] =	ssyncadd.s32 $0xFFFFEC00  }
0x78: {  	[spmem:s2] =	stream.indirect.scatter.add.f32 [tilespmem:s20], [sflag:$0x7], $0x40, s21, s14, $0xb8;
	[tilespmem:$0x16620] =	vst v63  }
0x79: {  	_ =	swait.ge [sflag:s12], $0x1400  }
0x7a: {  	[sflag:s12] =	ssyncset.done $0x0  }
0x7b: {  	s21 =	sadd.s32 $0x2D0, s19;
	[sflag:s12] =	ssyncadd.s32 $0xFFFFEC00  }
0x7c: {  	[tilespmem:s20], [sflag:$0x4] =	stream.indirect.gather [hbm4b:s4+s14], $0x40, s21, s14, $0xb8;
	[tilespmem:$0x16620] =	vst v63  }
0x7d: {  	_ =	swait.ge [sflag:s30], $0x1400  }
0x7e: {  	[sflag:s30] =	ssyncset.done $0x0  }
0x7f: {  	s21 =	sadd.s32 $0x2850, s19;
	[sflag:s30] =	ssyncadd.s32 $0xFFFFEC00  }
0x80: {  	[spmem:s2] =	stream.indirect.scatter.add.f32 [tilespmem:s22], [sflag:$0x7], $0x40, s21, s14, $0xb8;
	[tilespmem:$0x16620] =	vst v63  }
0x81: {  	_ =	swait.ge [sflag:s12], $0x1400  }
0x82: {  	[sflag:s12] =	ssyncset.done $0x0  }
0x83: {  	s21 =	sadd.s32 $0x320, s19;
	[sflag:s12] =	ssyncadd.s32 $0xFFFFEC00  }
0x84: {  	[tilespmem:s22], [sflag:$0x5] =	stream.indirect.gather [hbm4b:s4+s14], $0x40, s21, s14, $0xb8;
	[tilespmem:$0x16620] =	vst v63  }
0x85: {  	_ =	swait.ge [sflag:s31], $0x1400  }
0x86: {  	[sflag:s31] =	ssyncset.done $0x0  }
.Ltmp0:
0x87: {  	s21 =	sadd.s32 $0x28A0, s19;
	[sflag:s31] =	ssyncadd.s32 $0xFFFFEC00;
	(pc) =	sbr.rel @p0 .LBB2_2-.Ltmp0, $4  }
0x88: {  	[spmem:s2] =	stream.indirect.scatter.add.f32 [tilespmem:s24], [sflag:$0x7], $0x40, s21, s14, $0xb8;
	[tilespmem:$0x16620] =	vst v63  }
0x89: {  	_ =	swait.ge [sflag:s12], $0x1400  }
0x8a: {  	[sflag:s12] =	ssyncset.done $0x0  }
0x8b: {  	s19 =	sadd.s32 $0x370, s19;
	[sflag:s12] =	ssyncadd.s32 $0xFFFFEC00  }
0x8c: {  	[tilespmem:s24], [sflag:$0x6] =	stream.indirect.gather [hbm4b:s4+s14], $0x40, s19, s14, $0xb8;
	[tilespmem:$0x16620] =	vst v63  }
0x8d: {  	_ =	swait.ge [sflag:s25], $0x1400  }
0x8e: {  	[sflag:s25] =	ssyncset.done $0x0  }
0x8f: {  	s17 =	simm.s32 $0x4AB0;
	[sflag:s25] =	ssyncadd.s32 $0xFFFFEC00  }
0x90: {  	[spmem:s2] =	stream.indirect.scatter.add.f32 [tilespmem:s15], [sflag:$0x7], $0x40, s17, s14, $0xb8;
	[tilespmem:$0x16620] =	vst v63  }
0x91: {  	_ =	swait.ge [sflag:s12], $0x1400  }
0x92: {  	[sflag:s12] =	ssyncset.done $0x0  }
0x93: {  	s19 =	simm.s32 $0x2580;
	[sflag:s12] =	ssyncadd.s32 $0xFFFFEC00  }
0x94: {  	[tilespmem:s15], [sflag:$0x1] =	stream.indirect.gather [hbm4b:s4+s14], $0x40, s19, s14, $0xb8;
	[tilespmem:$0x16620] =	vst v63  }
0x95: {  	_ =	swait.ge [sflag:s26], $0x1400  }
0x96: {  	[sflag:s26] =	ssyncset.done $0x0  }
0x97: {  	s21 =	simm.s32 $0x4B00;
	[sflag:s26] =	ssyncadd.s32 $0xFFFFEC00  }
0x98: {  	[spmem:s2] =	stream.indirect.scatter.add.f32 [tilespmem:s16], [sflag:$0x7], $0x40, s21, s14, $0xb8;
	[tilespmem:$0x16620] =	vst v63  }
0x99: {  	_ =	swait.ge [sflag:s12], $0x1400  }
0x9a: {  	[sflag:s12] =	ssyncset.done $0x0  }
0x9b: {  	s19 =	simm.s32 $0x25D0;
	[sflag:s12] =	ssyncadd.s32 $0xFFFFEC00  }
0x9c: {  	[tilespmem:s16], [sflag:$0x2] =	stream.indirect.gather [hbm4b:s4+s14], $0x40, s19, s14, $0xb8;
	[tilespmem:$0x16620] =	vst v63  }
0x9d: {  	_ =	swait.ge [sflag:s28], $0x1400  }
0x9e: {  	[sflag:s28] =	ssyncset.done $0x0  }
0x9f: {  	s21 =	simm.s32 $0x4B50;
	[sflag:s28] =	ssyncadd.s32 $0xFFFFEC00  }
0xa0: {  	[spmem:s2] =	stream.indirect.scatter.add.f32 [tilespmem:s18], [sflag:$0x7], $0x40, s21, s14, $0xb8;
	[tilespmem:$0x16620] =	vst v63  }
0xa1: {  	_ =	swait.ge [sflag:s12], $0x1400  }
0xa2: {  	[sflag:s12] =	ssyncset.done $0x0  }
0xa3: {  	s19 =	simm.s32 $0x2620;
	[sflag:s12] =	ssyncadd.s32 $0xFFFFEC00  }
0xa4: {  	[tilespmem:s18], [sflag:$0x3] =	stream.indirect.gather [hbm4b:s4+s14], $0x40, s19, s14, $0xb8;
	[tilespmem:$0x16620] =	vst v63  }
0xa5: {  	_ =	swait.ge [sflag:s29], $0x1400  }
0xa6: {  	[sflag:s29] =	ssyncset.done $0x0  }
0xa7: {  	s21 =	simm.s32 $0x4BA0;
	[sflag:s29] =	ssyncadd.s32 $0xFFFFEC00  }
0xa8: {  	[spmem:s2] =	stream.indirect.scatter.add.f32 [tilespmem:s20], [sflag:$0x7], $0x40, s21, s14, $0xb8;
	[tilespmem:$0x16620] =	vst v63  }
0xa9: {  	_ =	swait.ge [sflag:s12], $0x1400  }
0xaa: {  	[sflag:s12] =	ssyncset.done $0x0  }
0xab: {  	s19 =	simm.s32 $0x2670;
	[sflag:s12] =	ssyncadd.s32 $0xFFFFEC00  }
0xac: {  	[tilespmem:s20], [sflag:$0x4] =	stream.indirect.gather [hbm4b:s4+s14], $0x40, s19, s14, $0xb8;
	[tilespmem:$0x16620] =	vst v63  }
0xad: {  	_ =	swait.ge [sflag:s30], $0x1400  }
0xae: {  	[sflag:s30] =	ssyncset.done $0x0  }
0xaf: {  	s21 =	simm.s32 $0x4BF0;
	[sflag:s30] =	ssyncadd.s32 $0xFFFFEC00  }
0xb0: {  	[spmem:s2] =	stream.indirect.scatter.add.f32 [tilespmem:s22], [sflag:$0x7], $0x40, s21, s14, $0xb8;
	[tilespmem:$0x16620] =	vst v63  }
0xb1: {  	_ =	swait.ge [sflag:s12], $0x1400  }
0xb2: {  	[sflag:s12] =	ssyncset.done $0x0  }
0xb3: {  	s19 =	simm.s32 $0x26C0;
	[sflag:s12] =	ssyncadd.s32 $0xFFFFEC00  }
0xb4: {  	[tilespmem:s22], [sflag:$0x5] =	stream.indirect.gather [hbm4b:s4+s14], $0x40, s19, s14, $0xb8;
	[tilespmem:$0x16620] =	vst v63  }
0xb5: {  	_ =	swait.ge [sflag:s31], $0x1400  }
0xb6: {  	[sflag:s31] =	ssyncset.done $0x0  }
0xb7: {  	s21 =	simm.s32 $0x4C40;
	[sflag:s31] =	ssyncadd.s32 $0xFFFFEC00  }
0xb8: {  	[spmem:s2] =	stream.indirect.scatter.add.f32 [tilespmem:s24], [sflag:$0x7], $0x40, s21, s14, $0xb8;
	[tilespmem:$0x16620] =	vst v63  }
0xb9: {  	_ =	swait.ge [sflag:s12], $0x1400  }
0xba: {  	[sflag:s12] =	ssyncset.done $0x0  }
0xbb: {  	[sflag:s12] =	ssyncadd.s32 $0xFFFFEC00  }
0xbc: {  	_ =	swait.ge [sflag:s25], $0x1400  }
0xbd: {  	[sflag:s25] =	ssyncset.done $0x0  }
0xbe: {  	s19 =	simm.s32 $0x4C90;
	[sflag:s25] =	ssyncadd.s32 $0xFFFFEC00  }
0xbf: {  	[spmem:s2] =	stream.indirect.scatter.add.f32 [tilespmem:s15], [sflag:$0x7], $0x40, s19, s14, $0xb8;
	[tilespmem:$0x16620] =	vst v63  }
0xc0: {  	_ =	swait.ge [sflag:s12], $0x1400  }
0xc1: {  	[sflag:s12] =	ssyncset.done $0x0  }
0xc2: {  	[sflag:s12] =	ssyncadd.s32 $0xFFFFEC00  }
0xc3: {  	_ =	swait.ge [sflag:s26], $0x1400  }
0xc4: {  	[sflag:s26] =	ssyncset.done $0x0  }
0xc5: {  	s21 =	simm.s32 $0x4CE0;
	[sflag:s26] =	ssyncadd.s32 $0xFFFFEC00  }
0xc6: {  	[spmem:s2] =	stream.indirect.scatter.add.f32 [tilespmem:s16], [sflag:$0x7], $0x40, s21, s14, $0xb8;
	[tilespmem:$0x16620] =	vst v63  }
0xc7: {  	_ =	swait.ge [sflag:s12], $0x1400  }
0xc8: {  	[sflag:s12] =	ssyncset.done $0x0  }
0xc9: {  	[sflag:s12] =	ssyncadd.s32 $0xFFFFEC00  }
0xca: {  	_ =	swait.ge [sflag:s28], $0x1400  }
0xcb: {  	[sflag:s28] =	ssyncset.done $0x0  }
0xcc: {  	[sflag:s28] =	ssyncadd.s32 $0xFFFFEC00  }
0xcd: {  	[spmem:s2] =	stream.indirect.scatter.add.f32 [tilespmem:s18], [sflag:$0x7], $0x40, s23, s14, $0xb8;
	[tilespmem:$0x16620] =	vst v63  }
0xce: {  	_ =	swait.ge [sflag:s12], $0x1400  }
0xcf: {  	[sflag:s12] =	ssyncset.done $0x0  }
0xd0: {  	[sflag:s12] =	ssyncadd.s32 $0xFFFFEC00  }
0xd1: {  	_ =	swait.ge [sflag:s29], $0x1400  }
0xd2: {  	[sflag:s29] =	ssyncset.done $0x0  }
0xd3: {  	[sflag:s29] =	ssyncadd.s32 $0xFFFFEC00  }
0xd4: {  	[spmem:s2] =	stream.indirect.scatter.add.f32 [tilespmem:s20], [sflag:$0x7], $0x40, s0, s14, $0xb8;
	[tilespmem:$0x16620] =	vst v63  }
0xd5: {  	_ =	swait.ge [sflag:s12], $0x1400  }
0xd6: {  	[sflag:s12] =	ssyncset.done $0x0  }
0xd7: {  	[sflag:s12] =	ssyncadd.s32 $0xFFFFEC00  }
0xd8: {  	_ =	swait.ge [sflag:s30], $0x1400  }
0xd9: {  	[sflag:s30] =	ssyncset.done $0x0  }
0xda: {  	[sflag:s30] =	ssyncadd.s32 $0xFFFFEC00  }
0xdb: {  	[spmem:s2] =	stream.indirect.scatter.add.f32 [tilespmem:s22], [sflag:$0x7], $0x40, s1, s14, $0xb8;
	[tilespmem:$0x16620] =	vst v63  }
0xdc: {  	_ =	swait.ge [sflag:s12], $0x1400  }
0xdd: {  	s13 =	sadd.s32 $0x1, s13;
	[sflag:s12] =	ssyncset.done $0x0  }
0xde: {  	p0 =	sne.s32 s13, s10;
	[sflag:s12] =	ssyncadd.s32 $0xFFFFEC00  }
.Ltmp1:
0xdf: {  	[bflag:$0x0] =	sbarrier.arrive $0xFFFF;
	(pc) =	sbr.rel @p0 .LBB2_1-.Ltmp1, $4  }
0xe0: {  	[hbm:s9], [sflag:s7] =	dma.local [spmem:s11], $0x1400  }
0xe1: {  	_ =	swait.ge [sflag:s12], $0x1400  }
0xe2: {  	[sflag:s12] =	ssyncset.done $0x0  }
0xe3: {  	[sflag:s12] =	ssyncadd.s32 $0xFFFFEC00  }
0xe4: {  	_ =	sfence.sel $0x180000  }
0xe5: {  	[bflag:$0x0] =	sbarrier.arrive $0xFFFF  }
0xe6: {  	_ =	strace $0x9000004D  }
0xe7: {  	s0 =	stileid.u32;
	[bflag:$0x2] =	sbarrier.arrive $0xFFFF  }
0xe8: {  	p0 =	sne.s32 s0, $0x0;
	s0 =	rddreg [dreg:$0x3]  }
0xe9: {  	s0 =	sadd.s32 @!p0 $0x100000, s0  }
0xea: {  	[sflag:s0] =	ssyncadd.tile.s32 @!p0 $0x1;
	_ =	shalt  }
.Lfunc_end2:
_tile_overlayer_lowered:
.L_overlay_start_2:
0xeb: {  	(tag) =	ssettag $0x2  }
0xec: {  	s0 =	rddreg [dreg:$0x0];
	s2 =	stileid.u32  }
0xed: {  	s1 =	rddreg [dreg:$0x1];
	p0 =	sne.s32 s2, $0x0  }
0xee: {  	s3 =	rddreg [dreg:$0x2];
	[bflag:$0x3] =	sbarrier.arrive $0xFFFF;
	s2 =	simm.s32 @!p0 $0x1C07  }
0xef: {  	[timem:s3], [sflag:s2] =	dma.local @!p0 [hbm:s0], s1  }
0xf0: {  	s0 =	simm.s32 @!p0 $0x7  }
0xf1: {  	_ =	swait.ge @!p0 [sflag:s0], s1  }
0xf2: {  	s1 =	ssub.s32 @!p0 $0x0, s1;
	[sflag:s0] =	ssyncset.done @!p0 $0x0  }
0xf3: {  	[sflag:s0] =	ssyncadd.s32 @!p0 s1  }
0xf4: {  	[bflag:$0x3] =	sbarrier.arrive $0xFFFF  }
0xf5: {  	_ =	shalt  }

// kernel: kernel.19.cloned.1.call-start
scs
__scs_entry_jumppad:
0x0: {  	(pc) =	sbr.rel $0x88, $3  }
0x1: {  	(tag) =	ssettag $0x0;
	lr =	simm.s32 $0x1  }
0x2: {  	[smem:$0x3F99] =	sst lr;
	_ =	strace $0xD0000000  }
0x3: {  	_ = 	snop  }
0x4: {  	_ = 	snop  }
0x5: {  	_ = 	snop  }
0x6: {  	_ = 	snop  }
0x7: {  	_ = 	snop  }
__scs_overlays_trampoline_lowered:
0x8: {  	[smem:$0x3FA8] =	sst s0  }
0x9: {  	[smem:$0x3FA9] =	sst s1  }
0xa: {  	[smem:$0x3FAA] =	sst s2  }
0xb: {  	[smem:$0x3FAB] =	sst s3  }
0xc: {  	[smem:$0x3FAC] =	sst s4  }
0xd: {  	[smem:$0x3FAD] =	sst s5  }
0xe: {  	[smem:$0x3FAE] =	sst s6  }
0xf: {  	[smem:$0x3FAF] =	sst s7  }
0x10: {  	[smem:$0x3FB0] =	sst s8  }
0x11: {  	[smem:$0x3FB1] =	sst s9;
	s0 =	simm.s32 @!p0 $0x0  }
0x12: {  	s1 =	sld [smem:$0x3F97];
	s0 =	simm.s32 @p0 $0x1  }
0x13: {  	[smem:$0x3FB2] =	sst s0;
	s0 =	simm.s32 @!p1 $0x0  }
0x14: {  	s2 =	sld [smem:$0x3F96];
	s0 =	simm.s32 @p1 $0x1  }
0x15: {  	[smem:$0x3FB3] =	sst s0;
	s0 =	simm.s32 @!p2 $0x0  }
0x16: {  	s3 =	sld [smem:$0x3FDB];
	s0 =	simm.s32 @p2 $0x1  }
0x17: {  	s4 =	simm.s32 $0x1BF5;
	[smem:$0x3FB5] =	sst s0  }
0x18: {  	s0 =	sld [smem:$0x3F98];
	_ =	swait.ge [sflag:s4], $0x0  }
0x19: {  	s7 =	sld [smem:$0x3F99]  }
0x1a: {  	s8 =	sadd.s32 $0xFFFFE003, lr  }
0x1b: {  	s9 =	sadd.s32 $0xFFFFFEF7, lr;
	s5 =	simm.s32 $0xFFFFFFFF;
	p2 =	slt.u32 s8, $0xFFFFF086  }
0x1c: {  	p1 =	slt.u32 s9, $0xF7A;
	s5 =	simm.s32 @!p2 $0x0  }
0x1d: {  	s5 =	simm.s32 @p1 $0x1;
	p0 =	seq.s32 s7, s2  }
0x1e: {  	s7 =	smul.u32 @!p0 $0xF7A, s2;
	p2 =	seq.s32 @!p0 s5, $0x0  }
0x1f: {  	s9 =	smul.u32 $0xF7A, s1;
	s8 =	simm.s32 @!p0 $0x1BF5;
	p2 =	por !p2, p0  }
0x20: {  	[sflag:s8] =	ssyncset.s32 @!p0 $0xFFFFF086;
	s6 =	sadd.s32 @!p0 s3, s7;
	s7 =	simm.s32 @!p0 $0x108  }
0x21: {  	s3 =	sadd.s32 s3, s9;
	s6 =	sadd.s32 @!p0 $0x88, s6;
	s7 =	simm.s32 @p2 $0x1082  }
0x22: {  	[simem:s7], [sflag:s8] =	dma.local @!p0 [hbm:s6], $0xF7A  }
0x23: {  	s9 =	sor.u32 $0xD0000000, s2;
	s6 =	simm.s32 $0x108;
	_ =	swait.ge @!p0 [sflag:s8], $0x0  }
0x24: {  	s3 =	sadd.s32 $0x88, s3;
	s6 =	simm.s32 @!p1 $0x1082;
	[sflag:s4] =	ssyncset.s32 $0xFFFFF086  }
0x25: {  	[simem:s6], [sflag:s4] =	dma.local [hbm:s3], $0xF7A  }
0x26: {  	[smem:$0x3F99] =	sst s1;
	(tag) =	ssettag s2;
	_ =	strace s9  }
0x27: {  	s1 =	sld [smem:$0x3FA9]  }
0x28: {  	s2 =	sld [smem:$0x3FAA]  }
0x29: {  	s4 =	sld [smem:$0x3FAC]  }
0x2a: {  	p0 =	seq.s32 s5, $0x0;
	s5 =	sld [smem:$0x3FAD]  }
0x2b: {  	s6 =	sld [smem:$0x3FAE]  }
0x2c: {  	s7 =	sld [smem:$0x3FAF]  }
0x2d: {  	s3 =	simm.s32 $0x108;
	s8 =	sld [smem:$0x3FB0]  }
0x2e: {  	s3 =	simm.s32 @!p0 $0x1082;
	s9 =	sld [smem:$0x3FB1]  }
0x2f: {  	lr =	sadd.s32 s0, s3;
	s0 =	sld [smem:$0x3FA8]  }
0x30: {  	s3 =	sld [smem:$0x3FAB]  }
0x31: {  	[smem:$0x3FB4] =	sst s10  }
0x32: {  	s10 =	sld [smem:$0x3FB2];
	_ =	sdelay $0x3  }
0x33: {  	p0 =	seq.s32 s10, $0x1;
	s10 =	sld [smem:$0x3FB4];
	_ =	sdelay $0x3  }
0x34: {  	[smem:$0x3FB4] =	sst s10  }
0x35: {  	s10 =	sld [smem:$0x3FB3];
	_ =	sdelay $0x3  }
0x36: {  	p1 =	seq.s32 s10, $0x1;
	s10 =	sld [smem:$0x3FB4];
	_ =	sdelay $0x3  }
0x37: {  	[smem:$0x3FB4] =	sst s10  }
0x38: {  	s10 =	sld [smem:$0x3FB5]  }
0x39: {  	_ = 	snop;
	(pc) =	sbr.ind lr, $3  }
0x3a: {  	_ = 	snop  }
0x3b: {  	_ = 	snop  }
0x3c: {  	p2 =	seq.s32 s10, $0x1;
	s10 =	sld [smem:$0x3FB4]  }
0x3d: {  	_ =	shalt  }
0x3e: {  	_ =	shalt  }
0x3f: {  	_ =	shalt  }
0x40: {  	_ =	shalt  }
0x41: {  	_ =	shalt  }
0x42: {  	_ =	shalt  }
0x43: {  	_ =	shalt  }
0x44: {  	_ =	shalt  }
0x45: {  	_ =	shalt  }
0x46: {  	_ =	shalt  }
0x47: {  	_ =	shalt  }
0x48: {  	_ =	shalt  }
0x49: {  	_ =	shalt  }
0x4a: {  	_ =	shalt  }
0x4b: {  	_ =	shalt  }
0x4c: {  	_ =	shalt  }
0x4d: {  	_ =	shalt  }
0x4e: {  	_ =	shalt  }
0x4f: {  	_ =	shalt  }
0x50: {  	_ =	shalt  }
0x51: {  	_ =	shalt  }
0x52: {  	_ =	shalt  }
0x53: {  	_ =	shalt  }
0x54: {  	_ =	shalt  }
0x55: {  	_ =	shalt  }
0x56: {  	_ =	shalt  }
0x57: {  	_ =	shalt  }
0x58: {  	_ =	shalt  }
0x59: {  	_ =	shalt  }
0x5a: {  	_ =	shalt  }
0x5b: {  	_ =	shalt  }
0x5c: {  	_ =	shalt  }
0x5d: {  	_ =	shalt  }
0x5e: {  	_ =	shalt  }
0x5f: {  	_ =	shalt  }
0x60: {  	_ =	shalt  }
0x61: {  	_ =	shalt  }
0x62: {  	_ =	shalt  }
0x63: {  	_ =	shalt  }
0x64: {  	_ =	shalt  }
0x65: {  	_ =	shalt  }
0x66: {  	_ =	shalt  }
0x67: {  	_ =	shalt  }
0x68: {  	_ =	shalt  }
0x69: {  	_ =	shalt  }
0x6a: {  	_ =	shalt  }
0x6b: {  	_ =	shalt  }
0x6c: {  	_ =	shalt  }
0x6d: {  	_ =	shalt  }
0x6e: {  	_ =	shalt  }
0x6f: {  	_ =	shalt  }
0x70: {  	_ =	shalt  }
0x71: {  	_ =	shalt  }
0x72: {  	_ =	shalt  }
0x73: {  	_ =	shalt  }
0x74: {  	_ =	shalt  }
0x75: {  	_ =	shalt  }
0x76: {  	_ =	shalt  }
0x77: {  	_ =	shalt  }
0x78: {  	_ =	shalt  }
0x79: {  	_ =	shalt  }
0x7a: {  	_ =	shalt  }
0x7b: {  	_ =	shalt  }
0x7c: {  	_ =	shalt  }
0x7d: {  	_ =	shalt  }
0x7e: {  	_ =	shalt  }
0x7f: {  	_ =	shalt  }
0x80: {  	_ =	shalt  }
0x81: {  	_ =	shalt  }
0x82: {  	_ =	shalt  }
0x83: {  	_ =	shalt  }
0x84: {  	_ =	shalt  }
0x85: {  	_ =	shalt  }
0x86: {  	_ =	shalt  }
0x87: {  	_ =	shalt  }
.Lfunc_end0:
.L_simem_size_0:
called_computation.3_lowered:
.L_overlay_start_0:
0x88: {  	s2 =	sld [smem:$0x3FD9]  }
0x89: {  	s3 =	sld [smem:$0x3FFE];
	_ =	sdelay $0x1  }
0x8a: {  	s1 =	srdreg.scid  }
0x8b: {  	s0 =	sand.u32 $0x1, s1  }
0x8c: {  	s17 =	sshll.u32 s0, $0xA;
	s2 =	sadd.s32 s3, s2  }
0x8d: {  	s2 =	sadd.s32 s2, s17  }
0x8e: {  	[smem:$0x3FC0] =	sst s2  }
0x8f: {  	_ = 	snop  }
0x90: {  	s2 =	sld [smem:$0x3FD0];
	(tm) =	ssettm $0x1  }
0x91: {  	s18 =	sld [smem:$0x3FFB];
	_ =	sdelay $0x3  }
0x92: {  	_ =	strace s18  }
0x93: {  	s3 =	sld [smem:$0x3FFC];
	_ =	sdelay $0x3  }
0x94: {  	_ =	strace s3  }
0x95: {  	s3 =	sld [smem:$0x3FFD];
	_ =	sdelay $0x3  }
0x96: {  	_ =	strace s3  }
0x97: {  	_ =	strace $0x8FFFFFFF  }
0x98: {  	s19 =	sld [smem:$0x3FDB];
	_ =	sdelay $0x1  }
0x99: {  	s4 =	simm.s32 $_scs_section_size  }
0x9a: {  	s5 =	simm.s32 $_size__tile_overlayer_lowered;
	s6 =	simm.s32 $_tile_overlayer_lowered  }
0x9b: {  	s22 =	simm.s32 $0x1BFF;
	s21 =	sshll.u32 s6, $0x1;
	s3 =	sadd.s32 s4, s19  }
0x9c: {  	s7 =	simm.s32 $0x0;
	s20 =	sshll.u32 s5, $0x1;
	s5 =	sadd.s32 s21, s3  }
0x9d: {  	[timem:s7], [sflag:s22] =	dma.local [hbm:s5], s20  }
0x9e: {  	_ =	swait.ge [sflag:s22], s20  }
0x9f: {  	s4 =	ssub.s32 $0x0, s20;
	[sflag:s22] =	ssyncset.done $0x0  }
0xa0: {  	[sflag:s22] =	ssyncadd.s32 s4;
	_ =	sdelay $0x1  }
0xa1: {  	s23 =	simm.s32 $0x1B8B  }
0xa2: {  	_ =	swait.ge [sflag:s23], $0x1  }
0xa3: {  	[sflag:s23] =	ssyncset.done $0x0  }
0xa4: {  	s25 =	simm.s32 $0x1B8E;
	s24 =	sld [smem:$0x3FFE];
	[sflag:s23] =	ssyncadd.s32 $0xFFFFFFFF  }
0xa5: {  	s26 =	simm.s32 $execute0_lowered;
	[smem:$0x3FD2] =	sst s25  }
0xa6: {  	s5 =	sshll.u32 s26, $0x1;
	_ =	strace $0x8000004F;
	[dreg:$0x1] =	wrdreg $0xFFFFFFFF  }
0xa7: {  	s28 =	simm.s32 $_size_execute0_lowered;
	s3 =	sadd.s32 s3, s5;
	[dreg:$0x0] =	wrdreg $0x0  }
0xa8: {  	s5 =	sshll.u32 s28, $0x1;
	[dreg:$0x2] =	wrdreg s3  }
0xa9: {  	[dreg:$0x3] =	wrdreg s5  }
0xaa: {  	[dreg:$0x4] =	wrdreg $0xC0  }
0xab: {  	_ =	task [dreg:s7], $0x5FFFF  }
0xac: {  	[dreg:$0x1] =	wrdreg $0xFFFFFFFF  }
0xad: {  	[dreg:$0x0] =	wrdreg $0x60  }
0xae: {  	[dreg:$0x2] =	wrdreg s2  }
0xaf: {  	[dreg:$0x3] =	wrdreg s24  }
0xb0: {  	[dreg:$0x4] =	wrdreg $0xC6200  }
0xb1: {  	[dreg:$0x5] =	wrdreg $0x9  }
0xb2: {  	_ =	task.clear_ibuf [dreg:s7], $0x6FFFF;
	_ =	strace $0x9000004F  }
0xb3: {  	s29 =	simm.s32 $0x9;
	_ =	strace $0x80000051  }
0xb4: {  	_ =	swait.ge [sflag:s29], $0x1  }
0xb5: {  	[sflag:s29] =	ssyncadd.s32 $0xFFFFFFFF  }
0xb6: {  	_ =	strace $0x90000051  }
0xb7: {  	_ =	sfence  }
0xb8: {  	s30 =	sld [smem:$0x0];
	_ =	sdelay $0x2  }
0xb9: {  	s31 =	sshll.u32 s1, $0xD;
	s1 =	sshrl.u32 s1, $0x2  }
0xba: {  	s3 =	sand.u32 $0x4000, s31;
	s1 =	sadd.s32 s1, s30  }
0xbb: {  	s0 =	sor.u32 s3, s0;
	s1 =	sshll.u32 s1, $0x11  }
0xbc: {  	s0 =	sor.u32 s1, s0  }
0xbd: {  	s0 =	sadd.s32 $0x8F2B, s0  }
0xbe: {  	[sflag:s0] =	ssyncadd.remote.s32 $0x1  }
0xbf: {  	_ =	sfence.sel $0xFFFF  }
0xc0: {  	[dreg:$0x0] =	wrdreg $0xFFFFFFFF;
	(pc) =	sbr.abs _section_cstart, $3  }
0xc1: {  	[dreg:$0x1] =	wrdreg $0xFFFFFFFF  }
0xc2: {  	_ =	task.clear_ibuf [dreg:s7], $0x2FFFF;
	_ =	strace $0x9FFFFFFF  }
0xc3: {  	(tm) =	ssettm $0x7FFFFFFF  }
tec
execute0_lowered:
.L_overlay_start_1:
0x0: {  	(tag) =	ssettag $0x1  }
0x1: {  	s0 =	rddreg [dreg:$0x0]  }
0x2: {  	s1 =	rddreg [dreg:$0x1]  }
0x3: {  	s2 =	rddreg [dreg:$0x2]  }
0x4: {  	s3 =	simm.s32 $0x0;
	s12 =	stileid.u32;
	s4 =	srdreg.scid  }
0x5: {  	s14 =	simm.s32 $0x50;
	s15 =	simm.s32 $0x4E20;
	s16 =	simm.s32 $0x6220  }
0x6: {  	s18 =	simm.s32 $0x7620;
	s20 =	simm.s32 $0x8A20;
	s22 =	simm.s32 $0x9E20  }
0x7: {  	s24 =	simm.s32 $0xB220;
	s28 =	simm.s32 $0x3;
	s29 =	simm.s32 $0x4  }
0x8: {  	s30 =	simm.s32 $0x5;
	s31 =	simm.s32 $0x6;
	s23 =	simm.s32 $0x4D30  }
0x9: {  	s13 =	simm.s32 $0x0;
	[smem:$0x7FF] =	sst s3;
	s5 =	smul.u32 $0xA000, s12  }
0xa: {  	s6 =	sand.u32 $0x1, s4;
	s8 =	sshll.u32 s12, $0x1;
	s4 =	sadd.s32 $0x52A00, s1  }
0xb: {  	s26 =	sshll.u32 s12, $0x6;
	s12 =	simm.s32 $0x7;
	_ =	strace $0x80000050  }
0xc: {  	s7 =	smul.u32 $0xA0000, s6;
	s8 =	sor.u32 s6, s8;
	s6 =	ssub.s32 $0x2, s6  }
0xd: {  	s9 =	sshrl.u32 s5, $0x3;
	s8 =	smul.u32 $0x2710, s8;
	s10 =	sshrl.u32 s6, $0x1  }
0xe: {  	s11 =	sadd.s32 s5, s2;
	s7 =	sadd.s32 s5, s7;
	s9 =	sadd.s32 s9, s1  }
0xf: {  	s10 =	ssub.s32 s6, s10;
	s11 =	sshrl.u32 s11, $0x3;
	s7 =	sshrl.u32 s7, $0x3  }
0x10: {  	s25 =	sshrl.u32 s8, $0x3;
	s6 =	sadd.s32 $0x8D600, s9;
	s10 =	smax.u32 s10, $0x1  }
0x11: {  	s1 =	sadd.s32 s7, s1;
	s5 =	sadd.s32 s0, s25;
	s7 =	sor.u32 $0x1C07, s26  }
0x12: {  	s25 =	simm.s32 $0x1;
	s26 =	simm.s32 $0x2;
	s0 =	simm.s32 $0x4D80  }
0x13: {  	s8 =	sadd.s32 $0x9C40, s5;
	s9 =	sadd.s32 $0xA1600, s1;
	s1 =	simm.s32 $0x4DD0  }
.LBB2_1:
0x14: {  	[spmem:s11], [sflag:s7] =	dma.local [hbm:s6], $0x1400  }
0x15: {  	_ =	swait.ge [sflag:s12], $0x1400  }
0x16: {  	[sflag:s12] =	ssyncset.done $0x0  }
0x17: {  	[sflag:s12] =	ssyncadd.s32 $0xFFFFEC00  }
0x18: {  	[tilespmem:s3], [sflag:$0x7] =	stream.linear.gather [hbm4b:s5+s3], $0x2710, $0x38;
	[tilespmem:$0x16620] =	vst v63  }
0x19: {  	_ =	swait.ge [sflag:s12], $0x2710  }
0x1a: {  	[sflag:s12] =	ssyncset.done $0x0  }
0x1b: {  	s17 =	simm.s32 $0x2710;
	[sflag:s12] =	ssyncadd.s32 $0xFFFFD8F0  }
0x1c: {  	[tilespmem:s17], [sflag:$0x7] =	stream.linear.gather [hbm4b:s8+s3], $0x2710, $0x38;
	[tilespmem:$0x16620] =	vst v63  }
0x1d: {  	_ =	swait.ge [sflag:s12], $0x2710  }
0x1e: {  	[sflag:s12] =	ssyncset.done $0x0  }
0x1f: {  	[sflag:s12] =	ssyncadd.s32 $0xFFFFD8F0  }
0x20: {  	[bflag:$0x0] =	sbarrier.arrive $0xFFFF  }
0x21: {  	[tilespmem:s15], [sflag:$0x1] =	stream.indirect.gather [hbm4b:s4+s14], $0x40, s3, s14, $0xb8;
	[tilespmem:$0x16620] =	vst v63  }
0x22: {  	_ = 	snop  }
0x23: {  	[tilespmem:s16], [sflag:$0x2] =	stream.indirect.gather [hbm4b:s4+s14], $0x40, s14, s14, $0xb8;
	[tilespmem:$0x16620] =	vst v63  }
0x24: {  	s21 =	simm.s32 $0xA0  }
0x25: {  	[tilespmem:s18], [sflag:$0x3] =	stream.indirect.gather [hbm4b:s4+s14], $0x40, s21, s14, $0xb8;
	[tilespmem:$0x16620] =	vst v63  }
0x26: {  	s19 =	simm.s32 $0xF0  }
0x27: {  	[tilespmem:s20], [sflag:$0x4] =	stream.indirect.gather [hbm4b:s4+s14], $0x40, s19, s14, $0xb8;
	[tilespmem:$0x16620] =	vst v63  }
0x28: {  	s21 =	simm.s32 $0x140  }
0x29: {  	[tilespmem:s22], [sflag:$0x5] =	stream.indirect.gather [hbm4b:s4+s14], $0x40, s21, s14, $0xb8;
	[tilespmem:$0x16620] =	vst v63  }
0x2a: {  	s19 =	simm.s32 $0x190  }
0x2b: {  	[tilespmem:s24], [sflag:$0x6] =	stream.indirect.gather [hbm4b:s4+s14], $0x40, s19, s14, $0xb8;
	[tilespmem:$0x16620] =	vst v63  }
0x2c: {  	_ =	swait.ge [sflag:s25], $0x1400  }
0x2d: {  	[sflag:s25] =	ssyncset.done $0x0  }
0x2e: {  	s21 =	simm.s32 $0x2710;
	[sflag:s25] =	ssyncadd.s32 $0xFFFFEC00  }
0x2f: {  	[spmem:s2] =	stream.indirect.scatter.add.f32 [tilespmem:s15], [sflag:$0x7], $0x40, s21, s14, $0xb8;
	[tilespmem:$0x16620] =	vst v63  }
0x30: {  	_ =	swait.ge [sflag:s12], $0x1400  }
0x31: {  	[sflag:s12] =	ssyncset.done $0x0  }
0x32: {  	s19 =	simm.s32 $0x1E0;
	[sflag:s12] =	ssyncadd.s32 $0xFFFFEC00  }
0x33: {  	[tilespmem:s15], [sflag:$0x1] =	stream.indirect.gather [hbm4b:s4+s14], $0x40, s19, s14, $0xb8;
	[tilespmem:$0x16620] =	vst v63  }
0x34: {  	_ =	swait.ge [sflag:s26], $0x1400  }
0x35: {  	[sflag:s26] =	ssyncset.done $0x0  }
0x36: {  	s21 =	simm.s32 $0x2760;
	[sflag:s26] =	ssyncadd.s32 $0xFFFFEC00  }
0x37: {  	[spmem:s2] =	stream.indirect.scatter.add.f32 [tilespmem:s16], [sflag:$0x7], $0x40, s21, s14, $0xb8;
	[tilespmem:$0x16620] =	vst v63  }
0x38: {  	_ =	swait.ge [sflag:s12], $0x1400  }
0x39: {  	[sflag:s12] =	ssyncset.done $0x0  }
0x3a: {  	s19 =	simm.s32 $0x230;
	[sflag:s12] =	ssyncadd.s32 $0xFFFFEC00  }
0x3b: {  	[tilespmem:s16], [sflag:$0x2] =	stream.indirect.gather [hbm4b:s4+s14], $0x40, s19, s14, $0xb8;
	[tilespmem:$0x16620] =	vst v63  }
0x3c: {  	_ =	swait.ge [sflag:s28], $0x1400  }
0x3d: {  	[sflag:s28] =	ssyncset.done $0x0  }
0x3e: {  	s21 =	simm.s32 $0x27B0;
	[sflag:s28] =	ssyncadd.s32 $0xFFFFEC00  }
0x3f: {  	[spmem:s2] =	stream.indirect.scatter.add.f32 [tilespmem:s18], [sflag:$0x7], $0x40, s21, s14, $0xb8;
	[tilespmem:$0x16620] =	vst v63  }
0x40: {  	_ =	swait.ge [sflag:s12], $0x1400  }
0x41: {  	[sflag:s12] =	ssyncset.done $0x0  }
0x42: {  	s19 =	simm.s32 $0x280;
	[sflag:s12] =	ssyncadd.s32 $0xFFFFEC00  }
0x43: {  	[tilespmem:s18], [sflag:$0x3] =	stream.indirect.gather [hbm4b:s4+s14], $0x40, s19, s14, $0xb8;
	[tilespmem:$0x16620] =	vst v63  }
0x44: {  	_ =	swait.ge [sflag:s29], $0x1400  }
0x45: {  	[sflag:s29] =	ssyncset.done $0x0  }
0x46: {  	s21 =	simm.s32 $0x2800;
	[sflag:s29] =	ssyncadd.s32 $0xFFFFEC00  }
0x47: {  	[spmem:s2] =	stream.indirect.scatter.add.f32 [tilespmem:s20], [sflag:$0x7], $0x40, s21, s14, $0xb8;
	[tilespmem:$0x16620] =	vst v63  }
0x48: {  	_ =	swait.ge [sflag:s12], $0x1400  }
0x49: {  	[sflag:s12] =	ssyncset.done $0x0  }
0x4a: {  	s19 =	simm.s32 $0x2D0;
	[sflag:s12] =	ssyncadd.s32 $0xFFFFEC00  }
0x4b: {  	[tilespmem:s20], [sflag:$0x4] =	stream.indirect.gather [hbm4b:s4+s14], $0x40, s19, s14, $0xb8;
	[tilespmem:$0x16620] =	vst v63  }
0x4c: {  	_ =	swait.ge [sflag:s30], $0x1400  }
0x4d: {  	[sflag:s30] =	ssyncset.done $0x0  }
0x4e: {  	s21 =	simm.s32 $0x2850;
	[sflag:s30] =	ssyncadd.s32 $0xFFFFEC00  }
0x4f: {  	[spmem:s2] =	stream.indirect.scatter.add.f32 [tilespmem:s22], [sflag:$0x7], $0x40, s21, s14, $0xb8;
	[tilespmem:$0x16620] =	vst v63  }
0x50: {  	_ =	swait.ge [sflag:s12], $0x1400  }
0x51: {  	[sflag:s12] =	ssyncset.done $0x0  }
0x52: {  	s19 =	simm.s32 $0x320;
	[sflag:s12] =	ssyncadd.s32 $0xFFFFEC00  }
0x53: {  	[tilespmem:s22], [sflag:$0x5] =	stream.indirect.gather [hbm4b:s4+s14], $0x40, s19, s14, $0xb8;
	[tilespmem:$0x16620] =	vst v63  }
0x54: {  	_ =	swait.ge [sflag:s31], $0x1400  }
0x55: {  	[sflag:s31] =	ssyncset.done $0x0  }
0x56: {  	s21 =	simm.s32 $0x28A0;
	[sflag:s31] =	ssyncadd.s32 $0xFFFFEC00  }
0x57: {  	[spmem:s2] =	stream.indirect.scatter.add.f32 [tilespmem:s24], [sflag:$0x7], $0x40, s21, s14, $0xb8;
	[tilespmem:$0x16620] =	vst v63  }
0x58: {  	_ =	swait.ge [sflag:s12], $0x1400  }
0x59: {  	[sflag:s12] =	ssyncset.done $0x0  }
0x5a: {  	s17 =	simm.s32 $0x780;
	s19 =	simm.s32 $0x370;
	[sflag:s12] =	ssyncadd.s32 $0xFFFFEC00  }
.LBB2_2:
0x5b: {  	[tilespmem:s24], [sflag:$0x6] =	stream.indirect.gather [hbm4b:s4+s14], $0x40, s19, s14, $0xb8;
	[tilespmem:$0x16620] =	vst v63  }
0x5c: {  	s19 =	smov.u32 s17  }
0x5d: {  	p0 =	sne.s32 s17, $0x8700;
	s17 =	sadd.s32 $0x780, s17;
	_ =	swait.ge [sflag:s25], $0x1400  }
0x5e: {  	s19 =	sshra.s32 s19, $0x2;
	[sflag:s25] =	ssyncset.done $0x0  }
0x5f: {  	s21 =	sadd.s32 $0x2710, s19;
	[sflag:s25] =	ssyncadd.s32 $0xFFFFEC00  }
0x60: {  	[spmem:s2] =	stream.indirect.scatter.add.f32 [tilespmem:s15], [sflag:$0x7], $0x40, s21, s14, $0xb8;
	[tilespmem:$0x16620] =	vst v63  }
0x61: {  	_ =	swait.ge [sflag:s12], $0x1400  }
0x62: {  	[sflag:s12] =	ssyncset.done $0x0  }
0x63: {  	s21 =	sadd.s32 $0x1E0, s19;
	[sflag:s12] =	ssyncadd.s32 $0xFFFFEC00  }
0x64: {  	[tilespmem:s15], [sflag:$0x1] =	stream.indirect.gather [hbm4b:s4+s14], $0x40, s21, s14, $0xb8;
	[tilespmem:$0x16620] =	vst v63  }
0x65: {  	_ =	swait.ge [sflag:s26], $0x1400  }
0x66: {  	[sflag:s26] =	ssyncset.done $0x0  }
0x67: {  	s21 =	sadd.s32 $0x2760, s19;
	[sflag:s26] =	ssyncadd.s32 $0xFFFFEC00  }
0x68: {  	[spmem:s2] =	stream.indirect.scatter.add.f32 [tilespmem:s16], [sflag:$0x7], $0x40, s21, s14, $0xb8;
	[tilespmem:$0x16620] =	vst v63  }
0x69: {  	_ =	swait.ge [sflag:s12], $0x1400  }
0x6a: {  	[sflag:s12] =	ssyncset.done $0x0  }
0x6b: {  	s21 =	sadd.s32 $0x230, s19;
	[sflag:s12] =	ssyncadd.s32 $0xFFFFEC00  }
0x6c: {  	[tilespmem:s16], [sflag:$0x2] =	stream.indirect.gather [hbm4b:s4+s14], $0x40, s21, s14, $0xb8;
	[tilespmem:$0x16620] =	vst v63  }
0x6d: {  	_ =	swait.ge [sflag:s28], $0x1400  }
0x6e: {  	[sflag:s28] =	ssyncset.done $0x0  }
0x6f: {  	s21 =	sadd.s32 $0x27B0, s19;
	[sflag:s28] =	ssyncadd.s32 $0xFFFFEC00  }
0x70: {  	[spmem:s2] =	stream.indirect.scatter.add.f32 [tilespmem:s18], [sflag:$0x7], $0x40, s21, s14, $0xb8;
	[tilespmem:$0x16620] =	vst v63  }
0x71: {  	_ =	swait.ge [sflag:s12], $0x1400  }
0x72: {  	[sflag:s12] =	ssyncset.done $0x0  }
0x73: {  	s21 =	sadd.s32 $0x280, s19;
	[sflag:s12] =	ssyncadd.s32 $0xFFFFEC00  }
0x74: {  	[tilespmem:s18], [sflag:$0x3] =	stream.indirect.gather [hbm4b:s4+s14], $0x40, s21, s14, $0xb8;
	[tilespmem:$0x16620] =	vst v63  }
0x75: {  	_ =	swait.ge [sflag:s29], $0x1400  }
0x76: {  	[sflag:s29] =	ssyncset.done $0x0  }
0x77: {  	s21 =	sadd.s32 $0x2800, s19;
	[sflag:s29] =	ssyncadd.s32 $0xFFFFEC00  }
0x78: {  	[spmem:s2] =	stream.indirect.scatter.add.f32 [tilespmem:s20], [sflag:$0x7], $0x40, s21, s14, $0xb8;
	[tilespmem:$0x16620] =	vst v63  }
0x79: {  	_ =	swait.ge [sflag:s12], $0x1400  }
0x7a: {  	[sflag:s12] =	ssyncset.done $0x0  }
0x7b: {  	s21 =	sadd.s32 $0x2D0, s19;
	[sflag:s12] =	ssyncadd.s32 $0xFFFFEC00  }
0x7c: {  	[tilespmem:s20], [sflag:$0x4] =	stream.indirect.gather [hbm4b:s4+s14], $0x40, s21, s14, $0xb8;
	[tilespmem:$0x16620] =	vst v63  }
0x7d: {  	_ =	swait.ge [sflag:s30], $0x1400  }
0x7e: {  	[sflag:s30] =	ssyncset.done $0x0  }
0x7f: {  	s21 =	sadd.s32 $0x2850, s19;
	[sflag:s30] =	ssyncadd.s32 $0xFFFFEC00  }
0x80: {  	[spmem:s2] =	stream.indirect.scatter.add.f32 [tilespmem:s22], [sflag:$0x7], $0x40, s21, s14, $0xb8;
	[tilespmem:$0x16620] =	vst v63  }
0x81: {  	_ =	swait.ge [sflag:s12], $0x1400  }
0x82: {  	[sflag:s12] =	ssyncset.done $0x0  }
0x83: {  	s21 =	sadd.s32 $0x320, s19;
	[sflag:s12] =	ssyncadd.s32 $0xFFFFEC00  }
0x84: {  	[tilespmem:s22], [sflag:$0x5] =	stream.indirect.gather [hbm4b:s4+s14], $0x40, s21, s14, $0xb8;
	[tilespmem:$0x16620] =	vst v63  }
0x85: {  	_ =	swait.ge [sflag:s31], $0x1400  }
0x86: {  	[sflag:s31] =	ssyncset.done $0x0  }
.Ltmp0:
0x87: {  	s21 =	sadd.s32 $0x28A0, s19;
	[sflag:s31] =	ssyncadd.s32 $0xFFFFEC00;
	(pc) =	sbr.rel @p0 .LBB2_2-.Ltmp0, $4  }
0x88: {  	[spmem:s2] =	stream.indirect.scatter.add.f32 [tilespmem:s24], [sflag:$0x7], $0x40, s21, s14, $0xb8;
	[tilespmem:$0x16620] =	vst v63  }
0x89: {  	_ =	swait.ge [sflag:s12], $0x1400  }
0x8a: {  	[sflag:s12] =	ssyncset.done $0x0  }
0x8b: {  	s19 =	sadd.s32 $0x370, s19;
	[sflag:s12] =	ssyncadd.s32 $0xFFFFEC00  }
0x8c: {  	[tilespmem:s24], [sflag:$0x6] =	stream.indirect.gather [hbm4b:s4+s14], $0x40, s19, s14, $0xb8;
	[tilespmem:$0x16620] =	vst v63  }
0x8d: {  	_ =	swait.ge [sflag:s25], $0x1400  }
0x8e: {  	[sflag:s25] =	ssyncset.done $0x0  }
0x8f: {  	s17 =	simm.s32 $0x4AB0;
	[sflag:s25] =	ssyncadd.s32 $0xFFFFEC00  }
0x90: {  	[spmem:s2] =	stream.indirect.scatter.add.f32 [tilespmem:s15], [sflag:$0x7], $0x40, s17, s14, $0xb8;
	[tilespmem:$0x16620] =	vst v63  }
0x91: {  	_ =	swait.ge [sflag:s12], $0x1400  }
0x92: {  	[sflag:s12] =	ssyncset.done $0x0  }
0x93: {  	s19 =	simm.s32 $0x2580;
	[sflag:s12] =	ssyncadd.s32 $0xFFFFEC00  }
0x94: {  	[tilespmem:s15], [sflag:$0x1] =	stream.indirect.gather [hbm4b:s4+s14], $0x40, s19, s14, $0xb8;
	[tilespmem:$0x16620] =	vst v63  }
0x95: {  	_ =	swait.ge [sflag:s26], $0x1400  }
0x96: {  	[sflag:s26] =	ssyncset.done $0x0  }
0x97: {  	s21 =	simm.s32 $0x4B00;
	[sflag:s26] =	ssyncadd.s32 $0xFFFFEC00  }
0x98: {  	[spmem:s2] =	stream.indirect.scatter.add.f32 [tilespmem:s16], [sflag:$0x7], $0x40, s21, s14, $0xb8;
	[tilespmem:$0x16620] =	vst v63  }
0x99: {  	_ =	swait.ge [sflag:s12], $0x1400  }
0x9a: {  	[sflag:s12] =	ssyncset.done $0x0  }
0x9b: {  	s19 =	simm.s32 $0x25D0;
	[sflag:s12] =	ssyncadd.s32 $0xFFFFEC00  }
0x9c: {  	[tilespmem:s16], [sflag:$0x2] =	stream.indirect.gather [hbm4b:s4+s14], $0x40, s19, s14, $0xb8;
	[tilespmem:$0x16620] =	vst v63  }
0x9d: {  	_ =	swait.ge [sflag:s28], $0x1400  }
0x9e: {  	[sflag:s28] =	ssyncset.done $0x0  }
0x9f: {  	s21 =	simm.s32 $0x4B50;
	[sflag:s28] =	ssyncadd.s32 $0xFFFFEC00  }
0xa0: {  	[spmem:s2] =	stream.indirect.scatter.add.f32 [tilespmem:s18], [sflag:$0x7], $0x40, s21, s14, $0xb8;
	[tilespmem:$0x16620] =	vst v63  }
0xa1: {  	_ =	swait.ge [sflag:s12], $0x1400  }
0xa2: {  	[sflag:s12] =	ssyncset.done $0x0  }
0xa3: {  	s19 =	simm.s32 $0x2620;
	[sflag:s12] =	ssyncadd.s32 $0xFFFFEC00  }
0xa4: {  	[tilespmem:s18], [sflag:$0x3] =	stream.indirect.gather [hbm4b:s4+s14], $0x40, s19, s14, $0xb8;
	[tilespmem:$0x16620] =	vst v63  }
0xa5: {  	_ =	swait.ge [sflag:s29], $0x1400  }
0xa6: {  	[sflag:s29] =	ssyncset.done $0x0  }
0xa7: {  	s21 =	simm.s32 $0x4BA0;
	[sflag:s29] =	ssyncadd.s32 $0xFFFFEC00  }
0xa8: {  	[spmem:s2] =	stream.indirect.scatter.add.f32 [tilespmem:s20], [sflag:$0x7], $0x40, s21, s14, $0xb8;
	[tilespmem:$0x16620] =	vst v63  }
0xa9: {  	_ =	swait.ge [sflag:s12], $0x1400  }
0xaa: {  	[sflag:s12] =	ssyncset.done $0x0  }
0xab: {  	s19 =	simm.s32 $0x2670;
	[sflag:s12] =	ssyncadd.s32 $0xFFFFEC00  }
0xac: {  	[tilespmem:s20], [sflag:$0x4] =	stream.indirect.gather [hbm4b:s4+s14], $0x40, s19, s14, $0xb8;
	[tilespmem:$0x16620] =	vst v63  }
0xad: {  	_ =	swait.ge [sflag:s30], $0x1400  }
0xae: {  	[sflag:s30] =	ssyncset.done $0x0  }
0xaf: {  	s21 =	simm.s32 $0x4BF0;
	[sflag:s30] =	ssyncadd.s32 $0xFFFFEC00  }
0xb0: {  	[spmem:s2] =	stream.indirect.scatter.add.f32 [tilespmem:s22], [sflag:$0x7], $0x40, s21, s14, $0xb8;
	[tilespmem:$0x16620] =	vst v63  }
0xb1: {  	_ =	swait.ge [sflag:s12], $0x1400  }
0xb2: {  	[sflag:s12] =	ssyncset.done $0x0  }
0xb3: {  	s19 =	simm.s32 $0x26C0;
	[sflag:s12] =	ssyncadd.s32 $0xFFFFEC00  }
0xb4: {  	[tilespmem:s22], [sflag:$0x5] =	stream.indirect.gather [hbm4b:s4+s14], $0x40, s19, s14, $0xb8;
	[tilespmem:$0x16620] =	vst v63  }
0xb5: {  	_ =	swait.ge [sflag:s31], $0x1400  }
0xb6: {  	[sflag:s31] =	ssyncset.done $0x0  }
0xb7: {  	s21 =	simm.s32 $0x4C40;
	[sflag:s31] =	ssyncadd.s32 $0xFFFFEC00  }
0xb8: {  	[spmem:s2] =	stream.indirect.scatter.add.f32 [tilespmem:s24], [sflag:$0x7], $0x40, s21, s14, $0xb8;
	[tilespmem:$0x16620] =	vst v63  }
0xb9: {  	_ =	swait.ge [sflag:s12], $0x1400  }
0xba: {  	[sflag:s12] =	ssyncset.done $0x0  }
0xbb: {  	[sflag:s12] =	ssyncadd.s32 $0xFFFFEC00  }
0xbc: {  	_ =	swait.ge [sflag:s25], $0x1400  }
0xbd: {  	[sflag:s25] =	ssyncset.done $0x0  }
0xbe: {  	s19 =	simm.s32 $0x4C90;
	[sflag:s25] =	ssyncadd.s32 $0xFFFFEC00  }
0xbf: {  	[spmem:s2] =	stream.indirect.scatter.add.f32 [tilespmem:s15], [sflag:$0x7], $0x40, s19, s14, $0xb8;
	[tilespmem:$0x16620] =	vst v63  }
0xc0: {  	_ =	swait.ge [sflag:s12], $0x1400  }
0xc1: {  	[sflag:s12] =	ssyncset.done $0x0  }
0xc2: {  	[sflag:s12] =	ssyncadd.s32 $0xFFFFEC00  }
0xc3: {  	_ =	swait.ge [sflag:s26], $0x1400  }
0xc4: {  	[sflag:s26] =	ssyncset.done $0x0  }
0xc5: {  	s21 =	simm.s32 $0x4CE0;
	[sflag:s26] =	ssyncadd.s32 $0xFFFFEC00  }
0xc6: {  	[spmem:s2] =	stream.indirect.scatter.add.f32 [tilespmem:s16], [sflag:$0x7], $0x40, s21, s14, $0xb8;
	[tilespmem:$0x16620] =	vst v63  }
0xc7: {  	_ =	swait.ge [sflag:s12], $0x1400  }
0xc8: {  	[sflag:s12] =	ssyncset.done $0x0  }
0xc9: {  	[sflag:s12] =	ssyncadd.s32 $0xFFFFEC00  }
0xca: {  	_ =	swait.ge [sflag:s28], $0x1400  }
0xcb: {  	[sflag:s28] =	ssyncset.done $0x0  }
0xcc: {  	[sflag:s28] =	ssyncadd.s32 $0xFFFFEC00  }
0xcd: {  	[spmem:s2] =	stream.indirect.scatter.add.f32 [tilespmem:s18], [sflag:$0x7], $0x40, s23, s14, $0xb8;
	[tilespmem:$0x16620] =	vst v63  }
0xce: {  	_ =	swait.ge [sflag:s12], $0x1400  }
0xcf: {  	[sflag:s12] =	ssyncset.done $0x0  }
0xd0: {  	[sflag:s12] =	ssyncadd.s32 $0xFFFFEC00  }
0xd1: {  	_ =	swait.ge [sflag:s29], $0x1400  }
0xd2: {  	[sflag:s29] =	ssyncset.done $0x0  }
0xd3: {  	[sflag:s29] =	ssyncadd.s32 $0xFFFFEC00  }
0xd4: {  	[spmem:s2] =	stream.indirect.scatter.add.f32 [tilespmem:s20], [sflag:$0x7], $0x40, s0, s14, $0xb8;
	[tilespmem:$0x16620] =	vst v63  }
0xd5: {  	_ =	swait.ge [sflag:s12], $0x1400  }
0xd6: {  	[sflag:s12] =	ssyncset.done $0x0  }
0xd7: {  	[sflag:s12] =	ssyncadd.s32 $0xFFFFEC00  }
0xd8: {  	_ =	swait.ge [sflag:s30], $0x1400  }
0xd9: {  	[sflag:s30] =	ssyncset.done $0x0  }
0xda: {  	[sflag:s30] =	ssyncadd.s32 $0xFFFFEC00  }
0xdb: {  	[spmem:s2] =	stream.indirect.scatter.add.f32 [tilespmem:s22], [sflag:$0x7], $0x40, s1, s14, $0xb8;
	[tilespmem:$0x16620] =	vst v63  }
0xdc: {  	_ =	swait.ge [sflag:s12], $0x1400  }
0xdd: {  	s13 =	sadd.s32 $0x1, s13;
	[sflag:s12] =	ssyncset.done $0x0  }
0xde: {  	p0 =	sne.s32 s13, s10;
	[sflag:s12] =	ssyncadd.s32 $0xFFFFEC00  }
.Ltmp1:
0xdf: {  	[bflag:$0x0] =	sbarrier.arrive $0xFFFF;
	(pc) =	sbr.rel @p0 .LBB2_1-.Ltmp1, $4  }
0xe0: {  	[hbm:s9], [sflag:s7] =	dma.local [spmem:s11], $0x1400  }
0xe1: {  	_ =	swait.ge [sflag:s12], $0x1400  }
0xe2: {  	[sflag:s12] =	ssyncset.done $0x0  }
0xe3: {  	[sflag:s12] =	ssyncadd.s32 $0xFFFFEC00  }
0xe4: {  	_ =	sfence.sel $0x180000  }
0xe5: {  	[bflag:$0x0] =	sbarrier.arrive $0xFFFF  }
0xe6: {  	_ =	strace $0x90000050  }
0xe7: {  	s0 =	stileid.u32;
	[bflag:$0x2] =	sbarrier.arrive $0xFFFF  }
0xe8: {  	p0 =	sne.s32 s0, $0x0;
	s0 =	rddreg [dreg:$0x3]  }
0xe9: {  	s0 =	sadd.s32 @!p0 $0x100000, s0  }
0xea: {  	[sflag:s0] =	ssyncadd.tile.s32 @!p0 $0x1;
	_ =	shalt  }
.Lfunc_end2:
_tile_overlayer_lowered:
.L_overlay_start_2:
0xeb: {  	(tag) =	ssettag $0x2  }
0xec: {  	s0 =	rddreg [dreg:$0x0];
	s2 =	stileid.u32  }
0xed: {  	s1 =	rddreg [dreg:$0x1];
	p0 =	sne.s32 s2, $0x0  }
0xee: {  	s3 =	rddreg [dreg:$0x2];
	[bflag:$0x3] =	sbarrier.arrive $0xFFFF;
	s2 =	simm.s32 @!p0 $0x1C07  }
0xef: {  	[timem:s3], [sflag:s2] =	dma.local @!p0 [hbm:s0], s1  }
0xf0: {  	s0 =	simm.s32 @!p0 $0x7  }
0xf1: {  	_ =	swait.ge @!p0 [sflag:s0], s1  }
0xf2: {  	s1 =	ssub.s32 @!p0 $0x0, s1;
	[sflag:s0] =	ssyncset.done @!p0 $0x0  }
0xf3: {  	[sflag:s0] =	ssyncadd.s32 @!p0 s1  }
0xf4: {  	[bflag:$0x3] =	sbarrier.arrive $0xFFFF  }
0xf5: {  	_ =	shalt  }

</sc_bundles>
